<compile_context>
chip_gen: v7x
topology: tpu7x:2x2x1
jax: 0.10.2.dev20260603
libtpu: 0.0.44.dev20260713+nightly
codegen_flags: <defaults>
</compile_context>

<pallas_src>
import functools

import jax
import jax.numpy as jnp
from jax import lax
from jax.experimental import pallas as pl
from jax.experimental.pallas import tpu as pltpu
from jax.experimental.pallas import tpu_sc as plsc

LANES = 16
SUB = 8
LN = 128
TILE = SUB * LN


def _pos_embed_body(nb, h, w, d, f, nc,
                    colf_hbm, rowf_hbm, depf_hbm, out_hbm,
                    colv, rowv, depv, rowt, colt0, colt1,
                    semc0, semc1, semrd):
    dt_n = d // SUB
    ct_n = (3 * f) // LN
    slab_len = dt_n * ct_n * TILE
    jn = f // LANES

    hh = lax.axis_index("s") * nc + lax.axis_index("c")

    pltpu.sync_copy(colf_hbm.at[pl.ds(0, w * f)], colv)
    pltpu.sync_copy(depf_hbm.at[pl.ds(0, d * f)], depv)
    pltpu.sync_copy(rowf_hbm.at[pl.ds(hh * f, f)], rowv)

    row_regs = [rowv[pl.ds(j * LANES, LANES)] for j in range(jn)]
    for dr in range(SUB):
        for j in range(jn):
            rowt[pl.ds(dr * LN + j * LANES, LANES)] = row_regs[j]

    def build_col(buf, wq):
        col_regs = [colv[pl.ds(wq * f + j * LANES, LANES)] for j in range(jn)]
        for dr in range(SUB):
            for j in range(jn):
                buf[pl.ds(dr * LN + j * LANES, LANES)] = col_regs[j]

    def fire(colt, wq, semc):
        for b in range(nb):
            base = ((b * h + hh) * w + wq) * slab_len
            for dt in range(dt_n):
                off = base + dt * ct_n * TILE
                pltpu.async_copy(colt, out_hbm.at[pl.ds(off, TILE)], semc)
                pltpu.async_copy(rowt, out_hbm.at[pl.ds(off + TILE, TILE)],
                                 semrd)
                pltpu.async_copy(depv.at[pl.ds(dt * TILE, TILE)],
                                 out_hbm.at[pl.ds(off + 2 * TILE, TILE)],
                                 semrd)

    def drain(n, sem):
        for _ in range(n // 4):
            pltpu.make_async_copy(
                colv, out_hbm.at[pl.ds(0, 4 * TILE)], sem).wait()
        for _ in range(n % 4):
            pltpu.make_async_copy(
                rowt, out_hbm.at[pl.ds(0, TILE)], sem).wait()

    col_fires = nb * dt_n

    build_col(colt0, 0)
    fire(colt0, 0, semc0)
    build_col(colt1, 1)
    fire(colt1, 1, semc1)

    def pair(k, carry):
        wq = 2 * k
        drain(col_fires, semc0)
        build_col(colt0, wq)
        fire(colt0, wq, semc0)
        drain(col_fires, semc1)
        build_col(colt1, wq + 1)
        fire(colt1, wq + 1, semc1)
        return carry

    lax.fori_loop(1, w // 2, pair, 0)

    drain(col_fires, semc0)
    drain(col_fires, semc1)

    def dw(i, carry):
        pltpu.make_async_copy(
            colv, out_hbm.at[pl.ds(0, 4 * TILE)], semrd).wait()
        return carry
    lax.fori_loop(0, 2 * w * nb * dt_n // 4, dw, 0)


def kernel(tensor_list, row_embed_weight, col_embed_weight, depth_embed_weight):
    x = tensor_list
    h, w, d = x.shape[-3], x.shape[-2], x.shape[-1]
    nb = x.shape[0]
    f = row_embed_weight.shape[-1]
    n_chan = 3 * f

    info = plsc.get_sparse_core_info()
    nc, ns = info.num_cores, info.num_subcores
    assert nc * ns == h, "one vector subcore per h plane"

    colf = col_embed_weight.reshape(-1)
    rowf = row_embed_weight.reshape(-1)
    depf = depth_embed_weight.reshape(-1)

    dt_n = d // SUB
    ct_n = n_chan // LN
    total = nb * h * w * dt_n * ct_n * TILE

    run = pl.kernel(
        functools.partial(_pos_embed_body, nb, h, w, d, f, nc),
        mesh=plsc.VectorSubcoreMesh(core_axis_name="c", subcore_axis_name="s"),
        out_type=jax.ShapeDtypeStruct((total,), jnp.float32),
        scratch_types=[
            pltpu.VMEM((w * f,), jnp.float32),
            pltpu.VMEM((f,), jnp.float32),
            pltpu.VMEM((d * f,), jnp.float32),
            pltpu.VMEM((TILE,), jnp.float32),
            pltpu.VMEM((TILE,), jnp.float32),
            pltpu.VMEM((TILE,), jnp.float32),
            pltpu.SemaphoreType.DMA,
            pltpu.SemaphoreType.DMA,
            pltpu.SemaphoreType.DMA,
        ],
    )
    out = run(colf, rowf, depf)
    out7 = out.reshape(nb, h, w, dt_n, ct_n, SUB, LN)
    out5 = out7.transpose(0, 4, 6, 1, 2, 3, 5).reshape(nb, n_chan, h, w, d)
    return out5

# --- scband reference (transcript-rebuilt; emitter-appended) ---
"""Pipeline reference for scband-position-embedding-learned-7902739824846 (READ-ONLY COPY).

The authoritative reference and input builder live on the scoring server;
editing this copy changes nothing except your own understanding.
"""

import jax, jax.numpy as jnp
import numpy as np

NUM_POS_FEATS = 128


def setup_inputs(seed: int = 0) -> dict:
    key = jax.random.key(seed)
    k0, k1, k2, k3 = jax.random.split(key, 4)
    x = jax.random.normal(k0, (2, 64, 32, 32, 32), dtype=jnp.float32)
    # nn.init.uniform_ -> U[0, 1)
    row_w = jax.random.uniform(k1, (50, NUM_POS_FEATS), dtype=jnp.float32)
    col_w = jax.random.uniform(k2, (50, NUM_POS_FEATS), dtype=jnp.float32)
    depth_w = jax.random.uniform(k3, (50, NUM_POS_FEATS), dtype=jnp.float32)
    return {
        "tensor_list": x,
        "row_embed_weight": row_w,
        "col_embed_weight": col_w,
        "depth_embed_weight": depth_w,
    }


def reference(tensor_list, row_embed_weight, col_embed_weight, depth_embed_weight):
    x = tensor_list
    h, w, d = x.shape[-3], x.shape[-2], x.shape[-1]
    b = x.shape[0]
    i = jnp.arange(w)
    j = jnp.arange(h)
    k = jnp.arange(d)
    x_emb = jnp.take(col_embed_weight, i, axis=0)    # [w, F]
    y_emb = jnp.take(row_embed_weight, j, axis=0)    # [h, F]
    z_emb = jnp.take(depth_embed_weight, k, axis=0)  # [d, F]
    F = x_emb.shape[-1]
    # x_emb.unsqueeze(0).unsqueeze(2).repeat(h, 1, d, 1)
    a = jnp.tile(x_emb[None, :, None, :], (h, 1, d, 1))      # [h, w, d, F]
    # y_emb.unsqueeze(1).unsqueeze(1).repeat(1, w, d, 1)
    bb = jnp.tile(y_emb[:, None, None, :], (1, w, d, 1))     # [h, w, d, F]
    # z_emb.unsqueeze(0).unsqueeze(0).repeat(h, w, 1, 1)
    c = jnp.tile(z_emb[None, None, :, :], (h, w, 1, 1))      # [h, w, d, F]
    pos = jnp.concatenate([a, bb, c], axis=-1)               # [h, w, d, 3F]
    pos = jnp.transpose(pos, (3, 0, 1, 2))[None]             # [1, 3F, h, w, d]
    pos = jnp.tile(pos, (b, 1, 1, 1, 1))                     # [B, 3F, h, w, d]
    return pos

if __name__ == "__main__":
    import jax
    _d = setup_inputs()
    print(jax.jit(kernel)(*tuple(_d.values())))

</pallas_src>

<mosaic_0001>
#map = affine_map<(d0, d1) -> (0)>
module attributes {stable_mosaic.version = 14 : i64} {
  func.func @_pos_embed_body(%arg0: i32, %arg1: i32, %arg2: memref<6400xf32, #tpu.memory_space<hbm>>, %arg3: memref<6400xf32, #tpu.memory_space<hbm>>, %arg4: memref<6400xf32, #tpu.memory_space<hbm>>, %arg5: memref<25165824xf32, #tpu.memory_space<hbm>>, %arg6: memref<4096xf32, #tpu.memory_space<vmem>>, %arg7: memref<128xf32, #tpu.memory_space<vmem>>, %arg8: memref<4096xf32, #tpu.memory_space<vmem>>, %arg9: memref<1024xf32, #tpu.memory_space<vmem>>, %arg10: memref<1024xf32, #tpu.memory_space<vmem>>, %arg11: memref<1024xf32, #tpu.memory_space<vmem>>, %arg12: memref<!tpu.dma_semaphore, #tpu.memory_space<semaphore_mem>>, %arg13: memref<!tpu.dma_semaphore, #tpu.memory_space<semaphore_mem>>, %arg14: memref<!tpu.dma_semaphore, #tpu.memory_space<semaphore_mem>>) attributes {dimension_semantics = [#tpu.dimension_semantics<core_parallel>, #tpu.dimension_semantics<subcore_parallel>], iteration_bounds = array<i64: 2, 16>, scalar_prefetch = 0 : i64, scratch_operands = 9 : i64, tpu.core_type = #tpu.core_type<sc_vector_subcore>, window_params = [{transform_indices = #map}, {transform_indices = #map}, {transform_indices = #map}, {transform_indices = #map}]} {
    %mul3A = arith.constant 2 : i32
    %mul3A_0 = arith.muli %arg1, %mul3A : i32
    %add3A = arith.addi %mul3A_0, %arg0 : i32
    "tpu.region"() ({
      %run_scoped3A = tpu.sem_alloc : memref<!tpu.dma_semaphore, #tpu.memory_space<semaphore_mem>>
      %dma_start3A_1154 = arith.constant 0 : i32
      %dma_start3A_1155 = tpu.memref_slice %arg2[%dma_start3A_1154] : memref<6400xf32, #tpu.memory_space<hbm>> -> memref<4096xf32, #tpu.memory_space<hbm>>
      %dma_start3A_1156 = arith.constant 0 : i32
      %dma_start3A_1157 = tpu.memref_slice %arg2[%dma_start3A_1156] : memref<6400xf32, #tpu.memory_space<hbm>> -> memref<4096xf32, #tpu.memory_space<hbm>>
      tpu.enqueue_dma source(%dma_start3A_1157 : memref<4096xf32, #tpu.memory_space<hbm>>) target(%arg6 : memref<4096xf32, #tpu.memory_space<vmem>>) target_semaphore(%run_scoped3A : memref<!tpu.dma_semaphore, #tpu.memory_space<semaphore_mem>>)
      %dma_wait3A_1158 = arith.constant 0 : i32
      %dma_wait3A_1159 = tpu.memref_slice %arg2[%dma_wait3A_1158] : memref<6400xf32, #tpu.memory_space<hbm>> -> memref<4096xf32, #tpu.memory_space<hbm>>
      %dma_wait3A_1160 = arith.constant 0 : i32
      %dma_wait3A_1161 = tpu.memref_slice %arg2[%dma_wait3A_1160] : memref<6400xf32, #tpu.memory_space<hbm>> -> memref<4096xf32, #tpu.memory_space<hbm>>
      tpu.wait_dma2 semaphore(%run_scoped3A : memref<!tpu.dma_semaphore, #tpu.memory_space<semaphore_mem>>) src(%dma_wait3A_1161 : memref<4096xf32, #tpu.memory_space<hbm>>) dst(%arg6 : memref<4096xf32, #tpu.memory_space<vmem>>)
      tpu.yield
    }) : () -> ()
    "tpu.region"() ({
      %run_scoped3A = tpu.sem_alloc : memref<!tpu.dma_semaphore, #tpu.memory_space<semaphore_mem>>
      %dma_start3A_1154 = arith.constant 0 : i32
      %dma_start3A_1155 = tpu.memref_slice %arg4[%dma_start3A_1154] : memref<6400xf32, #tpu.memory_space<hbm>> -> memref<4096xf32, #tpu.memory_space<hbm>>
      %dma_start3A_1156 = arith.constant 0 : i32
      %dma_start3A_1157 = tpu.memref_slice %arg4[%dma_start3A_1156] : memref<6400xf32, #tpu.memory_space<hbm>> -> memref<4096xf32, #tpu.memory_space<hbm>>
      tpu.enqueue_dma source(%dma_start3A_1157 : memref<4096xf32, #tpu.memory_space<hbm>>) target(%arg8 : memref<4096xf32, #tpu.memory_space<vmem>>) target_semaphore(%run_scoped3A : memref<!tpu.dma_semaphore, #tpu.memory_space<semaphore_mem>>)
      %dma_wait3A_1158 = arith.constant 0 : i32
      %dma_wait3A_1159 = tpu.memref_slice %arg4[%dma_wait3A_1158] : memref<6400xf32, #tpu.memory_space<hbm>> -> memref<4096xf32, #tpu.memory_space<hbm>>
      %dma_wait3A_1160 = arith.constant 0 : i32
      %dma_wait3A_1161 = tpu.memref_slice %arg4[%dma_wait3A_1160] : memref<6400xf32, #tpu.memory_space<hbm>> -> memref<4096xf32, #tpu.memory_space<hbm>>
      tpu.wait_dma2 semaphore(%run_scoped3A : memref<!tpu.dma_semaphore, #tpu.memory_space<semaphore_mem>>) src(%dma_wait3A_1161 : memref<4096xf32, #tpu.memory_space<hbm>>) dst(%arg8 : memref<4096xf32, #tpu.memory_space<vmem>>)
      tpu.yield
    }) : () -> ()
    %mul3A_1 = arith.constant 128 : i32
    %mul3A_2 = arith.muli %add3A, %mul3A_1 : i32
    "tpu.region"() ({
      %run_scoped3A = tpu.sem_alloc : memref<!tpu.dma_semaphore, #tpu.memory_space<semaphore_mem>>
      %dma_start3A_1154 = tpu.memref_slice %arg3[%mul3A_2] : memref<6400xf32, #tpu.memory_space<hbm>> -> memref<128xf32, #tpu.memory_space<hbm>>
      %dma_start3A_1155 = tpu.memref_slice %arg3[%mul3A_2] : memref<6400xf32, #tpu.memory_space<hbm>> -> memref<128xf32, #tpu.memory_space<hbm>>
      tpu.enqueue_dma source(%dma_start3A_1155 : memref<128xf32, #tpu.memory_space<hbm>>) target(%arg7 : memref<128xf32, #tpu.memory_space<vmem>>) target_semaphore(%run_scoped3A : memref<!tpu.dma_semaphore, #tpu.memory_space<semaphore_mem>>)
      %dma_wait3A_1156 = tpu.memref_slice %arg3[%mul3A_2] : memref<6400xf32, #tpu.memory_space<hbm>> -> memref<128xf32, #tpu.memory_space<hbm>>
      %dma_wait3A_1157 = tpu.memref_slice %arg3[%mul3A_2] : memref<6400xf32, #tpu.memory_space<hbm>> -> memref<128xf32, #tpu.memory_space<hbm>>
      tpu.wait_dma2 semaphore(%run_scoped3A : memref<!tpu.dma_semaphore, #tpu.memory_space<semaphore_mem>>) src(%dma_wait3A_1157 : memref<128xf32, #tpu.memory_space<hbm>>) dst(%arg7 : memref<128xf32, #tpu.memory_space<vmem>>)
      tpu.yield
    }) : () -> ()
    %get3A = arith.constant 0 : index
    %get3A_3 = tpu.vector_load %arg7[%get3A] {strides = array<i32>} : memref<128xf32, #tpu.memory_space<vmem>>, vector<16xf32>,
    %get3A_4 = vector.shape_cast %get3A_3 : vector<16xf32> to vector<16xf32>
    %get3A_5 = arith.constant 16 : index
    %get3A_6 = tpu.vector_load %arg7[%get3A_5] {strides = array<i32>} : memref<128xf32, #tpu.memory_space<vmem>>, vector<16xf32>,
    %get3A_7 = vector.shape_cast %get3A_6 : vector<16xf32> to vector<16xf32>
    %get3A_8 = arith.constant 32 : index
    %get3A_9 = tpu.vector_load %arg7[%get3A_8] {strides = array<i32>} : memref<128xf32, #tpu.memory_space<vmem>>, vector<16xf32>,
    %get3A_10 = vector.shape_cast %get3A_9 : vector<16xf32> to vector<16xf32>
    %get3A_11 = arith.constant 48 : index
    %get3A_12 = tpu.vector_load %arg7[%get3A_11] {strides = array<i32>} : memref<128xf32, #tpu.memory_space<vmem>>, vector<16xf32>,
    %get3A_13 = vector.shape_cast %get3A_12 : vector<16xf32> to vector<16xf32>
    %get3A_14 = arith.constant 64 : index
    %get3A_15 = tpu.vector_load %arg7[%get3A_14] {strides = array<i32>} : memref<128xf32, #tpu.memory_space<vmem>>, vector<16xf32>,
    %get3A_16 = vector.shape_cast %get3A_15 : vector<16xf32> to vector<16xf32>
    %get3A_17 = arith.constant 80 : index
    %get3A_18 = tpu.vector_load %arg7[%get3A_17] {strides = array<i32>} : memref<128xf32, #tpu.memory_space<vmem>>, vector<16xf32>,
    %get3A_19 = vector.shape_cast %get3A_18 : vector<16xf32> to vector<16xf32>
    %get3A_20 = arith.constant 96 : index
    %get3A_21 = tpu.vector_load %arg7[%get3A_20] {strides = array<i32>} : memref<128xf32, #tpu.memory_space<vmem>>, vector<16xf32>,
    %get3A_22 = vector.shape_cast %get3A_21 : vector<16xf32> to vector<16xf32>
    %get3A_23 = arith.constant 112 : index
    %get3A_24 = tpu.vector_load %arg7[%get3A_23] {strides = array<i32>} : memref<128xf32, #tpu.memory_space<vmem>>, vector<16xf32>,
    %get3A_25 = vector.shape_cast %get3A_24 : vector<16xf32> to vector<16xf32>
    %swap3A = arith.constant 0 : index
    %swap3A_26 = tpu.vector_load %arg9[%swap3A] {strides = array<i32>} : memref<1024xf32, #tpu.memory_space<vmem>>, vector<16xf32>,
    %swap3A_27 = vector.shape_cast %swap3A_26 : vector<16xf32> to vector<16xf32>
    %swap3A_28 = vector.shape_cast %get3A_4 : vector<16xf32> to vector<16xf32>
    tpu.vector_store %arg9[%swap3A], %swap3A_28 {strides = array<i32>} : memref<1024xf32, #tpu.memory_space<vmem>>, vector<16xf32>,
    %swap3A_29 = arith.constant 16 : index
    %swap3A_30 = tpu.vector_load %arg9[%swap3A_29] {strides = array<i32>} : memref<1024xf32, #tpu.memory_space<vmem>>, vector<16xf32>,
    %swap3A_31 = vector.shape_cast %swap3A_30 : vector<16xf32> to vector<16xf32>
    %swap3A_32 = vector.shape_cast %get3A_7 : vector<16xf32> to vector<16xf32>
    tpu.vector_store %arg9[%swap3A_29], %swap3A_32 {strides = array<i32>} : memref<1024xf32, #tpu.memory_space<vmem>>, vector<16xf32>,
    %swap3A_33 = arith.constant 32 : index
    %swap3A_34 = tpu.vector_load %arg9[%swap3A_33] {strides = array<i32>} : memref<1024xf32, #tpu.memory_space<vmem>>, vector<16xf32>,
    %swap3A_35 = vector.shape_cast %swap3A_34 : vector<16xf32> to vector<16xf32>
    %swap3A_36 = vector.shape_cast %get3A_10 : vector<16xf32> to vector<16xf32>
    tpu.vector_store %arg9[%swap3A_33], %swap3A_36 {strides = array<i32>} : memref<1024xf32, #tpu.memory_space<vmem>>, vector<16xf32>,
    %swap3A_37 = arith.constant 48 : index
    %swap3A_38 = tpu.vector_load %arg9[%swap3A_37] {strides = array<i32>} : memref<1024xf32, #tpu.memory_space<vmem>>, vector<16xf32>,
    %swap3A_39 = vector.shape_cast %swap3A_38 : vector<16xf32> to vector<16xf32>
    %swap3A_40 = vector.shape_cast %get3A_13 : vector<16xf32> to vector<16xf32>
    tpu.vector_store %arg9[%swap3A_37], %swap3A_40 {strides = array<i32>} : memref<1024xf32, #tpu.memory_space<vmem>>, vector<16xf32>,
    %swap3A_41 = arith.constant 64 : index
    %swap3A_42 = tpu.vector_load %arg9[%swap3A_41] {strides = array<i32>} : memref<1024xf32, #tpu.memory_space<vmem>>, vector<16xf32>,
    %swap3A_43 = vector.shape_cast %swap3A_42 : vector<16xf32> to vector<16xf32>
    %swap3A_44 = vector.shape_cast %get3A_16 : vector<16xf32> to vector<16xf32>
    tpu.vector_store %arg9[%swap3A_41], %swap3A_44 {strides = array<i32>} : memref<1024xf32, #tpu.memory_space<vmem>>, vector<16xf32>,
    %swap3A_45 = arith.constant 80 : index
    %swap3A_46 = tpu.vector_load %arg9[%swap3A_45] {strides = array<i32>} : memref<1024xf32, #tpu.memory_space<vmem>>, vector<16xf32>,
    %swap3A_47 = vector.shape_cast %swap3A_46 : vector<16xf32> to vector<16xf32>
    %swap3A_48 = vector.shape_cast %get3A_19 : vector<16xf32> to vector<16xf32>
    tpu.vector_store %arg9[%swap3A_45], %swap3A_48 {strides = array<i32>} : memref<1024xf32, #tpu.memory_space<vmem>>, vector<16xf32>,
    %swap3A_49 = arith.constant 96 : index
    %swap3A_50 = tpu.vector_load %arg9[%swap3A_49] {strides = array<i32>} : memref<1024xf32, #tpu.memory_space<vmem>>, vector<16xf32>,
    %swap3A_51 = vector.shape_cast %swap3A_50 : vector<16xf32> to vector<16xf32>
    %swap3A_52 = vector.shape_cast %get3A_22 : vector<16xf32> to vector<16xf32>
    tpu.vector_store %arg9[%swap3A_49], %swap3A_52 {strides = array<i32>} : memref<1024xf32, #tpu.memory_space<vmem>>, vector<16xf32>,
    %swap3A_53 = arith.constant 112 : index
    %swap3A_54 = tpu.vector_load %arg9[%swap3A_53] {strides = array<i32>} : memref<1024xf32, #tpu.memory_space<vmem>>, vector<16xf32>,
    %swap3A_55 = vector.shape_cast %swap3A_54 : vector<16xf32> to vector<16xf32>
    %swap3A_56 = vector.shape_cast %get3A_25 : vector<16xf32> to vector<16xf32>
    tpu.vector_store %arg9[%swap3A_53], %swap3A_56 {strides = array<i32>} : memref<1024xf32, #tpu.memory_space<vmem>>, vector<16xf32>,
    %swap3A_57 = arith.constant 128 : index
    %swap3A_58 = tpu.vector_load %arg9[%swap3A_57] {strides = array<i32>} : memref<1024xf32, #tpu.memory_space<vmem>>, vector<16xf32>,
    %swap3A_59 = vector.shape_cast %swap3A_58 : vector<16xf32> to vector<16xf32>
    %swap3A_60 = vector.shape_cast %get3A_4 : vector<16xf32> to vector<16xf32>
    tpu.vector_store %arg9[%swap3A_57], %swap3A_60 {strides = array<i32>} : memref<1024xf32, #tpu.memory_space<vmem>>, vector<16xf32>,
    %swap3A_61 = arith.constant 144 : index
    %swap3A_62 = tpu.vector_load %arg9[%swap3A_61] {strides = array<i32>} : memref<1024xf32, #tpu.memory_space<vmem>>, vector<16xf32>,
    %swap3A_63 = vector.shape_cast %swap3A_62 : vector<16xf32> to vector<16xf32>
    %swap3A_64 = vector.shape_cast %get3A_7 : vector<16xf32> to vector<16xf32>
    tpu.vector_store %arg9[%swap3A_61], %swap3A_64 {strides = array<i32>} : memref<1024xf32, #tpu.memory_space<vmem>>, vector<16xf32>,
    %swap3A_65 = arith.constant 160 : index
    %swap3A_66 = tpu.vector_load %arg9[%swap3A_65] {strides = array<i32>} : memref<1024xf32, #tpu.memory_space<vmem>>, vector<16xf32>,
    %swap3A_67 = vector.shape_cast %swap3A_66 : vector<16xf32> to vector<16xf32>
    %swap3A_68 = vector.shape_cast %get3A_10 : vector<16xf32> to vector<16xf32>
    tpu.vector_store %arg9[%swap3A_65], %swap3A_68 {strides = array<i32>} : memref<1024xf32, #tpu.memory_space<vmem>>, vector<16xf32>,
    %swap3A_69 = arith.constant 176 : index
    %swap3A_70 = tpu.vector_load %arg9[%swap3A_69] {strides = array<i32>} : memref<1024xf32, #tpu.memory_space<vmem>>, vector<16xf32>,
    %swap3A_71 = vector.shape_cast %swap3A_70 : vector<16xf32> to vector<16xf32>
    %swap3A_72 = vector.shape_cast %get3A_13 : vector<16xf32> to vector<16xf32>
    tpu.vector_store %arg9[%swap3A_69], %swap3A_72 {strides = array<i32>} : memref<1024xf32, #tpu.memory_space<vmem>>, vector<16xf32>,
    %swap3A_73 = arith.constant 192 : index
    %swap3A_74 = tpu.vector_load %arg9[%swap3A_73] {strides = array<i32>} : memref<1024xf32, #tpu.memory_space<vmem>>, vector<16xf32>,
    %swap3A_75 = vector.shape_cast %swap3A_74 : vector<16xf32> to vector<16xf32>
    %swap3A_76 = vector.shape_cast %get3A_16 : vector<16xf32> to vector<16xf32>
    tpu.vector_store %arg9[%swap3A_73], %swap3A_76 {strides = array<i32>} : memref<1024xf32, #tpu.memory_space<vmem>>, vector<16xf32>,
    %swap3A_77 = arith.constant 208 : index
    %swap3A_78 = tpu.vector_load %arg9[%swap3A_77] {strides = array<i32>} : memref<1024xf32, #tpu.memory_space<vmem>>, vector<16xf32>,
    %swap3A_79 = vector.shape_cast %swap3A_78 : vector<16xf32> to vector<16xf32>
    %swap3A_80 = vector.shape_cast %get3A_19 : vector<16xf32> to vector<16xf32>
    tpu.vector_store %arg9[%swap3A_77], %swap3A_80 {strides = array<i32>} : memref<1024xf32, #tpu.memory_space<vmem>>, vector<16xf32>,
    %swap3A_81 = arith.constant 224 : index
    %swap3A_82 = tpu.vector_load %arg9[%swap3A_81] {strides = array<i32>} : memref<1024xf32, #tpu.memory_space<vmem>>, vector<16xf32>,
    %swap3A_83 = vector.shape_cast %swap3A_82 : vector<16xf32> to vector<16xf32>
    %swap3A_84 = vector.shape_cast %get3A_22 : vector<16xf32> to vector<16xf32>
    tpu.vector_store %arg9[%swap3A_81], %swap3A_84 {strides = array<i32>} : memref<1024xf32, #tpu.memory_space<vmem>>, vector<16xf32>,
    %swap3A_85 = arith.constant 240 : index
    %swap3A_86 = tpu.vector_load %arg9[%swap3A_85] {strides = array<i32>} : memref<1024xf32, #tpu.memory_space<vmem>>, vector<16xf32>,
    %swap3A_87 = vector.shape_cast %swap3A_86 : vector<16xf32> to vector<16xf32>
    %swap3A_88 = vector.shape_cast %get3A_25 : vector<16xf32> to vector<16xf32>
    tpu.vector_store %arg9[%swap3A_85], %swap3A_88 {strides = array<i32>} : memref<1024xf32, #tpu.memory_space<vmem>>, vector<16xf32>,
    %swap3A_89 = arith.constant 256 : index
    %swap3A_90 = tpu.vector_load %arg9[%swap3A_89] {strides = array<i32>} : memref<1024xf32, #tpu.memory_space<vmem>>, vector<16xf32>,
    %swap3A_91 = vector.shape_cast %swap3A_90 : vector<16xf32> to vector<16xf32>
    %swap3A_92 = vector.shape_cast %get3A_4 : vector<16xf32> to vector<16xf32>
    tpu.vector_store %arg9[%swap3A_89], %swap3A_92 {strides = array<i32>} : memref<1024xf32, #tpu.memory_space<vmem>>, vector<16xf32>,
    %swap3A_93 = arith.constant 272 : index
    %swap3A_94 = tpu.vector_load %arg9[%swap3A_93] {strides = array<i32>} : memref<1024xf32, #tpu.memory_space<vmem>>, vector<16xf32>,
    %swap3A_95 = vector.shape_cast %swap3A_94 : vector<16xf32> to vector<16xf32>
    %swap3A_96 = vector.shape_cast %get3A_7 : vector<16xf32> to vector<16xf32>
    tpu.vector_store %arg9[%swap3A_93], %swap3A_96 {strides = array<i32>} : memref<1024xf32, #tpu.memory_space<vmem>>, vector<16xf32>,
    %swap3A_97 = arith.constant 288 : index
    %swap3A_98 = tpu.vector_load %arg9[%swap3A_97] {strides = array<i32>} : memref<1024xf32, #tpu.memory_space<vmem>>, vector<16xf32>,
    %swap3A_99 = vector.shape_cast %swap3A_98 : vector<16xf32> to vector<16xf32>
    %swap3A_100 = vector.shape_cast %get3A_10 : vector<16xf32> to vector<16xf32>
    tpu.vector_store %arg9[%swap3A_97], %swap3A_100 {strides = array<i32>} : memref<1024xf32, #tpu.memory_space<vmem>>, vector<16xf32>,
    %swap3A_101 = arith.constant 304 : index
    %swap3A_102 = tpu.vector_load %arg9[%swap3A_101] {strides = array<i32>} : memref<1024xf32, #tpu.memory_space<vmem>>, vector<16xf32>,
    %swap3A_103 = vector.shape_cast %swap3A_102 : vector<16xf32> to vector<16xf32>
    %swap3A_104 = vector.shape_cast %get3A_13 : vector<16xf32> to vector<16xf32>
    tpu.vector_store %arg9[%swap3A_101], %swap3A_104 {strides = array<i32>} : memref<1024xf32, #tpu.memory_space<vmem>>, vector<16xf32>,
    %swap3A_105 = arith.constant 320 : index
    %swap3A_106 = tpu.vector_load %arg9[%swap3A_105] {strides = array<i32>} : memref<1024xf32, #tpu.memory_space<vmem>>, vector<16xf32>,
    %swap3A_107 = vector.shape_cast %swap3A_106 : vector<16xf32> to vector<16xf32>
    %swap3A_108 = vector.shape_cast %get3A_16 : vector<16xf32> to vector<16xf32>
    tpu.vector_store %arg9[%swap3A_105], %swap3A_108 {strides = array<i32>} : memref<1024xf32, #tpu.memory_space<vmem>>, vector<16xf32>,
    %swap3A_109 = arith.constant 336 : index
    %swap3A_110 = tpu.vector_load %arg9[%swap3A_109] {strides = array<i32>} : memref<1024xf32, #tpu.memory_space<vmem>>, vector<16xf32>,
    %swap3A_111 = vector.shape_cast %swap3A_110 : vector<16xf32> to vector<16xf32>
    %swap3A_112 = vector.shape_cast %get3A_19 : vector<16xf32> to vector<16xf32>
    tpu.vector_store %arg9[%swap3A_109], %swap3A_112 {strides = array<i32>} : memref<1024xf32, #tpu.memory_space<vmem>>, vector<16xf32>,
    %swap3A_113 = arith.constant 352 : index
    %swap3A_114 = tpu.vector_load %arg9[%swap3A_113] {strides = array<i32>} : memref<1024xf32, #tpu.memory_space<vmem>>, vector<16xf32>,
    %swap3A_115 = vector.shape_cast %swap3A_114 : vector<16xf32> to vector<16xf32>
    %swap3A_116 = vector.shape_cast %get3A_22 : vector<16xf32> to vector<16xf32>
    tpu.vector_store %arg9[%swap3A_113], %swap3A_116 {strides = array<i32>} : memref<1024xf32, #tpu.memory_space<vmem>>, vector<16xf32>,
    %swap3A_117 = arith.constant 368 : index
    %swap3A_118 = tpu.vector_load %arg9[%swap3A_117] {strides = array<i32>} : memref<1024xf32, #tpu.memory_space<vmem>>, vector<16xf32>,
    %swap3A_119 = vector.shape_cast %swap3A_118 : vector<16xf32> to vector<16xf32>
    %swap3A_120 = vector.shape_cast %get3A_25 : vector<16xf32> to vector<16xf32>
    tpu.vector_store %arg9[%swap3A_117], %swap3A_120 {strides = array<i32>} : memref<1024xf32, #tpu.memory_space<vmem>>, vector<16xf32>,
    %swap3A_121 = arith.constant 384 : index
    %swap3A_122 = tpu.vector_load %arg9[%swap3A_121] {strides = array<i32>} : memref<1024xf32, #tpu.memory_space<vmem>>, vector<16xf32>,
    %swap3A_123 = vector.shape_cast %swap3A_122 : vector<16xf32> to vector<16xf32>
    %swap3A_124 = vector.shape_cast %get3A_4 : vector<16xf32> to vector<16xf32>
    tpu.vector_store %arg9[%swap3A_121], %swap3A_124 {strides = array<i32>} : memref<1024xf32, #tpu.memory_space<vmem>>, vector<16xf32>,
    %swap3A_125 = arith.constant 400 : index
    %swap3A_126 = tpu.vector_load %arg9[%swap3A_125] {strides = array<i32>} : memref<1024xf32, #tpu.memory_space<vmem>>, vector<16xf32>,
    %swap3A_127 = vector.shape_cast %swap3A_126 : vector<16xf32> to vector<16xf32>
    %swap3A_128 = vector.shape_cast %get3A_7 : vector<16xf32> to vector<16xf32>
    tpu.vector_store %arg9[%swap3A_125], %swap3A_128 {strides = array<i32>} : memref<1024xf32, #tpu.memory_space<vmem>>, vector<16xf32>,
    %swap3A_129 = arith.constant 416 : index
    %swap3A_130 = tpu.vector_load %arg9[%swap3A_129] {strides = array<i32>} : memref<1024xf32, #tpu.memory_space<vmem>>, vector<16xf32>,
    %swap3A_131 = vector.shape_cast %swap3A_130 : vector<16xf32> to vector<16xf32>
    %swap3A_132 = vector.shape_cast %get3A_10 : vector<16xf32> to vector<16xf32>
    tpu.vector_store %arg9[%swap3A_129], %swap3A_132 {strides = array<i32>} : memref<1024xf32, #tpu.memory_space<vmem>>, vector<16xf32>,
    %swap3A_133 = arith.constant 432 : index
    %swap3A_134 = tpu.vector_load %arg9[%swap3A_133] {strides = array<i32>} : memref<1024xf32, #tpu.memory_space<vmem>>, vector<16xf32>,
    %swap3A_135 = vector.shape_cast %swap3A_134 : vector<16xf32> to vector<16xf32>
    %swap3A_136 = vector.shape_cast %get3A_13 : vector<16xf32> to vector<16xf32>
    tpu.vector_store %arg9[%swap3A_133], %swap3A_136 {strides = array<i32>} : memref<1024xf32, #tpu.memory_space<vmem>>, vector<16xf32>,
    %swap3A_137 = arith.constant 448 : index
    %swap3A_138 = tpu.vector_load %arg9[%swap3A_137] {strides = array<i32>} : memref<1024xf32, #tpu.memory_space<vmem>>, vector<16xf32>,
    %swap3A_139 = vector.shape_cast %swap3A_138 : vector<16xf32> to vector<16xf32>
    %swap3A_140 = vector.shape_cast %get3A_16 : vector<16xf32> to vector<16xf32>
    tpu.vector_store %arg9[%swap3A_137], %swap3A_140 {strides = array<i32>} : memref<1024xf32, #tpu.memory_space<vmem>>, vector<16xf32>,
    %swap3A_141 = arith.constant 464 : index
    %swap3A_142 = tpu.vector_load %arg9[%swap3A_141] {strides = array<i32>} : memref<1024xf32, #tpu.memory_space<vmem>>, vector<16xf32>,
    %swap3A_143 = vector.shape_cast %swap3A_142 : vector<16xf32> to vector<16xf32>
    %swap3A_144 = vector.shape_cast %get3A_19 : vector<16xf32> to vector<16xf32>
    tpu.vector_store %arg9[%swap3A_141], %swap3A_144 {strides = array<i32>} : memref<1024xf32, #tpu.memory_space<vmem>>, vector<16xf32>,
    %swap3A_145 = arith.constant 480 : index
    %swap3A_146 = tpu.vector_load %arg9[%swap3A_145] {strides = array<i32>} : memref<1024xf32, #tpu.memory_space<vmem>>, vector<16xf32>,
    %swap3A_147 = vector.shape_cast %swap3A_146 : vector<16xf32> to vector<16xf32>
    %swap3A_148 = vector.shape_cast %get3A_22 : vector<16xf32> to vector<16xf32>
    tpu.vector_store %arg9[%swap3A_145], %swap3A_148 {strides = array<i32>} : memref<1024xf32, #tpu.memory_space<vmem>>, vector<16xf32>,
    %swap3A_149 = arith.constant 496 : index
    %swap3A_150 = tpu.vector_load %arg9[%swap3A_149] {strides = array<i32>} : memref<1024xf32, #tpu.memory_space<vmem>>, vector<16xf32>,
    %swap3A_151 = vector.shape_cast %swap3A_150 : vector<16xf32> to vector<16xf32>
    %swap3A_152 = vector.shape_cast %get3A_25 : vector<16xf32> to vector<16xf32>
    tpu.vector_store %arg9[%swap3A_149], %swap3A_152 {strides = array<i32>} : memref<1024xf32, #tpu.memory_space<vmem>>, vector<16xf32>,
    %swap3A_153 = arith.constant 512 : index
    %swap3A_154 = tpu.vector_load %arg9[%swap3A_153] {strides = array<i32>} : memref<1024xf32, #tpu.memory_space<vmem>>, vector<16xf32>,
    %swap3A_155 = vector.shape_cast %swap3A_154 : vector<16xf32> to vector<16xf32>
    %swap3A_156 = vector.shape_cast %get3A_4 : vector<16xf32> to vector<16xf32>
    tpu.vector_store %arg9[%swap3A_153], %swap3A_156 {strides = array<i32>} : memref<1024xf32, #tpu.memory_space<vmem>>, vector<16xf32>,
    %swap3A_157 = arith.constant 528 : index
    %swap3A_158 = tpu.vector_load %arg9[%swap3A_157] {strides = array<i32>} : memref<1024xf32, #tpu.memory_space<vmem>>, vector<16xf32>,
    %swap3A_159 = vector.shape_cast %swap3A_158 : vector<16xf32> to vector<16xf32>
    %swap3A_160 = vector.shape_cast %get3A_7 : vector<16xf32> to vector<16xf32>
    tpu.vector_store %arg9[%swap3A_157], %swap3A_160 {strides = array<i32>} : memref<1024xf32, #tpu.memory_space<vmem>>, vector<16xf32>,
    %swap3A_161 = arith.constant 544 : index
    %swap3A_162 = tpu.vector_load %arg9[%swap3A_161] {strides = array<i32>} : memref<1024xf32, #tpu.memory_space<vmem>>, vector<16xf32>,
    %swap3A_163 = vector.shape_cast %swap3A_162 : vector<16xf32> to vector<16xf32>
    %swap3A_164 = vector.shape_cast %get3A_10 : vector<16xf32> to vector<16xf32>
    tpu.vector_store %arg9[%swap3A_161], %swap3A_164 {strides = array<i32>} : memref<1024xf32, #tpu.memory_space<vmem>>, vector<16xf32>,
    %swap3A_165 = arith.constant 560 : index
    %swap3A_166 = tpu.vector_load %arg9[%swap3A_165] {strides = array<i32>} : memref<1024xf32, #tpu.memory_space<vmem>>, vector<16xf32>,
    %swap3A_167 = vector.shape_cast %swap3A_166 : vector<16xf32> to vector<16xf32>
    %swap3A_168 = vector.shape_cast %get3A_13 : vector<16xf32> to vector<16xf32>
    tpu.vector_store %arg9[%swap3A_165], %swap3A_168 {strides = array<i32>} : memref<1024xf32, #tpu.memory_space<vmem>>, vector<16xf32>,
    %swap3A_169 = arith.constant 576 : index
    %swap3A_170 = tpu.vector_load %arg9[%swap3A_169] {strides = array<i32>} : memref<1024xf32, #tpu.memory_space<vmem>>, vector<16xf32>,
    %swap3A_171 = vector.shape_cast %swap3A_170 : vector<16xf32> to vector<16xf32>
    %swap3A_172 = vector.shape_cast %get3A_16 : vector<16xf32> to vector<16xf32>
    tpu.vector_store %arg9[%swap3A_169], %swap3A_172 {strides = array<i32>} : memref<1024xf32, #tpu.memory_space<vmem>>, vector<16xf32>,
    %swap3A_173 = arith.constant 592 : index
    %swap3A_174 = tpu.vector_load %arg9[%swap3A_173] {strides = array<i32>} : memref<1024xf32, #tpu.memory_space<vmem>>, vector<16xf32>,
    %swap3A_175 = vector.shape_cast %swap3A_174 : vector<16xf32> to vector<16xf32>
    %swap3A_176 = vector.shape_cast %get3A_19 : vector<16xf32> to vector<16xf32>
    tpu.vector_store %arg9[%swap3A_173], %swap3A_176 {strides = array<i32>} : memref<1024xf32, #tpu.memory_space<vmem>>, vector<16xf32>,
    %swap3A_177 = arith.constant 608 : index
    %swap3A_178 = tpu.vector_load %arg9[%swap3A_177] {strides = array<i32>} : memref<1024xf32, #tpu.memory_space<vmem>>, vector<16xf32>,
    %swap3A_179 = vector.shape_cast %swap3A_178 : vector<16xf32> to vector<16xf32>
    %swap3A_180 = vector.shape_cast %get3A_22 : vector<16xf32> to vector<16xf32>
    tpu.vector_store %arg9[%swap3A_177], %swap3A_180 {strides = array<i32>} : memref<1024xf32, #tpu.memory_space<vmem>>, vector<16xf32>,
    %swap3A_181 = arith.constant 624 : index
    %swap3A_182 = tpu.vector_load %arg9[%swap3A_181] {strides = array<i32>} : memref<1024xf32, #tpu.memory_space<vmem>>, vector<16xf32>,
    %swap3A_183 = vector.shape_cast %swap3A_182 : vector<16xf32> to vector<16xf32>
    %swap3A_184 = vector.shape_cast %get3A_25 : vector<16xf32> to vector<16xf32>
    tpu.vector_store %arg9[%swap3A_181], %swap3A_184 {strides = array<i32>} : memref<1024xf32, #tpu.memory_space<vmem>>, vector<16xf32>,
    %swap3A_185 = arith.constant 640 : index
    %swap3A_186 = tpu.vector_load %arg9[%swap3A_185] {strides = array<i32>} : memref<1024xf32, #tpu.memory_space<vmem>>, vector<16xf32>,
    %swap3A_187 = vector.shape_cast %swap3A_186 : vector<16xf32> to vector<16xf32>
    %swap3A_188 = vector.shape_cast %get3A_4 : vector<16xf32> to vector<16xf32>
    tpu.vector_store %arg9[%swap3A_185], %swap3A_188 {strides = array<i32>} : memref<1024xf32, #tpu.memory_space<vmem>>, vector<16xf32>,
    %swap3A_189 = arith.constant 656 : index
    %swap3A_190 = tpu.vector_load %arg9[%swap3A_189] {strides = array<i32>} : memref<1024xf32, #tpu.memory_space<vmem>>, vector<16xf32>,
    %swap3A_191 = vector.shape_cast %swap3A_190 : vector<16xf32> to vector<16xf32>
    %swap3A_192 = vector.shape_cast %get3A_7 : vector<16xf32> to vector<16xf32>
    tpu.vector_store %arg9[%swap3A_189], %swap3A_192 {strides = array<i32>} : memref<1024xf32, #tpu.memory_space<vmem>>, vector<16xf32>,
    %swap3A_193 = arith.constant 672 : index
    %swap3A_194 = tpu.vector_load %arg9[%swap3A_193] {strides = array<i32>} : memref<1024xf32, #tpu.memory_space<vmem>>, vector<16xf32>,
    %swap3A_195 = vector.shape_cast %swap3A_194 : vector<16xf32> to vector<16xf32>
    %swap3A_196 = vector.shape_cast %get3A_10 : vector<16xf32> to vector<16xf32>
    tpu.vector_store %arg9[%swap3A_193], %swap3A_196 {strides = array<i32>} : memref<1024xf32, #tpu.memory_space<vmem>>, vector<16xf32>,
    %swap3A_197 = arith.constant 688 : index
    %swap3A_198 = tpu.vector_load %arg9[%swap3A_197] {strides = array<i32>} : memref<1024xf32, #tpu.memory_space<vmem>>, vector<16xf32>,
    %swap3A_199 = vector.shape_cast %swap3A_198 : vector<16xf32> to vector<16xf32>
    %swap3A_200 = vector.shape_cast %get3A_13 : vector<16xf32> to vector<16xf32>
    tpu.vector_store %arg9[%swap3A_197], %swap3A_200 {strides = array<i32>} : memref<1024xf32, #tpu.memory_space<vmem>>, vector<16xf32>,
    %swap3A_201 = arith.constant 704 : index
    %swap3A_202 = tpu.vector_load %arg9[%swap3A_201] {strides = array<i32>} : memref<1024xf32, #tpu.memory_space<vmem>>, vector<16xf32>,
    %swap3A_203 = vector.shape_cast %swap3A_202 : vector<16xf32> to vector<16xf32>
    %swap3A_204 = vector.shape_cast %get3A_16 : vector<16xf32> to vector<16xf32>
    tpu.vector_store %arg9[%swap3A_201], %swap3A_204 {strides = array<i32>} : memref<1024xf32, #tpu.memory_space<vmem>>, vector<16xf32>,
    %swap3A_205 = arith.constant 720 : index
    %swap3A_206 = tpu.vector_load %arg9[%swap3A_205] {strides = array<i32>} : memref<1024xf32, #tpu.memory_space<vmem>>, vector<16xf32>,
    %swap3A_207 = vector.shape_cast %swap3A_206 : vector<16xf32> to vector<16xf32>
    %swap3A_208 = vector.shape_cast %get3A_19 : vector<16xf32> to vector<16xf32>
    tpu.vector_store %arg9[%swap3A_205], %swap3A_208 {strides = array<i32>} : memref<1024xf32, #tpu.memory_space<vmem>>, vector<16xf32>,
    %swap3A_209 = arith.constant 736 : index
    %swap3A_210 = tpu.vector_load %arg9[%swap3A_209] {strides = array<i32>} : memref<1024xf32, #tpu.memory_space<vmem>>, vector<16xf32>,
    %swap3A_211 = vector.shape_cast %swap3A_210 : vector<16xf32> to vector<16xf32>
    %swap3A_212 = vector.shape_cast %get3A_22 : vector<16xf32> to vector<16xf32>
    tpu.vector_store %arg9[%swap3A_209], %swap3A_212 {strides = array<i32>} : memref<1024xf32, #tpu.memory_space<vmem>>, vector<16xf32>,
    %swap3A_213 = arith.constant 752 : index
    %swap3A_214 = tpu.vector_load %arg9[%swap3A_213] {strides = array<i32>} : memref<1024xf32, #tpu.memory_space<vmem>>, vector<16xf32>,
    %swap3A_215 = vector.shape_cast %swap3A_214 : vector<16xf32> to vector<16xf32>
    %swap3A_216 = vector.shape_cast %get3A_25 : vector<16xf32> to vector<16xf32>
    tpu.vector_store %arg9[%swap3A_213], %swap3A_216 {strides = array<i32>} : memref<1024xf32, #tpu.memory_space<vmem>>, vector<16xf32>,
    %swap3A_217 = arith.constant 768 : index
    %swap3A_218 = tpu.vector_load %arg9[%swap3A_217] {strides = array<i32>} : memref<1024xf32, #tpu.memory_space<vmem>>, vector<16xf32>,
    %swap3A_219 = vector.shape_cast %swap3A_218 : vector<16xf32> to vector<16xf32>
    %swap3A_220 = vector.shape_cast %get3A_4 : vector<16xf32> to vector<16xf32>
    tpu.vector_store %arg9[%swap3A_217], %swap3A_220 {strides = array<i32>} : memref<1024xf32, #tpu.memory_space<vmem>>, vector<16xf32>,
    %swap3A_221 = arith.constant 784 : index
    %swap3A_222 = tpu.vector_load %arg9[%swap3A_221] {strides = array<i32>} : memref<1024xf32, #tpu.memory_space<vmem>>, vector<16xf32>,
    %swap3A_223 = vector.shape_cast %swap3A_222 : vector<16xf32> to vector<16xf32>
    %swap3A_224 = vector.shape_cast %get3A_7 : vector<16xf32> to vector<16xf32>
    tpu.vector_store %arg9[%swap3A_221], %swap3A_224 {strides = array<i32>} : memref<1024xf32, #tpu.memory_space<vmem>>, vector<16xf32>,
    %swap3A_225 = arith.constant 800 : index
    %swap3A_226 = tpu.vector_load %arg9[%swap3A_225] {strides = array<i32>} : memref<1024xf32, #tpu.memory_space<vmem>>, vector<16xf32>,
    %swap3A_227 = vector.shape_cast %swap3A_226 : vector<16xf32> to vector<16xf32>
    %swap3A_228 = vector.shape_cast %get3A_10 : vector<16xf32> to vector<16xf32>
    tpu.vector_store %arg9[%swap3A_225], %swap3A_228 {strides = array<i32>} : memref<1024xf32, #tpu.memory_space<vmem>>, vector<16xf32>,
    %swap3A_229 = arith.constant 816 : index
    %swap3A_230 = tpu.vector_load %arg9[%swap3A_229] {strides = array<i32>} : memref<1024xf32, #tpu.memory_space<vmem>>, vector<16xf32>,
    %swap3A_231 = vector.shape_cast %swap3A_230 : vector<16xf32> to vector<16xf32>
    %swap3A_232 = vector.shape_cast %get3A_13 : vector<16xf32> to vector<16xf32>
    tpu.vector_store %arg9[%swap3A_229], %swap3A_232 {strides = array<i32>} : memref<1024xf32, #tpu.memory_space<vmem>>, vector<16xf32>,
    %swap3A_233 = arith.constant 832 : index
    %swap3A_234 = tpu.vector_load %arg9[%swap3A_233] {strides = array<i32>} : memref<1024xf32, #tpu.memory_space<vmem>>, vector<16xf32>,
    %swap3A_235 = vector.shape_cast %swap3A_234 : vector<16xf32> to vector<16xf32>
    %swap3A_236 = vector.shape_cast %get3A_16 : vector<16xf32> to vector<16xf32>
    tpu.vector_store %arg9[%swap3A_233], %swap3A_236 {strides = array<i32>} : memref<1024xf32, #tpu.memory_space<vmem>>, vector<16xf32>,
    %swap3A_237 = arith.constant 848 : index
    %swap3A_238 = tpu.vector_load %arg9[%swap3A_237] {strides = array<i32>} : memref<1024xf32, #tpu.memory_space<vmem>>, vector<16xf32>,
    %swap3A_239 = vector.shape_cast %swap3A_238 : vector<16xf32> to vector<16xf32>
    %swap3A_240 = vector.shape_cast %get3A_19 : vector<16xf32> to vector<16xf32>
    tpu.vector_store %arg9[%swap3A_237], %swap3A_240 {strides = array<i32>} : memref<1024xf32, #tpu.memory_space<vmem>>, vector<16xf32>,
    %swap3A_241 = arith.constant 864 : index
    %swap3A_242 = tpu.vector_load %arg9[%swap3A_241] {strides = array<i32>} : memref<1024xf32, #tpu.memory_space<vmem>>, vector<16xf32>,
    %swap3A_243 = vector.shape_cast %swap3A_242 : vector<16xf32> to vector<16xf32>
    %swap3A_244 = vector.shape_cast %get3A_22 : vector<16xf32> to vector<16xf32>
    tpu.vector_store %arg9[%swap3A_241], %swap3A_244 {strides = array<i32>} : memref<1024xf32, #tpu.memory_space<vmem>>, vector<16xf32>,
    %swap3A_245 = arith.constant 880 : index
    %swap3A_246 = tpu.vector_load %arg9[%swap3A_245] {strides = array<i32>} : memref<1024xf32, #tpu.memory_space<vmem>>, vector<16xf32>,
    %swap3A_247 = vector.shape_cast %swap3A_246 : vector<16xf32> to vector<16xf32>
    %swap3A_248 = vector.shape_cast %get3A_25 : vector<16xf32> to vector<16xf32>
    tpu.vector_store %arg9[%swap3A_245], %swap3A_248 {strides = array<i32>} : memref<1024xf32, #tpu.memory_space<vmem>>, vector<16xf32>,
    %swap3A_249 = arith.constant 896 : index
    %swap3A_250 = tpu.vector_load %arg9[%swap3A_249] {strides = array<i32>} : memref<1024xf32, #tpu.memory_space<vmem>>, vector<16xf32>,
    %swap3A_251 = vector.shape_cast %swap3A_250 : vector<16xf32> to vector<16xf32>
    %swap3A_252 = vector.shape_cast %get3A_4 : vector<16xf32> to vector<16xf32>
    tpu.vector_store %arg9[%swap3A_249], %swap3A_252 {strides = array<i32>} : memref<1024xf32, #tpu.memory_space<vmem>>, vector<16xf32>,
    %swap3A_253 = arith.constant 912 : index
    %swap3A_254 = tpu.vector_load %arg9[%swap3A_253] {strides = array<i32>} : memref<1024xf32, #tpu.memory_space<vmem>>, vector<16xf32>,
    %swap3A_255 = vector.shape_cast %swap3A_254 : vector<16xf32> to vector<16xf32>
    %swap3A_256 = vector.shape_cast %get3A_7 : vector<16xf32> to vector<16xf32>
    tpu.vector_store %arg9[%swap3A_253], %swap3A_256 {strides = array<i32>} : memref<1024xf32, #tpu.memory_space<vmem>>, vector<16xf32>,
    %swap3A_257 = arith.constant 928 : index
    %swap3A_258 = tpu.vector_load %arg9[%swap3A_257] {strides = array<i32>} : memref<1024xf32, #tpu.memory_space<vmem>>, vector<16xf32>,
    %swap3A_259 = vector.shape_cast %swap3A_258 : vector<16xf32> to vector<16xf32>
    %swap3A_260 = vector.shape_cast %get3A_10 : vector<16xf32> to vector<16xf32>
    tpu.vector_store %arg9[%swap3A_257], %swap3A_260 {strides = array<i32>} : memref<1024xf32, #tpu.memory_space<vmem>>, vector<16xf32>,
    %swap3A_261 = arith.constant 944 : index
    %swap3A_262 = tpu.vector_load %arg9[%swap3A_261] {strides = array<i32>} : memref<1024xf32, #tpu.memory_space<vmem>>, vector<16xf32>,
    %swap3A_263 = vector.shape_cast %swap3A_262 : vector<16xf32> to vector<16xf32>
    %swap3A_264 = vector.shape_cast %get3A_13 : vector<16xf32> to vector<16xf32>
    tpu.vector_store %arg9[%swap3A_261], %swap3A_264 {strides = array<i32>} : memref<1024xf32, #tpu.memory_space<vmem>>, vector<16xf32>,
    %swap3A_265 = arith.constant 960 : index
    %swap3A_266 = tpu.vector_load %arg9[%swap3A_265] {strides = array<i32>} : memref<1024xf32, #tpu.memory_space<vmem>>, vector<16xf32>,
    %swap3A_267 = vector.shape_cast %swap3A_266 : vector<16xf32> to vector<16xf32>
    %swap3A_268 = vector.shape_cast %get3A_16 : vector<16xf32> to vector<16xf32>
    tpu.vector_store %arg9[%swap3A_265], %swap3A_268 {strides = array<i32>} : memref<1024xf32, #tpu.memory_space<vmem>>, vector<16xf32>,
    %swap3A_269 = arith.constant 976 : index
    %swap3A_270 = tpu.vector_load %arg9[%swap3A_269] {strides = array<i32>} : memref<1024xf32, #tpu.memory_space<vmem>>, vector<16xf32>,
    %swap3A_271 = vector.shape_cast %swap3A_270 : vector<16xf32> to vector<16xf32>
    %swap3A_272 = vector.shape_cast %get3A_19 : vector<16xf32> to vector<16xf32>
    tpu.vector_store %arg9[%swap3A_269], %swap3A_272 {strides = array<i32>} : memref<1024xf32, #tpu.memory_space<vmem>>, vector<16xf32>,
    %swap3A_273 = arith.constant 992 : index
    %swap3A_274 = tpu.vector_load %arg9[%swap3A_273] {strides = array<i32>} : memref<1024xf32, #tpu.memory_space<vmem>>, vector<16xf32>,
    %swap3A_275 = vector.shape_cast %swap3A_274 : vector<16xf32> to vector<16xf32>
    %swap3A_276 = vector.shape_cast %get3A_22 : vector<16xf32> to vector<16xf32>
    tpu.vector_store %arg9[%swap3A_273], %swap3A_276 {strides = array<i32>} : memref<1024xf32, #tpu.memory_space<vmem>>, vector<16xf32>,
    %swap3A_277 = arith.constant 1008 : index
    %swap3A_278 = tpu.vector_load %arg9[%swap3A_277] {strides = array<i32>} : memref<1024xf32, #tpu.memory_space<vmem>>, vector<16xf32>,
    %swap3A_279 = vector.shape_cast %swap3A_278 : vector<16xf32> to vector<16xf32>
    %swap3A_280 = vector.shape_cast %get3A_25 : vector<16xf32> to vector<16xf32>
    tpu.vector_store %arg9[%swap3A_277], %swap3A_280 {strides = array<i32>} : memref<1024xf32, #tpu.memory_space<vmem>>, vector<16xf32>,
    %get3A_281 = arith.constant 0 : index
    %get3A_282 = tpu.vector_load %arg6[%get3A_281] {strides = array<i32>} : memref<4096xf32, #tpu.memory_space<vmem>>, vector<16xf32>,
    %get3A_283 = vector.shape_cast %get3A_282 : vector<16xf32> to vector<16xf32>
    %get3A_284 = arith.constant 16 : index
    %get3A_285 = tpu.vector_load %arg6[%get3A_284] {strides = array<i32>} : memref<4096xf32, #tpu.memory_space<vmem>>, vector<16xf32>,
    %get3A_286 = vector.shape_cast %get3A_285 : vector<16xf32> to vector<16xf32>
    %get3A_287 = arith.constant 32 : index
    %get3A_288 = tpu.vector_load %arg6[%get3A_287] {strides = array<i32>} : memref<4096xf32, #tpu.memory_space<vmem>>, vector<16xf32>,
    %get3A_289 = vector.shape_cast %get3A_288 : vector<16xf32> to vector<16xf32>
    %get3A_290 = arith.constant 48 : index
    %get3A_291 = tpu.vector_load %arg6[%get3A_290] {strides = array<i32>} : memref<4096xf32, #tpu.memory_space<vmem>>, vector<16xf32>,
    %get3A_292 = vector.shape_cast %get3A_291 : vector<16xf32> to vector<16xf32>
    %get3A_293 = arith.constant 64 : index
    %get3A_294 = tpu.vector_load %arg6[%get3A_293] {strides = array<i32>} : memref<4096xf32, #tpu.memory_space<vmem>>, vector<16xf32>,
    %get3A_295 = vector.shape_cast %get3A_294 : vector<16xf32> to vector<16xf32>
    %get3A_296 = arith.constant 80 : index
    %get3A_297 = tpu.vector_load %arg6[%get3A_296] {strides = array<i32>} : memref<4096xf32, #tpu.memory_space<vmem>>, vector<16xf32>,
    %get3A_298 = vector.shape_cast %get3A_297 : vector<16xf32> to vector<16xf32>
    %get3A_299 = arith.constant 96 : index
    %get3A_300 = tpu.vector_load %arg6[%get3A_299] {strides = array<i32>} : memref<4096xf32, #tpu.memory_space<vmem>>, vector<16xf32>,
    %get3A_301 = vector.shape_cast %get3A_300 : vector<16xf32> to vector<16xf32>
    %get3A_302 = arith.constant 112 : index
    %get3A_303 = tpu.vector_load %arg6[%get3A_302] {strides = array<i32>} : memref<4096xf32, #tpu.memory_space<vmem>>, vector<16xf32>,
    %get3A_304 = vector.shape_cast %get3A_303 : vector<16xf32> to vector<16xf32>
    %swap3A_305 = arith.constant 0 : index
    %swap3A_306 = tpu.vector_load %arg10[%swap3A_305] {strides = array<i32>} : memref<1024xf32, #tpu.memory_space<vmem>>, vector<16xf32>,
    %swap3A_307 = vector.shape_cast %swap3A_306 : vector<16xf32> to vector<16xf32>
    %swap3A_308 = vector.shape_cast %get3A_283 : vector<16xf32> to vector<16xf32>
    tpu.vector_store %arg10[%swap3A_305], %swap3A_308 {strides = array<i32>} : memref<1024xf32, #tpu.memory_space<vmem>>, vector<16xf32>,
    %swap3A_309 = arith.constant 16 : index
    %swap3A_310 = tpu.vector_load %arg10[%swap3A_309] {strides = array<i32>} : memref<1024xf32, #tpu.memory_space<vmem>>, vector<16xf32>,
    %swap3A_311 = vector.shape_cast %swap3A_310 : vector<16xf32> to vector<16xf32>
    %swap3A_312 = vector.shape_cast %get3A_286 : vector<16xf32> to vector<16xf32>
    tpu.vector_store %arg10[%swap3A_309], %swap3A_312 {strides = array<i32>} : memref<1024xf32, #tpu.memory_space<vmem>>, vector<16xf32>,
    %swap3A_313 = arith.constant 32 : index
    %swap3A_314 = tpu.vector_load %arg10[%swap3A_313] {strides = array<i32>} : memref<1024xf32, #tpu.memory_space<vmem>>, vector<16xf32>,
    %swap3A_315 = vector.shape_cast %swap3A_314 : vector<16xf32> to vector<16xf32>
    %swap3A_316 = vector.shape_cast %get3A_289 : vector<16xf32> to vector<16xf32>
    tpu.vector_store %arg10[%swap3A_313], %swap3A_316 {strides = array<i32>} : memref<1024xf32, #tpu.memory_space<vmem>>, vector<16xf32>,
    %swap3A_317 = arith.constant 48 : index
    %swap3A_318 = tpu.vector_load %arg10[%swap3A_317] {strides = array<i32>} : memref<1024xf32, #tpu.memory_space<vmem>>, vector<16xf32>,
    %swap3A_319 = vector.shape_cast %swap3A_318 : vector<16xf32> to vector<16xf32>
    %swap3A_320 = vector.shape_cast %get3A_292 : vector<16xf32> to vector<16xf32>
    tpu.vector_store %arg10[%swap3A_317], %swap3A_320 {strides = array<i32>} : memref<1024xf32, #tpu.memory_space<vmem>>, vector<16xf32>,
    %swap3A_321 = arith.constant 64 : index
    %swap3A_322 = tpu.vector_load %arg10[%swap3A_321] {strides = array<i32>} : memref<1024xf32, #tpu.memory_space<vmem>>, vector<16xf32>,
    %swap3A_323 = vector.shape_cast %swap3A_322 : vector<16xf32> to vector<16xf32>
    %swap3A_324 = vector.shape_cast %get3A_295 : vector<16xf32> to vector<16xf32>
    tpu.vector_store %arg10[%swap3A_321], %swap3A_324 {strides = array<i32>} : memref<1024xf32, #tpu.memory_space<vmem>>, vector<16xf32>,
    %swap3A_325 = arith.constant 80 : index
    %swap3A_326 = tpu.vector_load %arg10[%swap3A_325] {strides = array<i32>} : memref<1024xf32, #tpu.memory_space<vmem>>, vector<16xf32>,
    %swap3A_327 = vector.shape_cast %swap3A_326 : vector<16xf32> to vector<16xf32>
    %swap3A_328 = vector.shape_cast %get3A_298 : vector<16xf32> to vector<16xf32>
    tpu.vector_store %arg10[%swap3A_325], %swap3A_328 {strides = array<i32>} : memref<1024xf32, #tpu.memory_space<vmem>>, vector<16xf32>,
    %swap3A_329 = arith.constant 96 : index
    %swap3A_330 = tpu.vector_load %arg10[%swap3A_329] {strides = array<i32>} : memref<1024xf32, #tpu.memory_space<vmem>>, vector<16xf32>,
    %swap3A_331 = vector.shape_cast %swap3A_330 : vector<16xf32> to vector<16xf32>
    %swap3A_332 = vector.shape_cast %get3A_301 : vector<16xf32> to vector<16xf32>
    tpu.vector_store %arg10[%swap3A_329], %swap3A_332 {strides = array<i32>} : memref<1024xf32, #tpu.memory_space<vmem>>, vector<16xf32>,
    %swap3A_333 = arith.constant 112 : index
    %swap3A_334 = tpu.vector_load %arg10[%swap3A_333] {strides = array<i32>} : memref<1024xf32, #tpu.memory_space<vmem>>, vector<16xf32>,
    %swap3A_335 = vector.shape_cast %swap3A_334 : vector<16xf32> to vector<16xf32>
    %swap3A_336 = vector.shape_cast %get3A_304 : vector<16xf32> to vector<16xf32>
    tpu.vector_store %arg10[%swap3A_333], %swap3A_336 {strides = array<i32>} : memref<1024xf32, #tpu.memory_space<vmem>>, vector<16xf32>,
    %swap3A_337 = arith.constant 128 : index
    %swap3A_338 = tpu.vector_load %arg10[%swap3A_337] {strides = array<i32>} : memref<1024xf32, #tpu.memory_space<vmem>>, vector<16xf32>,
    %swap3A_339 = vector.shape_cast %swap3A_338 : vector<16xf32> to vector<16xf32>
    %swap3A_340 = vector.shape_cast %get3A_283 : vector<16xf32> to vector<16xf32>
    tpu.vector_store %arg10[%swap3A_337], %swap3A_340 {strides = array<i32>} : memref<1024xf32, #tpu.memory_space<vmem>>, vector<16xf32>,
    %swap3A_341 = arith.constant 144 : index
    %swap3A_342 = tpu.vector_load %arg10[%swap3A_341] {strides = array<i32>} : memref<1024xf32, #tpu.memory_space<vmem>>, vector<16xf32>,
    %swap3A_343 = vector.shape_cast %swap3A_342 : vector<16xf32> to vector<16xf32>
    %swap3A_344 = vector.shape_cast %get3A_286 : vector<16xf32> to vector<16xf32>
    tpu.vector_store %arg10[%swap3A_341], %swap3A_344 {strides = array<i32>} : memref<1024xf32, #tpu.memory_space<vmem>>, vector<16xf32>,
    %swap3A_345 = arith.constant 160 : index
    %swap3A_346 = tpu.vector_load %arg10[%swap3A_345] {strides = array<i32>} : memref<1024xf32, #tpu.memory_space<vmem>>, vector<16xf32>,
    %swap3A_347 = vector.shape_cast %swap3A_346 : vector<16xf32> to vector<16xf32>
    %swap3A_348 = vector.shape_cast %get3A_289 : vector<16xf32> to vector<16xf32>
    tpu.vector_store %arg10[%swap3A_345], %swap3A_348 {strides = array<i32>} : memref<1024xf32, #tpu.memory_space<vmem>>, vector<16xf32>,
    %swap3A_349 = arith.constant 176 : index
    %swap3A_350 = tpu.vector_load %arg10[%swap3A_349] {strides = array<i32>} : memref<1024xf32, #tpu.memory_space<vmem>>, vector<16xf32>,
    %swap3A_351 = vector.shape_cast %swap3A_350 : vector<16xf32> to vector<16xf32>
    %swap3A_352 = vector.shape_cast %get3A_292 : vector<16xf32> to vector<16xf32>
    tpu.vector_store %arg10[%swap3A_349], %swap3A_352 {strides = array<i32>} : memref<1024xf32, #tpu.memory_space<vmem>>, vector<16xf32>,
    %swap3A_353 = arith.constant 192 : index
    %swap3A_354 = tpu.vector_load %arg10[%swap3A_353] {strides = array<i32>} : memref<1024xf32, #tpu.memory_space<vmem>>, vector<16xf32>,
    %swap3A_355 = vector.shape_cast %swap3A_354 : vector<16xf32> to vector<16xf32>
    %swap3A_356 = vector.shape_cast %get3A_295 : vector<16xf32> to vector<16xf32>
    tpu.vector_store %arg10[%swap3A_353], %swap3A_356 {strides = array<i32>} : memref<1024xf32, #tpu.memory_space<vmem>>, vector<16xf32>,
    %swap3A_357 = arith.constant 208 : index
    %swap3A_358 = tpu.vector_load %arg10[%swap3A_357] {strides = array<i32>} : memref<1024xf32, #tpu.memory_space<vmem>>, vector<16xf32>,
    %swap3A_359 = vector.shape_cast %swap3A_358 : vector<16xf32> to vector<16xf32>
    %swap3A_360 = vector.shape_cast %get3A_298 : vector<16xf32> to vector<16xf32>
    tpu.vector_store %arg10[%swap3A_357], %swap3A_360 {strides = array<i32>} : memref<1024xf32, #tpu.memory_space<vmem>>, vector<16xf32>,
    %swap3A_361 = arith.constant 224 : index
    %swap3A_362 = tpu.vector_load %arg10[%swap3A_361] {strides = array<i32>} : memref<1024xf32, #tpu.memory_space<vmem>>, vector<16xf32>,
    %swap3A_363 = vector.shape_cast %swap3A_362 : vector<16xf32> to vector<16xf32>
    %swap3A_364 = vector.shape_cast %get3A_301 : vector<16xf32> to vector<16xf32>
    tpu.vector_store %arg10[%swap3A_361], %swap3A_364 {strides = array<i32>} : memref<1024xf32, #tpu.memory_space<vmem>>, vector<16xf32>,
    %swap3A_365 = arith.constant 240 : index
    %swap3A_366 = tpu.vector_load %arg10[%swap3A_365] {strides = array<i32>} : memref<1024xf32, #tpu.memory_space<vmem>>, vector<16xf32>,
    %swap3A_367 = vector.shape_cast %swap3A_366 : vector<16xf32> to vector<16xf32>
    %swap3A_368 = vector.shape_cast %get3A_304 : vector<16xf32> to vector<16xf32>
    tpu.vector_store %arg10[%swap3A_365], %swap3A_368 {strides = array<i32>} : memref<1024xf32, #tpu.memory_space<vmem>>, vector<16xf32>,
    %swap3A_369 = arith.constant 256 : index
    %swap3A_370 = tpu.vector_load %arg10[%swap3A_369] {strides = array<i32>} : memref<1024xf32, #tpu.memory_space<vmem>>, vector<16xf32>,
    %swap3A_371 = vector.shape_cast %swap3A_370 : vector<16xf32> to vector<16xf32>
    %swap3A_372 = vector.shape_cast %get3A_283 : vector<16xf32> to vector<16xf32>
    tpu.vector_store %arg10[%swap3A_369], %swap3A_372 {strides = array<i32>} : memref<1024xf32, #tpu.memory_space<vmem>>, vector<16xf32>,
    %swap3A_373 = arith.constant 272 : index
    %swap3A_374 = tpu.vector_load %arg10[%swap3A_373] {strides = array<i32>} : memref<1024xf32, #tpu.memory_space<vmem>>, vector<16xf32>,
    %swap3A_375 = vector.shape_cast %swap3A_374 : vector<16xf32> to vector<16xf32>
    %swap3A_376 = vector.shape_cast %get3A_286 : vector<16xf32> to vector<16xf32>
    tpu.vector_store %arg10[%swap3A_373], %swap3A_376 {strides = array<i32>} : memref<1024xf32, #tpu.memory_space<vmem>>, vector<16xf32>,
    %swap3A_377 = arith.constant 288 : index
    %swap3A_378 = tpu.vector_load %arg10[%swap3A_377] {strides = array<i32>} : memref<1024xf32, #tpu.memory_space<vmem>>, vector<16xf32>,
    %swap3A_379 = vector.shape_cast %swap3A_378 : vector<16xf32> to vector<16xf32>
    %swap3A_380 = vector.shape_cast %get3A_289 : vector<16xf32> to vector<16xf32>
    tpu.vector_store %arg10[%swap3A_377], %swap3A_380 {strides = array<i32>} : memref<1024xf32, #tpu.memory_space<vmem>>, vector<16xf32>,
    %swap3A_381 = arith.constant 304 : index
    %swap3A_382 = tpu.vector_load %arg10[%swap3A_381] {strides = array<i32>} : memref<1024xf32, #tpu.memory_space<vmem>>, vector<16xf32>,
    %swap3A_383 = vector.shape_cast %swap3A_382 : vector<16xf32> to vector<16xf32>
    %swap3A_384 = vector.shape_cast %get3A_292 : vector<16xf32> to vector<16xf32>
    tpu.vector_store %arg10[%swap3A_381], %swap3A_384 {strides = array<i32>} : memref<1024xf32, #tpu.memory_space<vmem>>, vector<16xf32>,
    %swap3A_385 = arith.constant 320 : index
    %swap3A_386 = tpu.vector_load %arg10[%swap3A_385] {strides = array<i32>} : memref<1024xf32, #tpu.memory_space<vmem>>, vector<16xf32>,
    %swap3A_387 = vector.shape_cast %swap3A_386 : vector<16xf32> to vector<16xf32>
    %swap3A_388 = vector.shape_cast %get3A_295 : vector<16xf32> to vector<16xf32>
    tpu.vector_store %arg10[%swap3A_385], %swap3A_388 {strides = array<i32>} : memref<1024xf32, #tpu.memory_space<vmem>>, vector<16xf32>,
    %swap3A_389 = arith.constant 336 : index
    %swap3A_390 = tpu.vector_load %arg10[%swap3A_389] {strides = array<i32>} : memref<1024xf32, #tpu.memory_space<vmem>>, vector<16xf32>,
    %swap3A_391 = vector.shape_cast %swap3A_390 : vector<16xf32> to vector<16xf32>
    %swap3A_392 = vector.shape_cast %get3A_298 : vector<16xf32> to vector<16xf32>
    tpu.vector_store %arg10[%swap3A_389], %swap3A_392 {strides = array<i32>} : memref<1024xf32, #tpu.memory_space<vmem>>, vector<16xf32>,
    %swap3A_393 = arith.constant 352 : index
    %swap3A_394 = tpu.vector_load %arg10[%swap3A_393] {strides = array<i32>} : memref<1024xf32, #tpu.memory_space<vmem>>, vector<16xf32>,
    %swap3A_395 = vector.shape_cast %swap3A_394 : vector<16xf32> to vector<16xf32>
    %swap3A_396 = vector.shape_cast %get3A_301 : vector<16xf32> to vector<16xf32>
    tpu.vector_store %arg10[%swap3A_393], %swap3A_396 {strides = array<i32>} : memref<1024xf32, #tpu.memory_space<vmem>>, vector<16xf32>,
    %swap3A_397 = arith.constant 368 : index
    %swap3A_398 = tpu.vector_load %arg10[%swap3A_397] {strides = array<i32>} : memref<1024xf32, #tpu.memory_space<vmem>>, vector<16xf32>,
    %swap3A_399 = vector.shape_cast %swap3A_398 : vector<16xf32> to vector<16xf32>
    %swap3A_400 = vector.shape_cast %get3A_304 : vector<16xf32> to vector<16xf32>
    tpu.vector_store %arg10[%swap3A_397], %swap3A_400 {strides = array<i32>} : memref<1024xf32, #tpu.memory_space<vmem>>, vector<16xf32>,
    %swap3A_401 = arith.constant 384 : index
    %swap3A_402 = tpu.vector_load %arg10[%swap3A_401] {strides = array<i32>} : memref<1024xf32, #tpu.memory_space<vmem>>, vector<16xf32>,
    %swap3A_403 = vector.shape_cast %swap3A_402 : vector<16xf32> to vector<16xf32>
    %swap3A_404 = vector.shape_cast %get3A_283 : vector<16xf32> to vector<16xf32>
    tpu.vector_store %arg10[%swap3A_401], %swap3A_404 {strides = array<i32>} : memref<1024xf32, #tpu.memory_space<vmem>>, vector<16xf32>,
    %swap3A_405 = arith.constant 400 : index
    %swap3A_406 = tpu.vector_load %arg10[%swap3A_405] {strides = array<i32>} : memref<1024xf32, #tpu.memory_space<vmem>>, vector<16xf32>,
    %swap3A_407 = vector.shape_cast %swap3A_406 : vector<16xf32> to vector<16xf32>
    %swap3A_408 = vector.shape_cast %get3A_286 : vector<16xf32> to vector<16xf32>
    tpu.vector_store %arg10[%swap3A_405], %swap3A_408 {strides = array<i32>} : memref<1024xf32, #tpu.memory_space<vmem>>, vector<16xf32>,
    %swap3A_409 = arith.constant 416 : index
    %swap3A_410 = tpu.vector_load %arg10[%swap3A_409] {strides = array<i32>} : memref<1024xf32, #tpu.memory_space<vmem>>, vector<16xf32>,
    %swap3A_411 = vector.shape_cast %swap3A_410 : vector<16xf32> to vector<16xf32>
    %swap3A_412 = vector.shape_cast %get3A_289 : vector<16xf32> to vector<16xf32>
    tpu.vector_store %arg10[%swap3A_409], %swap3A_412 {strides = array<i32>} : memref<1024xf32, #tpu.memory_space<vmem>>, vector<16xf32>,
    %swap3A_413 = arith.constant 432 : index
    %swap3A_414 = tpu.vector_load %arg10[%swap3A_413] {strides = array<i32>} : memref<1024xf32, #tpu.memory_space<vmem>>, vector<16xf32>,
    %swap3A_415 = vector.shape_cast %swap3A_414 : vector<16xf32> to vector<16xf32>
    %swap3A_416 = vector.shape_cast %get3A_292 : vector<16xf32> to vector<16xf32>
    tpu.vector_store %arg10[%swap3A_413], %swap3A_416 {strides = array<i32>} : memref<1024xf32, #tpu.memory_space<vmem>>, vector<16xf32>,
    %swap3A_417 = arith.constant 448 : index
    %swap3A_418 = tpu.vector_load %arg10[%swap3A_417] {strides = array<i32>} : memref<1024xf32, #tpu.memory_space<vmem>>, vector<16xf32>,
    %swap3A_419 = vector.shape_cast %swap3A_418 : vector<16xf32> to vector<16xf32>
    %swap3A_420 = vector.shape_cast %get3A_295 : vector<16xf32> to vector<16xf32>
    tpu.vector_store %arg10[%swap3A_417], %swap3A_420 {strides = array<i32>} : memref<1024xf32, #tpu.memory_space<vmem>>, vector<16xf32>,
    %swap3A_421 = arith.constant 464 : index
    %swap3A_422 = tpu.vector_load %arg10[%swap3A_421] {strides = array<i32>} : memref<1024xf32, #tpu.memory_space<vmem>>, vector<16xf32>,
    %swap3A_423 = vector.shape_cast %swap3A_422 : vector<16xf32> to vector<16xf32>
    %swap3A_424 = vector.shape_cast %get3A_298 : vector<16xf32> to vector<16xf32>
    tpu.vector_store %arg10[%swap3A_421], %swap3A_424 {strides = array<i32>} : memref<1024xf32, #tpu.memory_space<vmem>>, vector<16xf32>,
    %swap3A_425 = arith.constant 480 : index
    %swap3A_426 = tpu.vector_load %arg10[%swap3A_425] {strides = array<i32>} : memref<1024xf32, #tpu.memory_space<vmem>>, vector<16xf32>,
    %swap3A_427 = vector.shape_cast %swap3A_426 : vector<16xf32> to vector<16xf32>
    %swap3A_428 = vector.shape_cast %get3A_301 : vector<16xf32> to vector<16xf32>
    tpu.vector_store %arg10[%swap3A_425], %swap3A_428 {strides = array<i32>} : memref<1024xf32, #tpu.memory_space<vmem>>, vector<16xf32>,
    %swap3A_429 = arith.constant 496 : index
    %swap3A_430 = tpu.vector_load %arg10[%swap3A_429] {strides = array<i32>} : memref<1024xf32, #tpu.memory_space<vmem>>, vector<16xf32>,
    %swap3A_431 = vector.shape_cast %swap3A_430 : vector<16xf32> to vector<16xf32>
    %swap3A_432 = vector.shape_cast %get3A_304 : vector<16xf32> to vector<16xf32>
    tpu.vector_store %arg10[%swap3A_429], %swap3A_432 {strides = array<i32>} : memref<1024xf32, #tpu.memory_space<vmem>>, vector<16xf32>,
    %swap3A_433 = arith.constant 512 : index
    %swap3A_434 = tpu.vector_load %arg10[%swap3A_433] {strides = array<i32>} : memref<1024xf32, #tpu.memory_space<vmem>>, vector<16xf32>,
    %swap3A_435 = vector.shape_cast %swap3A_434 : vector<16xf32> to vector<16xf32>
    %swap3A_436 = vector.shape_cast %get3A_283 : vector<16xf32> to vector<16xf32>
    tpu.vector_store %arg10[%swap3A_433], %swap3A_436 {strides = array<i32>} : memref<1024xf32, #tpu.memory_space<vmem>>, vector<16xf32>,
    %swap3A_437 = arith.constant 528 : index
    %swap3A_438 = tpu.vector_load %arg10[%swap3A_437] {strides = array<i32>} : memref<1024xf32, #tpu.memory_space<vmem>>, vector<16xf32>,
    %swap3A_439 = vector.shape_cast %swap3A_438 : vector<16xf32> to vector<16xf32>
    %swap3A_440 = vector.shape_cast %get3A_286 : vector<16xf32> to vector<16xf32>
    tpu.vector_store %arg10[%swap3A_437], %swap3A_440 {strides = array<i32>} : memref<1024xf32, #tpu.memory_space<vmem>>, vector<16xf32>,
    %swap3A_441 = arith.constant 544 : index
    %swap3A_442 = tpu.vector_load %arg10[%swap3A_441] {strides = array<i32>} : memref<1024xf32, #tpu.memory_space<vmem>>, vector<16xf32>,
    %swap3A_443 = vector.shape_cast %swap3A_442 : vector<16xf32> to vector<16xf32>
    %swap3A_444 = vector.shape_cast %get3A_289 : vector<16xf32> to vector<16xf32>
    tpu.vector_store %arg10[%swap3A_441], %swap3A_444 {strides = array<i32>} : memref<1024xf32, #tpu.memory_space<vmem>>, vector<16xf32>,
    %swap3A_445 = arith.constant 560 : index
    %swap3A_446 = tpu.vector_load %arg10[%swap3A_445] {strides = array<i32>} : memref<1024xf32, #tpu.memory_space<vmem>>, vector<16xf32>,
    %swap3A_447 = vector.shape_cast %swap3A_446 : vector<16xf32> to vector<16xf32>
    %swap3A_448 = vector.shape_cast %get3A_292 : vector<16xf32> to vector<16xf32>
    tpu.vector_store %arg10[%swap3A_445], %swap3A_448 {strides = array<i32>} : memref<1024xf32, #tpu.memory_space<vmem>>, vector<16xf32>,
    %swap3A_449 = arith.constant 576 : index
    %swap3A_450 = tpu.vector_load %arg10[%swap3A_449] {strides = array<i32>} : memref<1024xf32, #tpu.memory_space<vmem>>, vector<16xf32>,
    %swap3A_451 = vector.shape_cast %swap3A_450 : vector<16xf32> to vector<16xf32>
    %swap3A_452 = vector.shape_cast %get3A_295 : vector<16xf32> to vector<16xf32>
    tpu.vector_store %arg10[%swap3A_449], %swap3A_452 {strides = array<i32>} : memref<1024xf32, #tpu.memory_space<vmem>>, vector<16xf32>,
    %swap3A_453 = arith.constant 592 : index
    %swap3A_454 = tpu.vector_load %arg10[%swap3A_453] {strides = array<i32>} : memref<1024xf32, #tpu.memory_space<vmem>>, vector<16xf32>,
    %swap3A_455 = vector.shape_cast %swap3A_454 : vector<16xf32> to vector<16xf32>
    %swap3A_456 = vector.shape_cast %get3A_298 : vector<16xf32> to vector<16xf32>
    tpu.vector_store %arg10[%swap3A_453], %swap3A_456 {strides = array<i32>} : memref<1024xf32, #tpu.memory_space<vmem>>, vector<16xf32>,
    %swap3A_457 = arith.constant 608 : index
    %swap3A_458 = tpu.vector_load %arg10[%swap3A_457] {strides = array<i32>} : memref<1024xf32, #tpu.memory_space<vmem>>, vector<16xf32>,
    %swap3A_459 = vector.shape_cast %swap3A_458 : vector<16xf32> to vector<16xf32>
    %swap3A_460 = vector.shape_cast %get3A_301 : vector<16xf32> to vector<16xf32>
    tpu.vector_store %arg10[%swap3A_457], %swap3A_460 {strides = array<i32>} : memref<1024xf32, #tpu.memory_space<vmem>>, vector<16xf32>,
    %swap3A_461 = arith.constant 624 : index
    %swap3A_462 = tpu.vector_load %arg10[%swap3A_461] {strides = array<i32>} : memref<1024xf32, #tpu.memory_space<vmem>>, vector<16xf32>,
    %swap3A_463 = vector.shape_cast %swap3A_462 : vector<16xf32> to vector<16xf32>
    %swap3A_464 = vector.shape_cast %get3A_304 : vector<16xf32> to vector<16xf32>
    tpu.vector_store %arg10[%swap3A_461], %swap3A_464 {strides = array<i32>} : memref<1024xf32, #tpu.memory_space<vmem>>, vector<16xf32>,
    %swap3A_465 = arith.constant 640 : index
    %swap3A_466 = tpu.vector_load %arg10[%swap3A_465] {strides = array<i32>} : memref<1024xf32, #tpu.memory_space<vmem>>, vector<16xf32>,
    %swap3A_467 = vector.shape_cast %swap3A_466 : vector<16xf32> to vector<16xf32>
    %swap3A_468 = vector.shape_cast %get3A_283 : vector<16xf32> to vector<16xf32>
    tpu.vector_store %arg10[%swap3A_465], %swap3A_468 {strides = array<i32>} : memref<1024xf32, #tpu.memory_space<vmem>>, vector<16xf32>,
    %swap3A_469 = arith.constant 656 : index
    %swap3A_470 = tpu.vector_load %arg10[%swap3A_469] {strides = array<i32>} : memref<1024xf32, #tpu.memory_space<vmem>>, vector<16xf32>,
    %swap3A_471 = vector.shape_cast %swap3A_470 : vector<16xf32> to vector<16xf32>
    %swap3A_472 = vector.shape_cast %get3A_286 : vector<16xf32> to vector<16xf32>
    tpu.vector_store %arg10[%swap3A_469], %swap3A_472 {strides = array<i32>} : memref<1024xf32, #tpu.memory_space<vmem>>, vector<16xf32>,
    %swap3A_473 = arith.constant 672 : index
    %swap3A_474 = tpu.vector_load %arg10[%swap3A_473] {strides = array<i32>} : memref<1024xf32, #tpu.memory_space<vmem>>, vector<16xf32>,
    %swap3A_475 = vector.shape_cast %swap3A_474 : vector<16xf32> to vector<16xf32>
    %swap3A_476 = vector.shape_cast %get3A_289 : vector<16xf32> to vector<16xf32>
    tpu.vector_store %arg10[%swap3A_473], %swap3A_476 {strides = array<i32>} : memref<1024xf32, #tpu.memory_space<vmem>>, vector<16xf32>,
    %swap3A_477 = arith.constant 688 : index
    %swap3A_478 = tpu.vector_load %arg10[%swap3A_477] {strides = array<i32>} : memref<1024xf32, #tpu.memory_space<vmem>>, vector<16xf32>,
    %swap3A_479 = vector.shape_cast %swap3A_478 : vector<16xf32> to vector<16xf32>
    %swap3A_480 = vector.shape_cast %get3A_292 : vector<16xf32> to vector<16xf32>
    tpu.vector_store %arg10[%swap3A_477], %swap3A_480 {strides = array<i32>} : memref<1024xf32, #tpu.memory_space<vmem>>, vector<16xf32>,
    %swap3A_481 = arith.constant 704 : index
    %swap3A_482 = tpu.vector_load %arg10[%swap3A_481] {strides = array<i32>} : memref<1024xf32, #tpu.memory_space<vmem>>, vector<16xf32>,
    %swap3A_483 = vector.shape_cast %swap3A_482 : vector<16xf32> to vector<16xf32>
    %swap3A_484 = vector.shape_cast %get3A_295 : vector<16xf32> to vector<16xf32>
    tpu.vector_store %arg10[%swap3A_481], %swap3A_484 {strides = array<i32>} : memref<1024xf32, #tpu.memory_space<vmem>>, vector<16xf32>,
    %swap3A_485 = arith.constant 720 : index
    %swap3A_486 = tpu.vector_load %arg10[%swap3A_485] {strides = array<i32>} : memref<1024xf32, #tpu.memory_space<vmem>>, vector<16xf32>,
    %swap3A_487 = vector.shape_cast %swap3A_486 : vector<16xf32> to vector<16xf32>
    %swap3A_488 = vector.shape_cast %get3A_298 : vector<16xf32> to vector<16xf32>
    tpu.vector_store %arg10[%swap3A_485], %swap3A_488 {strides = array<i32>} : memref<1024xf32, #tpu.memory_space<vmem>>, vector<16xf32>,
    %swap3A_489 = arith.constant 736 : index
    %swap3A_490 = tpu.vector_load %arg10[%swap3A_489] {strides = array<i32>} : memref<1024xf32, #tpu.memory_space<vmem>>, vector<16xf32>,
    %swap3A_491 = vector.shape_cast %swap3A_490 : vector<16xf32> to vector<16xf32>
    %swap3A_492 = vector.shape_cast %get3A_301 : vector<16xf32> to vector<16xf32>
    tpu.vector_store %arg10[%swap3A_489], %swap3A_492 {strides = array<i32>} : memref<1024xf32, #tpu.memory_space<vmem>>, vector<16xf32>,
    %swap3A_493 = arith.constant 752 : index
    %swap3A_494 = tpu.vector_load %arg10[%swap3A_493] {strides = array<i32>} : memref<1024xf32, #tpu.memory_space<vmem>>, vector<16xf32>,
    %swap3A_495 = vector.shape_cast %swap3A_494 : vector<16xf32> to vector<16xf32>
    %swap3A_496 = vector.shape_cast %get3A_304 : vector<16xf32> to vector<16xf32>
    tpu.vector_store %arg10[%swap3A_493], %swap3A_496 {strides = array<i32>} : memref<1024xf32, #tpu.memory_space<vmem>>, vector<16xf32>,
    %swap3A_497 = arith.constant 768 : index
    %swap3A_498 = tpu.vector_load %arg10[%swap3A_497] {strides = array<i32>} : memref<1024xf32, #tpu.memory_space<vmem>>, vector<16xf32>,
    %swap3A_499 = vector.shape_cast %swap3A_498 : vector<16xf32> to vector<16xf32>
    %swap3A_500 = vector.shape_cast %get3A_283 : vector<16xf32> to vector<16xf32>
    tpu.vector_store %arg10[%swap3A_497], %swap3A_500 {strides = array<i32>} : memref<1024xf32, #tpu.memory_space<vmem>>, vector<16xf32>,
    %swap3A_501 = arith.constant 784 : index
    %swap3A_502 = tpu.vector_load %arg10[%swap3A_501] {strides = array<i32>} : memref<1024xf32, #tpu.memory_space<vmem>>, vector<16xf32>,
    %swap3A_503 = vector.shape_cast %swap3A_502 : vector<16xf32> to vector<16xf32>
    %swap3A_504 = vector.shape_cast %get3A_286 : vector<16xf32> to vector<16xf32>
    tpu.vector_store %arg10[%swap3A_501], %swap3A_504 {strides = array<i32>} : memref<1024xf32, #tpu.memory_space<vmem>>, vector<16xf32>,
    %swap3A_505 = arith.constant 800 : index
    %swap3A_506 = tpu.vector_load %arg10[%swap3A_505] {strides = array<i32>} : memref<1024xf32, #tpu.memory_space<vmem>>, vector<16xf32>,
    %swap3A_507 = vector.shape_cast %swap3A_506 : vector<16xf32> to vector<16xf32>
    %swap3A_508 = vector.shape_cast %get3A_289 : vector<16xf32> to vector<16xf32>
    tpu.vector_store %arg10[%swap3A_505], %swap3A_508 {strides = array<i32>} : memref<1024xf32, #tpu.memory_space<vmem>>, vector<16xf32>,
    %swap3A_509 = arith.constant 816 : index
    %swap3A_510 = tpu.vector_load %arg10[%swap3A_509] {strides = array<i32>} : memref<1024xf32, #tpu.memory_space<vmem>>, vector<16xf32>,
    %swap3A_511 = vector.shape_cast %swap3A_510 : vector<16xf32> to vector<16xf32>
    %swap3A_512 = vector.shape_cast %get3A_292 : vector<16xf32> to vector<16xf32>
    tpu.vector_store %arg10[%swap3A_509], %swap3A_512 {strides = array<i32>} : memref<1024xf32, #tpu.memory_space<vmem>>, vector<16xf32>,
    %swap3A_513 = arith.constant 832 : index
    %swap3A_514 = tpu.vector_load %arg10[%swap3A_513] {strides = array<i32>} : memref<1024xf32, #tpu.memory_space<vmem>>, vector<16xf32>,
    %swap3A_515 = vector.shape_cast %swap3A_514 : vector<16xf32> to vector<16xf32>
    %swap3A_516 = vector.shape_cast %get3A_295 : vector<16xf32> to vector<16xf32>
    tpu.vector_store %arg10[%swap3A_513], %swap3A_516 {strides = array<i32>} : memref<1024xf32, #tpu.memory_space<vmem>>, vector<16xf32>,
    %swap3A_517 = arith.constant 848 : index
    %swap3A_518 = tpu.vector_load %arg10[%swap3A_517] {strides = array<i32>} : memref<1024xf32, #tpu.memory_space<vmem>>, vector<16xf32>,
    %swap3A_519 = vector.shape_cast %swap3A_518 : vector<16xf32> to vector<16xf32>
    %swap3A_520 = vector.shape_cast %get3A_298 : vector<16xf32> to vector<16xf32>
    tpu.vector_store %arg10[%swap3A_517], %swap3A_520 {strides = array<i32>} : memref<1024xf32, #tpu.memory_space<vmem>>, vector<16xf32>,
    %swap3A_521 = arith.constant 864 : index
    %swap3A_522 = tpu.vector_load %arg10[%swap3A_521] {strides = array<i32>} : memref<1024xf32, #tpu.memory_space<vmem>>, vector<16xf32>,
    %swap3A_523 = vector.shape_cast %swap3A_522 : vector<16xf32> to vector<16xf32>
    %swap3A_524 = vector.shape_cast %get3A_301 : vector<16xf32> to vector<16xf32>
    tpu.vector_store %arg10[%swap3A_521], %swap3A_524 {strides = array<i32>} : memref<1024xf32, #tpu.memory_space<vmem>>, vector<16xf32>,
    %swap3A_525 = arith.constant 880 : index
    %swap3A_526 = tpu.vector_load %arg10[%swap3A_525] {strides = array<i32>} : memref<1024xf32, #tpu.memory_space<vmem>>, vector<16xf32>,
    %swap3A_527 = vector.shape_cast %swap3A_526 : vector<16xf32> to vector<16xf32>
    %swap3A_528 = vector.shape_cast %get3A_304 : vector<16xf32> to vector<16xf32>
    tpu.vector_store %arg10[%swap3A_525], %swap3A_528 {strides = array<i32>} : memref<1024xf32, #tpu.memory_space<vmem>>, vector<16xf32>,
    %swap3A_529 = arith.constant 896 : index
    %swap3A_530 = tpu.vector_load %arg10[%swap3A_529] {strides = array<i32>} : memref<1024xf32, #tpu.memory_space<vmem>>, vector<16xf32>,
    %swap3A_531 = vector.shape_cast %swap3A_530 : vector<16xf32> to vector<16xf32>
    %swap3A_532 = vector.shape_cast %get3A_283 : vector<16xf32> to vector<16xf32>
    tpu.vector_store %arg10[%swap3A_529], %swap3A_532 {strides = array<i32>} : memref<1024xf32, #tpu.memory_space<vmem>>, vector<16xf32>,
    %swap3A_533 = arith.constant 912 : index
    %swap3A_534 = tpu.vector_load %arg10[%swap3A_533] {strides = array<i32>} : memref<1024xf32, #tpu.memory_space<vmem>>, vector<16xf32>,
    %swap3A_535 = vector.shape_cast %swap3A_534 : vector<16xf32> to vector<16xf32>
    %swap3A_536 = vector.shape_cast %get3A_286 : vector<16xf32> to vector<16xf32>
    tpu.vector_store %arg10[%swap3A_533], %swap3A_536 {strides = array<i32>} : memref<1024xf32, #tpu.memory_space<vmem>>, vector<16xf32>,
    %swap3A_537 = arith.constant 928 : index
    %swap3A_538 = tpu.vector_load %arg10[%swap3A_537] {strides = array<i32>} : memref<1024xf32, #tpu.memory_space<vmem>>, vector<16xf32>,
    %swap3A_539 = vector.shape_cast %swap3A_538 : vector<16xf32> to vector<16xf32>
    %swap3A_540 = vector.shape_cast %get3A_289 : vector<16xf32> to vector<16xf32>
    tpu.vector_store %arg10[%swap3A_537], %swap3A_540 {strides = array<i32>} : memref<1024xf32, #tpu.memory_space<vmem>>, vector<16xf32>,
    %swap3A_541 = arith.constant 944 : index
    %swap3A_542 = tpu.vector_load %arg10[%swap3A_541] {strides = array<i32>} : memref<1024xf32, #tpu.memory_space<vmem>>, vector<16xf32>,
    %swap3A_543 = vector.shape_cast %swap3A_542 : vector<16xf32> to vector<16xf32>
    %swap3A_544 = vector.shape_cast %get3A_292 : vector<16xf32> to vector<16xf32>
    tpu.vector_store %arg10[%swap3A_541], %swap3A_544 {strides = array<i32>} : memref<1024xf32, #tpu.memory_space<vmem>>, vector<16xf32>,
    %swap3A_545 = arith.constant 960 : index
    %swap3A_546 = tpu.vector_load %arg10[%swap3A_545] {strides = array<i32>} : memref<1024xf32, #tpu.memory_space<vmem>>, vector<16xf32>,
    %swap3A_547 = vector.shape_cast %swap3A_546 : vector<16xf32> to vector<16xf32>
    %swap3A_548 = vector.shape_cast %get3A_295 : vector<16xf32> to vector<16xf32>
    tpu.vector_store %arg10[%swap3A_545], %swap3A_548 {strides = array<i32>} : memref<1024xf32, #tpu.memory_space<vmem>>, vector<16xf32>,
    %swap3A_549 = arith.constant 976 : index
    %swap3A_550 = tpu.vector_load %arg10[%swap3A_549] {strides = array<i32>} : memref<1024xf32, #tpu.memory_space<vmem>>, vector<16xf32>,
    %swap3A_551 = vector.shape_cast %swap3A_550 : vector<16xf32> to vector<16xf32>
    %swap3A_552 = vector.shape_cast %get3A_298 : vector<16xf32> to vector<16xf32>
    tpu.vector_store %arg10[%swap3A_549], %swap3A_552 {strides = array<i32>} : memref<1024xf32, #tpu.memory_space<vmem>>, vector<16xf32>,
    %swap3A_553 = arith.constant 992 : index
    %swap3A_554 = tpu.vector_load %arg10[%swap3A_553] {strides = array<i32>} : memref<1024xf32, #tpu.memory_space<vmem>>, vector<16xf32>,
    %swap3A_555 = vector.shape_cast %swap3A_554 : vector<16xf32> to vector<16xf32>
    %swap3A_556 = vector.shape_cast %get3A_301 : vector<16xf32> to vector<16xf32>
    tpu.vector_store %arg10[%swap3A_553], %swap3A_556 {strides = array<i32>} : memref<1024xf32, #tpu.memory_space<vmem>>, vector<16xf32>,
    %swap3A_557 = arith.constant 1008 : index
    %swap3A_558 = tpu.vector_load %arg10[%swap3A_557] {strides = array<i32>} : memref<1024xf32, #tpu.memory_space<vmem>>, vector<16xf32>,
    %swap3A_559 = vector.shape_cast %swap3A_558 : vector<16xf32> to vector<16xf32>
    %swap3A_560 = vector.shape_cast %get3A_304 : vector<16xf32> to vector<16xf32>
    tpu.vector_store %arg10[%swap3A_557], %swap3A_560 {strides = array<i32>} : memref<1024xf32, #tpu.memory_space<vmem>>, vector<16xf32>,
    %add3A_561 = arith.constant 0 : i32
    %add3A_562 = arith.addi %add3A_561, %add3A : i32
    %mul3A_563 = arith.constant 32 : i32
    %mul3A_564 = arith.muli %add3A_562, %mul3A_563 : i32
    %add3A_565 = arith.constant 0 : i32
    %add3A_566 = arith.addi %mul3A_564, %add3A_565 : i32
    %mul3A_567 = arith.constant 12288 : i32
    %mul3A_568 = arith.muli %add3A_566, %mul3A_567 : i32
    %add3A_569 = arith.constant 0 : i32
    %add3A_570 = arith.addi %mul3A_568, %add3A_569 : i32
    %dma_start3A = tpu.memref_slice %arg5[%add3A_570] : memref<25165824xf32, #tpu.memory_space<hbm>> -> memref<1024xf32, #tpu.memory_space<hbm>>
    %dma_start3A_571 = tpu.memref_slice %arg5[%add3A_570] : memref<25165824xf32, #tpu.memory_space<hbm>> -> memref<1024xf32, #tpu.memory_space<hbm>>
    tpu.enqueue_dma source(%arg10 : memref<1024xf32, #tpu.memory_space<vmem>>) target(%dma_start3A_571 : memref<1024xf32, #tpu.memory_space<hbm>>) target_semaphore(%arg12 : memref<!tpu.dma_semaphore, #tpu.memory_space<semaphore_mem>>)
    %add3A_572 = arith.constant 1024 : i32
    %add3A_573 = arith.addi %add3A_570, %add3A_572 : i32
    %dma_start3A_574 = tpu.memref_slice %arg5[%add3A_573] : memref<25165824xf32, #tpu.memory_space<hbm>> -> memref<1024xf32, #tpu.memory_space<hbm>>
    %dma_start3A_575 = tpu.memref_slice %arg5[%add3A_573] : memref<25165824xf32, #tpu.memory_space<hbm>> -> memref<1024xf32, #tpu.memory_space<hbm>>
    tpu.enqueue_dma source(%arg9 : memref<1024xf32, #tpu.memory_space<vmem>>) target(%dma_start3A_575 : memref<1024xf32, #tpu.memory_space<hbm>>) target_semaphore(%arg14 : memref<!tpu.dma_semaphore, #tpu.memory_space<semaphore_mem>>)
    %add3A_576 = arith.constant 2048 : i32
    %add3A_577 = arith.addi %add3A_570, %add3A_576 : i32
    %dma_start3A_578 = arith.constant 0 : i32
    %dma_start3A_579 = tpu.memref_slice %arg8[%dma_start3A_578] : memref<4096xf32, #tpu.memory_space<vmem>> -> memref<1024xf32, #tpu.memory_space<vmem>>
    %dma_start3A_580 = tpu.memref_slice %arg5[%add3A_577] : memref<25165824xf32, #tpu.memory_space<hbm>> -> memref<1024xf32, #tpu.memory_space<hbm>>
    %dma_start3A_581 = tpu.memref_slice %arg5[%add3A_577] : memref<25165824xf32, #tpu.memory_space<hbm>> -> memref<1024xf32, #tpu.memory_space<hbm>>
    %dma_start3A_582 = arith.constant 0 : i32
    %dma_start3A_583 = tpu.memref_slice %arg8[%dma_start3A_582] : memref<4096xf32, #tpu.memory_space<vmem>> -> memref<1024xf32, #tpu.memory_space<vmem>>
    tpu.enqueue_dma source(%dma_start3A_583 : memref<1024xf32, #tpu.memory_space<vmem>>) target(%dma_start3A_581 : memref<1024xf32, #tpu.memory_space<hbm>>) target_semaphore(%arg14 : memref<!tpu.dma_semaphore, #tpu.memory_space<semaphore_mem>>)
    %add3A_584 = arith.constant 3072 : i32
    %add3A_585 = arith.addi %mul3A_568, %add3A_584 : i32
    %dma_start3A_586 = tpu.memref_slice %arg5[%add3A_585] : memref<25165824xf32, #tpu.memory_space<hbm>> -> memref<1024xf32, #tpu.memory_space<hbm>>
    %dma_start3A_587 = tpu.memref_slice %arg5[%add3A_585] : memref<25165824xf32, #tpu.memory_space<hbm>> -> memref<1024xf32, #tpu.memory_space<hbm>>
    tpu.enqueue_dma source(%arg10 : memref<1024xf32, #tpu.memory_space<vmem>>) target(%dma_start3A_587 : memref<1024xf32, #tpu.memory_space<hbm>>) target_semaphore(%arg12 : memref<!tpu.dma_semaphore, #tpu.memory_space<semaphore_mem>>)
    %add3A_588 = arith.constant 1024 : i32
    %add3A_589 = arith.addi %add3A_585, %add3A_588 : i32
    %dma_start3A_590 = tpu.memref_slice %arg5[%add3A_589] : memref<25165824xf32, #tpu.memory_space<hbm>> -> memref<1024xf32, #tpu.memory_space<hbm>>
    %dma_start3A_591 = tpu.memref_slice %arg5[%add3A_589] : memref<25165824xf32, #tpu.memory_space<hbm>> -> memref<1024xf32, #tpu.memory_space<hbm>>
    tpu.enqueue_dma source(%arg9 : memref<1024xf32, #tpu.memory_space<vmem>>) target(%dma_start3A_591 : memref<1024xf32, #tpu.memory_space<hbm>>) target_semaphore(%arg14 : memref<!tpu.dma_semaphore, #tpu.memory_space<semaphore_mem>>)
    %add3A_592 = arith.constant 2048 : i32
    %add3A_593 = arith.addi %add3A_585, %add3A_592 : i32
    %dma_start3A_594 = arith.constant 1024 : i32
    %dma_start3A_595 = tpu.memref_slice %arg8[%dma_start3A_594] : memref<4096xf32, #tpu.memory_space<vmem>> -> memref<1024xf32, #tpu.memory_space<vmem>>
    %dma_start3A_596 = tpu.memref_slice %arg5[%add3A_593] : memref<25165824xf32, #tpu.memory_space<hbm>> -> memref<1024xf32, #tpu.memory_space<hbm>>
    %dma_start3A_597 = tpu.memref_slice %arg5[%add3A_593] : memref<25165824xf32, #tpu.memory_space<hbm>> -> memref<1024xf32, #tpu.memory_space<hbm>>
    %dma_start3A_598 = arith.constant 1024 : i32
    %dma_start3A_599 = tpu.memref_slice %arg8[%dma_start3A_598] : memref<4096xf32, #tpu.memory_space<vmem>> -> memref<1024xf32, #tpu.memory_space<vmem>>
    tpu.enqueue_dma source(%dma_start3A_599 : memref<1024xf32, #tpu.memory_space<vmem>>) target(%dma_start3A_597 : memref<1024xf32, #tpu.memory_space<hbm>>) target_semaphore(%arg14 : memref<!tpu.dma_semaphore, #tpu.memory_space<semaphore_mem>>)
    %add3A_600 = arith.constant 6144 : i32
    %add3A_601 = arith.addi %mul3A_568, %add3A_600 : i32
    %dma_start3A_602 = tpu.memref_slice %arg5[%add3A_601] : memref<25165824xf32, #tpu.memory_space<hbm>> -> memref<1024xf32, #tpu.memory_space<hbm>>
    %dma_start3A_603 = tpu.memref_slice %arg5[%add3A_601] : memref<25165824xf32, #tpu.memory_space<hbm>> -> memref<1024xf32, #tpu.memory_space<hbm>>
    tpu.enqueue_dma source(%arg10 : memref<1024xf32, #tpu.memory_space<vmem>>) target(%dma_start3A_603 : memref<1024xf32, #tpu.memory_space<hbm>>) target_semaphore(%arg12 : memref<!tpu.dma_semaphore, #tpu.memory_space<semaphore_mem>>)
    %add3A_604 = arith.constant 1024 : i32
    %add3A_605 = arith.addi %add3A_601, %add3A_604 : i32
    %dma_start3A_606 = tpu.memref_slice %arg5[%add3A_605] : memref<25165824xf32, #tpu.memory_space<hbm>> -> memref<1024xf32, #tpu.memory_space<hbm>>
    %dma_start3A_607 = tpu.memref_slice %arg5[%add3A_605] : memref<25165824xf32, #tpu.memory_space<hbm>> -> memref<1024xf32, #tpu.memory_space<hbm>>
    tpu.enqueue_dma source(%arg9 : memref<1024xf32, #tpu.memory_space<vmem>>) target(%dma_start3A_607 : memref<1024xf32, #tpu.memory_space<hbm>>) target_semaphore(%arg14 : memref<!tpu.dma_semaphore, #tpu.memory_space<semaphore_mem>>)
    %add3A_608 = arith.constant 2048 : i32
    %add3A_609 = arith.addi %add3A_601, %add3A_608 : i32
    %dma_start3A_610 = arith.constant 2048 : i32
    %dma_start3A_611 = tpu.memref_slice %arg8[%dma_start3A_610] : memref<4096xf32, #tpu.memory_space<vmem>> -> memref<1024xf32, #tpu.memory_space<vmem>>
    %dma_start3A_612 = tpu.memref_slice %arg5[%add3A_609] : memref<25165824xf32, #tpu.memory_space<hbm>> -> memref<1024xf32, #tpu.memory_space<hbm>>
    %dma_start3A_613 = tpu.memref_slice %arg5[%add3A_609] : memref<25165824xf32, #tpu.memory_space<hbm>> -> memref<1024xf32, #tpu.memory_space<hbm>>
    %dma_start3A_614 = arith.constant 2048 : i32
    %dma_start3A_615 = tpu.memref_slice %arg8[%dma_start3A_614] : memref<4096xf32, #tpu.memory_space<vmem>> -> memref<1024xf32, #tpu.memory_space<vmem>>
    tpu.enqueue_dma source(%dma_start3A_615 : memref<1024xf32, #tpu.memory_space<vmem>>) target(%dma_start3A_613 : memref<1024xf32, #tpu.memory_space<hbm>>) target_semaphore(%arg14 : memref<!tpu.dma_semaphore, #tpu.memory_space<semaphore_mem>>)
    %add3A_616 = arith.constant 9216 : i32
    %add3A_617 = arith.addi %mul3A_568, %add3A_616 : i32
    %dma_start3A_618 = tpu.memref_slice %arg5[%add3A_617] : memref<25165824xf32, #tpu.memory_space<hbm>> -> memref<1024xf32, #tpu.memory_space<hbm>>
    %dma_start3A_619 = tpu.memref_slice %arg5[%add3A_617] : memref<25165824xf32, #tpu.memory_space<hbm>> -> memref<1024xf32, #tpu.memory_space<hbm>>
    tpu.enqueue_dma source(%arg10 : memref<1024xf32, #tpu.memory_space<vmem>>) target(%dma_start3A_619 : memref<1024xf32, #tpu.memory_space<hbm>>) target_semaphore(%arg12 : memref<!tpu.dma_semaphore, #tpu.memory_space<semaphore_mem>>)
    %add3A_620 = arith.constant 1024 : i32
    %add3A_621 = arith.addi %add3A_617, %add3A_620 : i32
    %dma_start3A_622 = tpu.memref_slice %arg5[%add3A_621] : memref<25165824xf32, #tpu.memory_space<hbm>> -> memref<1024xf32, #tpu.memory_space<hbm>>
    %dma_start3A_623 = tpu.memref_slice %arg5[%add3A_621] : memref<25165824xf32, #tpu.memory_space<hbm>> -> memref<1024xf32, #tpu.memory_space<hbm>>
    tpu.enqueue_dma source(%arg9 : memref<1024xf32, #tpu.memory_space<vmem>>) target(%dma_start3A_623 : memref<1024xf32, #tpu.memory_space<hbm>>) target_semaphore(%arg14 : memref<!tpu.dma_semaphore, #tpu.memory_space<semaphore_mem>>)
    %add3A_624 = arith.constant 2048 : i32
    %add3A_625 = arith.addi %add3A_617, %add3A_624 : i32
    %dma_start3A_626 = arith.constant 3072 : i32
    %dma_start3A_627 = tpu.memref_slice %arg8[%dma_start3A_626] : memref<4096xf32, #tpu.memory_space<vmem>> -> memref<1024xf32, #tpu.memory_space<vmem>>
    %dma_start3A_628 = tpu.memref_slice %arg5[%add3A_625] : memref<25165824xf32, #tpu.memory_space<hbm>> -> memref<1024xf32, #tpu.memory_space<hbm>>
    %dma_start3A_629 = tpu.memref_slice %arg5[%add3A_625] : memref<25165824xf32, #tpu.memory_space<hbm>> -> memref<1024xf32, #tpu.memory_space<hbm>>
    %dma_start3A_630 = arith.constant 3072 : i32
    %dma_start3A_631 = tpu.memref_slice %arg8[%dma_start3A_630] : memref<4096xf32, #tpu.memory_space<vmem>> -> memref<1024xf32, #tpu.memory_space<vmem>>
    tpu.enqueue_dma source(%dma_start3A_631 : memref<1024xf32, #tpu.memory_space<vmem>>) target(%dma_start3A_629 : memref<1024xf32, #tpu.memory_space<hbm>>) target_semaphore(%arg14 : memref<!tpu.dma_semaphore, #tpu.memory_space<semaphore_mem>>)
    %add3A_632 = arith.constant 32 : i32
    %add3A_633 = arith.addi %add3A_632, %add3A : i32
    %mul3A_634 = arith.constant 32 : i32
    %mul3A_635 = arith.muli %add3A_633, %mul3A_634 : i32
    %add3A_636 = arith.constant 0 : i32
    %add3A_637 = arith.addi %mul3A_635, %add3A_636 : i32
    %mul3A_638 = arith.constant 12288 : i32
    %mul3A_639 = arith.muli %add3A_637, %mul3A_638 : i32
    %add3A_640 = arith.constant 0 : i32
    %add3A_641 = arith.addi %mul3A_639, %add3A_640 : i32
    %dma_start3A_642 = tpu.memref_slice %arg5[%add3A_641] : memref<25165824xf32, #tpu.memory_space<hbm>> -> memref<1024xf32, #tpu.memory_space<hbm>>
    %dma_start3A_643 = tpu.memref_slice %arg5[%add3A_641] : memref<25165824xf32, #tpu.memory_space<hbm>> -> memref<1024xf32, #tpu.memory_space<hbm>>
    tpu.enqueue_dma source(%arg10 : memref<1024xf32, #tpu.memory_space<vmem>>) target(%dma_start3A_643 : memref<1024xf32, #tpu.memory_space<hbm>>) target_semaphore(%arg12 : memref<!tpu.dma_semaphore, #tpu.memory_space<semaphore_mem>>)
    %add3A_644 = arith.constant 1024 : i32
    %add3A_645 = arith.addi %add3A_641, %add3A_644 : i32
    %dma_start3A_646 = tpu.memref_slice %arg5[%add3A_645] : memref<25165824xf32, #tpu.memory_space<hbm>> -> memref<1024xf32, #tpu.memory_space<hbm>>
    %dma_start3A_647 = tpu.memref_slice %arg5[%add3A_645] : memref<25165824xf32, #tpu.memory_space<hbm>> -> memref<1024xf32, #tpu.memory_space<hbm>>
    tpu.enqueue_dma source(%arg9 : memref<1024xf32, #tpu.memory_space<vmem>>) target(%dma_start3A_647 : memref<1024xf32, #tpu.memory_space<hbm>>) target_semaphore(%arg14 : memref<!tpu.dma_semaphore, #tpu.memory_space<semaphore_mem>>)
    %add3A_648 = arith.constant 2048 : i32
    %add3A_649 = arith.addi %add3A_641, %add3A_648 : i32
    %dma_start3A_650 = arith.constant 0 : i32
    %dma_start3A_651 = tpu.memref_slice %arg8[%dma_start3A_650] : memref<4096xf32, #tpu.memory_space<vmem>> -> memref<1024xf32, #tpu.memory_space<vmem>>
    %dma_start3A_652 = tpu.memref_slice %arg5[%add3A_649] : memref<25165824xf32, #tpu.memory_space<hbm>> -> memref<1024xf32, #tpu.memory_space<hbm>>
    %dma_start3A_653 = tpu.memref_slice %arg5[%add3A_649] : memref<25165824xf32, #tpu.memory_space<hbm>> -> memref<1024xf32, #tpu.memory_space<hbm>>
    %dma_start3A_654 = arith.constant 0 : i32
    %dma_start3A_655 = tpu.memref_slice %arg8[%dma_start3A_654] : memref<4096xf32, #tpu.memory_space<vmem>> -> memref<1024xf32, #tpu.memory_space<vmem>>
    tpu.enqueue_dma source(%dma_start3A_655 : memref<1024xf32, #tpu.memory_space<vmem>>) target(%dma_start3A_653 : memref<1024xf32, #tpu.memory_space<hbm>>) target_semaphore(%arg14 : memref<!tpu.dma_semaphore, #tpu.memory_space<semaphore_mem>>)
    %add3A_656 = arith.constant 3072 : i32
    %add3A_657 = arith.addi %mul3A_639, %add3A_656 : i32
    %dma_start3A_658 = tpu.memref_slice %arg5[%add3A_657] : memref<25165824xf32, #tpu.memory_space<hbm>> -> memref<1024xf32, #tpu.memory_space<hbm>>
    %dma_start3A_659 = tpu.memref_slice %arg5[%add3A_657] : memref<25165824xf32, #tpu.memory_space<hbm>> -> memref<1024xf32, #tpu.memory_space<hbm>>
    tpu.enqueue_dma source(%arg10 : memref<1024xf32, #tpu.memory_space<vmem>>) target(%dma_start3A_659 : memref<1024xf32, #tpu.memory_space<hbm>>) target_semaphore(%arg12 : memref<!tpu.dma_semaphore, #tpu.memory_space<semaphore_mem>>)
    %add3A_660 = arith.constant 1024 : i32
    %add3A_661 = arith.addi %add3A_657, %add3A_660 : i32
    %dma_start3A_662 = tpu.memref_slice %arg5[%add3A_661] : memref<25165824xf32, #tpu.memory_space<hbm>> -> memref<1024xf32, #tpu.memory_space<hbm>>
    %dma_start3A_663 = tpu.memref_slice %arg5[%add3A_661] : memref<25165824xf32, #tpu.memory_space<hbm>> -> memref<1024xf32, #tpu.memory_space<hbm>>
    tpu.enqueue_dma source(%arg9 : memref<1024xf32, #tpu.memory_space<vmem>>) target(%dma_start3A_663 : memref<1024xf32, #tpu.memory_space<hbm>>) target_semaphore(%arg14 : memref<!tpu.dma_semaphore, #tpu.memory_space<semaphore_mem>>)
    %add3A_664 = arith.constant 2048 : i32
    %add3A_665 = arith.addi %add3A_657, %add3A_664 : i32
    %dma_start3A_666 = arith.constant 1024 : i32
    %dma_start3A_667 = tpu.memref_slice %arg8[%dma_start3A_666] : memref<4096xf32, #tpu.memory_space<vmem>> -> memref<1024xf32, #tpu.memory_space<vmem>>
    %dma_start3A_668 = tpu.memref_slice %arg5[%add3A_665] : memref<25165824xf32, #tpu.memory_space<hbm>> -> memref<1024xf32, #tpu.memory_space<hbm>>
    %dma_start3A_669 = tpu.memref_slice %arg5[%add3A_665] : memref<25165824xf32, #tpu.memory_space<hbm>> -> memref<1024xf32, #tpu.memory_space<hbm>>
    %dma_start3A_670 = arith.constant 1024 : i32
    %dma_start3A_671 = tpu.memref_slice %arg8[%dma_start3A_670] : memref<4096xf32, #tpu.memory_space<vmem>> -> memref<1024xf32, #tpu.memory_space<vmem>>
    tpu.enqueue_dma source(%dma_start3A_671 : memref<1024xf32, #tpu.memory_space<vmem>>) target(%dma_start3A_669 : memref<1024xf32, #tpu.memory_space<hbm>>) target_semaphore(%arg14 : memref<!tpu.dma_semaphore, #tpu.memory_space<semaphore_mem>>)
    %add3A_672 = arith.constant 6144 : i32
    %add3A_673 = arith.addi %mul3A_639, %add3A_672 : i32
    %dma_start3A_674 = tpu.memref_slice %arg5[%add3A_673] : memref<25165824xf32, #tpu.memory_space<hbm>> -> memref<1024xf32, #tpu.memory_space<hbm>>
    %dma_start3A_675 = tpu.memref_slice %arg5[%add3A_673] : memref<25165824xf32, #tpu.memory_space<hbm>> -> memref<1024xf32, #tpu.memory_space<hbm>>
    tpu.enqueue_dma source(%arg10 : memref<1024xf32, #tpu.memory_space<vmem>>) target(%dma_start3A_675 : memref<1024xf32, #tpu.memory_space<hbm>>) target_semaphore(%arg12 : memref<!tpu.dma_semaphore, #tpu.memory_space<semaphore_mem>>)
    %add3A_676 = arith.constant 1024 : i32
    %add3A_677 = arith.addi %add3A_673, %add3A_676 : i32
    %dma_start3A_678 = tpu.memref_slice %arg5[%add3A_677] : memref<25165824xf32, #tpu.memory_space<hbm>> -> memref<1024xf32, #tpu.memory_space<hbm>>
    %dma_start3A_679 = tpu.memref_slice %arg5[%add3A_677] : memref<25165824xf32, #tpu.memory_space<hbm>> -> memref<1024xf32, #tpu.memory_space<hbm>>
    tpu.enqueue_dma source(%arg9 : memref<1024xf32, #tpu.memory_space<vmem>>) target(%dma_start3A_679 : memref<1024xf32, #tpu.memory_space<hbm>>) target_semaphore(%arg14 : memref<!tpu.dma_semaphore, #tpu.memory_space<semaphore_mem>>)
    %add3A_680 = arith.constant 2048 : i32
    %add3A_681 = arith.addi %add3A_673, %add3A_680 : i32
    %dma_start3A_682 = arith.constant 2048 : i32
    %dma_start3A_683 = tpu.memref_slice %arg8[%dma_start3A_682] : memref<4096xf32, #tpu.memory_space<vmem>> -> memref<1024xf32, #tpu.memory_space<vmem>>
    %dma_start3A_684 = tpu.memref_slice %arg5[%add3A_681] : memref<25165824xf32, #tpu.memory_space<hbm>> -> memref<1024xf32, #tpu.memory_space<hbm>>
    %dma_start3A_685 = tpu.memref_slice %arg5[%add3A_681] : memref<25165824xf32, #tpu.memory_space<hbm>> -> memref<1024xf32, #tpu.memory_space<hbm>>
    %dma_start3A_686 = arith.constant 2048 : i32
    %dma_start3A_687 = tpu.memref_slice %arg8[%dma_start3A_686] : memref<4096xf32, #tpu.memory_space<vmem>> -> memref<1024xf32, #tpu.memory_space<vmem>>
    tpu.enqueue_dma source(%dma_start3A_687 : memref<1024xf32, #tpu.memory_space<vmem>>) target(%dma_start3A_685 : memref<1024xf32, #tpu.memory_space<hbm>>) target_semaphore(%arg14 : memref<!tpu.dma_semaphore, #tpu.memory_space<semaphore_mem>>)
    %add3A_688 = arith.constant 9216 : i32
    %add3A_689 = arith.addi %mul3A_639, %add3A_688 : i32
    %dma_start3A_690 = tpu.memref_slice %arg5[%add3A_689] : memref<25165824xf32, #tpu.memory_space<hbm>> -> memref<1024xf32, #tpu.memory_space<hbm>>
    %dma_start3A_691 = tpu.memref_slice %arg5[%add3A_689] : memref<25165824xf32, #tpu.memory_space<hbm>> -> memref<1024xf32, #tpu.memory_space<hbm>>
    tpu.enqueue_dma source(%arg10 : memref<1024xf32, #tpu.memory_space<vmem>>) target(%dma_start3A_691 : memref<1024xf32, #tpu.memory_space<hbm>>) target_semaphore(%arg12 : memref<!tpu.dma_semaphore, #tpu.memory_space<semaphore_mem>>)
    %add3A_692 = arith.constant 1024 : i32
    %add3A_693 = arith.addi %add3A_689, %add3A_692 : i32
    %dma_start3A_694 = tpu.memref_slice %arg5[%add3A_693] : memref<25165824xf32, #tpu.memory_space<hbm>> -> memref<1024xf32, #tpu.memory_space<hbm>>
    %dma_start3A_695 = tpu.memref_slice %arg5[%add3A_693] : memref<25165824xf32, #tpu.memory_space<hbm>> -> memref<1024xf32, #tpu.memory_space<hbm>>
    tpu.enqueue_dma source(%arg9 : memref<1024xf32, #tpu.memory_space<vmem>>) target(%dma_start3A_695 : memref<1024xf32, #tpu.memory_space<hbm>>) target_semaphore(%arg14 : memref<!tpu.dma_semaphore, #tpu.memory_space<semaphore_mem>>)
    %add3A_696 = arith.constant 2048 : i32
    %add3A_697 = arith.addi %add3A_689, %add3A_696 : i32
    %dma_start3A_698 = arith.constant 3072 : i32
    %dma_start3A_699 = tpu.memref_slice %arg8[%dma_start3A_698] : memref<4096xf32, #tpu.memory_space<vmem>> -> memref<1024xf32, #tpu.memory_space<vmem>>
    %dma_start3A_700 = tpu.memref_slice %arg5[%add3A_697] : memref<25165824xf32, #tpu.memory_space<hbm>> -> memref<1024xf32, #tpu.memory_space<hbm>>
    %dma_start3A_701 = tpu.memref_slice %arg5[%add3A_697] : memref<25165824xf32, #tpu.memory_space<hbm>> -> memref<1024xf32, #tpu.memory_space<hbm>>
    %dma_start3A_702 = arith.constant 3072 : i32
    %dma_start3A_703 = tpu.memref_slice %arg8[%dma_start3A_702] : memref<4096xf32, #tpu.memory_space<vmem>> -> memref<1024xf32, #tpu.memory_space<vmem>>
    tpu.enqueue_dma source(%dma_start3A_703 : memref<1024xf32, #tpu.memory_space<vmem>>) target(%dma_start3A_701 : memref<1024xf32, #tpu.memory_space<hbm>>) target_semaphore(%arg14 : memref<!tpu.dma_semaphore, #tpu.memory_space<semaphore_mem>>)
    %get3A_704 = arith.constant 128 : index
    %get3A_705 = tpu.vector_load %arg6[%get3A_704] {strides = array<i32>} : memref<4096xf32, #tpu.memory_space<vmem>>, vector<16xf32>,
    %get3A_706 = vector.shape_cast %get3A_705 : vector<16xf32> to vector<16xf32>
    %get3A_707 = arith.constant 144 : index
    %get3A_708 = tpu.vector_load %arg6[%get3A_707] {strides = array<i32>} : memref<4096xf32, #tpu.memory_space<vmem>>, vector<16xf32>,
    %get3A_709 = vector.shape_cast %get3A_708 : vector<16xf32> to vector<16xf32>
    %get3A_710 = arith.constant 160 : index
    %get3A_711 = tpu.vector_load %arg6[%get3A_710] {strides = array<i32>} : memref<4096xf32, #tpu.memory_space<vmem>>, vector<16xf32>,
    %get3A_712 = vector.shape_cast %get3A_711 : vector<16xf32> to vector<16xf32>
    %get3A_713 = arith.constant 176 : index
    %get3A_714 = tpu.vector_load %arg6[%get3A_713] {strides = array<i32>} : memref<4096xf32, #tpu.memory_space<vmem>>, vector<16xf32>,
    %get3A_715 = vector.shape_cast %get3A_714 : vector<16xf32> to vector<16xf32>
    %get3A_716 = arith.constant 192 : index
    %get3A_717 = tpu.vector_load %arg6[%get3A_716] {strides = array<i32>} : memref<4096xf32, #tpu.memory_space<vmem>>, vector<16xf32>,
    %get3A_718 = vector.shape_cast %get3A_717 : vector<16xf32> to vector<16xf32>
    %get3A_719 = arith.constant 208 : index
    %get3A_720 = tpu.vector_load %arg6[%get3A_719] {strides = array<i32>} : memref<4096xf32, #tpu.memory_space<vmem>>, vector<16xf32>,
    %get3A_721 = vector.shape_cast %get3A_720 : vector<16xf32> to vector<16xf32>
    %get3A_722 = arith.constant 224 : index
    %get3A_723 = tpu.vector_load %arg6[%get3A_722] {strides = array<i32>} : memref<4096xf32, #tpu.memory_space<vmem>>, vector<16xf32>,
    %get3A_724 = vector.shape_cast %get3A_723 : vector<16xf32> to vector<16xf32>
    %get3A_725 = arith.constant 240 : index
    %get3A_726 = tpu.vector_load %arg6[%get3A_725] {strides = array<i32>} : memref<4096xf32, #tpu.memory_space<vmem>>, vector<16xf32>,
    %get3A_727 = vector.shape_cast %get3A_726 : vector<16xf32> to vector<16xf32>
    %swap3A_728 = arith.constant 0 : index
    %swap3A_729 = tpu.vector_load %arg11[%swap3A_728] {strides = array<i32>} : memref<1024xf32, #tpu.memory_space<vmem>>, vector<16xf32>,
    %swap3A_730 = vector.shape_cast %swap3A_729 : vector<16xf32> to vector<16xf32>
    %swap3A_731 = vector.shape_cast %get3A_706 : vector<16xf32> to vector<16xf32>
    tpu.vector_store %arg11[%swap3A_728], %swap3A_731 {strides = array<i32>} : memref<1024xf32, #tpu.memory_space<vmem>>, vector<16xf32>,
    %swap3A_732 = arith.constant 16 : index
    %swap3A_733 = tpu.vector_load %arg11[%swap3A_732] {strides = array<i32>} : memref<1024xf32, #tpu.memory_space<vmem>>, vector<16xf32>,
    %swap3A_734 = vector.shape_cast %swap3A_733 : vector<16xf32> to vector<16xf32>
    %swap3A_735 = vector.shape_cast %get3A_709 : vector<16xf32> to vector<16xf32>
    tpu.vector_store %arg11[%swap3A_732], %swap3A_735 {strides = array<i32>} : memref<1024xf32, #tpu.memory_space<vmem>>, vector<16xf32>,
    %swap3A_736 = arith.constant 32 : index
    %swap3A_737 = tpu.vector_load %arg11[%swap3A_736] {strides = array<i32>} : memref<1024xf32, #tpu.memory_space<vmem>>, vector<16xf32>,
    %swap3A_738 = vector.shape_cast %swap3A_737 : vector<16xf32> to vector<16xf32>
    %swap3A_739 = vector.shape_cast %get3A_712 : vector<16xf32> to vector<16xf32>
    tpu.vector_store %arg11[%swap3A_736], %swap3A_739 {strides = array<i32>} : memref<1024xf32, #tpu.memory_space<vmem>>, vector<16xf32>,
    %swap3A_740 = arith.constant 48 : index
    %swap3A_741 = tpu.vector_load %arg11[%swap3A_740] {strides = array<i32>} : memref<1024xf32, #tpu.memory_space<vmem>>, vector<16xf32>,
    %swap3A_742 = vector.shape_cast %swap3A_741 : vector<16xf32> to vector<16xf32>
    %swap3A_743 = vector.shape_cast %get3A_715 : vector<16xf32> to vector<16xf32>
    tpu.vector_store %arg11[%swap3A_740], %swap3A_743 {strides = array<i32>} : memref<1024xf32, #tpu.memory_space<vmem>>, vector<16xf32>,
    %swap3A_744 = arith.constant 64 : index
    %swap3A_745 = tpu.vector_load %arg11[%swap3A_744] {strides = array<i32>} : memref<1024xf32, #tpu.memory_space<vmem>>, vector<16xf32>,
    %swap3A_746 = vector.shape_cast %swap3A_745 : vector<16xf32> to vector<16xf32>
    %swap3A_747 = vector.shape_cast %get3A_718 : vector<16xf32> to vector<16xf32>
    tpu.vector_store %arg11[%swap3A_744], %swap3A_747 {strides = array<i32>} : memref<1024xf32, #tpu.memory_space<vmem>>, vector<16xf32>,
    %swap3A_748 = arith.constant 80 : index
    %swap3A_749 = tpu.vector_load %arg11[%swap3A_748] {strides = array<i32>} : memref<1024xf32, #tpu.memory_space<vmem>>, vector<16xf32>,
    %swap3A_750 = vector.shape_cast %swap3A_749 : vector<16xf32> to vector<16xf32>
    %swap3A_751 = vector.shape_cast %get3A_721 : vector<16xf32> to vector<16xf32>
    tpu.vector_store %arg11[%swap3A_748], %swap3A_751 {strides = array<i32>} : memref<1024xf32, #tpu.memory_space<vmem>>, vector<16xf32>,
    %swap3A_752 = arith.constant 96 : index
    %swap3A_753 = tpu.vector_load %arg11[%swap3A_752] {strides = array<i32>} : memref<1024xf32, #tpu.memory_space<vmem>>, vector<16xf32>,
    %swap3A_754 = vector.shape_cast %swap3A_753 : vector<16xf32> to vector<16xf32>
    %swap3A_755 = vector.shape_cast %get3A_724 : vector<16xf32> to vector<16xf32>
    tpu.vector_store %arg11[%swap3A_752], %swap3A_755 {strides = array<i32>} : memref<1024xf32, #tpu.memory_space<vmem>>, vector<16xf32>,
    %swap3A_756 = arith.constant 112 : index
    %swap3A_757 = tpu.vector_load %arg11[%swap3A_756] {strides = array<i32>} : memref<1024xf32, #tpu.memory_space<vmem>>, vector<16xf32>,
    %swap3A_758 = vector.shape_cast %swap3A_757 : vector<16xf32> to vector<16xf32>
    %swap3A_759 = vector.shape_cast %get3A_727 : vector<16xf32> to vector<16xf32>
    tpu.vector_store %arg11[%swap3A_756], %swap3A_759 {strides = array<i32>} : memref<1024xf32, #tpu.memory_space<vmem>>, vector<16xf32>,
    %swap3A_760 = arith.constant 128 : index
    %swap3A_761 = tpu.vector_load %arg11[%swap3A_760] {strides = array<i32>} : memref<1024xf32, #tpu.memory_space<vmem>>, vector<16xf32>,
    %swap3A_762 = vector.shape_cast %swap3A_761 : vector<16xf32> to vector<16xf32>
    %swap3A_763 = vector.shape_cast %get3A_706 : vector<16xf32> to vector<16xf32>
    tpu.vector_store %arg11[%swap3A_760], %swap3A_763 {strides = array<i32>} : memref<1024xf32, #tpu.memory_space<vmem>>, vector<16xf32>,
    %swap3A_764 = arith.constant 144 : index
    %swap3A_765 = tpu.vector_load %arg11[%swap3A_764] {strides = array<i32>} : memref<1024xf32, #tpu.memory_space<vmem>>, vector<16xf32>,
    %swap3A_766 = vector.shape_cast %swap3A_765 : vector<16xf32> to vector<16xf32>
    %swap3A_767 = vector.shape_cast %get3A_709 : vector<16xf32> to vector<16xf32>
    tpu.vector_store %arg11[%swap3A_764], %swap3A_767 {strides = array<i32>} : memref<1024xf32, #tpu.memory_space<vmem>>, vector<16xf32>,
    %swap3A_768 = arith.constant 160 : index
    %swap3A_769 = tpu.vector_load %arg11[%swap3A_768] {strides = array<i32>} : memref<1024xf32, #tpu.memory_space<vmem>>, vector<16xf32>,
    %swap3A_770 = vector.shape_cast %swap3A_769 : vector<16xf32> to vector<16xf32>
    %swap3A_771 = vector.shape_cast %get3A_712 : vector<16xf32> to vector<16xf32>
    tpu.vector_store %arg11[%swap3A_768], %swap3A_771 {strides = array<i32>} : memref<1024xf32, #tpu.memory_space<vmem>>, vector<16xf32>,
    %swap3A_772 = arith.constant 176 : index
    %swap3A_773 = tpu.vector_load %arg11[%swap3A_772] {strides = array<i32>} : memref<1024xf32, #tpu.memory_space<vmem>>, vector<16xf32>,
    %swap3A_774 = vector.shape_cast %swap3A_773 : vector<16xf32> to vector<16xf32>
    %swap3A_775 = vector.shape_cast %get3A_715 : vector<16xf32> to vector<16xf32>
    tpu.vector_store %arg11[%swap3A_772], %swap3A_775 {strides = array<i32>} : memref<1024xf32, #tpu.memory_space<vmem>>, vector<16xf32>,
    %swap3A_776 = arith.constant 192 : index
    %swap3A_777 = tpu.vector_load %arg11[%swap3A_776] {strides = array<i32>} : memref<1024xf32, #tpu.memory_space<vmem>>, vector<16xf32>,
    %swap3A_778 = vector.shape_cast %swap3A_777 : vector<16xf32> to vector<16xf32>
    %swap3A_779 = vector.shape_cast %get3A_718 : vector<16xf32> to vector<16xf32>
    tpu.vector_store %arg11[%swap3A_776], %swap3A_779 {strides = array<i32>} : memref<1024xf32, #tpu.memory_space<vmem>>, vector<16xf32>,
    %swap3A_780 = arith.constant 208 : index
    %swap3A_781 = tpu.vector_load %arg11[%swap3A_780] {strides = array<i32>} : memref<1024xf32, #tpu.memory_space<vmem>>, vector<16xf32>,
    %swap3A_782 = vector.shape_cast %swap3A_781 : vector<16xf32> to vector<16xf32>
    %swap3A_783 = vector.shape_cast %get3A_721 : vector<16xf32> to vector<16xf32>
    tpu.vector_store %arg11[%swap3A_780], %swap3A_783 {strides = array<i32>} : memref<1024xf32, #tpu.memory_space<vmem>>, vector<16xf32>,
    %swap3A_784 = arith.constant 224 : index
    %swap3A_785 = tpu.vector_load %arg11[%swap3A_784] {strides = array<i32>} : memref<1024xf32, #tpu.memory_space<vmem>>, vector<16xf32>,
    %swap3A_786 = vector.shape_cast %swap3A_785 : vector<16xf32> to vector<16xf32>
    %swap3A_787 = vector.shape_cast %get3A_724 : vector<16xf32> to vector<16xf32>
    tpu.vector_store %arg11[%swap3A_784], %swap3A_787 {strides = array<i32>} : memref<1024xf32, #tpu.memory_space<vmem>>, vector<16xf32>,
    %swap3A_788 = arith.constant 240 : index
    %swap3A_789 = tpu.vector_load %arg11[%swap3A_788] {strides = array<i32>} : memref<1024xf32, #tpu.memory_space<vmem>>, vector<16xf32>,
    %swap3A_790 = vector.shape_cast %swap3A_789 : vector<16xf32> to vector<16xf32>
    %swap3A_791 = vector.shape_cast %get3A_727 : vector<16xf32> to vector<16xf32>
    tpu.vector_store %arg11[%swap3A_788], %swap3A_791 {strides = array<i32>} : memref<1024xf32, #tpu.memory_space<vmem>>, vector<16xf32>,
    %swap3A_792 = arith.constant 256 : index
    %swap3A_793 = tpu.vector_load %arg11[%swap3A_792] {strides = array<i32>} : memref<1024xf32, #tpu.memory_space<vmem>>, vector<16xf32>,
    %swap3A_794 = vector.shape_cast %swap3A_793 : vector<16xf32> to vector<16xf32>
    %swap3A_795 = vector.shape_cast %get3A_706 : vector<16xf32> to vector<16xf32>
    tpu.vector_store %arg11[%swap3A_792], %swap3A_795 {strides = array<i32>} : memref<1024xf32, #tpu.memory_space<vmem>>, vector<16xf32>,
    %swap3A_796 = arith.constant 272 : index
    %swap3A_797 = tpu.vector_load %arg11[%swap3A_796] {strides = array<i32>} : memref<1024xf32, #tpu.memory_space<vmem>>, vector<16xf32>,
    %swap3A_798 = vector.shape_cast %swap3A_797 : vector<16xf32> to vector<16xf32>
    %swap3A_799 = vector.shape_cast %get3A_709 : vector<16xf32> to vector<16xf32>
    tpu.vector_store %arg11[%swap3A_796], %swap3A_799 {strides = array<i32>} : memref<1024xf32, #tpu.memory_space<vmem>>, vector<16xf32>,
    %swap3A_800 = arith.constant 288 : index
    %swap3A_801 = tpu.vector_load %arg11[%swap3A_800] {strides = array<i32>} : memref<1024xf32, #tpu.memory_space<vmem>>, vector<16xf32>,
    %swap3A_802 = vector.shape_cast %swap3A_801 : vector<16xf32> to vector<16xf32>
    %swap3A_803 = vector.shape_cast %get3A_712 : vector<16xf32> to vector<16xf32>
    tpu.vector_store %arg11[%swap3A_800], %swap3A_803 {strides = array<i32>} : memref<1024xf32, #tpu.memory_space<vmem>>, vector<16xf32>,
    %swap3A_804 = arith.constant 304 : index
    %swap3A_805 = tpu.vector_load %arg11[%swap3A_804] {strides = array<i32>} : memref<1024xf32, #tpu.memory_space<vmem>>, vector<16xf32>,
    %swap3A_806 = vector.shape_cast %swap3A_805 : vector<16xf32> to vector<16xf32>
    %swap3A_807 = vector.shape_cast %get3A_715 : vector<16xf32> to vector<16xf32>
    tpu.vector_store %arg11[%swap3A_804], %swap3A_807 {strides = array<i32>} : memref<1024xf32, #tpu.memory_space<vmem>>, vector<16xf32>,
    %swap3A_808 = arith.constant 320 : index
    %swap3A_809 = tpu.vector_load %arg11[%swap3A_808] {strides = array<i32>} : memref<1024xf32, #tpu.memory_space<vmem>>, vector<16xf32>,
    %swap3A_810 = vector.shape_cast %swap3A_809 : vector<16xf32> to vector<16xf32>
    %swap3A_811 = vector.shape_cast %get3A_718 : vector<16xf32> to vector<16xf32>
    tpu.vector_store %arg11[%swap3A_808], %swap3A_811 {strides = array<i32>} : memref<1024xf32, #tpu.memory_space<vmem>>, vector<16xf32>,
    %swap3A_812 = arith.constant 336 : index
    %swap3A_813 = tpu.vector_load %arg11[%swap3A_812] {strides = array<i32>} : memref<1024xf32, #tpu.memory_space<vmem>>, vector<16xf32>,
    %swap3A_814 = vector.shape_cast %swap3A_813 : vector<16xf32> to vector<16xf32>
    %swap3A_815 = vector.shape_cast %get3A_721 : vector<16xf32> to vector<16xf32>
    tpu.vector_store %arg11[%swap3A_812], %swap3A_815 {strides = array<i32>} : memref<1024xf32, #tpu.memory_space<vmem>>, vector<16xf32>,
    %swap3A_816 = arith.constant 352 : index
    %swap3A_817 = tpu.vector_load %arg11[%swap3A_816] {strides = array<i32>} : memref<1024xf32, #tpu.memory_space<vmem>>, vector<16xf32>,
    %swap3A_818 = vector.shape_cast %swap3A_817 : vector<16xf32> to vector<16xf32>
    %swap3A_819 = vector.shape_cast %get3A_724 : vector<16xf32> to vector<16xf32>
    tpu.vector_store %arg11[%swap3A_816], %swap3A_819 {strides = array<i32>} : memref<1024xf32, #tpu.memory_space<vmem>>, vector<16xf32>,
    %swap3A_820 = arith.constant 368 : index
    %swap3A_821 = tpu.vector_load %arg11[%swap3A_820] {strides = array<i32>} : memref<1024xf32, #tpu.memory_space<vmem>>, vector<16xf32>,
    %swap3A_822 = vector.shape_cast %swap3A_821 : vector<16xf32> to vector<16xf32>
    %swap3A_823 = vector.shape_cast %get3A_727 : vector<16xf32> to vector<16xf32>
    tpu.vector_store %arg11[%swap3A_820], %swap3A_823 {strides = array<i32>} : memref<1024xf32, #tpu.memory_space<vmem>>, vector<16xf32>,
    %swap3A_824 = arith.constant 384 : index
    %swap3A_825 = tpu.vector_load %arg11[%swap3A_824] {strides = array<i32>} : memref<1024xf32, #tpu.memory_space<vmem>>, vector<16xf32>,
    %swap3A_826 = vector.shape_cast %swap3A_825 : vector<16xf32> to vector<16xf32>
    %swap3A_827 = vector.shape_cast %get3A_706 : vector<16xf32> to vector<16xf32>
    tpu.vector_store %arg11[%swap3A_824], %swap3A_827 {strides = array<i32>} : memref<1024xf32, #tpu.memory_space<vmem>>, vector<16xf32>,
    %swap3A_828 = arith.constant 400 : index
    %swap3A_829 = tpu.vector_load %arg11[%swap3A_828] {strides = array<i32>} : memref<1024xf32, #tpu.memory_space<vmem>>, vector<16xf32>,
    %swap3A_830 = vector.shape_cast %swap3A_829 : vector<16xf32> to vector<16xf32>
    %swap3A_831 = vector.shape_cast %get3A_709 : vector<16xf32> to vector<16xf32>
    tpu.vector_store %arg11[%swap3A_828], %swap3A_831 {strides = array<i32>} : memref<1024xf32, #tpu.memory_space<vmem>>, vector<16xf32>,
    %swap3A_832 = arith.constant 416 : index
    %swap3A_833 = tpu.vector_load %arg11[%swap3A_832] {strides = array<i32>} : memref<1024xf32, #tpu.memory_space<vmem>>, vector<16xf32>,
    %swap3A_834 = vector.shape_cast %swap3A_833 : vector<16xf32> to vector<16xf32>
    %swap3A_835 = vector.shape_cast %get3A_712 : vector<16xf32> to vector<16xf32>
    tpu.vector_store %arg11[%swap3A_832], %swap3A_835 {strides = array<i32>} : memref<1024xf32, #tpu.memory_space<vmem>>, vector<16xf32>,
    %swap3A_836 = arith.constant 432 : index
    %swap3A_837 = tpu.vector_load %arg11[%swap3A_836] {strides = array<i32>} : memref<1024xf32, #tpu.memory_space<vmem>>, vector<16xf32>,
    %swap3A_838 = vector.shape_cast %swap3A_837 : vector<16xf32> to vector<16xf32>
    %swap3A_839 = vector.shape_cast %get3A_715 : vector<16xf32> to vector<16xf32>
    tpu.vector_store %arg11[%swap3A_836], %swap3A_839 {strides = array<i32>} : memref<1024xf32, #tpu.memory_space<vmem>>, vector<16xf32>,
    %swap3A_840 = arith.constant 448 : index
    %swap3A_841 = tpu.vector_load %arg11[%swap3A_840] {strides = array<i32>} : memref<1024xf32, #tpu.memory_space<vmem>>, vector<16xf32>,
    %swap3A_842 = vector.shape_cast %swap3A_841 : vector<16xf32> to vector<16xf32>
    %swap3A_843 = vector.shape_cast %get3A_718 : vector<16xf32> to vector<16xf32>
    tpu.vector_store %arg11[%swap3A_840], %swap3A_843 {strides = array<i32>} : memref<1024xf32, #tpu.memory_space<vmem>>, vector<16xf32>,
    %swap3A_844 = arith.constant 464 : index
    %swap3A_845 = tpu.vector_load %arg11[%swap3A_844] {strides = array<i32>} : memref<1024xf32, #tpu.memory_space<vmem>>, vector<16xf32>,
    %swap3A_846 = vector.shape_cast %swap3A_845 : vector<16xf32> to vector<16xf32>
    %swap3A_847 = vector.shape_cast %get3A_721 : vector<16xf32> to vector<16xf32>
    tpu.vector_store %arg11[%swap3A_844], %swap3A_847 {strides = array<i32>} : memref<1024xf32, #tpu.memory_space<vmem>>, vector<16xf32>,
    %swap3A_848 = arith.constant 480 : index
    %swap3A_849 = tpu.vector_load %arg11[%swap3A_848] {strides = array<i32>} : memref<1024xf32, #tpu.memory_space<vmem>>, vector<16xf32>,
    %swap3A_850 = vector.shape_cast %swap3A_849 : vector<16xf32> to vector<16xf32>
    %swap3A_851 = vector.shape_cast %get3A_724 : vector<16xf32> to vector<16xf32>
    tpu.vector_store %arg11[%swap3A_848], %swap3A_851 {strides = array<i32>} : memref<1024xf32, #tpu.memory_space<vmem>>, vector<16xf32>,
    %swap3A_852 = arith.constant 496 : index
    %swap3A_853 = tpu.vector_load %arg11[%swap3A_852] {strides = array<i32>} : memref<1024xf32, #tpu.memory_space<vmem>>, vector<16xf32>,
    %swap3A_854 = vector.shape_cast %swap3A_853 : vector<16xf32> to vector<16xf32>
    %swap3A_855 = vector.shape_cast %get3A_727 : vector<16xf32> to vector<16xf32>
    tpu.vector_store %arg11[%swap3A_852], %swap3A_855 {strides = array<i32>} : memref<1024xf32, #tpu.memory_space<vmem>>, vector<16xf32>,
    %swap3A_856 = arith.constant 512 : index
    %swap3A_857 = tpu.vector_load %arg11[%swap3A_856] {strides = array<i32>} : memref<1024xf32, #tpu.memory_space<vmem>>, vector<16xf32>,
    %swap3A_858 = vector.shape_cast %swap3A_857 : vector<16xf32> to vector<16xf32>
    %swap3A_859 = vector.shape_cast %get3A_706 : vector<16xf32> to vector<16xf32>
    tpu.vector_store %arg11[%swap3A_856], %swap3A_859 {strides = array<i32>} : memref<1024xf32, #tpu.memory_space<vmem>>, vector<16xf32>,
    %swap3A_860 = arith.constant 528 : index
    %swap3A_861 = tpu.vector_load %arg11[%swap3A_860] {strides = array<i32>} : memref<1024xf32, #tpu.memory_space<vmem>>, vector<16xf32>,
    %swap3A_862 = vector.shape_cast %swap3A_861 : vector<16xf32> to vector<16xf32>
    %swap3A_863 = vector.shape_cast %get3A_709 : vector<16xf32> to vector<16xf32>
    tpu.vector_store %arg11[%swap3A_860], %swap3A_863 {strides = array<i32>} : memref<1024xf32, #tpu.memory_space<vmem>>, vector<16xf32>,
    %swap3A_864 = arith.constant 544 : index
    %swap3A_865 = tpu.vector_load %arg11[%swap3A_864] {strides = array<i32>} : memref<1024xf32, #tpu.memory_space<vmem>>, vector<16xf32>,
    %swap3A_866 = vector.shape_cast %swap3A_865 : vector<16xf32> to vector<16xf32>
    %swap3A_867 = vector.shape_cast %get3A_712 : vector<16xf32> to vector<16xf32>
    tpu.vector_store %arg11[%swap3A_864], %swap3A_867 {strides = array<i32>} : memref<1024xf32, #tpu.memory_space<vmem>>, vector<16xf32>,
    %swap3A_868 = arith.constant 560 : index
    %swap3A_869 = tpu.vector_load %arg11[%swap3A_868] {strides = array<i32>} : memref<1024xf32, #tpu.memory_space<vmem>>, vector<16xf32>,
    %swap3A_870 = vector.shape_cast %swap3A_869 : vector<16xf32> to vector<16xf32>
    %swap3A_871 = vector.shape_cast %get3A_715 : vector<16xf32> to vector<16xf32>
    tpu.vector_store %arg11[%swap3A_868], %swap3A_871 {strides = array<i32>} : memref<1024xf32, #tpu.memory_space<vmem>>, vector<16xf32>,
    %swap3A_872 = arith.constant 576 : index
    %swap3A_873 = tpu.vector_load %arg11[%swap3A_872] {strides = array<i32>} : memref<1024xf32, #tpu.memory_space<vmem>>, vector<16xf32>,
    %swap3A_874 = vector.shape_cast %swap3A_873 : vector<16xf32> to vector<16xf32>
    %swap3A_875 = vector.shape_cast %get3A_718 : vector<16xf32> to vector<16xf32>
    tpu.vector_store %arg11[%swap3A_872], %swap3A_875 {strides = array<i32>} : memref<1024xf32, #tpu.memory_space<vmem>>, vector<16xf32>,
    %swap3A_876 = arith.constant 592 : index
    %swap3A_877 = tpu.vector_load %arg11[%swap3A_876] {strides = array<i32>} : memref<1024xf32, #tpu.memory_space<vmem>>, vector<16xf32>,
    %swap3A_878 = vector.shape_cast %swap3A_877 : vector<16xf32> to vector<16xf32>
    %swap3A_879 = vector.shape_cast %get3A_721 : vector<16xf32> to vector<16xf32>
    tpu.vector_store %arg11[%swap3A_876], %swap3A_879 {strides = array<i32>} : memref<1024xf32, #tpu.memory_space<vmem>>, vector<16xf32>,
    %swap3A_880 = arith.constant 608 : index
    %swap3A_881 = tpu.vector_load %arg11[%swap3A_880] {strides = array<i32>} : memref<1024xf32, #tpu.memory_space<vmem>>, vector<16xf32>,
    %swap3A_882 = vector.shape_cast %swap3A_881 : vector<16xf32> to vector<16xf32>
    %swap3A_883 = vector.shape_cast %get3A_724 : vector<16xf32> to vector<16xf32>
    tpu.vector_store %arg11[%swap3A_880], %swap3A_883 {strides = array<i32>} : memref<1024xf32, #tpu.memory_space<vmem>>, vector<16xf32>,
    %swap3A_884 = arith.constant 624 : index
    %swap3A_885 = tpu.vector_load %arg11[%swap3A_884] {strides = array<i32>} : memref<1024xf32, #tpu.memory_space<vmem>>, vector<16xf32>,
    %swap3A_886 = vector.shape_cast %swap3A_885 : vector<16xf32> to vector<16xf32>
    %swap3A_887 = vector.shape_cast %get3A_727 : vector<16xf32> to vector<16xf32>
    tpu.vector_store %arg11[%swap3A_884], %swap3A_887 {strides = array<i32>} : memref<1024xf32, #tpu.memory_space<vmem>>, vector<16xf32>,
    %swap3A_888 = arith.constant 640 : index
    %swap3A_889 = tpu.vector_load %arg11[%swap3A_888] {strides = array<i32>} : memref<1024xf32, #tpu.memory_space<vmem>>, vector<16xf32>,
    %swap3A_890 = vector.shape_cast %swap3A_889 : vector<16xf32> to vector<16xf32>
    %swap3A_891 = vector.shape_cast %get3A_706 : vector<16xf32> to vector<16xf32>
    tpu.vector_store %arg11[%swap3A_888], %swap3A_891 {strides = array<i32>} : memref<1024xf32, #tpu.memory_space<vmem>>, vector<16xf32>,
    %swap3A_892 = arith.constant 656 : index
    %swap3A_893 = tpu.vector_load %arg11[%swap3A_892] {strides = array<i32>} : memref<1024xf32, #tpu.memory_space<vmem>>, vector<16xf32>,
    %swap3A_894 = vector.shape_cast %swap3A_893 : vector<16xf32> to vector<16xf32>
    %swap3A_895 = vector.shape_cast %get3A_709 : vector<16xf32> to vector<16xf32>
    tpu.vector_store %arg11[%swap3A_892], %swap3A_895 {strides = array<i32>} : memref<1024xf32, #tpu.memory_space<vmem>>, vector<16xf32>,
    %swap3A_896 = arith.constant 672 : index
    %swap3A_897 = tpu.vector_load %arg11[%swap3A_896] {strides = array<i32>} : memref<1024xf32, #tpu.memory_space<vmem>>, vector<16xf32>,
    %swap3A_898 = vector.shape_cast %swap3A_897 : vector<16xf32> to vector<16xf32>
    %swap3A_899 = vector.shape_cast %get3A_712 : vector<16xf32> to vector<16xf32>
    tpu.vector_store %arg11[%swap3A_896], %swap3A_899 {strides = array<i32>} : memref<1024xf32, #tpu.memory_space<vmem>>, vector<16xf32>,
    %swap3A_900 = arith.constant 688 : index
    %swap3A_901 = tpu.vector_load %arg11[%swap3A_900] {strides = array<i32>} : memref<1024xf32, #tpu.memory_space<vmem>>, vector<16xf32>,
    %swap3A_902 = vector.shape_cast %swap3A_901 : vector<16xf32> to vector<16xf32>
    %swap3A_903 = vector.shape_cast %get3A_715 : vector<16xf32> to vector<16xf32>
    tpu.vector_store %arg11[%swap3A_900], %swap3A_903 {strides = array<i32>} : memref<1024xf32, #tpu.memory_space<vmem>>, vector<16xf32>,
    %swap3A_904 = arith.constant 704 : index
    %swap3A_905 = tpu.vector_load %arg11[%swap3A_904] {strides = array<i32>} : memref<1024xf32, #tpu.memory_space<vmem>>, vector<16xf32>,
    %swap3A_906 = vector.shape_cast %swap3A_905 : vector<16xf32> to vector<16xf32>
    %swap3A_907 = vector.shape_cast %get3A_718 : vector<16xf32> to vector<16xf32>
    tpu.vector_store %arg11[%swap3A_904], %swap3A_907 {strides = array<i32>} : memref<1024xf32, #tpu.memory_space<vmem>>, vector<16xf32>,
    %swap3A_908 = arith.constant 720 : index
    %swap3A_909 = tpu.vector_load %arg11[%swap3A_908] {strides = array<i32>} : memref<1024xf32, #tpu.memory_space<vmem>>, vector<16xf32>,
    %swap3A_910 = vector.shape_cast %swap3A_909 : vector<16xf32> to vector<16xf32>
    %swap3A_911 = vector.shape_cast %get3A_721 : vector<16xf32> to vector<16xf32>
    tpu.vector_store %arg11[%swap3A_908], %swap3A_911 {strides = array<i32>} : memref<1024xf32, #tpu.memory_space<vmem>>, vector<16xf32>,
    %swap3A_912 = arith.constant 736 : index
    %swap3A_913 = tpu.vector_load %arg11[%swap3A_912] {strides = array<i32>} : memref<1024xf32, #tpu.memory_space<vmem>>, vector<16xf32>,
    %swap3A_914 = vector.shape_cast %swap3A_913 : vector<16xf32> to vector<16xf32>
    %swap3A_915 = vector.shape_cast %get3A_724 : vector<16xf32> to vector<16xf32>
    tpu.vector_store %arg11[%swap3A_912], %swap3A_915 {strides = array<i32>} : memref<1024xf32, #tpu.memory_space<vmem>>, vector<16xf32>,
    %swap3A_916 = arith.constant 752 : index
    %swap3A_917 = tpu.vector_load %arg11[%swap3A_916] {strides = array<i32>} : memref<1024xf32, #tpu.memory_space<vmem>>, vector<16xf32>,
    %swap3A_918 = vector.shape_cast %swap3A_917 : vector<16xf32> to vector<16xf32>
    %swap3A_919 = vector.shape_cast %get3A_727 : vector<16xf32> to vector<16xf32>
    tpu.vector_store %arg11[%swap3A_916], %swap3A_919 {strides = array<i32>} : memref<1024xf32, #tpu.memory_space<vmem>>, vector<16xf32>,
    %swap3A_920 = arith.constant 768 : index
    %swap3A_921 = tpu.vector_load %arg11[%swap3A_920] {strides = array<i32>} : memref<1024xf32, #tpu.memory_space<vmem>>, vector<16xf32>,
    %swap3A_922 = vector.shape_cast %swap3A_921 : vector<16xf32> to vector<16xf32>
    %swap3A_923 = vector.shape_cast %get3A_706 : vector<16xf32> to vector<16xf32>
    tpu.vector_store %arg11[%swap3A_920], %swap3A_923 {strides = array<i32>} : memref<1024xf32, #tpu.memory_space<vmem>>, vector<16xf32>,
    %swap3A_924 = arith.constant 784 : index
    %swap3A_925 = tpu.vector_load %arg11[%swap3A_924] {strides = array<i32>} : memref<1024xf32, #tpu.memory_space<vmem>>, vector<16xf32>,
    %swap3A_926 = vector.shape_cast %swap3A_925 : vector<16xf32> to vector<16xf32>
    %swap3A_927 = vector.shape_cast %get3A_709 : vector<16xf32> to vector<16xf32>
    tpu.vector_store %arg11[%swap3A_924], %swap3A_927 {strides = array<i32>} : memref<1024xf32, #tpu.memory_space<vmem>>, vector<16xf32>,
    %swap3A_928 = arith.constant 800 : index
    %swap3A_929 = tpu.vector_load %arg11[%swap3A_928] {strides = array<i32>} : memref<1024xf32, #tpu.memory_space<vmem>>, vector<16xf32>,
    %swap3A_930 = vector.shape_cast %swap3A_929 : vector<16xf32> to vector<16xf32>
    %swap3A_931 = vector.shape_cast %get3A_712 : vector<16xf32> to vector<16xf32>
    tpu.vector_store %arg11[%swap3A_928], %swap3A_931 {strides = array<i32>} : memref<1024xf32, #tpu.memory_space<vmem>>, vector<16xf32>,
    %swap3A_932 = arith.constant 816 : index
    %swap3A_933 = tpu.vector_load %arg11[%swap3A_932] {strides = array<i32>} : memref<1024xf32, #tpu.memory_space<vmem>>, vector<16xf32>,
    %swap3A_934 = vector.shape_cast %swap3A_933 : vector<16xf32> to vector<16xf32>
    %swap3A_935 = vector.shape_cast %get3A_715 : vector<16xf32> to vector<16xf32>
    tpu.vector_store %arg11[%swap3A_932], %swap3A_935 {strides = array<i32>} : memref<1024xf32, #tpu.memory_space<vmem>>, vector<16xf32>,
    %swap3A_936 = arith.constant 832 : index
    %swap3A_937 = tpu.vector_load %arg11[%swap3A_936] {strides = array<i32>} : memref<1024xf32, #tpu.memory_space<vmem>>, vector<16xf32>,
    %swap3A_938 = vector.shape_cast %swap3A_937 : vector<16xf32> to vector<16xf32>
    %swap3A_939 = vector.shape_cast %get3A_718 : vector<16xf32> to vector<16xf32>
    tpu.vector_store %arg11[%swap3A_936], %swap3A_939 {strides = array<i32>} : memref<1024xf32, #tpu.memory_space<vmem>>, vector<16xf32>,
    %swap3A_940 = arith.constant 848 : index
    %swap3A_941 = tpu.vector_load %arg11[%swap3A_940] {strides = array<i32>} : memref<1024xf32, #tpu.memory_space<vmem>>, vector<16xf32>,
    %swap3A_942 = vector.shape_cast %swap3A_941 : vector<16xf32> to vector<16xf32>
    %swap3A_943 = vector.shape_cast %get3A_721 : vector<16xf32> to vector<16xf32>
    tpu.vector_store %arg11[%swap3A_940], %swap3A_943 {strides = array<i32>} : memref<1024xf32, #tpu.memory_space<vmem>>, vector<16xf32>,
    %swap3A_944 = arith.constant 864 : index
    %swap3A_945 = tpu.vector_load %arg11[%swap3A_944] {strides = array<i32>} : memref<1024xf32, #tpu.memory_space<vmem>>, vector<16xf32>,
    %swap3A_946 = vector.shape_cast %swap3A_945 : vector<16xf32> to vector<16xf32>
    %swap3A_947 = vector.shape_cast %get3A_724 : vector<16xf32> to vector<16xf32>
    tpu.vector_store %arg11[%swap3A_944], %swap3A_947 {strides = array<i32>} : memref<1024xf32, #tpu.memory_space<vmem>>, vector<16xf32>,
    %swap3A_948 = arith.constant 880 : index
    %swap3A_949 = tpu.vector_load %arg11[%swap3A_948] {strides = array<i32>} : memref<1024xf32, #tpu.memory_space<vmem>>, vector<16xf32>,
    %swap3A_950 = vector.shape_cast %swap3A_949 : vector<16xf32> to vector<16xf32>
    %swap3A_951 = vector.shape_cast %get3A_727 : vector<16xf32> to vector<16xf32>
    tpu.vector_store %arg11[%swap3A_948], %swap3A_951 {strides = array<i32>} : memref<1024xf32, #tpu.memory_space<vmem>>, vector<16xf32>,
    %swap3A_952 = arith.constant 896 : index
    %swap3A_953 = tpu.vector_load %arg11[%swap3A_952] {strides = array<i32>} : memref<1024xf32, #tpu.memory_space<vmem>>, vector<16xf32>,
    %swap3A_954 = vector.shape_cast %swap3A_953 : vector<16xf32> to vector<16xf32>
    %swap3A_955 = vector.shape_cast %get3A_706 : vector<16xf32> to vector<16xf32>
    tpu.vector_store %arg11[%swap3A_952], %swap3A_955 {strides = array<i32>} : memref<1024xf32, #tpu.memory_space<vmem>>, vector<16xf32>,
    %swap3A_956 = arith.constant 912 : index
    %swap3A_957 = tpu.vector_load %arg11[%swap3A_956] {strides = array<i32>} : memref<1024xf32, #tpu.memory_space<vmem>>, vector<16xf32>,
    %swap3A_958 = vector.shape_cast %swap3A_957 : vector<16xf32> to vector<16xf32>
    %swap3A_959 = vector.shape_cast %get3A_709 : vector<16xf32> to vector<16xf32>
    tpu.vector_store %arg11[%swap3A_956], %swap3A_959 {strides = array<i32>} : memref<1024xf32, #tpu.memory_space<vmem>>, vector<16xf32>,
    %swap3A_960 = arith.constant 928 : index
    %swap3A_961 = tpu.vector_load %arg11[%swap3A_960] {strides = array<i32>} : memref<1024xf32, #tpu.memory_space<vmem>>, vector<16xf32>,
    %swap3A_962 = vector.shape_cast %swap3A_961 : vector<16xf32> to vector<16xf32>
    %swap3A_963 = vector.shape_cast %get3A_712 : vector<16xf32> to vector<16xf32>
    tpu.vector_store %arg11[%swap3A_960], %swap3A_963 {strides = array<i32>} : memref<1024xf32, #tpu.memory_space<vmem>>, vector<16xf32>,
    %swap3A_964 = arith.constant 944 : index
    %swap3A_965 = tpu.vector_load %arg11[%swap3A_964] {strides = array<i32>} : memref<1024xf32, #tpu.memory_space<vmem>>, vector<16xf32>,
    %swap3A_966 = vector.shape_cast %swap3A_965 : vector<16xf32> to vector<16xf32>
    %swap3A_967 = vector.shape_cast %get3A_715 : vector<16xf32> to vector<16xf32>
    tpu.vector_store %arg11[%swap3A_964], %swap3A_967 {strides = array<i32>} : memref<1024xf32, #tpu.memory_space<vmem>>, vector<16xf32>,
    %swap3A_968 = arith.constant 960 : index
    %swap3A_969 = tpu.vector_load %arg11[%swap3A_968] {strides = array<i32>} : memref<1024xf32, #tpu.memory_space<vmem>>, vector<16xf32>,
    %swap3A_970 = vector.shape_cast %swap3A_969 : vector<16xf32> to vector<16xf32>
    %swap3A_971 = vector.shape_cast %get3A_718 : vector<16xf32> to vector<16xf32>
    tpu.vector_store %arg11[%swap3A_968], %swap3A_971 {strides = array<i32>} : memref<1024xf32, #tpu.memory_space<vmem>>, vector<16xf32>,
    %swap3A_972 = arith.constant 976 : index
    %swap3A_973 = tpu.vector_load %arg11[%swap3A_972] {strides = array<i32>} : memref<1024xf32, #tpu.memory_space<vmem>>, vector<16xf32>,
    %swap3A_974 = vector.shape_cast %swap3A_973 : vector<16xf32> to vector<16xf32>
    %swap3A_975 = vector.shape_cast %get3A_721 : vector<16xf32> to vector<16xf32>
    tpu.vector_store %arg11[%swap3A_972], %swap3A_975 {strides = array<i32>} : memref<1024xf32, #tpu.memory_space<vmem>>, vector<16xf32>,
    %swap3A_976 = arith.constant 992 : index
    %swap3A_977 = tpu.vector_load %arg11[%swap3A_976] {strides = array<i32>} : memref<1024xf32, #tpu.memory_space<vmem>>, vector<16xf32>,
    %swap3A_978 = vector.shape_cast %swap3A_977 : vector<16xf32> to vector<16xf32>
    %swap3A_979 = vector.shape_cast %get3A_724 : vector<16xf32> to vector<16xf32>
    tpu.vector_store %arg11[%swap3A_976], %swap3A_979 {strides = array<i32>} : memref<1024xf32, #tpu.memory_space<vmem>>, vector<16xf32>,
    %swap3A_980 = arith.constant 1008 : index
    %swap3A_981 = tpu.vector_load %arg11[%swap3A_980] {strides = array<i32>} : memref<1024xf32, #tpu.memory_space<vmem>>, vector<16xf32>,
    %swap3A_982 = vector.shape_cast %swap3A_981 : vector<16xf32> to vector<16xf32>
    %swap3A_983 = vector.shape_cast %get3A_727 : vector<16xf32> to vector<16xf32>
    tpu.vector_store %arg11[%swap3A_980], %swap3A_983 {strides = array<i32>} : memref<1024xf32, #tpu.memory_space<vmem>>, vector<16xf32>,
    %add3A_984 = arith.constant 0 : i32
    %add3A_985 = arith.addi %add3A_984, %add3A : i32
    %mul3A_986 = arith.constant 32 : i32
    %mul3A_987 = arith.muli %add3A_985, %mul3A_986 : i32
    %add3A_988 = arith.constant 1 : i32
    %add3A_989 = arith.addi %mul3A_987, %add3A_988 : i32
    %mul3A_990 = arith.constant 12288 : i32
    %mul3A_991 = arith.muli %add3A_989, %mul3A_990 : i32
    %add3A_992 = arith.constant 0 : i32
    %add3A_993 = arith.addi %mul3A_991, %add3A_992 : i32
    %dma_start3A_994 = tpu.memref_slice %arg5[%add3A_993] : memref<25165824xf32, #tpu.memory_space<hbm>> -> memref<1024xf32, #tpu.memory_space<hbm>>
    %dma_start3A_995 = tpu.memref_slice %arg5[%add3A_993] : memref<25165824xf32, #tpu.memory_space<hbm>> -> memref<1024xf32, #tpu.memory_space<hbm>>
    tpu.enqueue_dma source(%arg11 : memref<1024xf32, #tpu.memory_space<vmem>>) target(%dma_start3A_995 : memref<1024xf32, #tpu.memory_space<hbm>>) target_semaphore(%arg13 : memref<!tpu.dma_semaphore, #tpu.memory_space<semaphore_mem>>)
    %add3A_996 = arith.constant 1024 : i32
    %add3A_997 = arith.addi %add3A_993, %add3A_996 : i32
    %dma_start3A_998 = tpu.memref_slice %arg5[%add3A_997] : memref<25165824xf32, #tpu.memory_space<hbm>> -> memref<1024xf32, #tpu.memory_space<hbm>>
    %dma_start3A_999 = tpu.memref_slice %arg5[%add3A_997] : memref<25165824xf32, #tpu.memory_space<hbm>> -> memref<1024xf32, #tpu.memory_space<hbm>>
    tpu.enqueue_dma source(%arg9 : memref<1024xf32, #tpu.memory_space<vmem>>) target(%dma_start3A_999 : memref<1024xf32, #tpu.memory_space<hbm>>) target_semaphore(%arg14 : memref<!tpu.dma_semaphore, #tpu.memory_space<semaphore_mem>>)
    %add3A_1000 = arith.constant 2048 : i32
    %add3A_1001 = arith.addi %add3A_993, %add3A_1000 : i32
    %dma_start3A_1002 = arith.constant 0 : i32
    %dma_start3A_1003 = tpu.memref_slice %arg8[%dma_start3A_1002] : memref<4096xf32, #tpu.memory_space<vmem>> -> memref<1024xf32, #tpu.memory_space<vmem>>
    %dma_start3A_1004 = tpu.memref_slice %arg5[%add3A_1001] : memref<25165824xf32, #tpu.memory_space<hbm>> -> memref<1024xf32, #tpu.memory_space<hbm>>
    %dma_start3A_1005 = tpu.memref_slice %arg5[%add3A_1001] : memref<25165824xf32, #tpu.memory_space<hbm>> -> memref<1024xf32, #tpu.memory_space<hbm>>
    %dma_start3A_1006 = arith.constant 0 : i32
    %dma_start3A_1007 = tpu.memref_slice %arg8[%dma_start3A_1006] : memref<4096xf32, #tpu.memory_space<vmem>> -> memref<1024xf32, #tpu.memory_space<vmem>>
    tpu.enqueue_dma source(%dma_start3A_1007 : memref<1024xf32, #tpu.memory_space<vmem>>) target(%dma_start3A_1005 : memref<1024xf32, #tpu.memory_space<hbm>>) target_semaphore(%arg14 : memref<!tpu.dma_semaphore, #tpu.memory_space<semaphore_mem>>)
    %add3A_1008 = arith.constant 3072 : i32
    %add3A_1009 = arith.addi %mul3A_991, %add3A_1008 : i32
    %dma_start3A_1010 = tpu.memref_slice %arg5[%add3A_1009] : memref<25165824xf32, #tpu.memory_space<hbm>> -> memref<1024xf32, #tpu.memory_space<hbm>>
    %dma_start3A_1011 = tpu.memref_slice %arg5[%add3A_1009] : memref<25165824xf32, #tpu.memory_space<hbm>> -> memref<1024xf32, #tpu.memory_space<hbm>>
    tpu.enqueue_dma source(%arg11 : memref<1024xf32, #tpu.memory_space<vmem>>) target(%dma_start3A_1011 : memref<1024xf32, #tpu.memory_space<hbm>>) target_semaphore(%arg13 : memref<!tpu.dma_semaphore, #tpu.memory_space<semaphore_mem>>)
    %add3A_1012 = arith.constant 1024 : i32
    %add3A_1013 = arith.addi %add3A_1009, %add3A_1012 : i32
    %dma_start3A_1014 = tpu.memref_slice %arg5[%add3A_1013] : memref<25165824xf32, #tpu.memory_space<hbm>> -> memref<1024xf32, #tpu.memory_space<hbm>>
    %dma_start3A_1015 = tpu.memref_slice %arg5[%add3A_1013] : memref<25165824xf32, #tpu.memory_space<hbm>> -> memref<1024xf32, #tpu.memory_space<hbm>>
    tpu.enqueue_dma source(%arg9 : memref<1024xf32, #tpu.memory_space<vmem>>) target(%dma_start3A_1015 : memref<1024xf32, #tpu.memory_space<hbm>>) target_semaphore(%arg14 : memref<!tpu.dma_semaphore, #tpu.memory_space<semaphore_mem>>)
    %add3A_1016 = arith.constant 2048 : i32
    %add3A_1017 = arith.addi %add3A_1009, %add3A_1016 : i32
    %dma_start3A_1018 = arith.constant 1024 : i32
    %dma_start3A_1019 = tpu.memref_slice %arg8[%dma_start3A_1018] : memref<4096xf32, #tpu.memory_space<vmem>> -> memref<1024xf32, #tpu.memory_space<vmem>>
    %dma_start3A_1020 = tpu.memref_slice %arg5[%add3A_1017] : memref<25165824xf32, #tpu.memory_space<hbm>> -> memref<1024xf32, #tpu.memory_space<hbm>>
    %dma_start3A_1021 = tpu.memref_slice %arg5[%add3A_1017] : memref<25165824xf32, #tpu.memory_space<hbm>> -> memref<1024xf32, #tpu.memory_space<hbm>>
    %dma_start3A_1022 = arith.constant 1024 : i32
    %dma_start3A_1023 = tpu.memref_slice %arg8[%dma_start3A_1022] : memref<4096xf32, #tpu.memory_space<vmem>> -> memref<1024xf32, #tpu.memory_space<vmem>>
    tpu.enqueue_dma source(%dma_start3A_1023 : memref<1024xf32, #tpu.memory_space<vmem>>) target(%dma_start3A_1021 : memref<1024xf32, #tpu.memory_space<hbm>>) target_semaphore(%arg14 : memref<!tpu.dma_semaphore, #tpu.memory_space<semaphore_mem>>)
    %add3A_1024 = arith.constant 6144 : i32
    %add3A_1025 = arith.addi %mul3A_991, %add3A_1024 : i32
    %dma_start3A_1026 = tpu.memref_slice %arg5[%add3A_1025] : memref<25165824xf32, #tpu.memory_space<hbm>> -> memref<1024xf32, #tpu.memory_space<hbm>>
    %dma_start3A_1027 = tpu.memref_slice %arg5[%add3A_1025] : memref<25165824xf32, #tpu.memory_space<hbm>> -> memref<1024xf32, #tpu.memory_space<hbm>>
    tpu.enqueue_dma source(%arg11 : memref<1024xf32, #tpu.memory_space<vmem>>) target(%dma_start3A_1027 : memref<1024xf32, #tpu.memory_space<hbm>>) target_semaphore(%arg13 : memref<!tpu.dma_semaphore, #tpu.memory_space<semaphore_mem>>)
    %add3A_1028 = arith.constant 1024 : i32
    %add3A_1029 = arith.addi %add3A_1025, %add3A_1028 : i32
    %dma_start3A_1030 = tpu.memref_slice %arg5[%add3A_1029] : memref<25165824xf32, #tpu.memory_space<hbm>> -> memref<1024xf32, #tpu.memory_space<hbm>>
    %dma_start3A_1031 = tpu.memref_slice %arg5[%add3A_1029] : memref<25165824xf32, #tpu.memory_space<hbm>> -> memref<1024xf32, #tpu.memory_space<hbm>>
    tpu.enqueue_dma source(%arg9 : memref<1024xf32, #tpu.memory_space<vmem>>) target(%dma_start3A_1031 : memref<1024xf32, #tpu.memory_space<hbm>>) target_semaphore(%arg14 : memref<!tpu.dma_semaphore, #tpu.memory_space<semaphore_mem>>)
    %add3A_1032 = arith.constant 2048 : i32
    %add3A_1033 = arith.addi %add3A_1025, %add3A_1032 : i32
    %dma_start3A_1034 = arith.constant 2048 : i32
    %dma_start3A_1035 = tpu.memref_slice %arg8[%dma_start3A_1034] : memref<4096xf32, #tpu.memory_space<vmem>> -> memref<1024xf32, #tpu.memory_space<vmem>>
    %dma_start3A_1036 = tpu.memref_slice %arg5[%add3A_1033] : memref<25165824xf32, #tpu.memory_space<hbm>> -> memref<1024xf32, #tpu.memory_space<hbm>>
    %dma_start3A_1037 = tpu.memref_slice %arg5[%add3A_1033] : memref<25165824xf32, #tpu.memory_space<hbm>> -> memref<1024xf32, #tpu.memory_space<hbm>>
    %dma_start3A_1038 = arith.constant 2048 : i32
    %dma_start3A_1039 = tpu.memref_slice %arg8[%dma_start3A_1038] : memref<4096xf32, #tpu.memory_space<vmem>> -> memref<1024xf32, #tpu.memory_space<vmem>>
    tpu.enqueue_dma source(%dma_start3A_1039 : memref<1024xf32, #tpu.memory_space<vmem>>) target(%dma_start3A_1037 : memref<1024xf32, #tpu.memory_space<hbm>>) target_semaphore(%arg14 : memref<!tpu.dma_semaphore, #tpu.memory_space<semaphore_mem>>)
    %add3A_1040 = arith.constant 9216 : i32
    %add3A_1041 = arith.addi %mul3A_991, %add3A_1040 : i32
    %dma_start3A_1042 = tpu.memref_slice %arg5[%add3A_1041] : memref<25165824xf32, #tpu.memory_space<hbm>> -> memref<1024xf32, #tpu.memory_space<hbm>>
    %dma_start3A_1043 = tpu.memref_slice %arg5[%add3A_1041] : memref<25165824xf32, #tpu.memory_space<hbm>> -> memref<1024xf32, #tpu.memory_space<hbm>>
    tpu.enqueue_dma source(%arg11 : memref<1024xf32, #tpu.memory_space<vmem>>) target(%dma_start3A_1043 : memref<1024xf32, #tpu.memory_space<hbm>>) target_semaphore(%arg13 : memref<!tpu.dma_semaphore, #tpu.memory_space<semaphore_mem>>)
    %add3A_1044 = arith.constant 1024 : i32
    %add3A_1045 = arith.addi %add3A_1041, %add3A_1044 : i32
    %dma_start3A_1046 = tpu.memref_slice %arg5[%add3A_1045] : memref<25165824xf32, #tpu.memory_space<hbm>> -> memref<1024xf32, #tpu.memory_space<hbm>>
    %dma_start3A_1047 = tpu.memref_slice %arg5[%add3A_1045] : memref<25165824xf32, #tpu.memory_space<hbm>> -> memref<1024xf32, #tpu.memory_space<hbm>>
    tpu.enqueue_dma source(%arg9 : memref<1024xf32, #tpu.memory_space<vmem>>) target(%dma_start3A_1047 : memref<1024xf32, #tpu.memory_space<hbm>>) target_semaphore(%arg14 : memref<!tpu.dma_semaphore, #tpu.memory_space<semaphore_mem>>)
    %add3A_1048 = arith.constant 2048 : i32
    %add3A_1049 = arith.addi %add3A_1041, %add3A_1048 : i32
    %dma_start3A_1050 = arith.constant 3072 : i32
    %dma_start3A_1051 = tpu.memref_slice %arg8[%dma_start3A_1050] : memref<4096xf32, #tpu.memory_space<vmem>> -> memref<1024xf32, #tpu.memory_space<vmem>>
    %dma_start3A_1052 = tpu.memref_slice %arg5[%add3A_1049] : memref<25165824xf32, #tpu.memory_space<hbm>> -> memref<1024xf32, #tpu.memory_space<hbm>>
    %dma_start3A_1053 = tpu.memref_slice %arg5[%add3A_1049] : memref<25165824xf32, #tpu.memory_space<hbm>> -> memref<1024xf32, #tpu.memory_space<hbm>>
    %dma_start3A_1054 = arith.constant 3072 : i32
    %dma_start3A_1055 = tpu.memref_slice %arg8[%dma_start3A_1054] : memref<4096xf32, #tpu.memory_space<vmem>> -> memref<1024xf32, #tpu.memory_space<vmem>>
    tpu.enqueue_dma source(%dma_start3A_1055 : memref<1024xf32, #tpu.memory_space<vmem>>) target(%dma_start3A_1053 : memref<1024xf32, #tpu.memory_space<hbm>>) target_semaphore(%arg14 : memref<!tpu.dma_semaphore, #tpu.memory_space<semaphore_mem>>)
    %add3A_1056 = arith.constant 32 : i32
    %add3A_1057 = arith.addi %add3A_1056, %add3A : i32
    %mul3A_1058 = arith.constant 32 : i32
    %mul3A_1059 = arith.muli %add3A_1057, %mul3A_1058 : i32
    %add3A_1060 = arith.constant 1 : i32
    %add3A_1061 = arith.addi %mul3A_1059, %add3A_1060 : i32
    %mul3A_1062 = arith.constant 12288 : i32
    %mul3A_1063 = arith.muli %add3A_1061, %mul3A_1062 : i32
    %add3A_1064 = arith.constant 0 : i32
    %add3A_1065 = arith.addi %mul3A_1063, %add3A_1064 : i32
    %dma_start3A_1066 = tpu.memref_slice %arg5[%add3A_1065] : memref<25165824xf32, #tpu.memory_space<hbm>> -> memref<1024xf32, #tpu.memory_space<hbm>>
    %dma_start3A_1067 = tpu.memref_slice %arg5[%add3A_1065] : memref<25165824xf32, #tpu.memory_space<hbm>> -> memref<1024xf32, #tpu.memory_space<hbm>>
    tpu.enqueue_dma source(%arg11 : memref<1024xf32, #tpu.memory_space<vmem>>) target(%dma_start3A_1067 : memref<1024xf32, #tpu.memory_space<hbm>>) target_semaphore(%arg13 : memref<!tpu.dma_semaphore, #tpu.memory_space<semaphore_mem>>)
    %add3A_1068 = arith.constant 1024 : i32
    %add3A_1069 = arith.addi %add3A_1065, %add3A_1068 : i32
    %dma_start3A_1070 = tpu.memref_slice %arg5[%add3A_1069] : memref<25165824xf32, #tpu.memory_space<hbm>> -> memref<1024xf32, #tpu.memory_space<hbm>>
    %dma_start3A_1071 = tpu.memref_slice %arg5[%add3A_1069] : memref<25165824xf32, #tpu.memory_space<hbm>> -> memref<1024xf32, #tpu.memory_space<hbm>>
    tpu.enqueue_dma source(%arg9 : memref<1024xf32, #tpu.memory_space<vmem>>) target(%dma_start3A_1071 : memref<1024xf32, #tpu.memory_space<hbm>>) target_semaphore(%arg14 : memref<!tpu.dma_semaphore, #tpu.memory_space<semaphore_mem>>)
    %add3A_1072 = arith.constant 2048 : i32
    %add3A_1073 = arith.addi %add3A_1065, %add3A_1072 : i32
    %dma_start3A_1074 = arith.constant 0 : i32
    %dma_start3A_1075 = tpu.memref_slice %arg8[%dma_start3A_1074] : memref<4096xf32, #tpu.memory_space<vmem>> -> memref<1024xf32, #tpu.memory_space<vmem>>
    %dma_start3A_1076 = tpu.memref_slice %arg5[%add3A_1073] : memref<25165824xf32, #tpu.memory_space<hbm>> -> memref<1024xf32, #tpu.memory_space<hbm>>
    %dma_start3A_1077 = tpu.memref_slice %arg5[%add3A_1073] : memref<25165824xf32, #tpu.memory_space<hbm>> -> memref<1024xf32, #tpu.memory_space<hbm>>
    %dma_start3A_1078 = arith.constant 0 : i32
    %dma_start3A_1079 = tpu.memref_slice %arg8[%dma_start3A_1078] : memref<4096xf32, #tpu.memory_space<vmem>> -> memref<1024xf32, #tpu.memory_space<vmem>>
    tpu.enqueue_dma source(%dma_start3A_1079 : memref<1024xf32, #tpu.memory_space<vmem>>) target(%dma_start3A_1077 : memref<1024xf32, #tpu.memory_space<hbm>>) target_semaphore(%arg14 : memref<!tpu.dma_semaphore, #tpu.memory_space<semaphore_mem>>)
    %add3A_1080 = arith.constant 3072 : i32
    %add3A_1081 = arith.addi %mul3A_1063, %add3A_1080 : i32
    %dma_start3A_1082 = tpu.memref_slice %arg5[%add3A_1081] : memref<25165824xf32, #tpu.memory_space<hbm>> -> memref<1024xf32, #tpu.memory_space<hbm>>
    %dma_start3A_1083 = tpu.memref_slice %arg5[%add3A_1081] : memref<25165824xf32, #tpu.memory_space<hbm>> -> memref<1024xf32, #tpu.memory_space<hbm>>
    tpu.enqueue_dma source(%arg11 : memref<1024xf32, #tpu.memory_space<vmem>>) target(%dma_start3A_1083 : memref<1024xf32, #tpu.memory_space<hbm>>) target_semaphore(%arg13 : memref<!tpu.dma_semaphore, #tpu.memory_space<semaphore_mem>>)
    %add3A_1084 = arith.constant 1024 : i32
    %add3A_1085 = arith.addi %add3A_1081, %add3A_1084 : i32
    %dma_start3A_1086 = tpu.memref_slice %arg5[%add3A_1085] : memref<25165824xf32, #tpu.memory_space<hbm>> -> memref<1024xf32, #tpu.memory_space<hbm>>
    %dma_start3A_1087 = tpu.memref_slice %arg5[%add3A_1085] : memref<25165824xf32, #tpu.memory_space<hbm>> -> memref<1024xf32, #tpu.memory_space<hbm>>
    tpu.enqueue_dma source(%arg9 : memref<1024xf32, #tpu.memory_space<vmem>>) target(%dma_start3A_1087 : memref<1024xf32, #tpu.memory_space<hbm>>) target_semaphore(%arg14 : memref<!tpu.dma_semaphore, #tpu.memory_space<semaphore_mem>>)
    %add3A_1088 = arith.constant 2048 : i32
    %add3A_1089 = arith.addi %add3A_1081, %add3A_1088 : i32
    %dma_start3A_1090 = arith.constant 1024 : i32
    %dma_start3A_1091 = tpu.memref_slice %arg8[%dma_start3A_1090] : memref<4096xf32, #tpu.memory_space<vmem>> -> memref<1024xf32, #tpu.memory_space<vmem>>
    %dma_start3A_1092 = tpu.memref_slice %arg5[%add3A_1089] : memref<25165824xf32, #tpu.memory_space<hbm>> -> memref<1024xf32, #tpu.memory_space<hbm>>
    %dma_start3A_1093 = tpu.memref_slice %arg5[%add3A_1089] : memref<25165824xf32, #tpu.memory_space<hbm>> -> memref<1024xf32, #tpu.memory_space<hbm>>
    %dma_start3A_1094 = arith.constant 1024 : i32
    %dma_start3A_1095 = tpu.memref_slice %arg8[%dma_start3A_1094] : memref<4096xf32, #tpu.memory_space<vmem>> -> memref<1024xf32, #tpu.memory_space<vmem>>
    tpu.enqueue_dma source(%dma_start3A_1095 : memref<1024xf32, #tpu.memory_space<vmem>>) target(%dma_start3A_1093 : memref<1024xf32, #tpu.memory_space<hbm>>) target_semaphore(%arg14 : memref<!tpu.dma_semaphore, #tpu.memory_space<semaphore_mem>>)
    %add3A_1096 = arith.constant 6144 : i32
    %add3A_1097 = arith.addi %mul3A_1063, %add3A_1096 : i32
    %dma_start3A_1098 = tpu.memref_slice %arg5[%add3A_1097] : memref<25165824xf32, #tpu.memory_space<hbm>> -> memref<1024xf32, #tpu.memory_space<hbm>>
    %dma_start3A_1099 = tpu.memref_slice %arg5[%add3A_1097] : memref<25165824xf32, #tpu.memory_space<hbm>> -> memref<1024xf32, #tpu.memory_space<hbm>>
    tpu.enqueue_dma source(%arg11 : memref<1024xf32, #tpu.memory_space<vmem>>) target(%dma_start3A_1099 : memref<1024xf32, #tpu.memory_space<hbm>>) target_semaphore(%arg13 : memref<!tpu.dma_semaphore, #tpu.memory_space<semaphore_mem>>)
    %add3A_1100 = arith.constant 1024 : i32
    %add3A_1101 = arith.addi %add3A_1097, %add3A_1100 : i32
    %dma_start3A_1102 = tpu.memref_slice %arg5[%add3A_1101] : memref<25165824xf32, #tpu.memory_space<hbm>> -> memref<1024xf32, #tpu.memory_space<hbm>>
    %dma_start3A_1103 = tpu.memref_slice %arg5[%add3A_1101] : memref<25165824xf32, #tpu.memory_space<hbm>> -> memref<1024xf32, #tpu.memory_space<hbm>>
    tpu.enqueue_dma source(%arg9 : memref<1024xf32, #tpu.memory_space<vmem>>) target(%dma_start3A_1103 : memref<1024xf32, #tpu.memory_space<hbm>>) target_semaphore(%arg14 : memref<!tpu.dma_semaphore, #tpu.memory_space<semaphore_mem>>)
    %add3A_1104 = arith.constant 2048 : i32
    %add3A_1105 = arith.addi %add3A_1097, %add3A_1104 : i32
    %dma_start3A_1106 = arith.constant 2048 : i32
    %dma_start3A_1107 = tpu.memref_slice %arg8[%dma_start3A_1106] : memref<4096xf32, #tpu.memory_space<vmem>> -> memref<1024xf32, #tpu.memory_space<vmem>>
    %dma_start3A_1108 = tpu.memref_slice %arg5[%add3A_1105] : memref<25165824xf32, #tpu.memory_space<hbm>> -> memref<1024xf32, #tpu.memory_space<hbm>>
    %dma_start3A_1109 = tpu.memref_slice %arg5[%add3A_1105] : memref<25165824xf32, #tpu.memory_space<hbm>> -> memref<1024xf32, #tpu.memory_space<hbm>>
    %dma_start3A_1110 = arith.constant 2048 : i32
    %dma_start3A_1111 = tpu.memref_slice %arg8[%dma_start3A_1110] : memref<4096xf32, #tpu.memory_space<vmem>> -> memref<1024xf32, #tpu.memory_space<vmem>>
    tpu.enqueue_dma source(%dma_start3A_1111 : memref<1024xf32, #tpu.memory_space<vmem>>) target(%dma_start3A_1109 : memref<1024xf32, #tpu.memory_space<hbm>>) target_semaphore(%arg14 : memref<!tpu.dma_semaphore, #tpu.memory_space<semaphore_mem>>)
    %add3A_1112 = arith.constant 9216 : i32
    %add3A_1113 = arith.addi %mul3A_1063, %add3A_1112 : i32
    %dma_start3A_1114 = tpu.memref_slice %arg5[%add3A_1113] : memref<25165824xf32, #tpu.memory_space<hbm>> -> memref<1024xf32, #tpu.memory_space<hbm>>
    %dma_start3A_1115 = tpu.memref_slice %arg5[%add3A_1113] : memref<25165824xf32, #tpu.memory_space<hbm>> -> memref<1024xf32, #tpu.memory_space<hbm>>
    tpu.enqueue_dma source(%arg11 : memref<1024xf32, #tpu.memory_space<vmem>>) target(%dma_start3A_1115 : memref<1024xf32, #tpu.memory_space<hbm>>) target_semaphore(%arg13 : memref<!tpu.dma_semaphore, #tpu.memory_space<semaphore_mem>>)
    %add3A_1116 = arith.constant 1024 : i32
    %add3A_1117 = arith.addi %add3A_1113, %add3A_1116 : i32
    %dma_start3A_1118 = tpu.memref_slice %arg5[%add3A_1117] : memref<25165824xf32, #tpu.memory_space<hbm>> -> memref<1024xf32, #tpu.memory_space<hbm>>
    %dma_start3A_1119 = tpu.memref_slice %arg5[%add3A_1117] : memref<25165824xf32, #tpu.memory_space<hbm>> -> memref<1024xf32, #tpu.memory_space<hbm>>
    tpu.enqueue_dma source(%arg9 : memref<1024xf32, #tpu.memory_space<vmem>>) target(%dma_start3A_1119 : memref<1024xf32, #tpu.memory_space<hbm>>) target_semaphore(%arg14 : memref<!tpu.dma_semaphore, #tpu.memory_space<semaphore_mem>>)
    %add3A_1120 = arith.constant 2048 : i32
    %add3A_1121 = arith.addi %add3A_1113, %add3A_1120 : i32
    %dma_start3A_1122 = arith.constant 3072 : i32
    %dma_start3A_1123 = tpu.memref_slice %arg8[%dma_start3A_1122] : memref<4096xf32, #tpu.memory_space<vmem>> -> memref<1024xf32, #tpu.memory_space<vmem>>
    %dma_start3A_1124 = tpu.memref_slice %arg5[%add3A_1121] : memref<25165824xf32, #tpu.memory_space<hbm>> -> memref<1024xf32, #tpu.memory_space<hbm>>
    %dma_start3A_1125 = tpu.memref_slice %arg5[%add3A_1121] : memref<25165824xf32, #tpu.memory_space<hbm>> -> memref<1024xf32, #tpu.memory_space<hbm>>
    %dma_start3A_1126 = arith.constant 3072 : i32
    %dma_start3A_1127 = tpu.memref_slice %arg8[%dma_start3A_1126] : memref<4096xf32, #tpu.memory_space<vmem>> -> memref<1024xf32, #tpu.memory_space<vmem>>
    tpu.enqueue_dma source(%dma_start3A_1127 : memref<1024xf32, #tpu.memory_space<vmem>>) target(%dma_start3A_1125 : memref<1024xf32, #tpu.memory_space<hbm>>) target_semaphore(%arg14 : memref<!tpu.dma_semaphore, #tpu.memory_space<semaphore_mem>>)
    %scan3A = arith.constant 0 : i32
    %scan3A_1128 = arith.constant 1 : i32
    %scan3A_1129 = arith.constant 15 : i32
    %scan3A_1130 = arith.addi %scan3A_1128, %scan3A_1129 : i32
    %scan3A_1131 = arith.constant 1 : i32
    scf.for %scan3A_1154 = %scan3A_1128 to %scan3A_1130 step %scan3A_1131  : i32 {
      %mul3A_1155 = arith.constant 2 : i32
      %mul3A_1156 = arith.muli %mul3A_1155, %scan3A_1154 : i32
      %dma_wait3A_1157 = arith.constant 0 : i32
      %dma_wait3A_1158 = tpu.memref_slice %arg5[%dma_wait3A_1157] : memref<25165824xf32, #tpu.memory_space<hbm>> -> memref<4096xf32, #tpu.memory_space<hbm>>
      %dma_wait3A_1159 = arith.constant 0 : i32
      %dma_wait3A_1160 = tpu.memref_slice %arg5[%dma_wait3A_1159] : memref<25165824xf32, #tpu.memory_space<hbm>> -> memref<4096xf32, #tpu.memory_space<hbm>>
      tpu.wait_dma2 semaphore(%arg12 : memref<!tpu.dma_semaphore, #tpu.memory_space<semaphore_mem>>) src(%arg6 : memref<4096xf32, #tpu.memory_space<vmem>>) dst(%dma_wait3A_1160 : memref<4096xf32, #tpu.memory_space<hbm>>)
      %dma_wait3A_1161 = arith.constant 0 : i32
      %dma_wait3A_1162 = tpu.memref_slice %arg5[%dma_wait3A_1161] : memref<25165824xf32, #tpu.memory_space<hbm>> -> memref<4096xf32, #tpu.memory_space<hbm>>
      %dma_wait3A_1163 = arith.constant 0 : i32
      %dma_wait3A_1164 = tpu.memref_slice %arg5[%dma_wait3A_1163] : memref<25165824xf32, #tpu.memory_space<hbm>> -> memref<4096xf32, #tpu.memory_space<hbm>>
      tpu.wait_dma2 semaphore(%arg12 : memref<!tpu.dma_semaphore, #tpu.memory_space<semaphore_mem>>) src(%arg6 : memref<4096xf32, #tpu.memory_space<vmem>>) dst(%dma_wait3A_1164 : memref<4096xf32, #tpu.memory_space<hbm>>)
      %mul3A_1165 = arith.constant 128 : i32
      %mul3A_1166 = arith.muli %mul3A_1156, %mul3A_1165 : i32
      %add3A_1167 = arith.constant 0 : i32
      %add3A_1168 = arith.addi %mul3A_1166, %add3A_1167 : i32
      %get3A_1169 = arith.index_cast %add3A_1168 : i32 to index
      %get3A_1170 = tpu.vector_load %arg6[%get3A_1169] {strides = array<i32>} : memref<4096xf32, #tpu.memory_space<vmem>>, vector<16xf32>,
      %get3A_1171 = vector.shape_cast %get3A_1170 : vector<16xf32> to vector<16xf32>
      %mul3A_1172 = arith.constant 128 : i32
      %mul3A_1173 = arith.muli %mul3A_1156, %mul3A_1172 : i32
      %add3A_1174 = arith.constant 16 : i32
      %add3A_1175 = arith.addi %mul3A_1173, %add3A_1174 : i32
      %get3A_1176 = arith.index_cast %add3A_1175 : i32 to index
      %get3A_1177 = tpu.vector_load %arg6[%get3A_1176] {strides = array<i32>} : memref<4096xf32, #tpu.memory_space<vmem>>, vector<16xf32>,
      %get3A_1178 = vector.shape_cast %get3A_1177 : vector<16xf32> to vector<16xf32>
      %mul3A_1179 = arith.constant 128 : i32
      %mul3A_1180 = arith.muli %mul3A_1156, %mul3A_1179 : i32
      %add3A_1181 = arith.constant 32 : i32
      %add3A_1182 = arith.addi %mul3A_1180, %add3A_1181 : i32
      %get3A_1183 = arith.index_cast %add3A_1182 : i32 to index
      %get3A_1184 = tpu.vector_load %arg6[%get3A_1183] {strides = array<i32>} : memref<4096xf32, #tpu.memory_space<vmem>>, vector<16xf32>,
      %get3A_1185 = vector.shape_cast %get3A_1184 : vector<16xf32> to vector<16xf32>
      %mul3A_1186 = arith.constant 128 : i32
      %mul3A_1187 = arith.muli %mul3A_1156, %mul3A_1186 : i32
      %add3A_1188 = arith.constant 48 : i32
      %add3A_1189 = arith.addi %mul3A_1187, %add3A_1188 : i32
      %get3A_1190 = arith.index_cast %add3A_1189 : i32 to index
      %get3A_1191 = tpu.vector_load %arg6[%get3A_1190] {strides = array<i32>} : memref<4096xf32, #tpu.memory_space<vmem>>, vector<16xf32>,
      %get3A_1192 = vector.shape_cast %get3A_1191 : vector<16xf32> to vector<16xf32>
      %mul3A_1193 = arith.constant 128 : i32
      %mul3A_1194 = arith.muli %mul3A_1156, %mul3A_1193 : i32
      %add3A_1195 = arith.constant 64 : i32
      %add3A_1196 = arith.addi %mul3A_1194, %add3A_1195 : i32
      %get3A_1197 = arith.index_cast %add3A_1196 : i32 to index
      %get3A_1198 = tpu.vector_load %arg6[%get3A_1197] {strides = array<i32>} : memref<4096xf32, #tpu.memory_space<vmem>>, vector<16xf32>,
      %get3A_1199 = vector.shape_cast %get3A_1198 : vector<16xf32> to vector<16xf32>
      %mul3A_1200 = arith.constant 128 : i32
      %mul3A_1201 = arith.muli %mul3A_1156, %mul3A_1200 : i32
      %add3A_1202 = arith.constant 80 : i32
      %add3A_1203 = arith.addi %mul3A_1201, %add3A_1202 : i32
      %get3A_1204 = arith.index_cast %add3A_1203 : i32 to index
      %get3A_1205 = tpu.vector_load %arg6[%get3A_1204] {strides = array<i32>} : memref<4096xf32, #tpu.memory_space<vmem>>, vector<16xf32>,
      %get3A_1206 = vector.shape_cast %get3A_1205 : vector<16xf32> to vector<16xf32>
      %mul3A_1207 = arith.constant 128 : i32
      %mul3A_1208 = arith.muli %mul3A_1156, %mul3A_1207 : i32
      %add3A_1209 = arith.constant 96 : i32
      %add3A_1210 = arith.addi %mul3A_1208, %add3A_1209 : i32
      %get3A_1211 = arith.index_cast %add3A_1210 : i32 to index
      %get3A_1212 = tpu.vector_load %arg6[%get3A_1211] {strides = array<i32>} : memref<4096xf32, #tpu.memory_space<vmem>>, vector<16xf32>,
      %get3A_1213 = vector.shape_cast %get3A_1212 : vector<16xf32> to vector<16xf32>
      %mul3A_1214 = arith.constant 128 : i32
      %mul3A_1215 = arith.muli %mul3A_1156, %mul3A_1214 : i32
      %add3A_1216 = arith.constant 112 : i32
      %add3A_1217 = arith.addi %mul3A_1215, %add3A_1216 : i32
      %get3A_1218 = arith.index_cast %add3A_1217 : i32 to index
      %get3A_1219 = tpu.vector_load %arg6[%get3A_1218] {strides = array<i32>} : memref<4096xf32, #tpu.memory_space<vmem>>, vector<16xf32>,
      %get3A_1220 = vector.shape_cast %get3A_1219 : vector<16xf32> to vector<16xf32>
      %swap3A_1221 = arith.constant 0 : index
      %swap3A_1222 = tpu.vector_load %arg10[%swap3A_1221] {strides = array<i32>} : memref<1024xf32, #tpu.memory_space<vmem>>, vector<16xf32>,
      %swap3A_1223 = vector.shape_cast %swap3A_1222 : vector<16xf32> to vector<16xf32>
      %swap3A_1224 = vector.shape_cast %get3A_1171 : vector<16xf32> to vector<16xf32>
      tpu.vector_store %arg10[%swap3A_1221], %swap3A_1224 {strides = array<i32>} : memref<1024xf32, #tpu.memory_space<vmem>>, vector<16xf32>,
      %swap3A_1225 = arith.constant 16 : index
      %swap3A_1226 = tpu.vector_load %arg10[%swap3A_1225] {strides = array<i32>} : memref<1024xf32, #tpu.memory_space<vmem>>, vector<16xf32>,
      %swap3A_1227 = vector.shape_cast %swap3A_1226 : vector<16xf32> to vector<16xf32>
      %swap3A_1228 = vector.shape_cast %get3A_1178 : vector<16xf32> to vector<16xf32>
      tpu.vector_store %arg10[%swap3A_1225], %swap3A_1228 {strides = array<i32>} : memref<1024xf32, #tpu.memory_space<vmem>>, vector<16xf32>,
      %swap3A_1229 = arith.constant 32 : index
      %swap3A_1230 = tpu.vector_load %arg10[%swap3A_1229] {strides = array<i32>} : memref<1024xf32, #tpu.memory_space<vmem>>, vector<16xf32>,
      %swap3A_1231 = vector.shape_cast %swap3A_1230 : vector<16xf32> to vector<16xf32>
      %swap3A_1232 = vector.shape_cast %get3A_1185 : vector<16xf32> to vector<16xf32>
      tpu.vector_store %arg10[%swap3A_1229], %swap3A_1232 {strides = array<i32>} : memref<1024xf32, #tpu.memory_space<vmem>>, vector<16xf32>,
      %swap3A_1233 = arith.constant 48 : index
      %swap3A_1234 = tpu.vector_load %arg10[%swap3A_1233] {strides = array<i32>} : memref<1024xf32, #tpu.memory_space<vmem>>, vector<16xf32>,
      %swap3A_1235 = vector.shape_cast %swap3A_1234 : vector<16xf32> to vector<16xf32>
      %swap3A_1236 = vector.shape_cast %get3A_1192 : vector<16xf32> to vector<16xf32>
      tpu.vector_store %arg10[%swap3A_1233], %swap3A_1236 {strides = array<i32>} : memref<1024xf32, #tpu.memory_space<vmem>>, vector<16xf32>,
      %swap3A_1237 = arith.constant 64 : index
      %swap3A_1238 = tpu.vector_load %arg10[%swap3A_1237] {strides = array<i32>} : memref<1024xf32, #tpu.memory_space<vmem>>, vector<16xf32>,
      %swap3A_1239 = vector.shape_cast %swap3A_1238 : vector<16xf32> to vector<16xf32>
      %swap3A_1240 = vector.shape_cast %get3A_1199 : vector<16xf32> to vector<16xf32>
      tpu.vector_store %arg10[%swap3A_1237], %swap3A_1240 {strides = array<i32>} : memref<1024xf32, #tpu.memory_space<vmem>>, vector<16xf32>,
      %swap3A_1241 = arith.constant 80 : index
      %swap3A_1242 = tpu.vector_load %arg10[%swap3A_1241] {strides = array<i32>} : memref<1024xf32, #tpu.memory_space<vmem>>, vector<16xf32>,
      %swap3A_1243 = vector.shape_cast %swap3A_1242 : vector<16xf32> to vector<16xf32>
      %swap3A_1244 = vector.shape_cast %get3A_1206 : vector<16xf32> to vector<16xf32>
      tpu.vector_store %arg10[%swap3A_1241], %swap3A_1244 {strides = array<i32>} : memref<1024xf32, #tpu.memory_space<vmem>>, vector<16xf32>,
      %swap3A_1245 = arith.constant 96 : index
      %swap3A_1246 = tpu.vector_load %arg10[%swap3A_1245] {strides = array<i32>} : memref<1024xf32, #tpu.memory_space<vmem>>, vector<16xf32>,
      %swap3A_1247 = vector.shape_cast %swap3A_1246 : vector<16xf32> to vector<16xf32>
      %swap3A_1248 = vector.shape_cast %get3A_1213 : vector<16xf32> to vector<16xf32>
      tpu.vector_store %arg10[%swap3A_1245], %swap3A_1248 {strides = array<i32>} : memref<1024xf32, #tpu.memory_space<vmem>>, vector<16xf32>,
      %swap3A_1249 = arith.constant 112 : index
      %swap3A_1250 = tpu.vector_load %arg10[%swap3A_1249] {strides = array<i32>} : memref<1024xf32, #tpu.memory_space<vmem>>, vector<16xf32>,
      %swap3A_1251 = vector.shape_cast %swap3A_1250 : vector<16xf32> to vector<16xf32>
      %swap3A_1252 = vector.shape_cast %get3A_1220 : vector<16xf32> to vector<16xf32>
      tpu.vector_store %arg10[%swap3A_1249], %swap3A_1252 {strides = array<i32>} : memref<1024xf32, #tpu.memory_space<vmem>>, vector<16xf32>,
      %swap3A_1253 = arith.constant 128 : index
      %swap3A_1254 = tpu.vector_load %arg10[%swap3A_1253] {strides = array<i32>} : memref<1024xf32, #tpu.memory_space<vmem>>, vector<16xf32>,
      %swap3A_1255 = vector.shape_cast %swap3A_1254 : vector<16xf32> to vector<16xf32>
      %swap3A_1256 = vector.shape_cast %get3A_1171 : vector<16xf32> to vector<16xf32>
      tpu.vector_store %arg10[%swap3A_1253], %swap3A_1256 {strides = array<i32>} : memref<1024xf32, #tpu.memory_space<vmem>>, vector<16xf32>,
      %swap3A_1257 = arith.constant 144 : index
      %swap3A_1258 = tpu.vector_load %arg10[%swap3A_1257] {strides = array<i32>} : memref<1024xf32, #tpu.memory_space<vmem>>, vector<16xf32>,
      %swap3A_1259 = vector.shape_cast %swap3A_1258 : vector<16xf32> to vector<16xf32>
      %swap3A_1260 = vector.shape_cast %get3A_1178 : vector<16xf32> to vector<16xf32>
      tpu.vector_store %arg10[%swap3A_1257], %swap3A_1260 {strides = array<i32>} : memref<1024xf32, #tpu.memory_space<vmem>>, vector<16xf32>,
      %swap3A_1261 = arith.constant 160 : index
      %swap3A_1262 = tpu.vector_load %arg10[%swap3A_1261] {strides = array<i32>} : memref<1024xf32, #tpu.memory_space<vmem>>, vector<16xf32>,
      %swap3A_1263 = vector.shape_cast %swap3A_1262 : vector<16xf32> to vector<16xf32>
      %swap3A_1264 = vector.shape_cast %get3A_1185 : vector<16xf32> to vector<16xf32>
      tpu.vector_store %arg10[%swap3A_1261], %swap3A_1264 {strides = array<i32>} : memref<1024xf32, #tpu.memory_space<vmem>>, vector<16xf32>,
      %swap3A_1265 = arith.constant 176 : index
      %swap3A_1266 = tpu.vector_load %arg10[%swap3A_1265] {strides = array<i32>} : memref<1024xf32, #tpu.memory_space<vmem>>, vector<16xf32>,
      %swap3A_1267 = vector.shape_cast %swap3A_1266 : vector<16xf32> to vector<16xf32>
      %swap3A_1268 = vector.shape_cast %get3A_1192 : vector<16xf32> to vector<16xf32>
      tpu.vector_store %arg10[%swap3A_1265], %swap3A_1268 {strides = array<i32>} : memref<1024xf32, #tpu.memory_space<vmem>>, vector<16xf32>,
      %swap3A_1269 = arith.constant 192 : index
      %swap3A_1270 = tpu.vector_load %arg10[%swap3A_1269] {strides = array<i32>} : memref<1024xf32, #tpu.memory_space<vmem>>, vector<16xf32>,
      %swap3A_1271 = vector.shape_cast %swap3A_1270 : vector<16xf32> to vector<16xf32>
      %swap3A_1272 = vector.shape_cast %get3A_1199 : vector<16xf32> to vector<16xf32>
      tpu.vector_store %arg10[%swap3A_1269], %swap3A_1272 {strides = array<i32>} : memref<1024xf32, #tpu.memory_space<vmem>>, vector<16xf32>,
      %swap3A_1273 = arith.constant 208 : index
      %swap3A_1274 = tpu.vector_load %arg10[%swap3A_1273] {strides = array<i32>} : memref<1024xf32, #tpu.memory_space<vmem>>, vector<16xf32>,
      %swap3A_1275 = vector.shape_cast %swap3A_1274 : vector<16xf32> to vector<16xf32>
      %swap3A_1276 = vector.shape_cast %get3A_1206 : vector<16xf32> to vector<16xf32>
      tpu.vector_store %arg10[%swap3A_1273], %swap3A_1276 {strides = array<i32>} : memref<1024xf32, #tpu.memory_space<vmem>>, vector<16xf32>,
      %swap3A_1277 = arith.constant 224 : index
      %swap3A_1278 = tpu.vector_load %arg10[%swap3A_1277] {strides = array<i32>} : memref<1024xf32, #tpu.memory_space<vmem>>, vector<16xf32>,
      %swap3A_1279 = vector.shape_cast %swap3A_1278 : vector<16xf32> to vector<16xf32>
      %swap3A_1280 = vector.shape_cast %get3A_1213 : vector<16xf32> to vector<16xf32>
      tpu.vector_store %arg10[%swap3A_1277], %swap3A_1280 {strides = array<i32>} : memref<1024xf32, #tpu.memory_space<vmem>>, vector<16xf32>,
      %swap3A_1281 = arith.constant 240 : index
      %swap3A_1282 = tpu.vector_load %arg10[%swap3A_1281] {strides = array<i32>} : memref<1024xf32, #tpu.memory_space<vmem>>, vector<16xf32>,
      %swap3A_1283 = vector.shape_cast %swap3A_1282 : vector<16xf32> to vector<16xf32>
      %swap3A_1284 = vector.shape_cast %get3A_1220 : vector<16xf32> to vector<16xf32>
      tpu.vector_store %arg10[%swap3A_1281], %swap3A_1284 {strides = array<i32>} : memref<1024xf32, #tpu.memory_space<vmem>>, vector<16xf32>,
      %swap3A_1285 = arith.constant 256 : index
      %swap3A_1286 = tpu.vector_load %arg10[%swap3A_1285] {strides = array<i32>} : memref<1024xf32, #tpu.memory_space<vmem>>, vector<16xf32>,
      %swap3A_1287 = vector.shape_cast %swap3A_1286 : vector<16xf32> to vector<16xf32>
      %swap3A_1288 = vector.shape_cast %get3A_1171 : vector<16xf32> to vector<16xf32>
      tpu.vector_store %arg10[%swap3A_1285], %swap3A_1288 {strides = array<i32>} : memref<1024xf32, #tpu.memory_space<vmem>>, vector<16xf32>,
      %swap3A_1289 = arith.constant 272 : index
      %swap3A_1290 = tpu.vector_load %arg10[%swap3A_1289] {strides = array<i32>} : memref<1024xf32, #tpu.memory_space<vmem>>, vector<16xf32>,
      %swap3A_1291 = vector.shape_cast %swap3A_1290 : vector<16xf32> to vector<16xf32>
      %swap3A_1292 = vector.shape_cast %get3A_1178 : vector<16xf32> to vector<16xf32>
      tpu.vector_store %arg10[%swap3A_1289], %swap3A_1292 {strides = array<i32>} : memref<1024xf32, #tpu.memory_space<vmem>>, vector<16xf32>,
      %swap3A_1293 = arith.constant 288 : index
      %swap3A_1294 = tpu.vector_load %arg10[%swap3A_1293] {strides = array<i32>} : memref<1024xf32, #tpu.memory_space<vmem>>, vector<16xf32>,
      %swap3A_1295 = vector.shape_cast %swap3A_1294 : vector<16xf32> to vector<16xf32>
      %swap3A_1296 = vector.shape_cast %get3A_1185 : vector<16xf32> to vector<16xf32>
      tpu.vector_store %arg10[%swap3A_1293], %swap3A_1296 {strides = array<i32>} : memref<1024xf32, #tpu.memory_space<vmem>>, vector<16xf32>,
      %swap3A_1297 = arith.constant 304 : index
      %swap3A_1298 = tpu.vector_load %arg10[%swap3A_1297] {strides = array<i32>} : memref<1024xf32, #tpu.memory_space<vmem>>, vector<16xf32>,
      %swap3A_1299 = vector.shape_cast %swap3A_1298 : vector<16xf32> to vector<16xf32>
      %swap3A_1300 = vector.shape_cast %get3A_1192 : vector<16xf32> to vector<16xf32>
      tpu.vector_store %arg10[%swap3A_1297], %swap3A_1300 {strides = array<i32>} : memref<1024xf32, #tpu.memory_space<vmem>>, vector<16xf32>,
      %swap3A_1301 = arith.constant 320 : index
      %swap3A_1302 = tpu.vector_load %arg10[%swap3A_1301] {strides = array<i32>} : memref<1024xf32, #tpu.memory_space<vmem>>, vector<16xf32>,
      %swap3A_1303 = vector.shape_cast %swap3A_1302 : vector<16xf32> to vector<16xf32>
      %swap3A_1304 = vector.shape_cast %get3A_1199 : vector<16xf32> to vector<16xf32>
      tpu.vector_store %arg10[%swap3A_1301], %swap3A_1304 {strides = array<i32>} : memref<1024xf32, #tpu.memory_space<vmem>>, vector<16xf32>,
      %swap3A_1305 = arith.constant 336 : index
      %swap3A_1306 = tpu.vector_load %arg10[%swap3A_1305] {strides = array<i32>} : memref<1024xf32, #tpu.memory_space<vmem>>, vector<16xf32>,
      %swap3A_1307 = vector.shape_cast %swap3A_1306 : vector<16xf32> to vector<16xf32>
      %swap3A_1308 = vector.shape_cast %get3A_1206 : vector<16xf32> to vector<16xf32>
      tpu.vector_store %arg10[%swap3A_1305], %swap3A_1308 {strides = array<i32>} : memref<1024xf32, #tpu.memory_space<vmem>>, vector<16xf32>,
      %swap3A_1309 = arith.constant 352 : index
      %swap3A_1310 = tpu.vector_load %arg10[%swap3A_1309] {strides = array<i32>} : memref<1024xf32, #tpu.memory_space<vmem>>, vector<16xf32>,
      %swap3A_1311 = vector.shape_cast %swap3A_1310 : vector<16xf32> to vector<16xf32>
      %swap3A_1312 = vector.shape_cast %get3A_1213 : vector<16xf32> to vector<16xf32>
      tpu.vector_store %arg10[%swap3A_1309], %swap3A_1312 {strides = array<i32>} : memref<1024xf32, #tpu.memory_space<vmem>>, vector<16xf32>,
      %swap3A_1313 = arith.constant 368 : index
      %swap3A_1314 = tpu.vector_load %arg10[%swap3A_1313] {strides = array<i32>} : memref<1024xf32, #tpu.memory_space<vmem>>, vector<16xf32>,
      %swap3A_1315 = vector.shape_cast %swap3A_1314 : vector<16xf32> to vector<16xf32>
      %swap3A_1316 = vector.shape_cast %get3A_1220 : vector<16xf32> to vector<16xf32>
      tpu.vector_store %arg10[%swap3A_1313], %swap3A_1316 {strides = array<i32>} : memref<1024xf32, #tpu.memory_space<vmem>>, vector<16xf32>,
      %swap3A_1317 = arith.constant 384 : index
      %swap3A_1318 = tpu.vector_load %arg10[%swap3A_1317] {strides = array<i32>} : memref<1024xf32, #tpu.memory_space<vmem>>, vector<16xf32>,
      %swap3A_1319 = vector.shape_cast %swap3A_1318 : vector<16xf32> to vector<16xf32>
      %swap3A_1320 = vector.shape_cast %get3A_1171 : vector<16xf32> to vector<16xf32>
      tpu.vector_store %arg10[%swap3A_1317], %swap3A_1320 {strides = array<i32>} : memref<1024xf32, #tpu.memory_space<vmem>>, vector<16xf32>,
      %swap3A_1321 = arith.constant 400 : index
      %swap3A_1322 = tpu.vector_load %arg10[%swap3A_1321] {strides = array<i32>} : memref<1024xf32, #tpu.memory_space<vmem>>, vector<16xf32>,
      %swap3A_1323 = vector.shape_cast %swap3A_1322 : vector<16xf32> to vector<16xf32>
      %swap3A_1324 = vector.shape_cast %get3A_1178 : vector<16xf32> to vector<16xf32>
      tpu.vector_store %arg10[%swap3A_1321], %swap3A_1324 {strides = array<i32>} : memref<1024xf32, #tpu.memory_space<vmem>>, vector<16xf32>,
      %swap3A_1325 = arith.constant 416 : index
      %swap3A_1326 = tpu.vector_load %arg10[%swap3A_1325] {strides = array<i32>} : memref<1024xf32, #tpu.memory_space<vmem>>, vector<16xf32>,
      %swap3A_1327 = vector.shape_cast %swap3A_1326 : vector<16xf32> to vector<16xf32>
      %swap3A_1328 = vector.shape_cast %get3A_1185 : vector<16xf32> to vector<16xf32>
      tpu.vector_store %arg10[%swap3A_1325], %swap3A_1328 {strides = array<i32>} : memref<1024xf32, #tpu.memory_space<vmem>>, vector<16xf32>,
      %swap3A_1329 = arith.constant 432 : index
      %swap3A_1330 = tpu.vector_load %arg10[%swap3A_1329] {strides = array<i32>} : memref<1024xf32, #tpu.memory_space<vmem>>, vector<16xf32>,
      %swap3A_1331 = vector.shape_cast %swap3A_1330 : vector<16xf32> to vector<16xf32>
      %swap3A_1332 = vector.shape_cast %get3A_1192 : vector<16xf32> to vector<16xf32>
      tpu.vector_store %arg10[%swap3A_1329], %swap3A_1332 {strides = array<i32>} : memref<1024xf32, #tpu.memory_space<vmem>>, vector<16xf32>,
      %swap3A_1333 = arith.constant 448 : index
      %swap3A_1334 = tpu.vector_load %arg10[%swap3A_1333] {strides = array<i32>} : memref<1024xf32, #tpu.memory_space<vmem>>, vector<16xf32>,
      %swap3A_1335 = vector.shape_cast %swap3A_1334 : vector<16xf32> to vector<16xf32>
      %swap3A_1336 = vector.shape_cast %get3A_1199 : vector<16xf32> to vector<16xf32>
      tpu.vector_store %arg10[%swap3A_1333], %swap3A_1336 {strides = array<i32>} : memref<1024xf32, #tpu.memory_space<vmem>>, vector<16xf32>,
      %swap3A_1337 = arith.constant 464 : index
      %swap3A_1338 = tpu.vector_load %arg10[%swap3A_1337] {strides = array<i32>} : memref<1024xf32, #tpu.memory_space<vmem>>, vector<16xf32>,
      %swap3A_1339 = vector.shape_cast %swap3A_1338 : vector<16xf32> to vector<16xf32>
      %swap3A_1340 = vector.shape_cast %get3A_1206 : vector<16xf32> to vector<16xf32>
      tpu.vector_store %arg10[%swap3A_1337], %swap3A_1340 {strides = array<i32>} : memref<1024xf32, #tpu.memory_space<vmem>>, vector<16xf32>,
      %swap3A_1341 = arith.constant 480 : index
      %swap3A_1342 = tpu.vector_load %arg10[%swap3A_1341] {strides = array<i32>} : memref<1024xf32, #tpu.memory_space<vmem>>, vector<16xf32>,
      %swap3A_1343 = vector.shape_cast %swap3A_1342 : vector<16xf32> to vector<16xf32>
      %swap3A_1344 = vector.shape_cast %get3A_1213 : vector<16xf32> to vector<16xf32>
      tpu.vector_store %arg10[%swap3A_1341], %swap3A_1344 {strides = array<i32>} : memref<1024xf32, #tpu.memory_space<vmem>>, vector<16xf32>,
      %swap3A_1345 = arith.constant 496 : index
      %swap3A_1346 = tpu.vector_load %arg10[%swap3A_1345] {strides = array<i32>} : memref<1024xf32, #tpu.memory_space<vmem>>, vector<16xf32>,
      %swap3A_1347 = vector.shape_cast %swap3A_1346 : vector<16xf32> to vector<16xf32>
      %swap3A_1348 = vector.shape_cast %get3A_1220 : vector<16xf32> to vector<16xf32>
      tpu.vector_store %arg10[%swap3A_1345], %swap3A_1348 {strides = array<i32>} : memref<1024xf32, #tpu.memory_space<vmem>>, vector<16xf32>,
      %swap3A_1349 = arith.constant 512 : index
      %swap3A_1350 = tpu.vector_load %arg10[%swap3A_1349] {strides = array<i32>} : memref<1024xf32, #tpu.memory_space<vmem>>, vector<16xf32>,
      %swap3A_1351 = vector.shape_cast %swap3A_1350 : vector<16xf32> to vector<16xf32>
      %swap3A_1352 = vector.shape_cast %get3A_1171 : vector<16xf32> to vector<16xf32>
      tpu.vector_store %arg10[%swap3A_1349], %swap3A_1352 {strides = array<i32>} : memref<1024xf32, #tpu.memory_space<vmem>>, vector<16xf32>,
      %swap3A_1353 = arith.constant 528 : index
      %swap3A_1354 = tpu.vector_load %arg10[%swap3A_1353] {strides = array<i32>} : memref<1024xf32, #tpu.memory_space<vmem>>, vector<16xf32>,
      %swap3A_1355 = vector.shape_cast %swap3A_1354 : vector<16xf32> to vector<16xf32>
      %swap3A_1356 = vector.shape_cast %get3A_1178 : vector<16xf32> to vector<16xf32>
      tpu.vector_store %arg10[%swap3A_1353], %swap3A_1356 {strides = array<i32>} : memref<1024xf32, #tpu.memory_space<vmem>>, vector<16xf32>,
      %swap3A_1357 = arith.constant 544 : index
      %swap3A_1358 = tpu.vector_load %arg10[%swap3A_1357] {strides = array<i32>} : memref<1024xf32, #tpu.memory_space<vmem>>, vector<16xf32>,
      %swap3A_1359 = vector.shape_cast %swap3A_1358 : vector<16xf32> to vector<16xf32>
      %swap3A_1360 = vector.shape_cast %get3A_1185 : vector<16xf32> to vector<16xf32>
      tpu.vector_store %arg10[%swap3A_1357], %swap3A_1360 {strides = array<i32>} : memref<1024xf32, #tpu.memory_space<vmem>>, vector<16xf32>,
      %swap3A_1361 = arith.constant 560 : index
      %swap3A_1362 = tpu.vector_load %arg10[%swap3A_1361] {strides = array<i32>} : memref<1024xf32, #tpu.memory_space<vmem>>, vector<16xf32>,
      %swap3A_1363 = vector.shape_cast %swap3A_1362 : vector<16xf32> to vector<16xf32>
      %swap3A_1364 = vector.shape_cast %get3A_1192 : vector<16xf32> to vector<16xf32>
      tpu.vector_store %arg10[%swap3A_1361], %swap3A_1364 {strides = array<i32>} : memref<1024xf32, #tpu.memory_space<vmem>>, vector<16xf32>,
      %swap3A_1365 = arith.constant 576 : index
      %swap3A_1366 = tpu.vector_load %arg10[%swap3A_1365] {strides = array<i32>} : memref<1024xf32, #tpu.memory_space<vmem>>, vector<16xf32>,
      %swap3A_1367 = vector.shape_cast %swap3A_1366 : vector<16xf32> to vector<16xf32>
      %swap3A_1368 = vector.shape_cast %get3A_1199 : vector<16xf32> to vector<16xf32>
      tpu.vector_store %arg10[%swap3A_1365], %swap3A_1368 {strides = array<i32>} : memref<1024xf32, #tpu.memory_space<vmem>>, vector<16xf32>,
      %swap3A_1369 = arith.constant 592 : index
      %swap3A_1370 = tpu.vector_load %arg10[%swap3A_1369] {strides = array<i32>} : memref<1024xf32, #tpu.memory_space<vmem>>, vector<16xf32>,
      %swap3A_1371 = vector.shape_cast %swap3A_1370 : vector<16xf32> to vector<16xf32>
      %swap3A_1372 = vector.shape_cast %get3A_1206 : vector<16xf32> to vector<16xf32>
      tpu.vector_store %arg10[%swap3A_1369], %swap3A_1372 {strides = array<i32>} : memref<1024xf32, #tpu.memory_space<vmem>>, vector<16xf32>,
      %swap3A_1373 = arith.constant 608 : index
      %swap3A_1374 = tpu.vector_load %arg10[%swap3A_1373] {strides = array<i32>} : memref<1024xf32, #tpu.memory_space<vmem>>, vector<16xf32>,
      %swap3A_1375 = vector.shape_cast %swap3A_1374 : vector<16xf32> to vector<16xf32>
      %swap3A_1376 = vector.shape_cast %get3A_1213 : vector<16xf32> to vector<16xf32>
      tpu.vector_store %arg10[%swap3A_1373], %swap3A_1376 {strides = array<i32>} : memref<1024xf32, #tpu.memory_space<vmem>>, vector<16xf32>,
      %swap3A_1377 = arith.constant 624 : index
      %swap3A_1378 = tpu.vector_load %arg10[%swap3A_1377] {strides = array<i32>} : memref<1024xf32, #tpu.memory_space<vmem>>, vector<16xf32>,
      %swap3A_1379 = vector.shape_cast %swap3A_1378 : vector<16xf32> to vector<16xf32>
      %swap3A_1380 = vector.shape_cast %get3A_1220 : vector<16xf32> to vector<16xf32>
      tpu.vector_store %arg10[%swap3A_1377], %swap3A_1380 {strides = array<i32>} : memref<1024xf32, #tpu.memory_space<vmem>>, vector<16xf32>,
      %swap3A_1381 = arith.constant 640 : index
      %swap3A_1382 = tpu.vector_load %arg10[%swap3A_1381] {strides = array<i32>} : memref<1024xf32, #tpu.memory_space<vmem>>, vector<16xf32>,
      %swap3A_1383 = vector.shape_cast %swap3A_1382 : vector<16xf32> to vector<16xf32>
      %swap3A_1384 = vector.shape_cast %get3A_1171 : vector<16xf32> to vector<16xf32>
      tpu.vector_store %arg10[%swap3A_1381], %swap3A_1384 {strides = array<i32>} : memref<1024xf32, #tpu.memory_space<vmem>>, vector<16xf32>,
      %swap3A_1385 = arith.constant 656 : index
      %swap3A_1386 = tpu.vector_load %arg10[%swap3A_1385] {strides = array<i32>} : memref<1024xf32, #tpu.memory_space<vmem>>, vector<16xf32>,
      %swap3A_1387 = vector.shape_cast %swap3A_1386 : vector<16xf32> to vector<16xf32>
      %swap3A_1388 = vector.shape_cast %get3A_1178 : vector<16xf32> to vector<16xf32>
      tpu.vector_store %arg10[%swap3A_1385], %swap3A_1388 {strides = array<i32>} : memref<1024xf32, #tpu.memory_space<vmem>>, vector<16xf32>,
      %swap3A_1389 = arith.constant 672 : index
      %swap3A_1390 = tpu.vector_load %arg10[%swap3A_1389] {strides = array<i32>} : memref<1024xf32, #tpu.memory_space<vmem>>, vector<16xf32>,
      %swap3A_1391 = vector.shape_cast %swap3A_1390 : vector<16xf32> to vector<16xf32>
      %swap3A_1392 = vector.shape_cast %get3A_1185 : vector<16xf32> to vector<16xf32>
      tpu.vector_store %arg10[%swap3A_1389], %swap3A_1392 {strides = array<i32>} : memref<1024xf32, #tpu.memory_space<vmem>>, vector<16xf32>,
      %swap3A_1393 = arith.constant 688 : index
      %swap3A_1394 = tpu.vector_load %arg10[%swap3A_1393] {strides = array<i32>} : memref<1024xf32, #tpu.memory_space<vmem>>, vector<16xf32>,
      %swap3A_1395 = vector.shape_cast %swap3A_1394 : vector<16xf32> to vector<16xf32>
      %swap3A_1396 = vector.shape_cast %get3A_1192 : vector<16xf32> to vector<16xf32>
      tpu.vector_store %arg10[%swap3A_1393], %swap3A_1396 {strides = array<i32>} : memref<1024xf32, #tpu.memory_space<vmem>>, vector<16xf32>,
      %swap3A_1397 = arith.constant 704 : index
      %swap3A_1398 = tpu.vector_load %arg10[%swap3A_1397] {strides = array<i32>} : memref<1024xf32, #tpu.memory_space<vmem>>, vector<16xf32>,
      %swap3A_1399 = vector.shape_cast %swap3A_1398 : vector<16xf32> to vector<16xf32>
      %swap3A_1400 = vector.shape_cast %get3A_1199 : vector<16xf32> to vector<16xf32>
      tpu.vector_store %arg10[%swap3A_1397], %swap3A_1400 {strides = array<i32>} : memref<1024xf32, #tpu.memory_space<vmem>>, vector<16xf32>,
      %swap3A_1401 = arith.constant 720 : index
      %swap3A_1402 = tpu.vector_load %arg10[%swap3A_1401] {strides = array<i32>} : memref<1024xf32, #tpu.memory_space<vmem>>, vector<16xf32>,
      %swap3A_1403 = vector.shape_cast %swap3A_1402 : vector<16xf32> to vector<16xf32>
      %swap3A_1404 = vector.shape_cast %get3A_1206 : vector<16xf32> to vector<16xf32>
      tpu.vector_store %arg10[%swap3A_1401], %swap3A_1404 {strides = array<i32>} : memref<1024xf32, #tpu.memory_space<vmem>>, vector<16xf32>,
      %swap3A_1405 = arith.constant 736 : index
      %swap3A_1406 = tpu.vector_load %arg10[%swap3A_1405] {strides = array<i32>} : memref<1024xf32, #tpu.memory_space<vmem>>, vector<16xf32>,
      %swap3A_1407 = vector.shape_cast %swap3A_1406 : vector<16xf32> to vector<16xf32>
      %swap3A_1408 = vector.shape_cast %get3A_1213 : vector<16xf32> to vector<16xf32>
      tpu.vector_store %arg10[%swap3A_1405], %swap3A_1408 {strides = array<i32>} : memref<1024xf32, #tpu.memory_space<vmem>>, vector<16xf32>,
      %swap3A_1409 = arith.constant 752 : index
      %swap3A_1410 = tpu.vector_load %arg10[%swap3A_1409] {strides = array<i32>} : memref<1024xf32, #tpu.memory_space<vmem>>, vector<16xf32>,
      %swap3A_1411 = vector.shape_cast %swap3A_1410 : vector<16xf32> to vector<16xf32>
      %swap3A_1412 = vector.shape_cast %get3A_1220 : vector<16xf32> to vector<16xf32>
      tpu.vector_store %arg10[%swap3A_1409], %swap3A_1412 {strides = array<i32>} : memref<1024xf32, #tpu.memory_space<vmem>>, vector<16xf32>,
      %swap3A_1413 = arith.constant 768 : index
      %swap3A_1414 = tpu.vector_load %arg10[%swap3A_1413] {strides = array<i32>} : memref<1024xf32, #tpu.memory_space<vmem>>, vector<16xf32>,
      %swap3A_1415 = vector.shape_cast %swap3A_1414 : vector<16xf32> to vector<16xf32>
      %swap3A_1416 = vector.shape_cast %get3A_1171 : vector<16xf32> to vector<16xf32>
      tpu.vector_store %arg10[%swap3A_1413], %swap3A_1416 {strides = array<i32>} : memref<1024xf32, #tpu.memory_space<vmem>>, vector<16xf32>,
      %swap3A_1417 = arith.constant 784 : index
      %swap3A_1418 = tpu.vector_load %arg10[%swap3A_1417] {strides = array<i32>} : memref<1024xf32, #tpu.memory_space<vmem>>, vector<16xf32>,
      %swap3A_1419 = vector.shape_cast %swap3A_1418 : vector<16xf32> to vector<16xf32>
      %swap3A_1420 = vector.shape_cast %get3A_1178 : vector<16xf32> to vector<16xf32>
      tpu.vector_store %arg10[%swap3A_1417], %swap3A_1420 {strides = array<i32>} : memref<1024xf32, #tpu.memory_space<vmem>>, vector<16xf32>,
      %swap3A_1421 = arith.constant 800 : index
      %swap3A_1422 = tpu.vector_load %arg10[%swap3A_1421] {strides = array<i32>} : memref<1024xf32, #tpu.memory_space<vmem>>, vector<16xf32>,
      %swap3A_1423 = vector.shape_cast %swap3A_1422 : vector<16xf32> to vector<16xf32>
      %swap3A_1424 = vector.shape_cast %get3A_1185 : vector<16xf32> to vector<16xf32>
      tpu.vector_store %arg10[%swap3A_1421], %swap3A_1424 {strides = array<i32>} : memref<1024xf32, #tpu.memory_space<vmem>>, vector<16xf32>,
      %swap3A_1425 = arith.constant 816 : index
      %swap3A_1426 = tpu.vector_load %arg10[%swap3A_1425] {strides = array<i32>} : memref<1024xf32, #tpu.memory_space<vmem>>, vector<16xf32>,
      %swap3A_1427 = vector.shape_cast %swap3A_1426 : vector<16xf32> to vector<16xf32>
      %swap3A_1428 = vector.shape_cast %get3A_1192 : vector<16xf32> to vector<16xf32>
      tpu.vector_store %arg10[%swap3A_1425], %swap3A_1428 {strides = array<i32>} : memref<1024xf32, #tpu.memory_space<vmem>>, vector<16xf32>,
      %swap3A_1429 = arith.constant 832 : index
      %swap3A_1430 = tpu.vector_load %arg10[%swap3A_1429] {strides = array<i32>} : memref<1024xf32, #tpu.memory_space<vmem>>, vector<16xf32>,
      %swap3A_1431 = vector.shape_cast %swap3A_1430 : vector<16xf32> to vector<16xf32>
      %swap3A_1432 = vector.shape_cast %get3A_1199 : vector<16xf32> to vector<16xf32>
      tpu.vector_store %arg10[%swap3A_1429], %swap3A_1432 {strides = array<i32>} : memref<1024xf32, #tpu.memory_space<vmem>>, vector<16xf32>,
      %swap3A_1433 = arith.constant 848 : index
      %swap3A_1434 = tpu.vector_load %arg10[%swap3A_1433] {strides = array<i32>} : memref<1024xf32, #tpu.memory_space<vmem>>, vector<16xf32>,
      %swap3A_1435 = vector.shape_cast %swap3A_1434 : vector<16xf32> to vector<16xf32>
      %swap3A_1436 = vector.shape_cast %get3A_1206 : vector<16xf32> to vector<16xf32>
      tpu.vector_store %arg10[%swap3A_1433], %swap3A_1436 {strides = array<i32>} : memref<1024xf32, #tpu.memory_space<vmem>>, vector<16xf32>,
      %swap3A_1437 = arith.constant 864 : index
      %swap3A_1438 = tpu.vector_load %arg10[%swap3A_1437] {strides = array<i32>} : memref<1024xf32, #tpu.memory_space<vmem>>, vector<16xf32>,
      %swap3A_1439 = vector.shape_cast %swap3A_1438 : vector<16xf32> to vector<16xf32>
      %swap3A_1440 = vector.shape_cast %get3A_1213 : vector<16xf32> to vector<16xf32>
      tpu.vector_store %arg10[%swap3A_1437], %swap3A_1440 {strides = array<i32>} : memref<1024xf32, #tpu.memory_space<vmem>>, vector<16xf32>,
      %swap3A_1441 = arith.constant 880 : index
      %swap3A_1442 = tpu.vector_load %arg10[%swap3A_1441] {strides = array<i32>} : memref<1024xf32, #tpu.memory_space<vmem>>, vector<16xf32>,
      %swap3A_1443 = vector.shape_cast %swap3A_1442 : vector<16xf32> to vector<16xf32>
      %swap3A_1444 = vector.shape_cast %get3A_1220 : vector<16xf32> to vector<16xf32>
      tpu.vector_store %arg10[%swap3A_1441], %swap3A_1444 {strides = array<i32>} : memref<1024xf32, #tpu.memory_space<vmem>>, vector<16xf32>,
      %swap3A_1445 = arith.constant 896 : index
      %swap3A_1446 = tpu.vector_load %arg10[%swap3A_1445] {strides = array<i32>} : memref<1024xf32, #tpu.memory_space<vmem>>, vector<16xf32>,
      %swap3A_1447 = vector.shape_cast %swap3A_1446 : vector<16xf32> to vector<16xf32>
      %swap3A_1448 = vector.shape_cast %get3A_1171 : vector<16xf32> to vector<16xf32>
      tpu.vector_store %arg10[%swap3A_1445], %swap3A_1448 {strides = array<i32>} : memref<1024xf32, #tpu.memory_space<vmem>>, vector<16xf32>,
      %swap3A_1449 = arith.constant 912 : index
      %swap3A_1450 = tpu.vector_load %arg10[%swap3A_1449] {strides = array<i32>} : memref<1024xf32, #tpu.memory_space<vmem>>, vector<16xf32>,
      %swap3A_1451 = vector.shape_cast %swap3A_1450 : vector<16xf32> to vector<16xf32>
      %swap3A_1452 = vector.shape_cast %get3A_1178 : vector<16xf32> to vector<16xf32>
      tpu.vector_store %arg10[%swap3A_1449], %swap3A_1452 {strides = array<i32>} : memref<1024xf32, #tpu.memory_space<vmem>>, vector<16xf32>,
      %swap3A_1453 = arith.constant 928 : index
      %swap3A_1454 = tpu.vector_load %arg10[%swap3A_1453] {strides = array<i32>} : memref<1024xf32, #tpu.memory_space<vmem>>, vector<16xf32>,
      %swap3A_1455 = vector.shape_cast %swap3A_1454 : vector<16xf32> to vector<16xf32>
      %swap3A_1456 = vector.shape_cast %get3A_1185 : vector<16xf32> to vector<16xf32>
      tpu.vector_store %arg10[%swap3A_1453], %swap3A_1456 {strides = array<i32>} : memref<1024xf32, #tpu.memory_space<vmem>>, vector<16xf32>,
      %swap3A_1457 = arith.constant 944 : index
      %swap3A_1458 = tpu.vector_load %arg10[%swap3A_1457] {strides = array<i32>} : memref<1024xf32, #tpu.memory_space<vmem>>, vector<16xf32>,
      %swap3A_1459 = vector.shape_cast %swap3A_1458 : vector<16xf32> to vector<16xf32>
      %swap3A_1460 = vector.shape_cast %get3A_1192 : vector<16xf32> to vector<16xf32>
      tpu.vector_store %arg10[%swap3A_1457], %swap3A_1460 {strides = array<i32>} : memref<1024xf32, #tpu.memory_space<vmem>>, vector<16xf32>,
      %swap3A_1461 = arith.constant 960 : index
      %swap3A_1462 = tpu.vector_load %arg10[%swap3A_1461] {strides = array<i32>} : memref<1024xf32, #tpu.memory_space<vmem>>, vector<16xf32>,
      %swap3A_1463 = vector.shape_cast %swap3A_1462 : vector<16xf32> to vector<16xf32>
      %swap3A_1464 = vector.shape_cast %get3A_1199 : vector<16xf32> to vector<16xf32>
      tpu.vector_store %arg10[%swap3A_1461], %swap3A_1464 {strides = array<i32>} : memref<1024xf32, #tpu.memory_space<vmem>>, vector<16xf32>,
      %swap3A_1465 = arith.constant 976 : index
      %swap3A_1466 = tpu.vector_load %arg10[%swap3A_1465] {strides = array<i32>} : memref<1024xf32, #tpu.memory_space<vmem>>, vector<16xf32>,
      %swap3A_1467 = vector.shape_cast %swap3A_1466 : vector<16xf32> to vector<16xf32>
      %swap3A_1468 = vector.shape_cast %get3A_1206 : vector<16xf32> to vector<16xf32>
      tpu.vector_store %arg10[%swap3A_1465], %swap3A_1468 {strides = array<i32>} : memref<1024xf32, #tpu.memory_space<vmem>>, vector<16xf32>,
      %swap3A_1469 = arith.constant 992 : index
      %swap3A_1470 = tpu.vector_load %arg10[%swap3A_1469] {strides = array<i32>} : memref<1024xf32, #tpu.memory_space<vmem>>, vector<16xf32>,
      %swap3A_1471 = vector.shape_cast %swap3A_1470 : vector<16xf32> to vector<16xf32>
      %swap3A_1472 = vector.shape_cast %get3A_1213 : vector<16xf32> to vector<16xf32>
      tpu.vector_store %arg10[%swap3A_1469], %swap3A_1472 {strides = array<i32>} : memref<1024xf32, #tpu.memory_space<vmem>>, vector<16xf32>,
      %swap3A_1473 = arith.constant 1008 : index
      %swap3A_1474 = tpu.vector_load %arg10[%swap3A_1473] {strides = array<i32>} : memref<1024xf32, #tpu.memory_space<vmem>>, vector<16xf32>,
      %swap3A_1475 = vector.shape_cast %swap3A_1474 : vector<16xf32> to vector<16xf32>
      %swap3A_1476 = vector.shape_cast %get3A_1220 : vector<16xf32> to vector<16xf32>
      tpu.vector_store %arg10[%swap3A_1473], %swap3A_1476 {strides = array<i32>} : memref<1024xf32, #tpu.memory_space<vmem>>, vector<16xf32>,
      %add3A_1477 = arith.constant 0 : i32
      %add3A_1478 = arith.addi %add3A_1477, %add3A : i32
      %mul3A_1479 = arith.constant 32 : i32
      %mul3A_1480 = arith.muli %add3A_1478, %mul3A_1479 : i32
      %add3A_1481 = arith.addi %mul3A_1480, %mul3A_1156 : i32
      %mul3A_1482 = arith.constant 12288 : i32
      %mul3A_1483 = arith.muli %add3A_1481, %mul3A_1482 : i32
      %add3A_1484 = arith.constant 0 : i32
      %add3A_1485 = arith.addi %mul3A_1483, %add3A_1484 : i32
      %dma_start3A_1486 = tpu.memref_slice %arg5[%add3A_1485] : memref<25165824xf32, #tpu.memory_space<hbm>> -> memref<1024xf32, #tpu.memory_space<hbm>>
      %dma_start3A_1487 = tpu.memref_slice %arg5[%add3A_1485] : memref<25165824xf32, #tpu.memory_space<hbm>> -> memref<1024xf32, #tpu.memory_space<hbm>>
      tpu.enqueue_dma source(%arg10 : memref<1024xf32, #tpu.memory_space<vmem>>) target(%dma_start3A_1487 : memref<1024xf32, #tpu.memory_space<hbm>>) target_semaphore(%arg12 : memref<!tpu.dma_semaphore, #tpu.memory_space<semaphore_mem>>)
      %add3A_1488 = arith.constant 1024 : i32
      %add3A_1489 = arith.addi %add3A_1485, %add3A_1488 : i32
      %dma_start3A_1490 = tpu.memref_slice %arg5[%add3A_1489] : memref<25165824xf32, #tpu.memory_space<hbm>> -> memref<1024xf32, #tpu.memory_space<hbm>>
      %dma_start3A_1491 = tpu.memref_slice %arg5[%add3A_1489] : memref<25165824xf32, #tpu.memory_space<hbm>> -> memref<1024xf32, #tpu.memory_space<hbm>>
      tpu.enqueue_dma source(%arg9 : memref<1024xf32, #tpu.memory_space<vmem>>) target(%dma_start3A_1491 : memref<1024xf32, #tpu.memory_space<hbm>>) target_semaphore(%arg14 : memref<!tpu.dma_semaphore, #tpu.memory_space<semaphore_mem>>)
      %add3A_1492 = arith.constant 2048 : i32
      %add3A_1493 = arith.addi %add3A_1485, %add3A_1492 : i32
      %dma_start3A_1494 = arith.constant 0 : i32
      %dma_start3A_1495 = tpu.memref_slice %arg8[%dma_start3A_1494] : memref<4096xf32, #tpu.memory_space<vmem>> -> memref<1024xf32, #tpu.memory_space<vmem>>
      %dma_start3A_1496 = tpu.memref_slice %arg5[%add3A_1493] : memref<25165824xf32, #tpu.memory_space<hbm>> -> memref<1024xf32, #tpu.memory_space<hbm>>
      %dma_start3A_1497 = tpu.memref_slice %arg5[%add3A_1493] : memref<25165824xf32, #tpu.memory_space<hbm>> -> memref<1024xf32, #tpu.memory_space<hbm>>
      %dma_start3A_1498 = arith.constant 0 : i32
      %dma_start3A_1499 = tpu.memref_slice %arg8[%dma_start3A_1498] : memref<4096xf32, #tpu.memory_space<vmem>> -> memref<1024xf32, #tpu.memory_space<vmem>>
      tpu.enqueue_dma source(%dma_start3A_1499 : memref<1024xf32, #tpu.memory_space<vmem>>) target(%dma_start3A_1497 : memref<1024xf32, #tpu.memory_space<hbm>>) target_semaphore(%arg14 : memref<!tpu.dma_semaphore, #tpu.memory_space<semaphore_mem>>)
      %add3A_1500 = arith.constant 3072 : i32
      %add3A_1501 = arith.addi %mul3A_1483, %add3A_1500 : i32
      %dma_start3A_1502 = tpu.memref_slice %arg5[%add3A_1501] : memref<25165824xf32, #tpu.memory_space<hbm>> -> memref<1024xf32, #tpu.memory_space<hbm>>
      %dma_start3A_1503 = tpu.memref_slice %arg5[%add3A_1501] : memref<25165824xf32, #tpu.memory_space<hbm>> -> memref<1024xf32, #tpu.memory_space<hbm>>
      tpu.enqueue_dma source(%arg10 : memref<1024xf32, #tpu.memory_space<vmem>>) target(%dma_start3A_1503 : memref<1024xf32, #tpu.memory_space<hbm>>) target_semaphore(%arg12 : memref<!tpu.dma_semaphore, #tpu.memory_space<semaphore_mem>>)
      %add3A_1504 = arith.constant 1024 : i32
      %add3A_1505 = arith.addi %add3A_1501, %add3A_1504 : i32
      %dma_start3A_1506 = tpu.memref_slice %arg5[%add3A_1505] : memref<25165824xf32, #tpu.memory_space<hbm>> -> memref<1024xf32, #tpu.memory_space<hbm>>
      %dma_start3A_1507 = tpu.memref_slice %arg5[%add3A_1505] : memref<25165824xf32, #tpu.memory_space<hbm>> -> memref<1024xf32, #tpu.memory_space<hbm>>
      tpu.enqueue_dma source(%arg9 : memref<1024xf32, #tpu.memory_space<vmem>>) target(%dma_start3A_1507 : memref<1024xf32, #tpu.memory_space<hbm>>) target_semaphore(%arg14 : memref<!tpu.dma_semaphore, #tpu.memory_space<semaphore_mem>>)
      %add3A_1508 = arith.constant 2048 : i32
      %add3A_1509 = arith.addi %add3A_1501, %add3A_1508 : i32
      %dma_start3A_1510 = arith.constant 1024 : i32
      %dma_start3A_1511 = tpu.memref_slice %arg8[%dma_start3A_1510] : memref<4096xf32, #tpu.memory_space<vmem>> -> memref<1024xf32, #tpu.memory_space<vmem>>
      %dma_start3A_1512 = tpu.memref_slice %arg5[%add3A_1509] : memref<25165824xf32, #tpu.memory_space<hbm>> -> memref<1024xf32, #tpu.memory_space<hbm>>
      %dma_start3A_1513 = tpu.memref_slice %arg5[%add3A_1509] : memref<25165824xf32, #tpu.memory_space<hbm>> -> memref<1024xf32, #tpu.memory_space<hbm>>
      %dma_start3A_1514 = arith.constant 1024 : i32
      %dma_start3A_1515 = tpu.memref_slice %arg8[%dma_start3A_1514] : memref<4096xf32, #tpu.memory_space<vmem>> -> memref<1024xf32, #tpu.memory_space<vmem>>
      tpu.enqueue_dma source(%dma_start3A_1515 : memref<1024xf32, #tpu.memory_space<vmem>>) target(%dma_start3A_1513 : memref<1024xf32, #tpu.memory_space<hbm>>) target_semaphore(%arg14 : memref<!tpu.dma_semaphore, #tpu.memory_space<semaphore_mem>>)
      %add3A_1516 = arith.constant 6144 : i32
      %add3A_1517 = arith.addi %mul3A_1483, %add3A_1516 : i32
      %dma_start3A_1518 = tpu.memref_slice %arg5[%add3A_1517] : memref<25165824xf32, #tpu.memory_space<hbm>> -> memref<1024xf32, #tpu.memory_space<hbm>>
      %dma_start3A_1519 = tpu.memref_slice %arg5[%add3A_1517] : memref<25165824xf32, #tpu.memory_space<hbm>> -> memref<1024xf32, #tpu.memory_space<hbm>>
      tpu.enqueue_dma source(%arg10 : memref<1024xf32, #tpu.memory_space<vmem>>) target(%dma_start3A_1519 : memref<1024xf32, #tpu.memory_space<hbm>>) target_semaphore(%arg12 : memref<!tpu.dma_semaphore, #tpu.memory_space<semaphore_mem>>)
      %add3A_1520 = arith.constant 1024 : i32
      %add3A_1521 = arith.addi %add3A_1517, %add3A_1520 : i32
      %dma_start3A_1522 = tpu.memref_slice %arg5[%add3A_1521] : memref<25165824xf32, #tpu.memory_space<hbm>> -> memref<1024xf32, #tpu.memory_space<hbm>>
      %dma_start3A_1523 = tpu.memref_slice %arg5[%add3A_1521] : memref<25165824xf32, #tpu.memory_space<hbm>> -> memref<1024xf32, #tpu.memory_space<hbm>>
      tpu.enqueue_dma source(%arg9 : memref<1024xf32, #tpu.memory_space<vmem>>) target(%dma_start3A_1523 : memref<1024xf32, #tpu.memory_space<hbm>>) target_semaphore(%arg14 : memref<!tpu.dma_semaphore, #tpu.memory_space<semaphore_mem>>)
      %add3A_1524 = arith.constant 2048 : i32
      %add3A_1525 = arith.addi %add3A_1517, %add3A_1524 : i32
      %dma_start3A_1526 = arith.constant 2048 : i32
      %dma_start3A_1527 = tpu.memref_slice %arg8[%dma_start3A_1526] : memref<4096xf32, #tpu.memory_space<vmem>> -> memref<1024xf32, #tpu.memory_space<vmem>>
      %dma_start3A_1528 = tpu.memref_slice %arg5[%add3A_1525] : memref<25165824xf32, #tpu.memory_space<hbm>> -> memref<1024xf32, #tpu.memory_space<hbm>>
      %dma_start3A_1529 = tpu.memref_slice %arg5[%add3A_1525] : memref<25165824xf32, #tpu.memory_space<hbm>> -> memref<1024xf32, #tpu.memory_space<hbm>>
      %dma_start3A_1530 = arith.constant 2048 : i32
      %dma_start3A_1531 = tpu.memref_slice %arg8[%dma_start3A_1530] : memref<4096xf32, #tpu.memory_space<vmem>> -> memref<1024xf32, #tpu.memory_space<vmem>>
      tpu.enqueue_dma source(%dma_start3A_1531 : memref<1024xf32, #tpu.memory_space<vmem>>) target(%dma_start3A_1529 : memref<1024xf32, #tpu.memory_space<hbm>>) target_semaphore(%arg14 : memref<!tpu.dma_semaphore, #tpu.memory_space<semaphore_mem>>)
      %add3A_1532 = arith.constant 9216 : i32
      %add3A_1533 = arith.addi %mul3A_1483, %add3A_1532 : i32
      %dma_start3A_1534 = tpu.memref_slice %arg5[%add3A_1533] : memref<25165824xf32, #tpu.memory_space<hbm>> -> memref<1024xf32, #tpu.memory_space<hbm>>
      %dma_start3A_1535 = tpu.memref_slice %arg5[%add3A_1533] : memref<25165824xf32, #tpu.memory_space<hbm>> -> memref<1024xf32, #tpu.memory_space<hbm>>
      tpu.enqueue_dma source(%arg10 : memref<1024xf32, #tpu.memory_space<vmem>>) target(%dma_start3A_1535 : memref<1024xf32, #tpu.memory_space<hbm>>) target_semaphore(%arg12 : memref<!tpu.dma_semaphore, #tpu.memory_space<semaphore_mem>>)
      %add3A_1536 = arith.constant 1024 : i32
      %add3A_1537 = arith.addi %add3A_1533, %add3A_1536 : i32
      %dma_start3A_1538 = tpu.memref_slice %arg5[%add3A_1537] : memref<25165824xf32, #tpu.memory_space<hbm>> -> memref<1024xf32, #tpu.memory_space<hbm>>
      %dma_start3A_1539 = tpu.memref_slice %arg5[%add3A_1537] : memref<25165824xf32, #tpu.memory_space<hbm>> -> memref<1024xf32, #tpu.memory_space<hbm>>
      tpu.enqueue_dma source(%arg9 : memref<1024xf32, #tpu.memory_space<vmem>>) target(%dma_start3A_1539 : memref<1024xf32, #tpu.memory_space<hbm>>) target_semaphore(%arg14 : memref<!tpu.dma_semaphore, #tpu.memory_space<semaphore_mem>>)
      %add3A_1540 = arith.constant 2048 : i32
      %add3A_1541 = arith.addi %add3A_1533, %add3A_1540 : i32
      %dma_start3A_1542 = arith.constant 3072 : i32
      %dma_start3A_1543 = tpu.memref_slice %arg8[%dma_start3A_1542] : memref<4096xf32, #tpu.memory_space<vmem>> -> memref<1024xf32, #tpu.memory_space<vmem>>
      %dma_start3A_1544 = tpu.memref_slice %arg5[%add3A_1541] : memref<25165824xf32, #tpu.memory_space<hbm>> -> memref<1024xf32, #tpu.memory_space<hbm>>
      %dma_start3A_1545 = tpu.memref_slice %arg5[%add3A_1541] : memref<25165824xf32, #tpu.memory_space<hbm>> -> memref<1024xf32, #tpu.memory_space<hbm>>
      %dma_start3A_1546 = arith.constant 3072 : i32
      %dma_start3A_1547 = tpu.memref_slice %arg8[%dma_start3A_1546] : memref<4096xf32, #tpu.memory_space<vmem>> -> memref<1024xf32, #tpu.memory_space<vmem>>
      tpu.enqueue_dma source(%dma_start3A_1547 : memref<1024xf32, #tpu.memory_space<vmem>>) target(%dma_start3A_1545 : memref<1024xf32, #tpu.memory_space<hbm>>) target_semaphore(%arg14 : memref<!tpu.dma_semaphore, #tpu.memory_space<semaphore_mem>>)
      %add3A_1548 = arith.constant 32 : i32
      %add3A_1549 = arith.addi %add3A_1548, %add3A : i32
      %mul3A_1550 = arith.constant 32 : i32
      %mul3A_1551 = arith.muli %add3A_1549, %mul3A_1550 : i32
      %add3A_1552 = arith.addi %mul3A_1551, %mul3A_1156 : i32
      %mul3A_1553 = arith.constant 12288 : i32
      %mul3A_1554 = arith.muli %add3A_1552, %mul3A_1553 : i32
      %add3A_1555 = arith.constant 0 : i32
      %add3A_1556 = arith.addi %mul3A_1554, %add3A_1555 : i32
      %dma_start3A_1557 = tpu.memref_slice %arg5[%add3A_1556] : memref<25165824xf32, #tpu.memory_space<hbm>> -> memref<1024xf32, #tpu.memory_space<hbm>>
      %dma_start3A_1558 = tpu.memref_slice %arg5[%add3A_1556] : memref<25165824xf32, #tpu.memory_space<hbm>> -> memref<1024xf32, #tpu.memory_space<hbm>>
      tpu.enqueue_dma source(%arg10 : memref<1024xf32, #tpu.memory_space<vmem>>) target(%dma_start3A_1558 : memref<1024xf32, #tpu.memory_space<hbm>>) target_semaphore(%arg12 : memref<!tpu.dma_semaphore, #tpu.memory_space<semaphore_mem>>)
      %add3A_1559 = arith.constant 1024 : i32
      %add3A_1560 = arith.addi %add3A_1556, %add3A_1559 : i32
      %dma_start3A_1561 = tpu.memref_slice %arg5[%add3A_1560] : memref<25165824xf32, #tpu.memory_space<hbm>> -> memref<1024xf32, #tpu.memory_space<hbm>>
      %dma_start3A_1562 = tpu.memref_slice %arg5[%add3A_1560] : memref<25165824xf32, #tpu.memory_space<hbm>> -> memref<1024xf32, #tpu.memory_space<hbm>>
      tpu.enqueue_dma source(%arg9 : memref<1024xf32, #tpu.memory_space<vmem>>) target(%dma_start3A_1562 : memref<1024xf32, #tpu.memory_space<hbm>>) target_semaphore(%arg14 : memref<!tpu.dma_semaphore, #tpu.memory_space<semaphore_mem>>)
      %add3A_1563 = arith.constant 2048 : i32
      %add3A_1564 = arith.addi %add3A_1556, %add3A_1563 : i32
      %dma_start3A_1565 = arith.constant 0 : i32
      %dma_start3A_1566 = tpu.memref_slice %arg8[%dma_start3A_1565] : memref<4096xf32, #tpu.memory_space<vmem>> -> memref<1024xf32, #tpu.memory_space<vmem>>
      %dma_start3A_1567 = tpu.memref_slice %arg5[%add3A_1564] : memref<25165824xf32, #tpu.memory_space<hbm>> -> memref<1024xf32, #tpu.memory_space<hbm>>
      %dma_start3A_1568 = tpu.memref_slice %arg5[%add3A_1564] : memref<25165824xf32, #tpu.memory_space<hbm>> -> memref<1024xf32, #tpu.memory_space<hbm>>
      %dma_start3A_1569 = arith.constant 0 : i32
      %dma_start3A_1570 = tpu.memref_slice %arg8[%dma_start3A_1569] : memref<4096xf32, #tpu.memory_space<vmem>> -> memref<1024xf32, #tpu.memory_space<vmem>>
      tpu.enqueue_dma source(%dma_start3A_1570 : memref<1024xf32, #tpu.memory_space<vmem>>) target(%dma_start3A_1568 : memref<1024xf32, #tpu.memory_space<hbm>>) target_semaphore(%arg14 : memref<!tpu.dma_semaphore, #tpu.memory_space<semaphore_mem>>)
      %add3A_1571 = arith.constant 3072 : i32
      %add3A_1572 = arith.addi %mul3A_1554, %add3A_1571 : i32
      %dma_start3A_1573 = tpu.memref_slice %arg5[%add3A_1572] : memref<25165824xf32, #tpu.memory_space<hbm>> -> memref<1024xf32, #tpu.memory_space<hbm>>
      %dma_start3A_1574 = tpu.memref_slice %arg5[%add3A_1572] : memref<25165824xf32, #tpu.memory_space<hbm>> -> memref<1024xf32, #tpu.memory_space<hbm>>
      tpu.enqueue_dma source(%arg10 : memref<1024xf32, #tpu.memory_space<vmem>>) target(%dma_start3A_1574 : memref<1024xf32, #tpu.memory_space<hbm>>) target_semaphore(%arg12 : memref<!tpu.dma_semaphore, #tpu.memory_space<semaphore_mem>>)
      %add3A_1575 = arith.constant 1024 : i32
      %add3A_1576 = arith.addi %add3A_1572, %add3A_1575 : i32
      %dma_start3A_1577 = tpu.memref_slice %arg5[%add3A_1576] : memref<25165824xf32, #tpu.memory_space<hbm>> -> memref<1024xf32, #tpu.memory_space<hbm>>
      %dma_start3A_1578 = tpu.memref_slice %arg5[%add3A_1576] : memref<25165824xf32, #tpu.memory_space<hbm>> -> memref<1024xf32, #tpu.memory_space<hbm>>
      tpu.enqueue_dma source(%arg9 : memref<1024xf32, #tpu.memory_space<vmem>>) target(%dma_start3A_1578 : memref<1024xf32, #tpu.memory_space<hbm>>) target_semaphore(%arg14 : memref<!tpu.dma_semaphore, #tpu.memory_space<semaphore_mem>>)
      %add3A_1579 = arith.constant 2048 : i32
      %add3A_1580 = arith.addi %add3A_1572, %add3A_1579 : i32
      %dma_start3A_1581 = arith.constant 1024 : i32
      %dma_start3A_1582 = tpu.memref_slice %arg8[%dma_start3A_1581] : memref<4096xf32, #tpu.memory_space<vmem>> -> memref<1024xf32, #tpu.memory_space<vmem>>
      %dma_start3A_1583 = tpu.memref_slice %arg5[%add3A_1580] : memref<25165824xf32, #tpu.memory_space<hbm>> -> memref<1024xf32, #tpu.memory_space<hbm>>
      %dma_start3A_1584 = tpu.memref_slice %arg5[%add3A_1580] : memref<25165824xf32, #tpu.memory_space<hbm>> -> memref<1024xf32, #tpu.memory_space<hbm>>
      %dma_start3A_1585 = arith.constant 1024 : i32
      %dma_start3A_1586 = tpu.memref_slice %arg8[%dma_start3A_1585] : memref<4096xf32, #tpu.memory_space<vmem>> -> memref<1024xf32, #tpu.memory_space<vmem>>
      tpu.enqueue_dma source(%dma_start3A_1586 : memref<1024xf32, #tpu.memory_space<vmem>>) target(%dma_start3A_1584 : memref<1024xf32, #tpu.memory_space<hbm>>) target_semaphore(%arg14 : memref<!tpu.dma_semaphore, #tpu.memory_space<semaphore_mem>>)
      %add3A_1587 = arith.constant 6144 : i32
      %add3A_1588 = arith.addi %mul3A_1554, %add3A_1587 : i32
      %dma_start3A_1589 = tpu.memref_slice %arg5[%add3A_1588] : memref<25165824xf32, #tpu.memory_space<hbm>> -> memref<1024xf32, #tpu.memory_space<hbm>>
      %dma_start3A_1590 = tpu.memref_slice %arg5[%add3A_1588] : memref<25165824xf32, #tpu.memory_space<hbm>> -> memref<1024xf32, #tpu.memory_space<hbm>>
      tpu.enqueue_dma source(%arg10 : memref<1024xf32, #tpu.memory_space<vmem>>) target(%dma_start3A_1590 : memref<1024xf32, #tpu.memory_space<hbm>>) target_semaphore(%arg12 : memref<!tpu.dma_semaphore, #tpu.memory_space<semaphore_mem>>)
      %add3A_1591 = arith.constant 1024 : i32
      %add3A_1592 = arith.addi %add3A_1588, %add3A_1591 : i32
      %dma_start3A_1593 = tpu.memref_slice %arg5[%add3A_1592] : memref<25165824xf32, #tpu.memory_space<hbm>> -> memref<1024xf32, #tpu.memory_space<hbm>>
      %dma_start3A_1594 = tpu.memref_slice %arg5[%add3A_1592] : memref<25165824xf32, #tpu.memory_space<hbm>> -> memref<1024xf32, #tpu.memory_space<hbm>>
      tpu.enqueue_dma source(%arg9 : memref<1024xf32, #tpu.memory_space<vmem>>) target(%dma_start3A_1594 : memref<1024xf32, #tpu.memory_space<hbm>>) target_semaphore(%arg14 : memref<!tpu.dma_semaphore, #tpu.memory_space<semaphore_mem>>)
      %add3A_1595 = arith.constant 2048 : i32
      %add3A_1596 = arith.addi %add3A_1588, %add3A_1595 : i32
      %dma_start3A_1597 = arith.constant 2048 : i32
      %dma_start3A_1598 = tpu.memref_slice %arg8[%dma_start3A_1597] : memref<4096xf32, #tpu.memory_space<vmem>> -> memref<1024xf32, #tpu.memory_space<vmem>>
      %dma_start3A_1599 = tpu.memref_slice %arg5[%add3A_1596] : memref<25165824xf32, #tpu.memory_space<hbm>> -> memref<1024xf32, #tpu.memory_space<hbm>>
      %dma_start3A_1600 = tpu.memref_slice %arg5[%add3A_1596] : memref<25165824xf32, #tpu.memory_space<hbm>> -> memref<1024xf32, #tpu.memory_space<hbm>>
      %dma_start3A_1601 = arith.constant 2048 : i32
      %dma_start3A_1602 = tpu.memref_slice %arg8[%dma_start3A_1601] : memref<4096xf32, #tpu.memory_space<vmem>> -> memref<1024xf32, #tpu.memory_space<vmem>>
      tpu.enqueue_dma source(%dma_start3A_1602 : memref<1024xf32, #tpu.memory_space<vmem>>) target(%dma_start3A_1600 : memref<1024xf32, #tpu.memory_space<hbm>>) target_semaphore(%arg14 : memref<!tpu.dma_semaphore, #tpu.memory_space<semaphore_mem>>)
      %add3A_1603 = arith.constant 9216 : i32
      %add3A_1604 = arith.addi %mul3A_1554, %add3A_1603 : i32
      %dma_start3A_1605 = tpu.memref_slice %arg5[%add3A_1604] : memref<25165824xf32, #tpu.memory_space<hbm>> -> memref<1024xf32, #tpu.memory_space<hbm>>
      %dma_start3A_1606 = tpu.memref_slice %arg5[%add3A_1604] : memref<25165824xf32, #tpu.memory_space<hbm>> -> memref<1024xf32, #tpu.memory_space<hbm>>
      tpu.enqueue_dma source(%arg10 : memref<1024xf32, #tpu.memory_space<vmem>>) target(%dma_start3A_1606 : memref<1024xf32, #tpu.memory_space<hbm>>) target_semaphore(%arg12 : memref<!tpu.dma_semaphore, #tpu.memory_space<semaphore_mem>>)
      %add3A_1607 = arith.constant 1024 : i32
      %add3A_1608 = arith.addi %add3A_1604, %add3A_1607 : i32
      %dma_start3A_1609 = tpu.memref_slice %arg5[%add3A_1608] : memref<25165824xf32, #tpu.memory_space<hbm>> -> memref<1024xf32, #tpu.memory_space<hbm>>
      %dma_start3A_1610 = tpu.memref_slice %arg5[%add3A_1608] : memref<25165824xf32, #tpu.memory_space<hbm>> -> memref<1024xf32, #tpu.memory_space<hbm>>
      tpu.enqueue_dma source(%arg9 : memref<1024xf32, #tpu.memory_space<vmem>>) target(%dma_start3A_1610 : memref<1024xf32, #tpu.memory_space<hbm>>) target_semaphore(%arg14 : memref<!tpu.dma_semaphore, #tpu.memory_space<semaphore_mem>>)
      %add3A_1611 = arith.constant 2048 : i32
      %add3A_1612 = arith.addi %add3A_1604, %add3A_1611 : i32
      %dma_start3A_1613 = arith.constant 3072 : i32
      %dma_start3A_1614 = tpu.memref_slice %arg8[%dma_start3A_1613] : memref<4096xf32, #tpu.memory_space<vmem>> -> memref<1024xf32, #tpu.memory_space<vmem>>
      %dma_start3A_1615 = tpu.memref_slice %arg5[%add3A_1612] : memref<25165824xf32, #tpu.memory_space<hbm>> -> memref<1024xf32, #tpu.memory_space<hbm>>
      %dma_start3A_1616 = tpu.memref_slice %arg5[%add3A_1612] : memref<25165824xf32, #tpu.memory_space<hbm>> -> memref<1024xf32, #tpu.memory_space<hbm>>
      %dma_start3A_1617 = arith.constant 3072 : i32
      %dma_start3A_1618 = tpu.memref_slice %arg8[%dma_start3A_1617] : memref<4096xf32, #tpu.memory_space<vmem>> -> memref<1024xf32, #tpu.memory_space<vmem>>
      tpu.enqueue_dma source(%dma_start3A_1618 : memref<1024xf32, #tpu.memory_space<vmem>>) target(%dma_start3A_1616 : memref<1024xf32, #tpu.memory_space<hbm>>) target_semaphore(%arg14 : memref<!tpu.dma_semaphore, #tpu.memory_space<semaphore_mem>>)
      %dma_wait3A_1619 = arith.constant 0 : i32
      %dma_wait3A_1620 = tpu.memref_slice %arg5[%dma_wait3A_1619] : memref<25165824xf32, #tpu.memory_space<hbm>> -> memref<4096xf32, #tpu.memory_space<hbm>>
      %dma_wait3A_1621 = arith.constant 0 : i32
      %dma_wait3A_1622 = tpu.memref_slice %arg5[%dma_wait3A_1621] : memref<25165824xf32, #tpu.memory_space<hbm>> -> memref<4096xf32, #tpu.memory_space<hbm>>
      tpu.wait_dma2 semaphore(%arg13 : memref<!tpu.dma_semaphore, #tpu.memory_space<semaphore_mem>>) src(%arg6 : memref<4096xf32, #tpu.memory_space<vmem>>) dst(%dma_wait3A_1622 : memref<4096xf32, #tpu.memory_space<hbm>>)
      %dma_wait3A_1623 = arith.constant 0 : i32
      %dma_wait3A_1624 = tpu.memref_slice %arg5[%dma_wait3A_1623] : memref<25165824xf32, #tpu.memory_space<hbm>> -> memref<4096xf32, #tpu.memory_space<hbm>>
      %dma_wait3A_1625 = arith.constant 0 : i32
      %dma_wait3A_1626 = tpu.memref_slice %arg5[%dma_wait3A_1625] : memref<25165824xf32, #tpu.memory_space<hbm>> -> memref<4096xf32, #tpu.memory_space<hbm>>
      tpu.wait_dma2 semaphore(%arg13 : memref<!tpu.dma_semaphore, #tpu.memory_space<semaphore_mem>>) src(%arg6 : memref<4096xf32, #tpu.memory_space<vmem>>) dst(%dma_wait3A_1626 : memref<4096xf32, #tpu.memory_space<hbm>>)
      %add3A_1627 = arith.constant 1 : i32
      %add3A_1628 = arith.addi %mul3A_1156, %add3A_1627 : i32
      %mul3A_1629 = arith.constant 128 : i32
      %mul3A_1630 = arith.muli %add3A_1628, %mul3A_1629 : i32
      %add3A_1631 = arith.constant 0 : i32
      %add3A_1632 = arith.addi %mul3A_1630, %add3A_1631 : i32
      %get3A_1633 = arith.index_cast %add3A_1632 : i32 to index
      %get3A_1634 = tpu.vector_load %arg6[%get3A_1633] {strides = array<i32>} : memref<4096xf32, #tpu.memory_space<vmem>>, vector<16xf32>,
      %get3A_1635 = vector.shape_cast %get3A_1634 : vector<16xf32> to vector<16xf32>
      %mul3A_1636 = arith.constant 128 : i32
      %mul3A_1637 = arith.muli %add3A_1628, %mul3A_1636 : i32
      %add3A_1638 = arith.constant 16 : i32
      %add3A_1639 = arith.addi %mul3A_1637, %add3A_1638 : i32
      %get3A_1640 = arith.index_cast %add3A_1639 : i32 to index
      %get3A_1641 = tpu.vector_load %arg6[%get3A_1640] {strides = array<i32>} : memref<4096xf32, #tpu.memory_space<vmem>>, vector<16xf32>,
      %get3A_1642 = vector.shape_cast %get3A_1641 : vector<16xf32> to vector<16xf32>
      %mul3A_1643 = arith.constant 128 : i32
      %mul3A_1644 = arith.muli %add3A_1628, %mul3A_1643 : i32
      %add3A_1645 = arith.constant 32 : i32
      %add3A_1646 = arith.addi %mul3A_1644, %add3A_1645 : i32
      %get3A_1647 = arith.index_cast %add3A_1646 : i32 to index
      %get3A_1648 = tpu.vector_load %arg6[%get3A_1647] {strides = array<i32>} : memref<4096xf32, #tpu.memory_space<vmem>>, vector<16xf32>,
      %get3A_1649 = vector.shape_cast %get3A_1648 : vector<16xf32> to vector<16xf32>
      %mul3A_1650 = arith.constant 128 : i32
      %mul3A_1651 = arith.muli %add3A_1628, %mul3A_1650 : i32
      %add3A_1652 = arith.constant 48 : i32
      %add3A_1653 = arith.addi %mul3A_1651, %add3A_1652 : i32
      %get3A_1654 = arith.index_cast %add3A_1653 : i32 to index
      %get3A_1655 = tpu.vector_load %arg6[%get3A_1654] {strides = array<i32>} : memref<4096xf32, #tpu.memory_space<vmem>>, vector<16xf32>,
      %get3A_1656 = vector.shape_cast %get3A_1655 : vector<16xf32> to vector<16xf32>
      %mul3A_1657 = arith.constant 128 : i32
      %mul3A_1658 = arith.muli %add3A_1628, %mul3A_1657 : i32
      %add3A_1659 = arith.constant 64 : i32
      %add3A_1660 = arith.addi %mul3A_1658, %add3A_1659 : i32
      %get3A_1661 = arith.index_cast %add3A_1660 : i32 to index
      %get3A_1662 = tpu.vector_load %arg6[%get3A_1661] {strides = array<i32>} : memref<4096xf32, #tpu.memory_space<vmem>>, vector<16xf32>,
      %get3A_1663 = vector.shape_cast %get3A_1662 : vector<16xf32> to vector<16xf32>
      %mul3A_1664 = arith.constant 128 : i32
      %mul3A_1665 = arith.muli %add3A_1628, %mul3A_1664 : i32
      %add3A_1666 = arith.constant 80 : i32
      %add3A_1667 = arith.addi %mul3A_1665, %add3A_1666 : i32
      %get3A_1668 = arith.index_cast %add3A_1667 : i32 to index
      %get3A_1669 = tpu.vector_load %arg6[%get3A_1668] {strides = array<i32>} : memref<4096xf32, #tpu.memory_space<vmem>>, vector<16xf32>,
      %get3A_1670 = vector.shape_cast %get3A_1669 : vector<16xf32> to vector<16xf32>
      %mul3A_1671 = arith.constant 128 : i32
      %mul3A_1672 = arith.muli %add3A_1628, %mul3A_1671 : i32
      %add3A_1673 = arith.constant 96 : i32
      %add3A_1674 = arith.addi %mul3A_1672, %add3A_1673 : i32
      %get3A_1675 = arith.index_cast %add3A_1674 : i32 to index
      %get3A_1676 = tpu.vector_load %arg6[%get3A_1675] {strides = array<i32>} : memref<4096xf32, #tpu.memory_space<vmem>>, vector<16xf32>,
      %get3A_1677 = vector.shape_cast %get3A_1676 : vector<16xf32> to vector<16xf32>
      %mul3A_1678 = arith.constant 128 : i32
      %mul3A_1679 = arith.muli %add3A_1628, %mul3A_1678 : i32
      %add3A_1680 = arith.constant 112 : i32
      %add3A_1681 = arith.addi %mul3A_1679, %add3A_1680 : i32
      %get3A_1682 = arith.index_cast %add3A_1681 : i32 to index
      %get3A_1683 = tpu.vector_load %arg6[%get3A_1682] {strides = array<i32>} : memref<4096xf32, #tpu.memory_space<vmem>>, vector<16xf32>,
      %get3A_1684 = vector.shape_cast %get3A_1683 : vector<16xf32> to vector<16xf32>
      %swap3A_1685 = arith.constant 0 : index
      %swap3A_1686 = tpu.vector_load %arg11[%swap3A_1685] {strides = array<i32>} : memref<1024xf32, #tpu.memory_space<vmem>>, vector<16xf32>,
      %swap3A_1687 = vector.shape_cast %swap3A_1686 : vector<16xf32> to vector<16xf32>
      %swap3A_1688 = vector.shape_cast %get3A_1635 : vector<16xf32> to vector<16xf32>
      tpu.vector_store %arg11[%swap3A_1685], %swap3A_1688 {strides = array<i32>} : memref<1024xf32, #tpu.memory_space<vmem>>, vector<16xf32>,
      %swap3A_1689 = arith.constant 16 : index
      %swap3A_1690 = tpu.vector_load %arg11[%swap3A_1689] {strides = array<i32>} : memref<1024xf32, #tpu.memory_space<vmem>>, vector<16xf32>,
      %swap3A_1691 = vector.shape_cast %swap3A_1690 : vector<16xf32> to vector<16xf32>
      %swap3A_1692 = vector.shape_cast %get3A_1642 : vector<16xf32> to vector<16xf32>
      tpu.vector_store %arg11[%swap3A_1689], %swap3A_1692 {strides = array<i32>} : memref<1024xf32, #tpu.memory_space<vmem>>, vector<16xf32>,
      %swap3A_1693 = arith.constant 32 : index
      %swap3A_1694 = tpu.vector_load %arg11[%swap3A_1693] {strides = array<i32>} : memref<1024xf32, #tpu.memory_space<vmem>>, vector<16xf32>,
      %swap3A_1695 = vector.shape_cast %swap3A_1694 : vector<16xf32> to vector<16xf32>
      %swap3A_1696 = vector.shape_cast %get3A_1649 : vector<16xf32> to vector<16xf32>
      tpu.vector_store %arg11[%swap3A_1693], %swap3A_1696 {strides = array<i32>} : memref<1024xf32, #tpu.memory_space<vmem>>, vector<16xf32>,
      %swap3A_1697 = arith.constant 48 : index
      %swap3A_1698 = tpu.vector_load %arg11[%swap3A_1697] {strides = array<i32>} : memref<1024xf32, #tpu.memory_space<vmem>>, vector<16xf32>,
      %swap3A_1699 = vector.shape_cast %swap3A_1698 : vector<16xf32> to vector<16xf32>
      %swap3A_1700 = vector.shape_cast %get3A_1656 : vector<16xf32> to vector<16xf32>
      tpu.vector_store %arg11[%swap3A_1697], %swap3A_1700 {strides = array<i32>} : memref<1024xf32, #tpu.memory_space<vmem>>, vector<16xf32>,
      %swap3A_1701 = arith.constant 64 : index
      %swap3A_1702 = tpu.vector_load %arg11[%swap3A_1701] {strides = array<i32>} : memref<1024xf32, #tpu.memory_space<vmem>>, vector<16xf32>,
      %swap3A_1703 = vector.shape_cast %swap3A_1702 : vector<16xf32> to vector<16xf32>
      %swap3A_1704 = vector.shape_cast %get3A_1663 : vector<16xf32> to vector<16xf32>
      tpu.vector_store %arg11[%swap3A_1701], %swap3A_1704 {strides = array<i32>} : memref<1024xf32, #tpu.memory_space<vmem>>, vector<16xf32>,
      %swap3A_1705 = arith.constant 80 : index
      %swap3A_1706 = tpu.vector_load %arg11[%swap3A_1705] {strides = array<i32>} : memref<1024xf32, #tpu.memory_space<vmem>>, vector<16xf32>,
      %swap3A_1707 = vector.shape_cast %swap3A_1706 : vector<16xf32> to vector<16xf32>
      %swap3A_1708 = vector.shape_cast %get3A_1670 : vector<16xf32> to vector<16xf32>
      tpu.vector_store %arg11[%swap3A_1705], %swap3A_1708 {strides = array<i32>} : memref<1024xf32, #tpu.memory_space<vmem>>, vector<16xf32>,
      %swap3A_1709 = arith.constant 96 : index
      %swap3A_1710 = tpu.vector_load %arg11[%swap3A_1709] {strides = array<i32>} : memref<1024xf32, #tpu.memory_space<vmem>>, vector<16xf32>,
      %swap3A_1711 = vector.shape_cast %swap3A_1710 : vector<16xf32> to vector<16xf32>
      %swap3A_1712 = vector.shape_cast %get3A_1677 : vector<16xf32> to vector<16xf32>
      tpu.vector_store %arg11[%swap3A_1709], %swap3A_1712 {strides = array<i32>} : memref<1024xf32, #tpu.memory_space<vmem>>, vector<16xf32>,
      %swap3A_1713 = arith.constant 112 : index
      %swap3A_1714 = tpu.vector_load %arg11[%swap3A_1713] {strides = array<i32>} : memref<1024xf32, #tpu.memory_space<vmem>>, vector<16xf32>,
      %swap3A_1715 = vector.shape_cast %swap3A_1714 : vector<16xf32> to vector<16xf32>
      %swap3A_1716 = vector.shape_cast %get3A_1684 : vector<16xf32> to vector<16xf32>
      tpu.vector_store %arg11[%swap3A_1713], %swap3A_1716 {strides = array<i32>} : memref<1024xf32, #tpu.memory_space<vmem>>, vector<16xf32>,
      %swap3A_1717 = arith.constant 128 : index
      %swap3A_1718 = tpu.vector_load %arg11[%swap3A_1717] {strides = array<i32>} : memref<1024xf32, #tpu.memory_space<vmem>>, vector<16xf32>,
      %swap3A_1719 = vector.shape_cast %swap3A_1718 : vector<16xf32> to vector<16xf32>
      %swap3A_1720 = vector.shape_cast %get3A_1635 : vector<16xf32> to vector<16xf32>
      tpu.vector_store %arg11[%swap3A_1717], %swap3A_1720 {strides = array<i32>} : memref<1024xf32, #tpu.memory_space<vmem>>, vector<16xf32>,
      %swap3A_1721 = arith.constant 144 : index
      %swap3A_1722 = tpu.vector_load %arg11[%swap3A_1721] {strides = array<i32>} : memref<1024xf32, #tpu.memory_space<vmem>>, vector<16xf32>,
      %swap3A_1723 = vector.shape_cast %swap3A_1722 : vector<16xf32> to vector<16xf32>
      %swap3A_1724 = vector.shape_cast %get3A_1642 : vector<16xf32> to vector<16xf32>
      tpu.vector_store %arg11[%swap3A_1721], %swap3A_1724 {strides = array<i32>} : memref<1024xf32, #tpu.memory_space<vmem>>, vector<16xf32>,
      %swap3A_1725 = arith.constant 160 : index
      %swap3A_1726 = tpu.vector_load %arg11[%swap3A_1725] {strides = array<i32>} : memref<1024xf32, #tpu.memory_space<vmem>>, vector<16xf32>,
      %swap3A_1727 = vector.shape_cast %swap3A_1726 : vector<16xf32> to vector<16xf32>
      %swap3A_1728 = vector.shape_cast %get3A_1649 : vector<16xf32> to vector<16xf32>
      tpu.vector_store %arg11[%swap3A_1725], %swap3A_1728 {strides = array<i32>} : memref<1024xf32, #tpu.memory_space<vmem>>, vector<16xf32>,
      %swap3A_1729 = arith.constant 176 : index
      %swap3A_1730 = tpu.vector_load %arg11[%swap3A_1729] {strides = array<i32>} : memref<1024xf32, #tpu.memory_space<vmem>>, vector<16xf32>,
      %swap3A_1731 = vector.shape_cast %swap3A_1730 : vector<16xf32> to vector<16xf32>
      %swap3A_1732 = vector.shape_cast %get3A_1656 : vector<16xf32> to vector<16xf32>
      tpu.vector_store %arg11[%swap3A_1729], %swap3A_1732 {strides = array<i32>} : memref<1024xf32, #tpu.memory_space<vmem>>, vector<16xf32>,
      %swap3A_1733 = arith.constant 192 : index
      %swap3A_1734 = tpu.vector_load %arg11[%swap3A_1733] {strides = array<i32>} : memref<1024xf32, #tpu.memory_space<vmem>>, vector<16xf32>,
      %swap3A_1735 = vector.shape_cast %swap3A_1734 : vector<16xf32> to vector<16xf32>
      %swap3A_1736 = vector.shape_cast %get3A_1663 : vector<16xf32> to vector<16xf32>
      tpu.vector_store %arg11[%swap3A_1733], %swap3A_1736 {strides = array<i32>} : memref<1024xf32, #tpu.memory_space<vmem>>, vector<16xf32>,
      %swap3A_1737 = arith.constant 208 : index
      %swap3A_1738 = tpu.vector_load %arg11[%swap3A_1737] {strides = array<i32>} : memref<1024xf32, #tpu.memory_space<vmem>>, vector<16xf32>,
      %swap3A_1739 = vector.shape_cast %swap3A_1738 : vector<16xf32> to vector<16xf32>
      %swap3A_1740 = vector.shape_cast %get3A_1670 : vector<16xf32> to vector<16xf32>
      tpu.vector_store %arg11[%swap3A_1737], %swap3A_1740 {strides = array<i32>} : memref<1024xf32, #tpu.memory_space<vmem>>, vector<16xf32>,
      %swap3A_1741 = arith.constant 224 : index
      %swap3A_1742 = tpu.vector_load %arg11[%swap3A_1741] {strides = array<i32>} : memref<1024xf32, #tpu.memory_space<vmem>>, vector<16xf32>,
      %swap3A_1743 = vector.shape_cast %swap3A_1742 : vector<16xf32> to vector<16xf32>
      %swap3A_1744 = vector.shape_cast %get3A_1677 : vector<16xf32> to vector<16xf32>
      tpu.vector_store %arg11[%swap3A_1741], %swap3A_1744 {strides = array<i32>} : memref<1024xf32, #tpu.memory_space<vmem>>, vector<16xf32>,
      %swap3A_1745 = arith.constant 240 : index
      %swap3A_1746 = tpu.vector_load %arg11[%swap3A_1745] {strides = array<i32>} : memref<1024xf32, #tpu.memory_space<vmem>>, vector<16xf32>,
      %swap3A_1747 = vector.shape_cast %swap3A_1746 : vector<16xf32> to vector<16xf32>
      %swap3A_1748 = vector.shape_cast %get3A_1684 : vector<16xf32> to vector<16xf32>
      tpu.vector_store %arg11[%swap3A_1745], %swap3A_1748 {strides = array<i32>} : memref<1024xf32, #tpu.memory_space<vmem>>, vector<16xf32>,
      %swap3A_1749 = arith.constant 256 : index
      %swap3A_1750 = tpu.vector_load %arg11[%swap3A_1749] {strides = array<i32>} : memref<1024xf32, #tpu.memory_space<vmem>>, vector<16xf32>,
      %swap3A_1751 = vector.shape_cast %swap3A_1750 : vector<16xf32> to vector<16xf32>
      %swap3A_1752 = vector.shape_cast %get3A_1635 : vector<16xf32> to vector<16xf32>
      tpu.vector_store %arg11[%swap3A_1749], %swap3A_1752 {strides = array<i32>} : memref<1024xf32, #tpu.memory_space<vmem>>, vector<16xf32>,
      %swap3A_1753 = arith.constant 272 : index
      %swap3A_1754 = tpu.vector_load %arg11[%swap3A_1753] {strides = array<i32>} : memref<1024xf32, #tpu.memory_space<vmem>>, vector<16xf32>,
      %swap3A_1755 = vector.shape_cast %swap3A_1754 : vector<16xf32> to vector<16xf32>
      %swap3A_1756 = vector.shape_cast %get3A_1642 : vector<16xf32> to vector<16xf32>
      tpu.vector_store %arg11[%swap3A_1753], %swap3A_1756 {strides = array<i32>} : memref<1024xf32, #tpu.memory_space<vmem>>, vector<16xf32>,
      %swap3A_1757 = arith.constant 288 : index
      %swap3A_1758 = tpu.vector_load %arg11[%swap3A_1757] {strides = array<i32>} : memref<1024xf32, #tpu.memory_space<vmem>>, vector<16xf32>,
      %swap3A_1759 = vector.shape_cast %swap3A_1758 : vector<16xf32> to vector<16xf32>
      %swap3A_1760 = vector.shape_cast %get3A_1649 : vector<16xf32> to vector<16xf32>
      tpu.vector_store %arg11[%swap3A_1757], %swap3A_1760 {strides = array<i32>} : memref<1024xf32, #tpu.memory_space<vmem>>, vector<16xf32>,
      %swap3A_1761 = arith.constant 304 : index
      %swap3A_1762 = tpu.vector_load %arg11[%swap3A_1761] {strides = array<i32>} : memref<1024xf32, #tpu.memory_space<vmem>>, vector<16xf32>,
      %swap3A_1763 = vector.shape_cast %swap3A_1762 : vector<16xf32> to vector<16xf32>
      %swap3A_1764 = vector.shape_cast %get3A_1656 : vector<16xf32> to vector<16xf32>
      tpu.vector_store %arg11[%swap3A_1761], %swap3A_1764 {strides = array<i32>} : memref<1024xf32, #tpu.memory_space<vmem>>, vector<16xf32>,
      %swap3A_1765 = arith.constant 320 : index
      %swap3A_1766 = tpu.vector_load %arg11[%swap3A_1765] {strides = array<i32>} : memref<1024xf32, #tpu.memory_space<vmem>>, vector<16xf32>,
      %swap3A_1767 = vector.shape_cast %swap3A_1766 : vector<16xf32> to vector<16xf32>
      %swap3A_1768 = vector.shape_cast %get3A_1663 : vector<16xf32> to vector<16xf32>
      tpu.vector_store %arg11[%swap3A_1765], %swap3A_1768 {strides = array<i32>} : memref<1024xf32, #tpu.memory_space<vmem>>, vector<16xf32>,
      %swap3A_1769 = arith.constant 336 : index
      %swap3A_1770 = tpu.vector_load %arg11[%swap3A_1769] {strides = array<i32>} : memref<1024xf32, #tpu.memory_space<vmem>>, vector<16xf32>,
      %swap3A_1771 = vector.shape_cast %swap3A_1770 : vector<16xf32> to vector<16xf32>
      %swap3A_1772 = vector.shape_cast %get3A_1670 : vector<16xf32> to vector<16xf32>
      tpu.vector_store %arg11[%swap3A_1769], %swap3A_1772 {strides = array<i32>} : memref<1024xf32, #tpu.memory_space<vmem>>, vector<16xf32>,
      %swap3A_1773 = arith.constant 352 : index
      %swap3A_1774 = tpu.vector_load %arg11[%swap3A_1773] {strides = array<i32>} : memref<1024xf32, #tpu.memory_space<vmem>>, vector<16xf32>,
      %swap3A_1775 = vector.shape_cast %swap3A_1774 : vector<16xf32> to vector<16xf32>
      %swap3A_1776 = vector.shape_cast %get3A_1677 : vector<16xf32> to vector<16xf32>
      tpu.vector_store %arg11[%swap3A_1773], %swap3A_1776 {strides = array<i32>} : memref<1024xf32, #tpu.memory_space<vmem>>, vector<16xf32>,
      %swap3A_1777 = arith.constant 368 : index
      %swap3A_1778 = tpu.vector_load %arg11[%swap3A_1777] {strides = array<i32>} : memref<1024xf32, #tpu.memory_space<vmem>>, vector<16xf32>,
      %swap3A_1779 = vector.shape_cast %swap3A_1778 : vector<16xf32> to vector<16xf32>
      %swap3A_1780 = vector.shape_cast %get3A_1684 : vector<16xf32> to vector<16xf32>
      tpu.vector_store %arg11[%swap3A_1777], %swap3A_1780 {strides = array<i32>} : memref<1024xf32, #tpu.memory_space<vmem>>, vector<16xf32>,
      %swap3A_1781 = arith.constant 384 : index
      %swap3A_1782 = tpu.vector_load %arg11[%swap3A_1781] {strides = array<i32>} : memref<1024xf32, #tpu.memory_space<vmem>>, vector<16xf32>,
      %swap3A_1783 = vector.shape_cast %swap3A_1782 : vector<16xf32> to vector<16xf32>
      %swap3A_1784 = vector.shape_cast %get3A_1635 : vector<16xf32> to vector<16xf32>
      tpu.vector_store %arg11[%swap3A_1781], %swap3A_1784 {strides = array<i32>} : memref<1024xf32, #tpu.memory_space<vmem>>, vector<16xf32>,
      %swap3A_1785 = arith.constant 400 : index
      %swap3A_1786 = tpu.vector_load %arg11[%swap3A_1785] {strides = array<i32>} : memref<1024xf32, #tpu.memory_space<vmem>>, vector<16xf32>,
      %swap3A_1787 = vector.shape_cast %swap3A_1786 : vector<16xf32> to vector<16xf32>
      %swap3A_1788 = vector.shape_cast %get3A_1642 : vector<16xf32> to vector<16xf32>
      tpu.vector_store %arg11[%swap3A_1785], %swap3A_1788 {strides = array<i32>} : memref<1024xf32, #tpu.memory_space<vmem>>, vector<16xf32>,
      %swap3A_1789 = arith.constant 416 : index
      %swap3A_1790 = tpu.vector_load %arg11[%swap3A_1789] {strides = array<i32>} : memref<1024xf32, #tpu.memory_space<vmem>>, vector<16xf32>,
      %swap3A_1791 = vector.shape_cast %swap3A_1790 : vector<16xf32> to vector<16xf32>
      %swap3A_1792 = vector.shape_cast %get3A_1649 : vector<16xf32> to vector<16xf32>
      tpu.vector_store %arg11[%swap3A_1789], %swap3A_1792 {strides = array<i32>} : memref<1024xf32, #tpu.memory_space<vmem>>, vector<16xf32>,
      %swap3A_1793 = arith.constant 432 : index
      %swap3A_1794 = tpu.vector_load %arg11[%swap3A_1793] {strides = array<i32>} : memref<1024xf32, #tpu.memory_space<vmem>>, vector<16xf32>,
      %swap3A_1795 = vector.shape_cast %swap3A_1794 : vector<16xf32> to vector<16xf32>
      %swap3A_1796 = vector.shape_cast %get3A_1656 : vector<16xf32> to vector<16xf32>
      tpu.vector_store %arg11[%swap3A_1793], %swap3A_1796 {strides = array<i32>} : memref<1024xf32, #tpu.memory_space<vmem>>, vector<16xf32>,
      %swap3A_1797 = arith.constant 448 : index
      %swap3A_1798 = tpu.vector_load %arg11[%swap3A_1797] {strides = array<i32>} : memref<1024xf32, #tpu.memory_space<vmem>>, vector<16xf32>,
      %swap3A_1799 = vector.shape_cast %swap3A_1798 : vector<16xf32> to vector<16xf32>
      %swap3A_1800 = vector.shape_cast %get3A_1663 : vector<16xf32> to vector<16xf32>
      tpu.vector_store %arg11[%swap3A_1797], %swap3A_1800 {strides = array<i32>} : memref<1024xf32, #tpu.memory_space<vmem>>, vector<16xf32>,
      %swap3A_1801 = arith.constant 464 : index
      %swap3A_1802 = tpu.vector_load %arg11[%swap3A_1801] {strides = array<i32>} : memref<1024xf32, #tpu.memory_space<vmem>>, vector<16xf32>,
      %swap3A_1803 = vector.shape_cast %swap3A_1802 : vector<16xf32> to vector<16xf32>
      %swap3A_1804 = vector.shape_cast %get3A_1670 : vector<16xf32> to vector<16xf32>
      tpu.vector_store %arg11[%swap3A_1801], %swap3A_1804 {strides = array<i32>} : memref<1024xf32, #tpu.memory_space<vmem>>, vector<16xf32>,
      %swap3A_1805 = arith.constant 480 : index
      %swap3A_1806 = tpu.vector_load %arg11[%swap3A_1805] {strides = array<i32>} : memref<1024xf32, #tpu.memory_space<vmem>>, vector<16xf32>,
      %swap3A_1807 = vector.shape_cast %swap3A_1806 : vector<16xf32> to vector<16xf32>
      %swap3A_1808 = vector.shape_cast %get3A_1677 : vector<16xf32> to vector<16xf32>
      tpu.vector_store %arg11[%swap3A_1805], %swap3A_1808 {strides = array<i32>} : memref<1024xf32, #tpu.memory_space<vmem>>, vector<16xf32>,
      %swap3A_1809 = arith.constant 496 : index
      %swap3A_1810 = tpu.vector_load %arg11[%swap3A_1809] {strides = array<i32>} : memref<1024xf32, #tpu.memory_space<vmem>>, vector<16xf32>,
      %swap3A_1811 = vector.shape_cast %swap3A_1810 : vector<16xf32> to vector<16xf32>
      %swap3A_1812 = vector.shape_cast %get3A_1684 : vector<16xf32> to vector<16xf32>
      tpu.vector_store %arg11[%swap3A_1809], %swap3A_1812 {strides = array<i32>} : memref<1024xf32, #tpu.memory_space<vmem>>, vector<16xf32>,
      %swap3A_1813 = arith.constant 512 : index
      %swap3A_1814 = tpu.vector_load %arg11[%swap3A_1813] {strides = array<i32>} : memref<1024xf32, #tpu.memory_space<vmem>>, vector<16xf32>,
      %swap3A_1815 = vector.shape_cast %swap3A_1814 : vector<16xf32> to vector<16xf32>
      %swap3A_1816 = vector.shape_cast %get3A_1635 : vector<16xf32> to vector<16xf32>
      tpu.vector_store %arg11[%swap3A_1813], %swap3A_1816 {strides = array<i32>} : memref<1024xf32, #tpu.memory_space<vmem>>, vector<16xf32>,
      %swap3A_1817 = arith.constant 528 : index
      %swap3A_1818 = tpu.vector_load %arg11[%swap3A_1817] {strides = array<i32>} : memref<1024xf32, #tpu.memory_space<vmem>>, vector<16xf32>,
      %swap3A_1819 = vector.shape_cast %swap3A_1818 : vector<16xf32> to vector<16xf32>
      %swap3A_1820 = vector.shape_cast %get3A_1642 : vector<16xf32> to vector<16xf32>
      tpu.vector_store %arg11[%swap3A_1817], %swap3A_1820 {strides = array<i32>} : memref<1024xf32, #tpu.memory_space<vmem>>, vector<16xf32>,
      %swap3A_1821 = arith.constant 544 : index
      %swap3A_1822 = tpu.vector_load %arg11[%swap3A_1821] {strides = array<i32>} : memref<1024xf32, #tpu.memory_space<vmem>>, vector<16xf32>,
      %swap3A_1823 = vector.shape_cast %swap3A_1822 : vector<16xf32> to vector<16xf32>
      %swap3A_1824 = vector.shape_cast %get3A_1649 : vector<16xf32> to vector<16xf32>
      tpu.vector_store %arg11[%swap3A_1821], %swap3A_1824 {strides = array<i32>} : memref<1024xf32, #tpu.memory_space<vmem>>, vector<16xf32>,
      %swap3A_1825 = arith.constant 560 : index
      %swap3A_1826 = tpu.vector_load %arg11[%swap3A_1825] {strides = array<i32>} : memref<1024xf32, #tpu.memory_space<vmem>>, vector<16xf32>,
      %swap3A_1827 = vector.shape_cast %swap3A_1826 : vector<16xf32> to vector<16xf32>
      %swap3A_1828 = vector.shape_cast %get3A_1656 : vector<16xf32> to vector<16xf32>
      tpu.vector_store %arg11[%swap3A_1825], %swap3A_1828 {strides = array<i32>} : memref<1024xf32, #tpu.memory_space<vmem>>, vector<16xf32>,
      %swap3A_1829 = arith.constant 576 : index
      %swap3A_1830 = tpu.vector_load %arg11[%swap3A_1829] {strides = array<i32>} : memref<1024xf32, #tpu.memory_space<vmem>>, vector<16xf32>,
      %swap3A_1831 = vector.shape_cast %swap3A_1830 : vector<16xf32> to vector<16xf32>
      %swap3A_1832 = vector.shape_cast %get3A_1663 : vector<16xf32> to vector<16xf32>
      tpu.vector_store %arg11[%swap3A_1829], %swap3A_1832 {strides = array<i32>} : memref<1024xf32, #tpu.memory_space<vmem>>, vector<16xf32>,
      %swap3A_1833 = arith.constant 592 : index
      %swap3A_1834 = tpu.vector_load %arg11[%swap3A_1833] {strides = array<i32>} : memref<1024xf32, #tpu.memory_space<vmem>>, vector<16xf32>,
      %swap3A_1835 = vector.shape_cast %swap3A_1834 : vector<16xf32> to vector<16xf32>
      %swap3A_1836 = vector.shape_cast %get3A_1670 : vector<16xf32> to vector<16xf32>
      tpu.vector_store %arg11[%swap3A_1833], %swap3A_1836 {strides = array<i32>} : memref<1024xf32, #tpu.memory_space<vmem>>, vector<16xf32>,
      %swap3A_1837 = arith.constant 608 : index
      %swap3A_1838 = tpu.vector_load %arg11[%swap3A_1837] {strides = array<i32>} : memref<1024xf32, #tpu.memory_space<vmem>>, vector<16xf32>,
      %swap3A_1839 = vector.shape_cast %swap3A_1838 : vector<16xf32> to vector<16xf32>
      %swap3A_1840 = vector.shape_cast %get3A_1677 : vector<16xf32> to vector<16xf32>
      tpu.vector_store %arg11[%swap3A_1837], %swap3A_1840 {strides = array<i32>} : memref<1024xf32, #tpu.memory_space<vmem>>, vector<16xf32>,
      %swap3A_1841 = arith.constant 624 : index
      %swap3A_1842 = tpu.vector_load %arg11[%swap3A_1841] {strides = array<i32>} : memref<1024xf32, #tpu.memory_space<vmem>>, vector<16xf32>,
      %swap3A_1843 = vector.shape_cast %swap3A_1842 : vector<16xf32> to vector<16xf32>
      %swap3A_1844 = vector.shape_cast %get3A_1684 : vector<16xf32> to vector<16xf32>
      tpu.vector_store %arg11[%swap3A_1841], %swap3A_1844 {strides = array<i32>} : memref<1024xf32, #tpu.memory_space<vmem>>, vector<16xf32>,
      %swap3A_1845 = arith.constant 640 : index
      %swap3A_1846 = tpu.vector_load %arg11[%swap3A_1845] {strides = array<i32>} : memref<1024xf32, #tpu.memory_space<vmem>>, vector<16xf32>,
      %swap3A_1847 = vector.shape_cast %swap3A_1846 : vector<16xf32> to vector<16xf32>
      %swap3A_1848 = vector.shape_cast %get3A_1635 : vector<16xf32> to vector<16xf32>
      tpu.vector_store %arg11[%swap3A_1845], %swap3A_1848 {strides = array<i32>} : memref<1024xf32, #tpu.memory_space<vmem>>, vector<16xf32>,
      %swap3A_1849 = arith.constant 656 : index
      %swap3A_1850 = tpu.vector_load %arg11[%swap3A_1849] {strides = array<i32>} : memref<1024xf32, #tpu.memory_space<vmem>>, vector<16xf32>,
      %swap3A_1851 = vector.shape_cast %swap3A_1850 : vector<16xf32> to vector<16xf32>
      %swap3A_1852 = vector.shape_cast %get3A_1642 : vector<16xf32> to vector<16xf32>
      tpu.vector_store %arg11[%swap3A_1849], %swap3A_1852 {strides = array<i32>} : memref<1024xf32, #tpu.memory_space<vmem>>, vector<16xf32>,
      %swap3A_1853 = arith.constant 672 : index
      %swap3A_1854 = tpu.vector_load %arg11[%swap3A_1853] {strides = array<i32>} : memref<1024xf32, #tpu.memory_space<vmem>>, vector<16xf32>,
      %swap3A_1855 = vector.shape_cast %swap3A_1854 : vector<16xf32> to vector<16xf32>
      %swap3A_1856 = vector.shape_cast %get3A_1649 : vector<16xf32> to vector<16xf32>
      tpu.vector_store %arg11[%swap3A_1853], %swap3A_1856 {strides = array<i32>} : memref<1024xf32, #tpu.memory_space<vmem>>, vector<16xf32>,
      %swap3A_1857 = arith.constant 688 : index
      %swap3A_1858 = tpu.vector_load %arg11[%swap3A_1857] {strides = array<i32>} : memref<1024xf32, #tpu.memory_space<vmem>>, vector<16xf32>,
      %swap3A_1859 = vector.shape_cast %swap3A_1858 : vector<16xf32> to vector<16xf32>
      %swap3A_1860 = vector.shape_cast %get3A_1656 : vector<16xf32> to vector<16xf32>
      tpu.vector_store %arg11[%swap3A_1857], %swap3A_1860 {strides = array<i32>} : memref<1024xf32, #tpu.memory_space<vmem>>, vector<16xf32>,
      %swap3A_1861 = arith.constant 704 : index
      %swap3A_1862 = tpu.vector_load %arg11[%swap3A_1861] {strides = array<i32>} : memref<1024xf32, #tpu.memory_space<vmem>>, vector<16xf32>,
      %swap3A_1863 = vector.shape_cast %swap3A_1862 : vector<16xf32> to vector<16xf32>
      %swap3A_1864 = vector.shape_cast %get3A_1663 : vector<16xf32> to vector<16xf32>
      tpu.vector_store %arg11[%swap3A_1861], %swap3A_1864 {strides = array<i32>} : memref<1024xf32, #tpu.memory_space<vmem>>, vector<16xf32>,
      %swap3A_1865 = arith.constant 720 : index
      %swap3A_1866 = tpu.vector_load %arg11[%swap3A_1865] {strides = array<i32>} : memref<1024xf32, #tpu.memory_space<vmem>>, vector<16xf32>,
      %swap3A_1867 = vector.shape_cast %swap3A_1866 : vector<16xf32> to vector<16xf32>
      %swap3A_1868 = vector.shape_cast %get3A_1670 : vector<16xf32> to vector<16xf32>
      tpu.vector_store %arg11[%swap3A_1865], %swap3A_1868 {strides = array<i32>} : memref<1024xf32, #tpu.memory_space<vmem>>, vector<16xf32>,
      %swap3A_1869 = arith.constant 736 : index
      %swap3A_1870 = tpu.vector_load %arg11[%swap3A_1869] {strides = array<i32>} : memref<1024xf32, #tpu.memory_space<vmem>>, vector<16xf32>,
      %swap3A_1871 = vector.shape_cast %swap3A_1870 : vector<16xf32> to vector<16xf32>
      %swap3A_1872 = vector.shape_cast %get3A_1677 : vector<16xf32> to vector<16xf32>
      tpu.vector_store %arg11[%swap3A_1869], %swap3A_1872 {strides = array<i32>} : memref<1024xf32, #tpu.memory_space<vmem>>, vector<16xf32>,
      %swap3A_1873 = arith.constant 752 : index
      %swap3A_1874 = tpu.vector_load %arg11[%swap3A_1873] {strides = array<i32>} : memref<1024xf32, #tpu.memory_space<vmem>>, vector<16xf32>,
      %swap3A_1875 = vector.shape_cast %swap3A_1874 : vector<16xf32> to vector<16xf32>
      %swap3A_1876 = vector.shape_cast %get3A_1684 : vector<16xf32> to vector<16xf32>
      tpu.vector_store %arg11[%swap3A_1873], %swap3A_1876 {strides = array<i32>} : memref<1024xf32, #tpu.memory_space<vmem>>, vector<16xf32>,
      %swap3A_1877 = arith.constant 768 : index
      %swap3A_1878 = tpu.vector_load %arg11[%swap3A_1877] {strides = array<i32>} : memref<1024xf32, #tpu.memory_space<vmem>>, vector<16xf32>,
      %swap3A_1879 = vector.shape_cast %swap3A_1878 : vector<16xf32> to vector<16xf32>
      %swap3A_1880 = vector.shape_cast %get3A_1635 : vector<16xf32> to vector<16xf32>
      tpu.vector_store %arg11[%swap3A_1877], %swap3A_1880 {strides = array<i32>} : memref<1024xf32, #tpu.memory_space<vmem>>, vector<16xf32>,
      %swap3A_1881 = arith.constant 784 : index
      %swap3A_1882 = tpu.vector_load %arg11[%swap3A_1881] {strides = array<i32>} : memref<1024xf32, #tpu.memory_space<vmem>>, vector<16xf32>,
      %swap3A_1883 = vector.shape_cast %swap3A_1882 : vector<16xf32> to vector<16xf32>
      %swap3A_1884 = vector.shape_cast %get3A_1642 : vector<16xf32> to vector<16xf32>
      tpu.vector_store %arg11[%swap3A_1881], %swap3A_1884 {strides = array<i32>} : memref<1024xf32, #tpu.memory_space<vmem>>, vector<16xf32>,
      %swap3A_1885 = arith.constant 800 : index
      %swap3A_1886 = tpu.vector_load %arg11[%swap3A_1885] {strides = array<i32>} : memref<1024xf32, #tpu.memory_space<vmem>>, vector<16xf32>,
      %swap3A_1887 = vector.shape_cast %swap3A_1886 : vector<16xf32> to vector<16xf32>
      %swap3A_1888 = vector.shape_cast %get3A_1649 : vector<16xf32> to vector<16xf32>
      tpu.vector_store %arg11[%swap3A_1885], %swap3A_1888 {strides = array<i32>} : memref<1024xf32, #tpu.memory_space<vmem>>, vector<16xf32>,
      %swap3A_1889 = arith.constant 816 : index
      %swap3A_1890 = tpu.vector_load %arg11[%swap3A_1889] {strides = array<i32>} : memref<1024xf32, #tpu.memory_space<vmem>>, vector<16xf32>,
      %swap3A_1891 = vector.shape_cast %swap3A_1890 : vector<16xf32> to vector<16xf32>
      %swap3A_1892 = vector.shape_cast %get3A_1656 : vector<16xf32> to vector<16xf32>
      tpu.vector_store %arg11[%swap3A_1889], %swap3A_1892 {strides = array<i32>} : memref<1024xf32, #tpu.memory_space<vmem>>, vector<16xf32>,
      %swap3A_1893 = arith.constant 832 : index
      %swap3A_1894 = tpu.vector_load %arg11[%swap3A_1893] {strides = array<i32>} : memref<1024xf32, #tpu.memory_space<vmem>>, vector<16xf32>,
      %swap3A_1895 = vector.shape_cast %swap3A_1894 : vector<16xf32> to vector<16xf32>
      %swap3A_1896 = vector.shape_cast %get3A_1663 : vector<16xf32> to vector<16xf32>
      tpu.vector_store %arg11[%swap3A_1893], %swap3A_1896 {strides = array<i32>} : memref<1024xf32, #tpu.memory_space<vmem>>, vector<16xf32>,
      %swap3A_1897 = arith.constant 848 : index
      %swap3A_1898 = tpu.vector_load %arg11[%swap3A_1897] {strides = array<i32>} : memref<1024xf32, #tpu.memory_space<vmem>>, vector<16xf32>,
      %swap3A_1899 = vector.shape_cast %swap3A_1898 : vector<16xf32> to vector<16xf32>
      %swap3A_1900 = vector.shape_cast %get3A_1670 : vector<16xf32> to vector<16xf32>
      tpu.vector_store %arg11[%swap3A_1897], %swap3A_1900 {strides = array<i32>} : memref<1024xf32, #tpu.memory_space<vmem>>, vector<16xf32>,
      %swap3A_1901 = arith.constant 864 : index
      %swap3A_1902 = tpu.vector_load %arg11[%swap3A_1901] {strides = array<i32>} : memref<1024xf32, #tpu.memory_space<vmem>>, vector<16xf32>,
      %swap3A_1903 = vector.shape_cast %swap3A_1902 : vector<16xf32> to vector<16xf32>
      %swap3A_1904 = vector.shape_cast %get3A_1677 : vector<16xf32> to vector<16xf32>
      tpu.vector_store %arg11[%swap3A_1901], %swap3A_1904 {strides = array<i32>} : memref<1024xf32, #tpu.memory_space<vmem>>, vector<16xf32>,
      %swap3A_1905 = arith.constant 880 : index
      %swap3A_1906 = tpu.vector_load %arg11[%swap3A_1905] {strides = array<i32>} : memref<1024xf32, #tpu.memory_space<vmem>>, vector<16xf32>,
      %swap3A_1907 = vector.shape_cast %swap3A_1906 : vector<16xf32> to vector<16xf32>
      %swap3A_1908 = vector.shape_cast %get3A_1684 : vector<16xf32> to vector<16xf32>
      tpu.vector_store %arg11[%swap3A_1905], %swap3A_1908 {strides = array<i32>} : memref<1024xf32, #tpu.memory_space<vmem>>, vector<16xf32>,
      %swap3A_1909 = arith.constant 896 : index
      %swap3A_1910 = tpu.vector_load %arg11[%swap3A_1909] {strides = array<i32>} : memref<1024xf32, #tpu.memory_space<vmem>>, vector<16xf32>,
      %swap3A_1911 = vector.shape_cast %swap3A_1910 : vector<16xf32> to vector<16xf32>
      %swap3A_1912 = vector.shape_cast %get3A_1635 : vector<16xf32> to vector<16xf32>
      tpu.vector_store %arg11[%swap3A_1909], %swap3A_1912 {strides = array<i32>} : memref<1024xf32, #tpu.memory_space<vmem>>, vector<16xf32>,
      %swap3A_1913 = arith.constant 912 : index
      %swap3A_1914 = tpu.vector_load %arg11[%swap3A_1913] {strides = array<i32>} : memref<1024xf32, #tpu.memory_space<vmem>>, vector<16xf32>,
      %swap3A_1915 = vector.shape_cast %swap3A_1914 : vector<16xf32> to vector<16xf32>
      %swap3A_1916 = vector.shape_cast %get3A_1642 : vector<16xf32> to vector<16xf32>
      tpu.vector_store %arg11[%swap3A_1913], %swap3A_1916 {strides = array<i32>} : memref<1024xf32, #tpu.memory_space<vmem>>, vector<16xf32>,
      %swap3A_1917 = arith.constant 928 : index
      %swap3A_1918 = tpu.vector_load %arg11[%swap3A_1917] {strides = array<i32>} : memref<1024xf32, #tpu.memory_space<vmem>>, vector<16xf32>,
      %swap3A_1919 = vector.shape_cast %swap3A_1918 : vector<16xf32> to vector<16xf32>
      %swap3A_1920 = vector.shape_cast %get3A_1649 : vector<16xf32> to vector<16xf32>
      tpu.vector_store %arg11[%swap3A_1917], %swap3A_1920 {strides = array<i32>} : memref<1024xf32, #tpu.memory_space<vmem>>, vector<16xf32>,
      %swap3A_1921 = arith.constant 944 : index
      %swap3A_1922 = tpu.vector_load %arg11[%swap3A_1921] {strides = array<i32>} : memref<1024xf32, #tpu.memory_space<vmem>>, vector<16xf32>,
      %swap3A_1923 = vector.shape_cast %swap3A_1922 : vector<16xf32> to vector<16xf32>
      %swap3A_1924 = vector.shape_cast %get3A_1656 : vector<16xf32> to vector<16xf32>
      tpu.vector_store %arg11[%swap3A_1921], %swap3A_1924 {strides = array<i32>} : memref<1024xf32, #tpu.memory_space<vmem>>, vector<16xf32>,
      %swap3A_1925 = arith.constant 960 : index
      %swap3A_1926 = tpu.vector_load %arg11[%swap3A_1925] {strides = array<i32>} : memref<1024xf32, #tpu.memory_space<vmem>>, vector<16xf32>,
      %swap3A_1927 = vector.shape_cast %swap3A_1926 : vector<16xf32> to vector<16xf32>
      %swap3A_1928 = vector.shape_cast %get3A_1663 : vector<16xf32> to vector<16xf32>
      tpu.vector_store %arg11[%swap3A_1925], %swap3A_1928 {strides = array<i32>} : memref<1024xf32, #tpu.memory_space<vmem>>, vector<16xf32>,
      %swap3A_1929 = arith.constant 976 : index
      %swap3A_1930 = tpu.vector_load %arg11[%swap3A_1929] {strides = array<i32>} : memref<1024xf32, #tpu.memory_space<vmem>>, vector<16xf32>,
      %swap3A_1931 = vector.shape_cast %swap3A_1930 : vector<16xf32> to vector<16xf32>
      %swap3A_1932 = vector.shape_cast %get3A_1670 : vector<16xf32> to vector<16xf32>
      tpu.vector_store %arg11[%swap3A_1929], %swap3A_1932 {strides = array<i32>} : memref<1024xf32, #tpu.memory_space<vmem>>, vector<16xf32>,
      %swap3A_1933 = arith.constant 992 : index
      %swap3A_1934 = tpu.vector_load %arg11[%swap3A_1933] {strides = array<i32>} : memref<1024xf32, #tpu.memory_space<vmem>>, vector<16xf32>,
      %swap3A_1935 = vector.shape_cast %swap3A_1934 : vector<16xf32> to vector<16xf32>
      %swap3A_1936 = vector.shape_cast %get3A_1677 : vector<16xf32> to vector<16xf32>
      tpu.vector_store %arg11[%swap3A_1933], %swap3A_1936 {strides = array<i32>} : memref<1024xf32, #tpu.memory_space<vmem>>, vector<16xf32>,
      %swap3A_1937 = arith.constant 1008 : index
      %swap3A_1938 = tpu.vector_load %arg11[%swap3A_1937] {strides = array<i32>} : memref<1024xf32, #tpu.memory_space<vmem>>, vector<16xf32>,
      %swap3A_1939 = vector.shape_cast %swap3A_1938 : vector<16xf32> to vector<16xf32>
      %swap3A_1940 = vector.shape_cast %get3A_1684 : vector<16xf32> to vector<16xf32>
      tpu.vector_store %arg11[%swap3A_1937], %swap3A_1940 {strides = array<i32>} : memref<1024xf32, #tpu.memory_space<vmem>>, vector<16xf32>,
      %add3A_1941 = arith.constant 1 : i32
      %add3A_1942 = arith.addi %mul3A_1156, %add3A_1941 : i32
      %add3A_1943 = arith.constant 0 : i32
      %add3A_1944 = arith.addi %add3A_1943, %add3A : i32
      %mul3A_1945 = arith.constant 32 : i32
      %mul3A_1946 = arith.muli %add3A_1944, %mul3A_1945 : i32
      %add3A_1947 = arith.addi %mul3A_1946, %add3A_1942 : i32
      %mul3A_1948 = arith.constant 12288 : i32
      %mul3A_1949 = arith.muli %add3A_1947, %mul3A_1948 : i32
      %add3A_1950 = arith.constant 0 : i32
      %add3A_1951 = arith.addi %mul3A_1949, %add3A_1950 : i32
      %dma_start3A_1952 = tpu.memref_slice %arg5[%add3A_1951] : memref<25165824xf32, #tpu.memory_space<hbm>> -> memref<1024xf32, #tpu.memory_space<hbm>>
      %dma_start3A_1953 = tpu.memref_slice %arg5[%add3A_1951] : memref<25165824xf32, #tpu.memory_space<hbm>> -> memref<1024xf32, #tpu.memory_space<hbm>>
      tpu.enqueue_dma source(%arg11 : memref<1024xf32, #tpu.memory_space<vmem>>) target(%dma_start3A_1953 : memref<1024xf32, #tpu.memory_space<hbm>>) target_semaphore(%arg13 : memref<!tpu.dma_semaphore, #tpu.memory_space<semaphore_mem>>)
      %add3A_1954 = arith.constant 1024 : i32
      %add3A_1955 = arith.addi %add3A_1951, %add3A_1954 : i32
      %dma_start3A_1956 = tpu.memref_slice %arg5[%add3A_1955] : memref<25165824xf32, #tpu.memory_space<hbm>> -> memref<1024xf32, #tpu.memory_space<hbm>>
      %dma_start3A_1957 = tpu.memref_slice %arg5[%add3A_1955] : memref<25165824xf32, #tpu.memory_space<hbm>> -> memref<1024xf32, #tpu.memory_space<hbm>>
      tpu.enqueue_dma source(%arg9 : memref<1024xf32, #tpu.memory_space<vmem>>) target(%dma_start3A_1957 : memref<1024xf32, #tpu.memory_space<hbm>>) target_semaphore(%arg14 : memref<!tpu.dma_semaphore, #tpu.memory_space<semaphore_mem>>)
      %add3A_1958 = arith.constant 2048 : i32
      %add3A_1959 = arith.addi %add3A_1951, %add3A_1958 : i32
      %dma_start3A_1960 = arith.constant 0 : i32
      %dma_start3A_1961 = tpu.memref_slice %arg8[%dma_start3A_1960] : memref<4096xf32, #tpu.memory_space<vmem>> -> memref<1024xf32, #tpu.memory_space<vmem>>
      %dma_start3A_1962 = tpu.memref_slice %arg5[%add3A_1959] : memref<25165824xf32, #tpu.memory_space<hbm>> -> memref<1024xf32, #tpu.memory_space<hbm>>
      %dma_start3A_1963 = tpu.memref_slice %arg5[%add3A_1959] : memref<25165824xf32, #tpu.memory_space<hbm>> -> memref<1024xf32, #tpu.memory_space<hbm>>
      %dma_start3A_1964 = arith.constant 0 : i32
      %dma_start3A_1965 = tpu.memref_slice %arg8[%dma_start3A_1964] : memref<4096xf32, #tpu.memory_space<vmem>> -> memref<1024xf32, #tpu.memory_space<vmem>>
      tpu.enqueue_dma source(%dma_start3A_1965 : memref<1024xf32, #tpu.memory_space<vmem>>) target(%dma_start3A_1963 : memref<1024xf32, #tpu.memory_space<hbm>>) target_semaphore(%arg14 : memref<!tpu.dma_semaphore, #tpu.memory_space<semaphore_mem>>)
      %add3A_1966 = arith.constant 3072 : i32
      %add3A_1967 = arith.addi %mul3A_1949, %add3A_1966 : i32
      %dma_start3A_1968 = tpu.memref_slice %arg5[%add3A_1967] : memref<25165824xf32, #tpu.memory_space<hbm>> -> memref<1024xf32, #tpu.memory_space<hbm>>
      %dma_start3A_1969 = tpu.memref_slice %arg5[%add3A_1967] : memref<25165824xf32, #tpu.memory_space<hbm>> -> memref<1024xf32, #tpu.memory_space<hbm>>
      tpu.enqueue_dma source(%arg11 : memref<1024xf32, #tpu.memory_space<vmem>>) target(%dma_start3A_1969 : memref<1024xf32, #tpu.memory_space<hbm>>) target_semaphore(%arg13 : memref<!tpu.dma_semaphore, #tpu.memory_space<semaphore_mem>>)
      %add3A_1970 = arith.constant 1024 : i32
      %add3A_1971 = arith.addi %add3A_1967, %add3A_1970 : i32
      %dma_start3A_1972 = tpu.memref_slice %arg5[%add3A_1971] : memref<25165824xf32, #tpu.memory_space<hbm>> -> memref<1024xf32, #tpu.memory_space<hbm>>
      %dma_start3A_1973 = tpu.memref_slice %arg5[%add3A_1971] : memref<25165824xf32, #tpu.memory_space<hbm>> -> memref<1024xf32, #tpu.memory_space<hbm>>
      tpu.enqueue_dma source(%arg9 : memref<1024xf32, #tpu.memory_space<vmem>>) target(%dma_start3A_1973 : memref<1024xf32, #tpu.memory_space<hbm>>) target_semaphore(%arg14 : memref<!tpu.dma_semaphore, #tpu.memory_space<semaphore_mem>>)
      %add3A_1974 = arith.constant 2048 : i32
      %add3A_1975 = arith.addi %add3A_1967, %add3A_1974 : i32
      %dma_start3A_1976 = arith.constant 1024 : i32
      %dma_start3A_1977 = tpu.memref_slice %arg8[%dma_start3A_1976] : memref<4096xf32, #tpu.memory_space<vmem>> -> memref<1024xf32, #tpu.memory_space<vmem>>
      %dma_start3A_1978 = tpu.memref_slice %arg5[%add3A_1975] : memref<25165824xf32, #tpu.memory_space<hbm>> -> memref<1024xf32, #tpu.memory_space<hbm>>
      %dma_start3A_1979 = tpu.memref_slice %arg5[%add3A_1975] : memref<25165824xf32, #tpu.memory_space<hbm>> -> memref<1024xf32, #tpu.memory_space<hbm>>
      %dma_start3A_1980 = arith.constant 1024 : i32
      %dma_start3A_1981 = tpu.memref_slice %arg8[%dma_start3A_1980] : memref<4096xf32, #tpu.memory_space<vmem>> -> memref<1024xf32, #tpu.memory_space<vmem>>
      tpu.enqueue_dma source(%dma_start3A_1981 : memref<1024xf32, #tpu.memory_space<vmem>>) target(%dma_start3A_1979 : memref<1024xf32, #tpu.memory_space<hbm>>) target_semaphore(%arg14 : memref<!tpu.dma_semaphore, #tpu.memory_space<semaphore_mem>>)
      %add3A_1982 = arith.constant 6144 : i32
      %add3A_1983 = arith.addi %mul3A_1949, %add3A_1982 : i32
      %dma_start3A_1984 = tpu.memref_slice %arg5[%add3A_1983] : memref<25165824xf32, #tpu.memory_space<hbm>> -> memref<1024xf32, #tpu.memory_space<hbm>>
      %dma_start3A_1985 = tpu.memref_slice %arg5[%add3A_1983] : memref<25165824xf32, #tpu.memory_space<hbm>> -> memref<1024xf32, #tpu.memory_space<hbm>>
      tpu.enqueue_dma source(%arg11 : memref<1024xf32, #tpu.memory_space<vmem>>) target(%dma_start3A_1985 : memref<1024xf32, #tpu.memory_space<hbm>>) target_semaphore(%arg13 : memref<!tpu.dma_semaphore, #tpu.memory_space<semaphore_mem>>)
      %add3A_1986 = arith.constant 1024 : i32
      %add3A_1987 = arith.addi %add3A_1983, %add3A_1986 : i32
      %dma_start3A_1988 = tpu.memref_slice %arg5[%add3A_1987] : memref<25165824xf32, #tpu.memory_space<hbm>> -> memref<1024xf32, #tpu.memory_space<hbm>>
      %dma_start3A_1989 = tpu.memref_slice %arg5[%add3A_1987] : memref<25165824xf32, #tpu.memory_space<hbm>> -> memref<1024xf32, #tpu.memory_space<hbm>>
      tpu.enqueue_dma source(%arg9 : memref<1024xf32, #tpu.memory_space<vmem>>) target(%dma_start3A_1989 : memref<1024xf32, #tpu.memory_space<hbm>>) target_semaphore(%arg14 : memref<!tpu.dma_semaphore, #tpu.memory_space<semaphore_mem>>)
      %add3A_1990 = arith.constant 2048 : i32
      %add3A_1991 = arith.addi %add3A_1983, %add3A_1990 : i32
      %dma_start3A_1992 = arith.constant 2048 : i32
      %dma_start3A_1993 = tpu.memref_slice %arg8[%dma_start3A_1992] : memref<4096xf32, #tpu.memory_space<vmem>> -> memref<1024xf32, #tpu.memory_space<vmem>>
      %dma_start3A_1994 = tpu.memref_slice %arg5[%add3A_1991] : memref<25165824xf32, #tpu.memory_space<hbm>> -> memref<1024xf32, #tpu.memory_space<hbm>>
      %dma_start3A_1995 = tpu.memref_slice %arg5[%add3A_1991] : memref<25165824xf32, #tpu.memory_space<hbm>> -> memref<1024xf32, #tpu.memory_space<hbm>>
      %dma_start3A_1996 = arith.constant 2048 : i32
      %dma_start3A_1997 = tpu.memref_slice %arg8[%dma_start3A_1996] : memref<4096xf32, #tpu.memory_space<vmem>> -> memref<1024xf32, #tpu.memory_space<vmem>>
      tpu.enqueue_dma source(%dma_start3A_1997 : memref<1024xf32, #tpu.memory_space<vmem>>) target(%dma_start3A_1995 : memref<1024xf32, #tpu.memory_space<hbm>>) target_semaphore(%arg14 : memref<!tpu.dma_semaphore, #tpu.memory_space<semaphore_mem>>)
      %add3A_1998 = arith.constant 9216 : i32
      %add3A_1999 = arith.addi %mul3A_1949, %add3A_1998 : i32
      %dma_start3A_2000 = tpu.memref_slice %arg5[%add3A_1999] : memref<25165824xf32, #tpu.memory_space<hbm>> -> memref<1024xf32, #tpu.memory_space<hbm>>
      %dma_start3A_2001 = tpu.memref_slice %arg5[%add3A_1999] : memref<25165824xf32, #tpu.memory_space<hbm>> -> memref<1024xf32, #tpu.memory_space<hbm>>
      tpu.enqueue_dma source(%arg11 : memref<1024xf32, #tpu.memory_space<vmem>>) target(%dma_start3A_2001 : memref<1024xf32, #tpu.memory_space<hbm>>) target_semaphore(%arg13 : memref<!tpu.dma_semaphore, #tpu.memory_space<semaphore_mem>>)
      %add3A_2002 = arith.constant 1024 : i32
      %add3A_2003 = arith.addi %add3A_1999, %add3A_2002 : i32
      %dma_start3A_2004 = tpu.memref_slice %arg5[%add3A_2003] : memref<25165824xf32, #tpu.memory_space<hbm>> -> memref<1024xf32, #tpu.memory_space<hbm>>
      %dma_start3A_2005 = tpu.memref_slice %arg5[%add3A_2003] : memref<25165824xf32, #tpu.memory_space<hbm>> -> memref<1024xf32, #tpu.memory_space<hbm>>
      tpu.enqueue_dma source(%arg9 : memref<1024xf32, #tpu.memory_space<vmem>>) target(%dma_start3A_2005 : memref<1024xf32, #tpu.memory_space<hbm>>) target_semaphore(%arg14 : memref<!tpu.dma_semaphore, #tpu.memory_space<semaphore_mem>>)
      %add3A_2006 = arith.constant 2048 : i32
      %add3A_2007 = arith.addi %add3A_1999, %add3A_2006 : i32
      %dma_start3A_2008 = arith.constant 3072 : i32
      %dma_start3A_2009 = tpu.memref_slice %arg8[%dma_start3A_2008] : memref<4096xf32, #tpu.memory_space<vmem>> -> memref<1024xf32, #tpu.memory_space<vmem>>
      %dma_start3A_2010 = tpu.memref_slice %arg5[%add3A_2007] : memref<25165824xf32, #tpu.memory_space<hbm>> -> memref<1024xf32, #tpu.memory_space<hbm>>
      %dma_start3A_2011 = tpu.memref_slice %arg5[%add3A_2007] : memref<25165824xf32, #tpu.memory_space<hbm>> -> memref<1024xf32, #tpu.memory_space<hbm>>
      %dma_start3A_2012 = arith.constant 3072 : i32
      %dma_start3A_2013 = tpu.memref_slice %arg8[%dma_start3A_2012] : memref<4096xf32, #tpu.memory_space<vmem>> -> memref<1024xf32, #tpu.memory_space<vmem>>
      tpu.enqueue_dma source(%dma_start3A_2013 : memref<1024xf32, #tpu.memory_space<vmem>>) target(%dma_start3A_2011 : memref<1024xf32, #tpu.memory_space<hbm>>) target_semaphore(%arg14 : memref<!tpu.dma_semaphore, #tpu.memory_space<semaphore_mem>>)
      %add3A_2014 = arith.constant 32 : i32
      %add3A_2015 = arith.addi %add3A_2014, %add3A : i32
      %mul3A_2016 = arith.constant 32 : i32
      %mul3A_2017 = arith.muli %add3A_2015, %mul3A_2016 : i32
      %add3A_2018 = arith.addi %mul3A_2017, %add3A_1942 : i32
      %mul3A_2019 = arith.constant 12288 : i32
      %mul3A_2020 = arith.muli %add3A_2018, %mul3A_2019 : i32
      %add3A_2021 = arith.constant 0 : i32
      %add3A_2022 = arith.addi %mul3A_2020, %add3A_2021 : i32
      %dma_start3A_2023 = tpu.memref_slice %arg5[%add3A_2022] : memref<25165824xf32, #tpu.memory_space<hbm>> -> memref<1024xf32, #tpu.memory_space<hbm>>
      %dma_start3A_2024 = tpu.memref_slice %arg5[%add3A_2022] : memref<25165824xf32, #tpu.memory_space<hbm>> -> memref<1024xf32, #tpu.memory_space<hbm>>
      tpu.enqueue_dma source(%arg11 : memref<1024xf32, #tpu.memory_space<vmem>>) target(%dma_start3A_2024 : memref<1024xf32, #tpu.memory_space<hbm>>) target_semaphore(%arg13 : memref<!tpu.dma_semaphore, #tpu.memory_space<semaphore_mem>>)
      %add3A_2025 = arith.constant 1024 : i32
      %add3A_2026 = arith.addi %add3A_2022, %add3A_2025 : i32
      %dma_start3A_2027 = tpu.memref_slice %arg5[%add3A_2026] : memref<25165824xf32, #tpu.memory_space<hbm>> -> memref<1024xf32, #tpu.memory_space<hbm>>
      %dma_start3A_2028 = tpu.memref_slice %arg5[%add3A_2026] : memref<25165824xf32, #tpu.memory_space<hbm>> -> memref<1024xf32, #tpu.memory_space<hbm>>
      tpu.enqueue_dma source(%arg9 : memref<1024xf32, #tpu.memory_space<vmem>>) target(%dma_start3A_2028 : memref<1024xf32, #tpu.memory_space<hbm>>) target_semaphore(%arg14 : memref<!tpu.dma_semaphore, #tpu.memory_space<semaphore_mem>>)
      %add3A_2029 = arith.constant 2048 : i32
      %add3A_2030 = arith.addi %add3A_2022, %add3A_2029 : i32
      %dma_start3A_2031 = arith.constant 0 : i32
      %dma_start3A_2032 = tpu.memref_slice %arg8[%dma_start3A_2031] : memref<4096xf32, #tpu.memory_space<vmem>> -> memref<1024xf32, #tpu.memory_space<vmem>>
      %dma_start3A_2033 = tpu.memref_slice %arg5[%add3A_2030] : memref<25165824xf32, #tpu.memory_space<hbm>> -> memref<1024xf32, #tpu.memory_space<hbm>>
      %dma_start3A_2034 = tpu.memref_slice %arg5[%add3A_2030] : memref<25165824xf32, #tpu.memory_space<hbm>> -> memref<1024xf32, #tpu.memory_space<hbm>>
      %dma_start3A_2035 = arith.constant 0 : i32
      %dma_start3A_2036 = tpu.memref_slice %arg8[%dma_start3A_2035] : memref<4096xf32, #tpu.memory_space<vmem>> -> memref<1024xf32, #tpu.memory_space<vmem>>
      tpu.enqueue_dma source(%dma_start3A_2036 : memref<1024xf32, #tpu.memory_space<vmem>>) target(%dma_start3A_2034 : memref<1024xf32, #tpu.memory_space<hbm>>) target_semaphore(%arg14 : memref<!tpu.dma_semaphore, #tpu.memory_space<semaphore_mem>>)
      %add3A_2037 = arith.constant 3072 : i32
      %add3A_2038 = arith.addi %mul3A_2020, %add3A_2037 : i32
      %dma_start3A_2039 = tpu.memref_slice %arg5[%add3A_2038] : memref<25165824xf32, #tpu.memory_space<hbm>> -> memref<1024xf32, #tpu.memory_space<hbm>>
      %dma_start3A_2040 = tpu.memref_slice %arg5[%add3A_2038] : memref<25165824xf32, #tpu.memory_space<hbm>> -> memref<1024xf32, #tpu.memory_space<hbm>>
      tpu.enqueue_dma source(%arg11 : memref<1024xf32, #tpu.memory_space<vmem>>) target(%dma_start3A_2040 : memref<1024xf32, #tpu.memory_space<hbm>>) target_semaphore(%arg13 : memref<!tpu.dma_semaphore, #tpu.memory_space<semaphore_mem>>)
      %add3A_2041 = arith.constant 1024 : i32
      %add3A_2042 = arith.addi %add3A_2038, %add3A_2041 : i32
      %dma_start3A_2043 = tpu.memref_slice %arg5[%add3A_2042] : memref<25165824xf32, #tpu.memory_space<hbm>> -> memref<1024xf32, #tpu.memory_space<hbm>>
      %dma_start3A_2044 = tpu.memref_slice %arg5[%add3A_2042] : memref<25165824xf32, #tpu.memory_space<hbm>> -> memref<1024xf32, #tpu.memory_space<hbm>>
      tpu.enqueue_dma source(%arg9 : memref<1024xf32, #tpu.memory_space<vmem>>) target(%dma_start3A_2044 : memref<1024xf32, #tpu.memory_space<hbm>>) target_semaphore(%arg14 : memref<!tpu.dma_semaphore, #tpu.memory_space<semaphore_mem>>)
      %add3A_2045 = arith.constant 2048 : i32
      %add3A_2046 = arith.addi %add3A_2038, %add3A_2045 : i32
      %dma_start3A_2047 = arith.constant 1024 : i32
      %dma_start3A_2048 = tpu.memref_slice %arg8[%dma_start3A_2047] : memref<4096xf32, #tpu.memory_space<vmem>> -> memref<1024xf32, #tpu.memory_space<vmem>>
      %dma_start3A_2049 = tpu.memref_slice %arg5[%add3A_2046] : memref<25165824xf32, #tpu.memory_space<hbm>> -> memref<1024xf32, #tpu.memory_space<hbm>>
      %dma_start3A_2050 = tpu.memref_slice %arg5[%add3A_2046] : memref<25165824xf32, #tpu.memory_space<hbm>> -> memref<1024xf32, #tpu.memory_space<hbm>>
      %dma_start3A_2051 = arith.constant 1024 : i32
      %dma_start3A_2052 = tpu.memref_slice %arg8[%dma_start3A_2051] : memref<4096xf32, #tpu.memory_space<vmem>> -> memref<1024xf32, #tpu.memory_space<vmem>>
      tpu.enqueue_dma source(%dma_start3A_2052 : memref<1024xf32, #tpu.memory_space<vmem>>) target(%dma_start3A_2050 : memref<1024xf32, #tpu.memory_space<hbm>>) target_semaphore(%arg14 : memref<!tpu.dma_semaphore, #tpu.memory_space<semaphore_mem>>)
      %add3A_2053 = arith.constant 6144 : i32
      %add3A_2054 = arith.addi %mul3A_2020, %add3A_2053 : i32
      %dma_start3A_2055 = tpu.memref_slice %arg5[%add3A_2054] : memref<25165824xf32, #tpu.memory_space<hbm>> -> memref<1024xf32, #tpu.memory_space<hbm>>
      %dma_start3A_2056 = tpu.memref_slice %arg5[%add3A_2054] : memref<25165824xf32, #tpu.memory_space<hbm>> -> memref<1024xf32, #tpu.memory_space<hbm>>
      tpu.enqueue_dma source(%arg11 : memref<1024xf32, #tpu.memory_space<vmem>>) target(%dma_start3A_2056 : memref<1024xf32, #tpu.memory_space<hbm>>) target_semaphore(%arg13 : memref<!tpu.dma_semaphore, #tpu.memory_space<semaphore_mem>>)
      %add3A_2057 = arith.constant 1024 : i32
      %add3A_2058 = arith.addi %add3A_2054, %add3A_2057 : i32
      %dma_start3A_2059 = tpu.memref_slice %arg5[%add3A_2058] : memref<25165824xf32, #tpu.memory_space<hbm>> -> memref<1024xf32, #tpu.memory_space<hbm>>
      %dma_start3A_2060 = tpu.memref_slice %arg5[%add3A_2058] : memref<25165824xf32, #tpu.memory_space<hbm>> -> memref<1024xf32, #tpu.memory_space<hbm>>
      tpu.enqueue_dma source(%arg9 : memref<1024xf32, #tpu.memory_space<vmem>>) target(%dma_start3A_2060 : memref<1024xf32, #tpu.memory_space<hbm>>) target_semaphore(%arg14 : memref<!tpu.dma_semaphore, #tpu.memory_space<semaphore_mem>>)
      %add3A_2061 = arith.constant 2048 : i32
      %add3A_2062 = arith.addi %add3A_2054, %add3A_2061 : i32
      %dma_start3A_2063 = arith.constant 2048 : i32
      %dma_start3A_2064 = tpu.memref_slice %arg8[%dma_start3A_2063] : memref<4096xf32, #tpu.memory_space<vmem>> -> memref<1024xf32, #tpu.memory_space<vmem>>
      %dma_start3A_2065 = tpu.memref_slice %arg5[%add3A_2062] : memref<25165824xf32, #tpu.memory_space<hbm>> -> memref<1024xf32, #tpu.memory_space<hbm>>
      %dma_start3A_2066 = tpu.memref_slice %arg5[%add3A_2062] : memref<25165824xf32, #tpu.memory_space<hbm>> -> memref<1024xf32, #tpu.memory_space<hbm>>
      %dma_start3A_2067 = arith.constant 2048 : i32
      %dma_start3A_2068 = tpu.memref_slice %arg8[%dma_start3A_2067] : memref<4096xf32, #tpu.memory_space<vmem>> -> memref<1024xf32, #tpu.memory_space<vmem>>
      tpu.enqueue_dma source(%dma_start3A_2068 : memref<1024xf32, #tpu.memory_space<vmem>>) target(%dma_start3A_2066 : memref<1024xf32, #tpu.memory_space<hbm>>) target_semaphore(%arg14 : memref<!tpu.dma_semaphore, #tpu.memory_space<semaphore_mem>>)
      %add3A_2069 = arith.constant 9216 : i32
      %add3A_2070 = arith.addi %mul3A_2020, %add3A_2069 : i32
      %dma_start3A_2071 = tpu.memref_slice %arg5[%add3A_2070] : memref<25165824xf32, #tpu.memory_space<hbm>> -> memref<1024xf32, #tpu.memory_space<hbm>>
      %dma_start3A_2072 = tpu.memref_slice %arg5[%add3A_2070] : memref<25165824xf32, #tpu.memory_space<hbm>> -> memref<1024xf32, #tpu.memory_space<hbm>>
      tpu.enqueue_dma source(%arg11 : memref<1024xf32, #tpu.memory_space<vmem>>) target(%dma_start3A_2072 : memref<1024xf32, #tpu.memory_space<hbm>>) target_semaphore(%arg13 : memref<!tpu.dma_semaphore, #tpu.memory_space<semaphore_mem>>)
      %add3A_2073 = arith.constant 1024 : i32
      %add3A_2074 = arith.addi %add3A_2070, %add3A_2073 : i32
      %dma_start3A_2075 = tpu.memref_slice %arg5[%add3A_2074] : memref<25165824xf32, #tpu.memory_space<hbm>> -> memref<1024xf32, #tpu.memory_space<hbm>>
      %dma_start3A_2076 = tpu.memref_slice %arg5[%add3A_2074] : memref<25165824xf32, #tpu.memory_space<hbm>> -> memref<1024xf32, #tpu.memory_space<hbm>>
      tpu.enqueue_dma source(%arg9 : memref<1024xf32, #tpu.memory_space<vmem>>) target(%dma_start3A_2076 : memref<1024xf32, #tpu.memory_space<hbm>>) target_semaphore(%arg14 : memref<!tpu.dma_semaphore, #tpu.memory_space<semaphore_mem>>)
      %add3A_2077 = arith.constant 2048 : i32
      %add3A_2078 = arith.addi %add3A_2070, %add3A_2077 : i32
      %dma_start3A_2079 = arith.constant 3072 : i32
      %dma_start3A_2080 = tpu.memref_slice %arg8[%dma_start3A_2079] : memref<4096xf32, #tpu.memory_space<vmem>> -> memref<1024xf32, #tpu.memory_space<vmem>>
      %dma_start3A_2081 = tpu.memref_slice %arg5[%add3A_2078] : memref<25165824xf32, #tpu.memory_space<hbm>> -> memref<1024xf32, #tpu.memory_space<hbm>>
      %dma_start3A_2082 = tpu.memref_slice %arg5[%add3A_2078] : memref<25165824xf32, #tpu.memory_space<hbm>> -> memref<1024xf32, #tpu.memory_space<hbm>>
      %dma_start3A_2083 = arith.constant 3072 : i32
      %dma_start3A_2084 = tpu.memref_slice %arg8[%dma_start3A_2083] : memref<4096xf32, #tpu.memory_space<vmem>> -> memref<1024xf32, #tpu.memory_space<vmem>>
      tpu.enqueue_dma source(%dma_start3A_2084 : memref<1024xf32, #tpu.memory_space<vmem>>) target(%dma_start3A_2082 : memref<1024xf32, #tpu.memory_space<hbm>>) target_semaphore(%arg14 : memref<!tpu.dma_semaphore, #tpu.memory_space<semaphore_mem>>)
    }
    %scan3A_1132 = arith.constant 15 : i32
    %dma_wait3A = arith.constant 0 : i32
    %dma_wait3A_1133 = tpu.memref_slice %arg5[%dma_wait3A] : memref<25165824xf32, #tpu.memory_space<hbm>> -> memref<4096xf32, #tpu.memory_space<hbm>>
    %dma_wait3A_1134 = arith.constant 0 : i32
    %dma_wait3A_1135 = tpu.memref_slice %arg5[%dma_wait3A_1134] : memref<25165824xf32, #tpu.memory_space<hbm>> -> memref<4096xf32, #tpu.memory_space<hbm>>
    tpu.wait_dma2 semaphore(%arg12 : memref<!tpu.dma_semaphore, #tpu.memory_space<semaphore_mem>>) src(%arg6 : memref<4096xf32, #tpu.memory_space<vmem>>) dst(%dma_wait3A_1135 : memref<4096xf32, #tpu.memory_space<hbm>>)
    %dma_wait3A_1136 = arith.constant 0 : i32
    %dma_wait3A_1137 = tpu.memref_slice %arg5[%dma_wait3A_1136] : memref<25165824xf32, #tpu.memory_space<hbm>> -> memref<4096xf32, #tpu.memory_space<hbm>>
    %dma_wait3A_1138 = arith.constant 0 : i32
    %dma_wait3A_1139 = tpu.memref_slice %arg5[%dma_wait3A_1138] : memref<25165824xf32, #tpu.memory_space<hbm>> -> memref<4096xf32, #tpu.memory_space<hbm>>
    tpu.wait_dma2 semaphore(%arg12 : memref<!tpu.dma_semaphore, #tpu.memory_space<semaphore_mem>>) src(%arg6 : memref<4096xf32, #tpu.memory_space<vmem>>) dst(%dma_wait3A_1139 : memref<4096xf32, #tpu.memory_space<hbm>>)
    %dma_wait3A_1140 = arith.constant 0 : i32
    %dma_wait3A_1141 = tpu.memref_slice %arg5[%dma_wait3A_1140] : memref<25165824xf32, #tpu.memory_space<hbm>> -> memref<4096xf32, #tpu.memory_space<hbm>>
    %dma_wait3A_1142 = arith.constant 0 : i32
    %dma_wait3A_1143 = tpu.memref_slice %arg5[%dma_wait3A_1142] : memref<25165824xf32, #tpu.memory_space<hbm>> -> memref<4096xf32, #tpu.memory_space<hbm>>
    tpu.wait_dma2 semaphore(%arg13 : memref<!tpu.dma_semaphore, #tpu.memory_space<semaphore_mem>>) src(%arg6 : memref<4096xf32, #tpu.memory_space<vmem>>) dst(%dma_wait3A_1143 : memref<4096xf32, #tpu.memory_space<hbm>>)
    %dma_wait3A_1144 = arith.constant 0 : i32
    %dma_wait3A_1145 = tpu.memref_slice %arg5[%dma_wait3A_1144] : memref<25165824xf32, #tpu.memory_space<hbm>> -> memref<4096xf32, #tpu.memory_space<hbm>>
    %dma_wait3A_1146 = arith.constant 0 : i32
    %dma_wait3A_1147 = tpu.memref_slice %arg5[%dma_wait3A_1146] : memref<25165824xf32, #tpu.memory_space<hbm>> -> memref<4096xf32, #tpu.memory_space<hbm>>
    tpu.wait_dma2 semaphore(%arg13 : memref<!tpu.dma_semaphore, #tpu.memory_space<semaphore_mem>>) src(%arg6 : memref<4096xf32, #tpu.memory_space<vmem>>) dst(%dma_wait3A_1147 : memref<4096xf32, #tpu.memory_space<hbm>>)
    %scan3A_1148 = arith.constant 0 : i32
    %scan3A_1149 = arith.constant 0 : i32
    %scan3A_1150 = arith.constant 128 : i32
    %scan3A_1151 = arith.addi %scan3A_1149, %scan3A_1150 : i32
    %scan3A_1152 = arith.constant 1 : i32
    scf.for %scan3A_1154 = %scan3A_1149 to %scan3A_1151 step %scan3A_1152  : i32 {
      %dma_wait3A_1155 = arith.constant 0 : i32
      %dma_wait3A_1156 = tpu.memref_slice %arg5[%dma_wait3A_1155] : memref<25165824xf32, #tpu.memory_space<hbm>> -> memref<4096xf32, #tpu.memory_space<hbm>>
      %dma_wait3A_1157 = arith.constant 0 : i32
      %dma_wait3A_1158 = tpu.memref_slice %arg5[%dma_wait3A_1157] : memref<25165824xf32, #tpu.memory_space<hbm>> -> memref<4096xf32, #tpu.memory_space<hbm>>
      tpu.wait_dma2 semaphore(%arg14 : memref<!tpu.dma_semaphore, #tpu.memory_space<semaphore_mem>>) src(%arg6 : memref<4096xf32, #tpu.memory_space<vmem>>) dst(%dma_wait3A_1158 : memref<4096xf32, #tpu.memory_space<hbm>>)
    }
    %scan3A_1153 = arith.constant 128 : i32
    return
  }
}

</mosaic_0001>

<sc_bundles>
// kernel: kernel.3.cloned.1.call-start
scs
__scs_entry_jumppad:
0x0: {  	(pc) =	sbr.rel $0x88, $3  }
0x1: {  	(tag) =	ssettag $0x0;
	lr =	simm.s32 $0x1  }
0x2: {  	[smem:$0x3F9E] =	sst lr;
	_ =	strace $0xD0000000  }
0x3: {  	_ = 	snop  }
0x4: {  	_ = 	snop  }
0x5: {  	_ = 	snop  }
0x6: {  	_ = 	snop  }
0x7: {  	_ = 	snop  }
__scs_overlays_trampoline_lowered:
0x8: {  	[smem:$0x3FAD] =	sst s0  }
0x9: {  	[smem:$0x3FAE] =	sst s1  }
0xa: {  	[smem:$0x3FAF] =	sst s2  }
0xb: {  	[smem:$0x3FB0] =	sst s3  }
0xc: {  	[smem:$0x3FB1] =	sst s4  }
0xd: {  	[smem:$0x3FB2] =	sst s5  }
0xe: {  	[smem:$0x3FB3] =	sst s6  }
0xf: {  	[smem:$0x3FB4] =	sst s7  }
0x10: {  	[smem:$0x3FB5] =	sst s8  }
0x11: {  	[smem:$0x3FB6] =	sst s9;
	s0 =	simm.s32 @!p0 $0x0  }
0x12: {  	s1 =	sld [smem:$0x3F9C];
	s0 =	simm.s32 @p0 $0x1  }
0x13: {  	[smem:$0x3FB7] =	sst s0;
	s0 =	simm.s32 @!p1 $0x0  }
0x14: {  	s2 =	sld [smem:$0x3F9B];
	s0 =	simm.s32 @p1 $0x1  }
0x15: {  	[smem:$0x3FB8] =	sst s0;
	s0 =	simm.s32 @!p2 $0x0  }
0x16: {  	s3 =	sld [smem:$0x3FDB];
	s0 =	simm.s32 @p2 $0x1  }
0x17: {  	s4 =	simm.s32 $0x1BF5;
	[smem:$0x3FBA] =	sst s0  }
0x18: {  	s0 =	sld [smem:$0x3F9D];
	_ =	swait.ge [sflag:s4], $0x0  }
0x19: {  	s7 =	sld [smem:$0x3F9E]  }
0x1a: {  	s8 =	sadd.s32 $0xFFFFE003, lr  }
0x1b: {  	s9 =	sadd.s32 $0xFFFFFEF7, lr;
	s5 =	simm.s32 $0xFFFFFFFF;
	p2 =	slt.u32 s8, $0xFFFFF086  }
0x1c: {  	p1 =	slt.u32 s9, $0xF7A;
	s5 =	simm.s32 @!p2 $0x0  }
0x1d: {  	s5 =	simm.s32 @p1 $0x1;
	p0 =	seq.s32 s7, s2  }
0x1e: {  	s7 =	smul.u32 @!p0 $0xF7A, s2;
	p2 =	seq.s32 @!p0 s5, $0x0  }
0x1f: {  	s9 =	smul.u32 $0xF7A, s1;
	s8 =	simm.s32 @!p0 $0x1BF5;
	p2 =	por !p2, p0  }
0x20: {  	[sflag:s8] =	ssyncset.s32 @!p0 $0xFFFFF086;
	s6 =	sadd.s32 @!p0 s3, s7;
	s7 =	simm.s32 @!p0 $0x108  }
0x21: {  	s3 =	sadd.s32 s3, s9;
	s6 =	sadd.s32 @!p0 $0x88, s6;
	s7 =	simm.s32 @p2 $0x1082  }
0x22: {  	[simem:s7], [sflag:s8] =	dma.local @!p0 [hbm:s6], $0xF7A  }
0x23: {  	s9 =	sor.u32 $0xD0000000, s2;
	s6 =	simm.s32 $0x108;
	_ =	swait.ge @!p0 [sflag:s8], $0x0  }
0x24: {  	s3 =	sadd.s32 $0x88, s3;
	s6 =	simm.s32 @!p1 $0x1082;
	[sflag:s4] =	ssyncset.s32 $0xFFFFF086  }
0x25: {  	[simem:s6], [sflag:s4] =	dma.local [hbm:s3], $0xF7A  }
0x26: {  	[smem:$0x3F9E] =	sst s1;
	(tag) =	ssettag s2;
	_ =	strace s9  }
0x27: {  	s1 =	sld [smem:$0x3FAE]  }
0x28: {  	s2 =	sld [smem:$0x3FAF]  }
0x29: {  	s4 =	sld [smem:$0x3FB1]  }
0x2a: {  	p0 =	seq.s32 s5, $0x0;
	s5 =	sld [smem:$0x3FB2]  }
0x2b: {  	s6 =	sld [smem:$0x3FB3]  }
0x2c: {  	s7 =	sld [smem:$0x3FB4]  }
0x2d: {  	s3 =	simm.s32 $0x108;
	s8 =	sld [smem:$0x3FB5]  }
0x2e: {  	s3 =	simm.s32 @!p0 $0x1082;
	s9 =	sld [smem:$0x3FB6]  }
0x2f: {  	lr =	sadd.s32 s0, s3;
	s0 =	sld [smem:$0x3FAD]  }
0x30: {  	s3 =	sld [smem:$0x3FB0]  }
0x31: {  	[smem:$0x3FB9] =	sst s10  }
0x32: {  	s10 =	sld [smem:$0x3FB7];
	_ =	sdelay $0x3  }
0x33: {  	p0 =	seq.s32 s10, $0x1;
	s10 =	sld [smem:$0x3FB9];
	_ =	sdelay $0x3  }
0x34: {  	[smem:$0x3FB9] =	sst s10  }
0x35: {  	s10 =	sld [smem:$0x3FB8];
	_ =	sdelay $0x3  }
0x36: {  	p1 =	seq.s32 s10, $0x1;
	s10 =	sld [smem:$0x3FB9];
	_ =	sdelay $0x3  }
0x37: {  	[smem:$0x3FB9] =	sst s10  }
0x38: {  	s10 =	sld [smem:$0x3FBA]  }
0x39: {  	_ = 	snop;
	(pc) =	sbr.ind lr, $3  }
0x3a: {  	_ = 	snop  }
0x3b: {  	_ = 	snop  }
0x3c: {  	p2 =	seq.s32 s10, $0x1;
	s10 =	sld [smem:$0x3FB9]  }
0x3d: {  	_ =	shalt  }
0x3e: {  	_ =	shalt  }
0x3f: {  	_ =	shalt  }
0x40: {  	_ =	shalt  }
0x41: {  	_ =	shalt  }
0x42: {  	_ =	shalt  }
0x43: {  	_ =	shalt  }
0x44: {  	_ =	shalt  }
0x45: {  	_ =	shalt  }
0x46: {  	_ =	shalt  }
0x47: {  	_ =	shalt  }
0x48: {  	_ =	shalt  }
0x49: {  	_ =	shalt  }
0x4a: {  	_ =	shalt  }
0x4b: {  	_ =	shalt  }
0x4c: {  	_ =	shalt  }
0x4d: {  	_ =	shalt  }
0x4e: {  	_ =	shalt  }
0x4f: {  	_ =	shalt  }
0x50: {  	_ =	shalt  }
0x51: {  	_ =	shalt  }
0x52: {  	_ =	shalt  }
0x53: {  	_ =	shalt  }
0x54: {  	_ =	shalt  }
0x55: {  	_ =	shalt  }
0x56: {  	_ =	shalt  }
0x57: {  	_ =	shalt  }
0x58: {  	_ =	shalt  }
0x59: {  	_ =	shalt  }
0x5a: {  	_ =	shalt  }
0x5b: {  	_ =	shalt  }
0x5c: {  	_ =	shalt  }
0x5d: {  	_ =	shalt  }
0x5e: {  	_ =	shalt  }
0x5f: {  	_ =	shalt  }
0x60: {  	_ =	shalt  }
0x61: {  	_ =	shalt  }
0x62: {  	_ =	shalt  }
0x63: {  	_ =	shalt  }
0x64: {  	_ =	shalt  }
0x65: {  	_ =	shalt  }
0x66: {  	_ =	shalt  }
0x67: {  	_ =	shalt  }
0x68: {  	_ =	shalt  }
0x69: {  	_ =	shalt  }
0x6a: {  	_ =	shalt  }
0x6b: {  	_ =	shalt  }
0x6c: {  	_ =	shalt  }
0x6d: {  	_ =	shalt  }
0x6e: {  	_ =	shalt  }
0x6f: {  	_ =	shalt  }
0x70: {  	_ =	shalt  }
0x71: {  	_ =	shalt  }
0x72: {  	_ =	shalt  }
0x73: {  	_ =	shalt  }
0x74: {  	_ =	shalt  }
0x75: {  	_ =	shalt  }
0x76: {  	_ =	shalt  }
0x77: {  	_ =	shalt  }
0x78: {  	_ =	shalt  }
0x79: {  	_ =	shalt  }
0x7a: {  	_ =	shalt  }
0x7b: {  	_ =	shalt  }
0x7c: {  	_ =	shalt  }
0x7d: {  	_ =	shalt  }
0x7e: {  	_ =	shalt  }
0x7f: {  	_ =	shalt  }
0x80: {  	_ =	shalt  }
0x81: {  	_ =	shalt  }
0x82: {  	_ =	shalt  }
0x83: {  	_ =	shalt  }
0x84: {  	_ =	shalt  }
0x85: {  	_ =	shalt  }
0x86: {  	_ =	shalt  }
0x87: {  	_ =	shalt  }
.Lfunc_end0:
.L_simem_size_0:
called_computation_lowered:
.L_overlay_start_0:
0x88: {  	s2 =	sld [smem:$0x3FD9]  }
0x89: {  	s3 =	sld [smem:$0x3FFE];
	_ =	sdelay $0x1  }
0x8a: {  	s1 =	srdreg.scid  }
0x8b: {  	s0 =	sand.u32 $0x1, s1  }
0x8c: {  	s18 =	sshll.u32 s0, $0xA;
	s2 =	sadd.s32 s3, s2  }
0x8d: {  	s2 =	sadd.s32 s2, s18  }
0x8e: {  	[smem:$0x3FC5] =	sst s2  }
0x8f: {  	_ = 	snop  }
0x90: {  	s2 =	sld [smem:$0x3FC9]  }
0x91: {  	s19 =	sld [smem:$0x3FC8]  }
0x92: {  	s4 =	sld [smem:$0x3FC7]  }
0x93: {  	s5 =	sld [smem:$0x3FD0];
	(tm) =	ssettm $0x1  }
0x94: {  	s6 =	sld [smem:$0x3FFB];
	_ =	sdelay $0x3  }
0x95: {  	_ =	strace s6  }
0x96: {  	s6 =	sld [smem:$0x3FFC];
	_ =	sdelay $0x3  }
0x97: {  	_ =	strace s6  }
0x98: {  	s6 =	sld [smem:$0x3FFD];
	_ =	sdelay $0x3  }
0x99: {  	_ =	strace s6  }
0x9a: {  	_ =	strace $0x8FFFFFFF  }
0x9b: {  	s20 =	sld [smem:$0x3FDB];
	_ =	sdelay $0x1  }
0x9c: {  	s7 =	simm.s32 $_scs_section_size  }
0x9d: {  	s8 =	simm.s32 $_size__tile_overlayer_lowered;
	s9 =	simm.s32 $_tile_overlayer_lowered  }
0x9e: {  	s23 =	simm.s32 $0x1BFF;
	s22 =	sshll.u32 s9, $0x1;
	s6 =	sadd.s32 s7, s20  }
0x9f: {  	s10 =	simm.s32 $0x0;
	s21 =	sshll.u32 s8, $0x1;
	s8 =	sadd.s32 s22, s6  }
0xa0: {  	[timem:s10], [sflag:s23] =	dma.local [hbm:s8], s21  }
0xa1: {  	_ =	swait.ge [sflag:s23], s21  }
0xa2: {  	s7 =	ssub.s32 $0x0, s21;
	[sflag:s23] =	ssyncset.done $0x0  }
0xa3: {  	[sflag:s23] =	ssyncadd.s32 s7;
	_ =	sdelay $0x1  }
0xa4: {  	s24 =	simm.s32 $0x1B8B  }
0xa5: {  	_ =	swait.ge [sflag:s24], $0x1  }
0xa6: {  	[sflag:s24] =	ssyncset.done $0x0  }
0xa7: {  	s25 =	simm.s32 $0x1B8E;
	[sflag:s24] =	ssyncadd.s32 $0xFFFFFFFF  }
0xa8: {  	s26 =	simm.s32 $execute0_lowered;
	[smem:$0x3FD2] =	sst s25  }
0xa9: {  	s7 =	sshll.u32 s26, $0x1;
	_ =	strace $0x80000046;
	[dreg:$0x1] =	wrdreg $0xFFFFFFFF  }
0xaa: {  	s28 =	simm.s32 $_size_execute0_lowered;
	s6 =	sadd.s32 s6, s7;
	[dreg:$0x0] =	wrdreg $0x0  }
0xab: {  	s7 =	sshll.u32 s28, $0x1;
	[dreg:$0x2] =	wrdreg s6  }
0xac: {  	[dreg:$0x3] =	wrdreg s7  }
0xad: {  	[dreg:$0x4] =	wrdreg $0xC0  }
0xae: {  	_ =	task [dreg:s10], $0x5FFFF  }
0xaf: {  	[dreg:$0x1] =	wrdreg $0xFFFFFFFF  }
0xb0: {  	[dreg:$0x0] =	wrdreg $0x60  }
0xb1: {  	[dreg:$0x2] =	wrdreg s19  }
0xb2: {  	[dreg:$0x3] =	wrdreg s2  }
0xb3: {  	[dreg:$0x4] =	wrdreg s4  }
0xb4: {  	[dreg:$0x5] =	wrdreg s5  }
0xb5: {  	[dreg:$0x6] =	wrdreg $0x9  }
0xb6: {  	_ =	task.clear_ibuf [dreg:s10], $0x7FFFF;
	_ =	strace $0x90000046  }
0xb7: {  	s29 =	simm.s32 $0x9;
	_ =	strace $0x80000048  }
0xb8: {  	_ =	swait.ge [sflag:s29], $0x1  }
0xb9: {  	[sflag:s29] =	ssyncadd.s32 $0xFFFFFFFF  }
0xba: {  	_ =	strace $0x90000048  }
0xbb: {  	_ =	sfence  }
0xbc: {  	s30 =	sld [smem:$0x0];
	_ =	sdelay $0x2  }
0xbd: {  	s31 =	sshll.u32 s1, $0xD;
	s1 =	sshrl.u32 s1, $0x2  }
0xbe: {  	s3 =	sand.u32 $0x4000, s31;
	s1 =	sadd.s32 s1, s30  }
0xbf: {  	s0 =	sor.u32 s3, s0;
	s1 =	sshll.u32 s1, $0x11  }
0xc0: {  	s0 =	sor.u32 s1, s0  }
0xc1: {  	s0 =	sadd.s32 $0x8F2B, s0  }
0xc2: {  	[sflag:s0] =	ssyncadd.remote.s32 $0x1  }
0xc3: {  	_ =	sfence.sel $0xFFFF  }
0xc4: {  	[dreg:$0x0] =	wrdreg $0xFFFFFFFF;
	(pc) =	sbr.abs _section_cstart, $3  }
0xc5: {  	[dreg:$0x1] =	wrdreg $0xFFFFFFFF  }
0xc6: {  	_ =	task.clear_ibuf [dreg:s10], $0x2FFFF;
	_ =	strace $0x9FFFFFFF  }
0xc7: {  	(tm) =	ssettm $0x7FFFFFFF  }
tec
execute0_lowered:
.L_overlay_start_1:
0x0: {  	(tag) =	ssettag $0x1  }
0x1: {  	s3 =	rddreg [dreg:$0x1]  }
0x2: {  	s0 =	rddreg [dreg:$0x3];
	s1 =	srdreg.scid;
	s4 =	simm.s32 $0x0  }
0x3: {  	s11 =	stileid.u32;
	s12 =	sand.u32 $0x1, s1;
	[smem:$0x7FF] =	sst s4  }
0x4: {  	s2 =	sshll.u32 s11, $0x1;
	s6 =	sadd.s32 $0x100, s0;
	s26 =	smul.u32 $0xC0000, s11  }
0x5: {  	s7 =	sadd.s32 $0x180, s0;
	s8 =	sadd.s32 $0x200, s0;
	s15 =	smul.u32 $0x18000, s11  }
0x6: {  	s11 =	sadd.s32 $0x380, s0;
	s1 =	ssub.s32 $0x2, s12;
	s14 =	smul.u32 $0x60000, s12  }
0x7: {  	_ =	strace $0x80000047;
	s13 =	sor.u32 s12, s2;
	s16 =	smul.u32 $0xC000, s12  }
0x8: {  	s5 =	sshrl.u32 s1, $0x1;
	s22 =	sshll.u32 s13, $0x4;
	s2 =	smul.u32 $0xC000, s13  }
0x9: {  	s12 =	sor.u32 $0x20, s13;
	s15 =	sadd.s32 s15, s0;
	s3 =	sadd.s32 s3, s22  }
0xa: {  	s1 =	ssub.s32 s1, s5;
	s13 =	sadd.s32 s16, s15;
	[dreg:$0x1e] =	wrdreg s3  }
0xb: {  	s5 =	sadd.s32 $0x80, s0;
	s24 =	sadd.s32 s2, s6;
	[dreg:$0x5] =	wrdreg s13  }
0xc: {  	s23 =	sadd.s32 s2, s5;
	s25 =	sadd.s32 s2, s7;
	[smem:$0x7DB] =	sst s24  }
0xd: {  	s9 =	sadd.s32 s2, s8;
	s3 =	sadd.s32 s14, s26;
	[smem:$0x7DC] =	sst s25  }
0xe: {  	[smem:$0x7DD] =	sst s9;
	s9 =	sadd.s32 $0x280, s0;
	s14 =	sadd.s32 $0xC08C00, s3  }
0xf: {  	[dreg:$0x1f] =	wrdreg s23;
	s17 =	sadd.s32 $0xC08800, s3;
	s21 =	sadd.s32 $0xC08400, s3  }
0x10: {  	s23 =	sadd.s32 $0xC08000, s3;
	s24 =	sor.u32 $0x8C00, s3;
	s16 =	sor.u32 $0x8800, s3  }
0x11: {  	s10 =	sadd.s32 s2, s9;
	s14 =	sshrl.u32 s14, $0x3;
	s19 =	sshrl.u32 s17, $0x3  }
0x12: {  	s22 =	sshrl.u32 s21, $0x3;
	s26 =	sshrl.u32 s24, $0x3;
	s17 =	sshrl.u32 s16, $0x3  }
0x13: {  	[smem:$0x7DE] =	sst s10;
	s10 =	sadd.s32 $0x300, s0;
	s18 =	sadd.s32 s14, s0  }
0x14: {  	s20 =	sadd.s32 s19, s0;
	s13 =	sadd.s32 s22, s0;
	[dreg:$0x6] =	wrdreg s18  }
0x15: {  	s14 =	sshrl.u32 s23, $0x3;
	s15 =	sadd.s32 s26, s0;
	[dreg:$0x7] =	wrdreg s20  }
0x16: {  	s19 =	sor.u32 $0x8000, s3;
	s23 =	sadd.s32 $0xC0BC00, s3;
	[dreg:$0x8] =	wrdreg s13  }
0x17: {  	s26 =	sadd.s32 $0xC0B400, s3;
	s25 =	sadd.s32 s14, s0;
	[dreg:$0xa] =	wrdreg s15  }
0x18: {  	s18 =	sor.u32 $0x8400, s3;
	s13 =	sadd.s32 s17, s0;
	s21 =	sshrl.u32 s19, $0x3  }
0x19: {  	s24 =	sshrl.u32 s23, $0x3;
	s17 =	sshrl.u32 s26, $0x3;
	s19 =	sadd.s32 $0xC0B000, s3  }
0x1a: {  	s26 =	sadd.s32 $0xC0A400, s3;
	[dreg:$0x9] =	wrdreg s25;
	s14 =	sshrl.u32 s18, $0x3  }
0x1b: {  	[dreg:$0xb] =	wrdreg s13;
	s22 =	sadd.s32 s21, s0;
	s25 =	sadd.s32 $0xC0B800, s3  }
0x1c: {  	s13 =	sadd.s32 s24, s0;
	s18 =	sadd.s32 s17, s0;
	[dreg:$0xd] =	wrdreg s22  }
0x1d: {  	s21 =	sadd.s32 $0xC0AC00, s3;
	s15 =	sshrl.u32 s26, $0x3;
	[dreg:$0xe] =	wrdreg s13  }
0x1e: {  	s17 =	sor.u32 $0xBC00, s3;
	s20 =	sadd.s32 s14, s0;
	[dreg:$0x10] =	wrdreg s18  }
0x1f: {  	s14 =	sshrl.u32 s25, $0x3;
	s22 =	sadd.s32 $0xC0A800, s3;
	[dreg:$0xc] =	wrdreg s20  }
0x20: {  	s16 =	sadd.s32 s14, s0;
	s20 =	sshrl.u32 s19, $0x3;
	s14 =	sshrl.u32 s21, $0x3  }
0x21: {  	s24 =	sshrl.u32 s22, $0x3;
	s19 =	sshrl.u32 s17, $0x3;
	s21 =	sor.u32 $0xB800, s3  }
0x22: {  	[dreg:$0xf] =	wrdreg s16;
	s13 =	sadd.s32 s20, s0;
	s23 =	sadd.s32 s14, s0  }
0x23: {  	s25 =	sadd.s32 s24, s0;
	s16 =	sadd.s32 $0xC0A000, s3;
	[dreg:$0x11] =	wrdreg s13  }
0x24: {  	s20 =	sadd.s32 s19, s0;
	s22 =	sshrl.u32 s21, $0x3;
	[dreg:$0x12] =	wrdreg s23  }
0x25: {  	s24 =	sor.u32 $0xB000, s3;
	s19 =	sor.u32 $0xA400, s3;
	[dreg:$0x13] =	wrdreg s25  }
0x26: {  	s13 =	sadd.s32 s15, s0;
	s14 =	sshrl.u32 s16, $0x3;
	[dreg:$0x16] =	wrdreg s20  }
0x27: {  	s26 =	sshrl.u32 s24, $0x3;
	s24 =	sadd.s32 s2, s10;
	[dreg:$0x14] =	wrdreg s13  }
0x28: {  	s23 =	sor.u32 $0xB400, s3;
	s18 =	sadd.s32 s14, s0;
	[smem:$0x7DF] =	sst s24  }
0x29: {  	s16 =	sor.u32 $0xAC00, s3;
	s13 =	sadd.s32 s22, s0;
	[dreg:$0x15] =	wrdreg s18  }
0x2a: {  	s21 =	sshrl.u32 s19, $0x3;
	s15 =	sadd.s32 s26, s0;
	[dreg:$0x17] =	wrdreg s13  }
0x2b: {  	s14 =	sshrl.u32 s23, $0x3;
	s22 =	sadd.s32 s21, s0;
	[dreg:$0x19] =	wrdreg s15  }
0x2c: {  	s17 =	sshrl.u32 s16, $0x3;
	s25 =	sadd.s32 s14, s0;
	[dreg:$0x1c] =	wrdreg s22  }
0x2d: {  	s21 =	sadd.s32 $0x500, s0;
	s13 =	sadd.s32 s17, s0;
	[dreg:$0x18] =	wrdreg s25  }
0x2e: {  	s23 =	smul.u32 $0xC000, s12;
	s24 =	sadd.s32 s2, s21;
	[dreg:$0x1a] =	wrdreg s13  }
0x2f: {  	s25 =	sadd.s32 s2, s11;
	[smem:$0x7EC] =	sst s24  }
0x30: {  	s5 =	sadd.s32 s23, s5;
	[smem:$0x7E0] =	sst s25  }
0x31: {  	s6 =	sadd.s32 s23, s6;
	[smem:$0x7E1] =	sst s5  }
0x32: {  	s7 =	sadd.s32 s23, s7;
	[smem:$0x7E2] =	sst s6  }
0x33: {  	s28 =	simm.s32 $0x2480;
	s13 =	sadd.s32 s23, s8;
	[smem:$0x7E3] =	sst s7  }
0x34: {  	s26 =	sadd.s32 $0x400, s0;
	s15 =	sadd.s32 s23, s10;
	[smem:$0x7E4] =	sst s13  }
0x35: {  	s18 =	sor.u32 $0xA800, s3;
	s16 =	sadd.s32 s23, s11;
	[smem:$0x7E6] =	sst s15  }
0x36: {  	s14 =	sshrl.u32 s18, $0x3;
	s18 =	sadd.s32 s2, s26;
	[smem:$0x7E7] =	sst s16  }
0x37: {  	s22 =	sadd.s32 $0x580, s0;
	s19 =	sadd.s32 s23, s26;
	[smem:$0x7E8] =	sst s18  }
0x38: {  	s29 =	simm.s32 $0x2080;
	s26 =	sadd.s32 s23, s22;
	[smem:$0x7E9] =	sst s19  }
0x39: {  	s30 =	simm.s32 $0x1480;
	s20 =	sadd.s32 s14, s0;
	[smem:$0x7EF] =	sst s26  }
0x3a: {  	s17 =	sadd.s32 $0x480, s0;
	s14 =	sadd.s32 s23, s9;
	[dreg:$0x1b] =	wrdreg s20  }
0x3b: {  	s31 =	simm.s32 $0x1880;
	s5 =	sadd.s32 s23, s17;
	[smem:$0x7E5] =	sst s14  }
0x3c: {  	s12 =	sadd.s32 $0x680, s0;
	s25 =	sadd.s32 s2, s22;
	[smem:$0x7EB] =	sst s5  }
0x3d: {  	s6 =	sadd.s32 s0, s2;
	s7 =	sadd.s32 $0x600, s0;
	[smem:$0x7EE] =	sst s25  }
0x3e: {  	s13 =	sadd.s32 $0x700, s0;
	s20 =	sadd.s32 s2, s17;
	[smem:$0x7F0] =	sst s6  }
0x3f: {  	s16 =	sadd.s32 $0x780, s0;
	s5 =	sadd.s32 s23, s21;
	[smem:$0x7EA] =	sst s20  }
0x40: {  	s26 =	sadd.s32 $0x800, s0;
	s11 =	sadd.s32 s2, s7;
	[smem:$0x7ED] =	sst s5  }
0x41: {  	s14 =	sadd.s32 s2, s12;
	s15 =	sadd.s32 s2, s13;
	[smem:$0x7F1] =	sst s11  }
0x42: {  	s25 =	sadd.s32 s2, s16;
	s17 =	sadd.s32 s2, s26;
	[smem:$0x7F2] =	sst s14  }
0x43: {  	s12 =	sadd.s32 s23, s12;
	s13 =	sadd.s32 s23, s13;
	[smem:$0x7F3] =	sst s15  }
0x44: {  	s6 =	simm.s32 $0x0;
	[smem:$0x7F4] =	sst s25;
	s11 =	sadd.s32 $0x880, s0  }
0x45: {  	[smem:$0x7F5] =	sst s17;
	s17 =	sadd.s32 $0x900, s0;
	s25 =	sadd.s32 s23, s7  }
0x46: {  	s14 =	sadd.s32 s23, s16;
	s15 =	sadd.s32 s23, s26;
	s26 =	sor.u32 $0xA000, s3  }
0x47: {  	s3 =	simm.s32 $0x2880;
	s5 =	simm.s32 $0x3;
	s18 =	sadd.s32 s2, s11  }
0x48: {  	s19 =	sadd.s32 s2, s17;
	[smem:$0x7FD] =	sst s25;
	s16 =	sadd.s32 s23, s11  }
0x49: {  	s17 =	sadd.s32 s23, s17;
	s25 =	simm.s32 $0x4;
	[smem:$0x7F6] =	sst s18  }
0x4a: {  	[smem:$0x7F7] =	sst s19;
	s18 =	sadd.s32 $0x980, s0;
	s19 =	sadd.s32 $0xA00, s0  }
0x4b: {  	s20 =	sadd.s32 s2, s18;
	s21 =	sadd.s32 s2, s19;
	s18 =	sadd.s32 s23, s18  }
0x4c: {  	s19 =	sadd.s32 s23, s19;
	[smem:$0x7F8] =	sst s20;
	s20 =	sadd.s32 $0xA80, s0  }
0x4d: {  	[smem:$0x7F9] =	sst s21;
	s21 =	sadd.s32 $0xB00, s0;
	s22 =	sadd.s32 s2, s20  }
0x4e: {  	s24 =	sadd.s32 s2, s21;
	s20 =	sadd.s32 s23, s20;
	[smem:$0x7FA] =	sst s22  }
0x4f: {  	s21 =	sadd.s32 s23, s21;
	s22 =	sadd.s32 $0xB80, s0;
	[smem:$0x7FB] =	sst s24  }
0x50: {  	s24 =	smax.u32 s1, $0x1;
	s1 =	simm.s32 $0x1;
	s2 =	sadd.s32 s2, s22  }
0x51: {  	s22 =	sadd.s32 s23, s22;
	[smem:$0x7FC] =	sst s2;
	s2 =	sshrl.u32 s26, $0x3  }
0x52: {  	s23 =	sadd.s32 s0, s23;
	s26 =	simm.s32 $0x1080;
	s0 =	sadd.s32 s2, s0  }
0x53: {  	s2 =	simm.s32 $0x2;
	[dreg:$0x1d] =	wrdreg s0;
	s0 =	simm.s32 $0x1C80  }
.LBB2_1:
0x54: {  	s7 =	rddreg [dreg:$0x0]  }
0x55: {  	[tilespmem:s4], [sflag:$0x4] =	stream.linear.gather [hbm4b:s7+s4], $0x1000, $0x38;
	[tilespmem:$0x2C80] =	vst v63  }
0x56: {  	_ =	swait.ge [sflag:s25], $0x1000  }
0x57: {  	[sflag:s25] =	ssyncset.done $0x0  }
0x58: {  	[sflag:s25] =	ssyncadd.s32 $0xFFFFF000  }
0x59: {  	s10 =	rddreg [dreg:$0x2]  }
0x5a: {  	[tilespmem:s26], [sflag:$0x4] =	stream.linear.gather [hbm4b:s10+s4], $0x1000, $0x38;
	[tilespmem:$0x2C80] =	vst v63  }
0x5b: {  	_ =	swait.ge [sflag:s25], $0x1000  }
0x5c: {  	[sflag:s25] =	ssyncset.done $0x0  }
0x5d: {  	s8 =	simm.s32 $0x1000;
	s11 =	rddreg [dreg:$0x1e];
	[sflag:s25] =	ssyncadd.s32 $0xFFFFF000  }
0x5e: {  	[tilespmem:s8], [sflag:$0x4] =	stream.linear.gather [hbm4b:s11+s4], $0x80, $0x38;
	[tilespmem:$0x2C80] =	vst v63  }
0x5f: {  	_ =	swait.ge [sflag:s25], $0x80  }
0x60: {  	[sflag:s25] =	ssyncset.done $0x0  }
0x61: {  	[sflag:s25] =	ssyncadd.s32 $0xFFFFFF80  }
0x62: {  	v0 =	vld [tilespmem:$0x1000]  }
0x63: {  	v1 =	vld [tilespmem:$0x1010]  }
0x64: {  	v2 =	vld [tilespmem:$0x1020]  }
0x65: {  	v3 =	vld [tilespmem:$0x1030]  }
0x66: {  	v4 =	vld [tilespmem:$0x1040]  }
0x67: {  	v5 =	vld [tilespmem:$0x1050];
	[tilespmem:$0x2080] =	vst v0  }
0x68: {  	v6 =	vld [tilespmem:$0x1060];
	[tilespmem:$0x2090] =	vst v1  }
0x69: {  	v7 =	vld [tilespmem:$0x1070];
	[tilespmem:$0x20A0] =	vst v2  }
0x6a: {  	[tilespmem:$0x20B0] =	vst v3  }
0x6b: {  	[tilespmem:$0x20C0] =	vst v4  }
0x6c: {  	[tilespmem:$0x20D0] =	vst v5  }
0x6d: {  	[tilespmem:$0x20E0] =	vst v6  }
0x6e: {  	[tilespmem:$0x20F0] =	vst v7  }
0x6f: {  	[tilespmem:$0x2100] =	vst v0  }
0x70: {  	[tilespmem:$0x2110] =	vst v1  }
0x71: {  	[tilespmem:$0x2120] =	vst v2  }
0x72: {  	[tilespmem:$0x2130] =	vst v3  }
0x73: {  	[tilespmem:$0x2140] =	vst v4  }
0x74: {  	[tilespmem:$0x2150] =	vst v5  }
0x75: {  	[tilespmem:$0x2160] =	vst v6  }
0x76: {  	[tilespmem:$0x2170] =	vst v7  }
0x77: {  	[tilespmem:$0x2180] =	vst v0  }
0x78: {  	[tilespmem:$0x2190] =	vst v1  }
0x79: {  	[tilespmem:$0x21A0] =	vst v2  }
0x7a: {  	[tilespmem:$0x21B0] =	vst v3  }
0x7b: {  	[tilespmem:$0x21C0] =	vst v4  }
0x7c: {  	[tilespmem:$0x21D0] =	vst v5  }
0x7d: {  	[tilespmem:$0x21E0] =	vst v6  }
0x7e: {  	[tilespmem:$0x21F0] =	vst v7  }
0x7f: {  	[tilespmem:$0x2200] =	vst v0  }
0x80: {  	[tilespmem:$0x2210] =	vst v1  }
0x81: {  	[tilespmem:$0x2220] =	vst v2  }
0x82: {  	[tilespmem:$0x2230] =	vst v3  }
0x83: {  	[tilespmem:$0x2240] =	vst v4  }
0x84: {  	[tilespmem:$0x2250] =	vst v5  }
0x85: {  	[tilespmem:$0x2260] =	vst v6  }
0x86: {  	[tilespmem:$0x2270] =	vst v7  }
0x87: {  	[tilespmem:$0x2280] =	vst v0  }
0x88: {  	[tilespmem:$0x2290] =	vst v1  }
0x89: {  	[tilespmem:$0x22A0] =	vst v2  }
0x8a: {  	[tilespmem:$0x22B0] =	vst v3  }
0x8b: {  	[tilespmem:$0x22C0] =	vst v4  }
0x8c: {  	[tilespmem:$0x22D0] =	vst v5  }
0x8d: {  	[tilespmem:$0x22E0] =	vst v6  }
0x8e: {  	[tilespmem:$0x22F0] =	vst v7  }
0x8f: {  	[tilespmem:$0x2300] =	vst v0  }
0x90: {  	[tilespmem:$0x2310] =	vst v1  }
0x91: {  	[tilespmem:$0x2320] =	vst v2  }
0x92: {  	[tilespmem:$0x2330] =	vst v3  }
0x93: {  	[tilespmem:$0x2340] =	vst v4  }
0x94: {  	[tilespmem:$0x2350] =	vst v5  }
0x95: {  	[tilespmem:$0x2360] =	vst v6  }
0x96: {  	[tilespmem:$0x2370] =	vst v7  }
0x97: {  	[tilespmem:$0x2380] =	vst v0  }
0x98: {  	[tilespmem:$0x2390] =	vst v1  }
0x99: {  	[tilespmem:$0x23A0] =	vst v2  }
0x9a: {  	[tilespmem:$0x23B0] =	vst v3  }
0x9b: {  	[tilespmem:$0x23C0] =	vst v4  }
0x9c: {  	[tilespmem:$0x23D0] =	vst v5  }
0x9d: {  	[tilespmem:$0x23E0] =	vst v6  }
0x9e: {  	[tilespmem:$0x23F0] =	vst v7  }
0x9f: {  	[tilespmem:$0x2400] =	vst v0  }
0xa0: {  	[tilespmem:$0x2410] =	vst v1  }
0xa1: {  	[tilespmem:$0x2420] =	vst v2  }
0xa2: {  	v48 =	vld [tilespmem:$0x0];
	[tilespmem:$0x2430] =	vst v3  }
0xa3: {  	v49 =	vld [tilespmem:$0x10];
	[tilespmem:$0x2440] =	vst v4  }
0xa4: {  	v50 =	vld [tilespmem:$0x20];
	[tilespmem:$0x2450] =	vst v5  }
0xa5: {  	v51 =	vld [tilespmem:$0x30];
	[tilespmem:$0x2460] =	vst v6  }
0xa6: {  	v52 =	vld [tilespmem:$0x40];
	[tilespmem:$0x2470] =	vst v7  }
0xa7: {  	v53 =	vld [tilespmem:$0x50];
	[tilespmem:$0x2480] =	vst v48  }
0xa8: {  	v54 =	vld [tilespmem:$0x60];
	[tilespmem:$0x2490] =	vst v49  }
0xa9: {  	v55 =	vld [tilespmem:$0x70];
	[tilespmem:$0x24A0] =	vst v50  }
0xaa: {  	[tilespmem:$0x24B0] =	vst v51  }
0xab: {  	[tilespmem:$0x24C0] =	vst v52  }
0xac: {  	[tilespmem:$0x24D0] =	vst v53  }
0xad: {  	[tilespmem:$0x24E0] =	vst v54  }
0xae: {  	[tilespmem:$0x24F0] =	vst v55  }
0xaf: {  	[tilespmem:$0x2500] =	vst v48  }
0xb0: {  	[tilespmem:$0x2510] =	vst v49  }
0xb1: {  	[tilespmem:$0x2520] =	vst v50  }
0xb2: {  	[tilespmem:$0x2530] =	vst v51  }
0xb3: {  	[tilespmem:$0x2540] =	vst v52  }
0xb4: {  	[tilespmem:$0x2550] =	vst v53  }
0xb5: {  	[tilespmem:$0x2560] =	vst v54  }
0xb6: {  	[tilespmem:$0x2570] =	vst v55  }
0xb7: {  	[tilespmem:$0x2580] =	vst v48  }
0xb8: {  	[tilespmem:$0x2590] =	vst v49  }
0xb9: {  	[tilespmem:$0x25A0] =	vst v50  }
0xba: {  	[tilespmem:$0x25B0] =	vst v51  }
0xbb: {  	[tilespmem:$0x25C0] =	vst v52  }
0xbc: {  	[tilespmem:$0x25D0] =	vst v53  }
0xbd: {  	[tilespmem:$0x25E0] =	vst v54  }
0xbe: {  	[tilespmem:$0x25F0] =	vst v55  }
0xbf: {  	[tilespmem:$0x2600] =	vst v48  }
0xc0: {  	[tilespmem:$0x2610] =	vst v49  }
0xc1: {  	[tilespmem:$0x2620] =	vst v50  }
0xc2: {  	[tilespmem:$0x2630] =	vst v51  }
0xc3: {  	[tilespmem:$0x2640] =	vst v52  }
0xc4: {  	[tilespmem:$0x2650] =	vst v53  }
0xc5: {  	[tilespmem:$0x2660] =	vst v54  }
0xc6: {  	[tilespmem:$0x2670] =	vst v55  }
0xc7: {  	[tilespmem:$0x2680] =	vst v48  }
0xc8: {  	[tilespmem:$0x2690] =	vst v49  }
0xc9: {  	[tilespmem:$0x26A0] =	vst v50  }
0xca: {  	[tilespmem:$0x26B0] =	vst v51  }
0xcb: {  	[tilespmem:$0x26C0] =	vst v52  }
0xcc: {  	[tilespmem:$0x26D0] =	vst v53  }
0xcd: {  	[tilespmem:$0x26E0] =	vst v54  }
0xce: {  	[tilespmem:$0x26F0] =	vst v55  }
0xcf: {  	[tilespmem:$0x2700] =	vst v48  }
0xd0: {  	[tilespmem:$0x2710] =	vst v49  }
0xd1: {  	[tilespmem:$0x2720] =	vst v50  }
0xd2: {  	[tilespmem:$0x2730] =	vst v51  }
0xd3: {  	[tilespmem:$0x2740] =	vst v52  }
0xd4: {  	[tilespmem:$0x2750] =	vst v53  }
0xd5: {  	[tilespmem:$0x2760] =	vst v54  }
0xd6: {  	[tilespmem:$0x2770] =	vst v55  }
0xd7: {  	[tilespmem:$0x2780] =	vst v48  }
0xd8: {  	[tilespmem:$0x2790] =	vst v49  }
0xd9: {  	[tilespmem:$0x27A0] =	vst v50  }
0xda: {  	[tilespmem:$0x27B0] =	vst v51  }
0xdb: {  	[tilespmem:$0x27C0] =	vst v52  }
0xdc: {  	[tilespmem:$0x27D0] =	vst v53  }
0xdd: {  	[tilespmem:$0x27E0] =	vst v54  }
0xde: {  	[tilespmem:$0x27F0] =	vst v55  }
0xdf: {  	[tilespmem:$0x2800] =	vst v48  }
0xe0: {  	[tilespmem:$0x2810] =	vst v49  }
0xe1: {  	[tilespmem:$0x2820] =	vst v50  }
0xe2: {  	[tilespmem:$0x2830] =	vst v51  }
0xe3: {  	[tilespmem:$0x2840] =	vst v52  }
0xe4: {  	s8 =	sld [smem:$0x7F0];
	[tilespmem:$0x2850] =	vst v53  }
0xe5: {  	[tilespmem:$0x2860] =	vst v54  }
0xe6: {  	s9 =	rddreg [dreg:$0x1f];
	[tilespmem:$0x2870] =	vst v55  }
0xe7: {  	[hbm4b:s8+s4] =	stream.linear.scatter [tilespmem:s28], [sflag:$0x1], $0x400, $0x38;
	[tilespmem:$0x2C80] =	vst v63  }
0xe8: {  	s10 =	sld [smem:$0x7DB]  }
0xe9: {  	[hbm4b:s9+s4] =	stream.linear.scatter [tilespmem:s29], [sflag:$0x3], $0x400, $0x38;
	[tilespmem:$0x2C80] =	vst v63  }
0xea: {  	s11 =	sld [smem:$0x7DC]  }
0xeb: {  	[hbm4b:s10+s4] =	stream.linear.scatter [tilespmem:s26], [sflag:$0x3], $0x400, $0x38;
	[tilespmem:$0x2C80] =	vst v63  }
0xec: {  	s8 =	sld [smem:$0x7DD]  }
0xed: {  	[hbm4b:s11+s4] =	stream.linear.scatter [tilespmem:s28], [sflag:$0x1], $0x400, $0x38;
	[tilespmem:$0x2C80] =	vst v63  }
0xee: {  	s9 =	sld [smem:$0x7DE]  }
0xef: {  	[hbm4b:s8+s4] =	stream.linear.scatter [tilespmem:s29], [sflag:$0x3], $0x400, $0x38;
	[tilespmem:$0x2C80] =	vst v63  }
0xf0: {  	s10 =	sld [smem:$0x7DF]  }
0xf1: {  	[hbm4b:s9+s4] =	stream.linear.scatter [tilespmem:s30], [sflag:$0x3], $0x400, $0x38;
	[tilespmem:$0x2C80] =	vst v63  }
0xf2: {  	s11 =	sld [smem:$0x7E0]  }
0xf3: {  	[hbm4b:s10+s4] =	stream.linear.scatter [tilespmem:s28], [sflag:$0x1], $0x400, $0x38;
	[tilespmem:$0x2C80] =	vst v63  }
0xf4: {  	s8 =	sld [smem:$0x7E8]  }
0xf5: {  	[hbm4b:s11+s4] =	stream.linear.scatter [tilespmem:s29], [sflag:$0x3], $0x400, $0x38;
	[tilespmem:$0x2C80] =	vst v63  }
0xf6: {  	s9 =	sld [smem:$0x7EA]  }
0xf7: {  	[hbm4b:s8+s4] =	stream.linear.scatter [tilespmem:s31], [sflag:$0x3], $0x400, $0x38;
	[tilespmem:$0x2C80] =	vst v63  }
0xf8: {  	s10 =	sld [smem:$0x7EC]  }
0xf9: {  	[hbm4b:s9+s4] =	stream.linear.scatter [tilespmem:s28], [sflag:$0x1], $0x400, $0x38;
	[tilespmem:$0x2C80] =	vst v63  }
0xfa: {  	s11 =	sld [smem:$0x7EE]  }
0xfb: {  	[hbm4b:s10+s4] =	stream.linear.scatter [tilespmem:s29], [sflag:$0x3], $0x400, $0x38;
	[tilespmem:$0x2C80] =	vst v63  }
0xfc: {  	_ = 	snop  }
0xfd: {  	[hbm4b:s11+s4] =	stream.linear.scatter [tilespmem:s0], [sflag:$0x3], $0x400, $0x38;
	[tilespmem:$0x2C80] =	vst v63  }
0xfe: {  	s8 =	sld [smem:$0x7E1]  }
0xff: {  	[hbm4b:s23+s4] =	stream.linear.scatter [tilespmem:s28], [sflag:$0x1], $0x400, $0x38;
	[tilespmem:$0x2C80] =	vst v63  }
0x100: {  	s9 =	sld [smem:$0x7E2]  }
0x101: {  	[hbm4b:s8+s4] =	stream.linear.scatter [tilespmem:s29], [sflag:$0x3], $0x400, $0x38;
	[tilespmem:$0x2C80] =	vst v63  }
0x102: {  	s10 =	sld [smem:$0x7E3]  }
0x103: {  	[hbm4b:s9+s4] =	stream.linear.scatter [tilespmem:s26], [sflag:$0x3], $0x400, $0x38;
	[tilespmem:$0x2C80] =	vst v63  }
0x104: {  	s11 =	sld [smem:$0x7E4]  }
0x105: {  	[hbm4b:s10+s4] =	stream.linear.scatter [tilespmem:s28], [sflag:$0x1], $0x400, $0x38;
	[tilespmem:$0x2C80] =	vst v63  }
0x106: {  	s8 =	sld [smem:$0x7E5]  }
0x107: {  	[hbm4b:s11+s4] =	stream.linear.scatter [tilespmem:s29], [sflag:$0x3], $0x400, $0x38;
	[tilespmem:$0x2C80] =	vst v63  }
0x108: {  	s9 =	sld [smem:$0x7E6]  }
0x109: {  	[hbm4b:s8+s4] =	stream.linear.scatter [tilespmem:s30], [sflag:$0x3], $0x400, $0x38;
	[tilespmem:$0x2C80] =	vst v63  }
0x10a: {  	s10 =	sld [smem:$0x7E7]  }
0x10b: {  	[hbm4b:s9+s4] =	stream.linear.scatter [tilespmem:s28], [sflag:$0x1], $0x400, $0x38;
	[tilespmem:$0x2C80] =	vst v63  }
0x10c: {  	s11 =	sld [smem:$0x7E9]  }
0x10d: {  	[hbm4b:s10+s4] =	stream.linear.scatter [tilespmem:s29], [sflag:$0x3], $0x400, $0x38;
	[tilespmem:$0x2C80] =	vst v63  }
0x10e: {  	s8 =	sld [smem:$0x7EB]  }
0x10f: {  	[hbm4b:s11+s4] =	stream.linear.scatter [tilespmem:s31], [sflag:$0x3], $0x400, $0x38;
	[tilespmem:$0x2C80] =	vst v63  }
0x110: {  	s9 =	sld [smem:$0x7ED]  }
0x111: {  	[hbm4b:s8+s4] =	stream.linear.scatter [tilespmem:s28], [sflag:$0x1], $0x400, $0x38;
	[tilespmem:$0x2C80] =	vst v63  }
0x112: {  	s10 =	sld [smem:$0x7EF]  }
0x113: {  	[hbm4b:s9+s4] =	stream.linear.scatter [tilespmem:s29], [sflag:$0x3], $0x400, $0x38;
	[tilespmem:$0x2C80] =	vst v63  }
0x114: {  	_ = 	snop  }
0x115: {  	[hbm4b:s10+s4] =	stream.linear.scatter [tilespmem:s0], [sflag:$0x3], $0x400, $0x38;
	[tilespmem:$0x2C80] =	vst v63  }
0x116: {  	v56 =	vld [tilespmem:$0x80]  }
0x117: {  	v57 =	vld [tilespmem:$0x90]  }
0x118: {  	v58 =	vld [tilespmem:$0xA0]  }
0x119: {  	v59 =	vld [tilespmem:$0xB0]  }
0x11a: {  	v60 =	vld [tilespmem:$0xC0]  }
0x11b: {  	v61 =	vld [tilespmem:$0xD0];
	[tilespmem:$0x2880] =	vst v56  }
0x11c: {  	v62 =	vld [tilespmem:$0xE0];
	[tilespmem:$0x2890] =	vst v57  }
0x11d: {  	v63 =	vld [tilespmem:$0xF0];
	[tilespmem:$0x28A0] =	vst v58  }
0x11e: {  	[tilespmem:$0x28B0] =	vst v59  }
0x11f: {  	[tilespmem:$0x28C0] =	vst v60  }
0x120: {  	[tilespmem:$0x28D0] =	vst v61  }
0x121: {  	[tilespmem:$0x28E0] =	vst v62  }
0x122: {  	[tilespmem:$0x28F0] =	vst v63  }
0x123: {  	[tilespmem:$0x2900] =	vst v56  }
0x124: {  	[tilespmem:$0x2910] =	vst v57  }
0x125: {  	[tilespmem:$0x2920] =	vst v58  }
0x126: {  	[tilespmem:$0x2930] =	vst v59  }
0x127: {  	[tilespmem:$0x2940] =	vst v60  }
0x128: {  	[tilespmem:$0x2950] =	vst v61  }
0x129: {  	[tilespmem:$0x2960] =	vst v62  }
0x12a: {  	[tilespmem:$0x2970] =	vst v63  }
0x12b: {  	[tilespmem:$0x2980] =	vst v56  }
0x12c: {  	[tilespmem:$0x2990] =	vst v57  }
0x12d: {  	[tilespmem:$0x29A0] =	vst v58  }
0x12e: {  	[tilespmem:$0x29B0] =	vst v59  }
0x12f: {  	[tilespmem:$0x29C0] =	vst v60  }
0x130: {  	[tilespmem:$0x29D0] =	vst v61  }
0x131: {  	[tilespmem:$0x29E0] =	vst v62  }
0x132: {  	[tilespmem:$0x29F0] =	vst v63  }
0x133: {  	[tilespmem:$0x2A00] =	vst v56  }
0x134: {  	[tilespmem:$0x2A10] =	vst v57  }
0x135: {  	[tilespmem:$0x2A20] =	vst v58  }
0x136: {  	[tilespmem:$0x2A30] =	vst v59  }
0x137: {  	[tilespmem:$0x2A40] =	vst v60  }
0x138: {  	[tilespmem:$0x2A50] =	vst v61  }
0x139: {  	[tilespmem:$0x2A60] =	vst v62  }
0x13a: {  	[tilespmem:$0x2A70] =	vst v63  }
0x13b: {  	[tilespmem:$0x2A80] =	vst v56  }
0x13c: {  	[tilespmem:$0x2A90] =	vst v57  }
0x13d: {  	[tilespmem:$0x2AA0] =	vst v58  }
0x13e: {  	[tilespmem:$0x2AB0] =	vst v59  }
0x13f: {  	[tilespmem:$0x2AC0] =	vst v60  }
0x140: {  	[tilespmem:$0x2AD0] =	vst v61  }
0x141: {  	[tilespmem:$0x2AE0] =	vst v62  }
0x142: {  	[tilespmem:$0x2AF0] =	vst v63  }
0x143: {  	[tilespmem:$0x2B00] =	vst v56  }
0x144: {  	[tilespmem:$0x2B10] =	vst v57  }
0x145: {  	[tilespmem:$0x2B20] =	vst v58  }
0x146: {  	[tilespmem:$0x2B30] =	vst v59  }
0x147: {  	[tilespmem:$0x2B40] =	vst v60  }
0x148: {  	[tilespmem:$0x2B50] =	vst v61  }
0x149: {  	[tilespmem:$0x2B60] =	vst v62  }
0x14a: {  	[tilespmem:$0x2B70] =	vst v63  }
0x14b: {  	[tilespmem:$0x2B80] =	vst v56  }
0x14c: {  	[tilespmem:$0x2B90] =	vst v57  }
0x14d: {  	[tilespmem:$0x2BA0] =	vst v58  }
0x14e: {  	[tilespmem:$0x2BB0] =	vst v59  }
0x14f: {  	[tilespmem:$0x2BC0] =	vst v60  }
0x150: {  	[tilespmem:$0x2BD0] =	vst v61  }
0x151: {  	[tilespmem:$0x2BE0] =	vst v62  }
0x152: {  	[tilespmem:$0x2BF0] =	vst v63  }
0x153: {  	[tilespmem:$0x2C00] =	vst v56  }
0x154: {  	[tilespmem:$0x2C10] =	vst v57  }
0x155: {  	[tilespmem:$0x2C20] =	vst v58  }
0x156: {  	[tilespmem:$0x2C30] =	vst v59  }
0x157: {  	[tilespmem:$0x2C40] =	vst v60  }
0x158: {  	s11 =	sld [smem:$0x7F1];
	[tilespmem:$0x2C50] =	vst v61  }
0x159: {  	[tilespmem:$0x2C60] =	vst v62  }
0x15a: {  	s8 =	sld [smem:$0x7F2];
	[tilespmem:$0x2C70] =	vst v63  }
0x15b: {  	[hbm4b:s11+s4] =	stream.linear.scatter [tilespmem:s3], [sflag:$0x2], $0x400, $0x38;
	[tilespmem:$0x2C80] =	vst v63  }
0x15c: {  	s9 =	sld [smem:$0x7F3]  }
0x15d: {  	[hbm4b:s8+s4] =	stream.linear.scatter [tilespmem:s29], [sflag:$0x3], $0x400, $0x38;
	[tilespmem:$0x2C80] =	vst v63  }
0x15e: {  	s10 =	sld [smem:$0x7F4]  }
0x15f: {  	[hbm4b:s9+s4] =	stream.linear.scatter [tilespmem:s26], [sflag:$0x3], $0x400, $0x38;
	[tilespmem:$0x2C80] =	vst v63  }
0x160: {  	s11 =	sld [smem:$0x7F5]  }
0x161: {  	[hbm4b:s10+s4] =	stream.linear.scatter [tilespmem:s3], [sflag:$0x2], $0x400, $0x38;
	[tilespmem:$0x2C80] =	vst v63  }
0x162: {  	s8 =	sld [smem:$0x7F6]  }
0x163: {  	[hbm4b:s11+s4] =	stream.linear.scatter [tilespmem:s29], [sflag:$0x3], $0x400, $0x38;
	[tilespmem:$0x2C80] =	vst v63  }
0x164: {  	s9 =	sld [smem:$0x7F7]  }
0x165: {  	[hbm4b:s8+s4] =	stream.linear.scatter [tilespmem:s30], [sflag:$0x3], $0x400, $0x38;
	[tilespmem:$0x2C80] =	vst v63  }
0x166: {  	s10 =	sld [smem:$0x7F8]  }
0x167: {  	[hbm4b:s9+s4] =	stream.linear.scatter [tilespmem:s3], [sflag:$0x2], $0x400, $0x38;
	[tilespmem:$0x2C80] =	vst v63  }
0x168: {  	s11 =	sld [smem:$0x7F9]  }
0x169: {  	[hbm4b:s10+s4] =	stream.linear.scatter [tilespmem:s29], [sflag:$0x3], $0x400, $0x38;
	[tilespmem:$0x2C80] =	vst v63  }
0x16a: {  	s8 =	sld [smem:$0x7FA]  }
0x16b: {  	[hbm4b:s11+s4] =	stream.linear.scatter [tilespmem:s31], [sflag:$0x3], $0x400, $0x38;
	[tilespmem:$0x2C80] =	vst v63  }
0x16c: {  	s9 =	sld [smem:$0x7FB]  }
0x16d: {  	[hbm4b:s8+s4] =	stream.linear.scatter [tilespmem:s3], [sflag:$0x2], $0x400, $0x38;
	[tilespmem:$0x2C80] =	vst v63  }
0x16e: {  	s10 =	sld [smem:$0x7FC]  }
0x16f: {  	[hbm4b:s9+s4] =	stream.linear.scatter [tilespmem:s29], [sflag:$0x3], $0x400, $0x38;
	[tilespmem:$0x2C80] =	vst v63  }
0x170: {  	s11 =	sld [smem:$0x7FD]  }
0x171: {  	[hbm4b:s10+s4] =	stream.linear.scatter [tilespmem:s0], [sflag:$0x3], $0x400, $0x38;
	[tilespmem:$0x2C80] =	vst v63  }
0x172: {  	_ = 	snop  }
0x173: {  	[hbm4b:s11+s4] =	stream.linear.scatter [tilespmem:s3], [sflag:$0x2], $0x400, $0x38;
	[tilespmem:$0x2C80] =	vst v63  }
0x174: {  	_ = 	snop  }
0x175: {  	[hbm4b:s12+s4] =	stream.linear.scatter [tilespmem:s29], [sflag:$0x3], $0x400, $0x38;
	[tilespmem:$0x2C80] =	vst v63  }
0x176: {  	_ = 	snop  }
0x177: {  	[hbm4b:s13+s4] =	stream.linear.scatter [tilespmem:s26], [sflag:$0x3], $0x400, $0x38;
	[tilespmem:$0x2C80] =	vst v63  }
0x178: {  	_ = 	snop  }
0x179: {  	[hbm4b:s14+s4] =	stream.linear.scatter [tilespmem:s3], [sflag:$0x2], $0x400, $0x38;
	[tilespmem:$0x2C80] =	vst v63  }
0x17a: {  	_ = 	snop  }
0x17b: {  	[hbm4b:s15+s4] =	stream.linear.scatter [tilespmem:s29], [sflag:$0x3], $0x400, $0x38;
	[tilespmem:$0x2C80] =	vst v63  }
0x17c: {  	_ = 	snop  }
0x17d: {  	[hbm4b:s16+s4] =	stream.linear.scatter [tilespmem:s30], [sflag:$0x3], $0x400, $0x38;
	[tilespmem:$0x2C80] =	vst v63  }
0x17e: {  	_ = 	snop  }
0x17f: {  	[hbm4b:s17+s4] =	stream.linear.scatter [tilespmem:s3], [sflag:$0x2], $0x400, $0x38;
	[tilespmem:$0x2C80] =	vst v63  }
0x180: {  	_ = 	snop  }
0x181: {  	[hbm4b:s18+s4] =	stream.linear.scatter [tilespmem:s29], [sflag:$0x3], $0x400, $0x38;
	[tilespmem:$0x2C80] =	vst v63  }
0x182: {  	_ = 	snop  }
0x183: {  	[hbm4b:s19+s4] =	stream.linear.scatter [tilespmem:s31], [sflag:$0x3], $0x400, $0x38;
	[tilespmem:$0x2C80] =	vst v63  }
0x184: {  	_ = 	snop  }
0x185: {  	[hbm4b:s20+s4] =	stream.linear.scatter [tilespmem:s3], [sflag:$0x2], $0x400, $0x38;
	[tilespmem:$0x2C80] =	vst v63  }
0x186: {  	_ = 	snop  }
0x187: {  	[hbm4b:s21+s4] =	stream.linear.scatter [tilespmem:s29], [sflag:$0x3], $0x400, $0x38;
	[tilespmem:$0x2C80] =	vst v63  }
0x188: {  	s7 =	simm.s32 $0x1F0;
	s8 =	simm.s32 $0x0  }
0x189: {  	[hbm4b:s22+s4] =	stream.linear.scatter [tilespmem:s0], [sflag:$0x3], $0x400, $0x38;
	[tilespmem:$0x2C80] =	vst v63  }
.LBB2_2:
0x18a: {  	_ =	swait.ge [sflag:s1], $0x1000  }
0x18b: {  	[sflag:s1] =	ssyncset.done $0x0  }
0x18c: {  	[sflag:s1] =	ssyncadd.s32 $0xFFFFF000  }
0x18d: {  	_ =	swait.ge [sflag:s1], $0x1000  }
0x18e: {  	[sflag:s1] =	ssyncset.done $0x0  }
0x18f: {  	[sflag:s1] =	ssyncadd.s32 $0xFFFFF000  }
0x190: {  	v0 =	vld [tilespmem:s7+$0xFFFFFF10]  }
0x191: {  	v1 =	vld [tilespmem:s7+$0xFFFFFF20]  }
0x192: {  	v2 =	vld [tilespmem:s7+$0xFFFFFF30]  }
0x193: {  	v3 =	vld [tilespmem:s7+$0xFFFFFF40]  }
0x194: {  	v4 =	vld [tilespmem:s7+$0xFFFFFF50]  }
0x195: {  	v5 =	vld [tilespmem:s7+$0xFFFFFF60]  }
0x196: {  	v6 =	vld [tilespmem:s7+$0xFFFFFF70]  }
0x197: {  	v7 =	vld [tilespmem:s7+$0xFFFFFF80];
	[tilespmem:$0x2480] =	vst v0  }
0x198: {  	[tilespmem:$0x2490] =	vst v1  }
0x199: {  	[tilespmem:$0x24A0] =	vst v2  }
0x19a: {  	[tilespmem:$0x24B0] =	vst v3  }
0x19b: {  	[tilespmem:$0x24C0] =	vst v4  }
0x19c: {  	[tilespmem:$0x24D0] =	vst v5  }
0x19d: {  	[tilespmem:$0x24E0] =	vst v6  }
0x19e: {  	[tilespmem:$0x24F0] =	vst v7  }
0x19f: {  	[tilespmem:$0x2500] =	vst v0  }
0x1a0: {  	[tilespmem:$0x2510] =	vst v1  }
0x1a1: {  	[tilespmem:$0x2520] =	vst v2  }
0x1a2: {  	[tilespmem:$0x2530] =	vst v3  }
0x1a3: {  	[tilespmem:$0x2540] =	vst v4  }
0x1a4: {  	[tilespmem:$0x2550] =	vst v5  }
0x1a5: {  	[tilespmem:$0x2560] =	vst v6  }
0x1a6: {  	[tilespmem:$0x2570] =	vst v7  }
0x1a7: {  	[tilespmem:$0x2580] =	vst v0  }
0x1a8: {  	[tilespmem:$0x2590] =	vst v1  }
0x1a9: {  	[tilespmem:$0x25A0] =	vst v2  }
0x1aa: {  	[tilespmem:$0x25B0] =	vst v3  }
0x1ab: {  	[tilespmem:$0x25C0] =	vst v4  }
0x1ac: {  	[tilespmem:$0x25D0] =	vst v5  }
0x1ad: {  	[tilespmem:$0x25E0] =	vst v6  }
0x1ae: {  	[tilespmem:$0x25F0] =	vst v7  }
0x1af: {  	[tilespmem:$0x2600] =	vst v0  }
0x1b0: {  	[tilespmem:$0x2610] =	vst v1  }
0x1b1: {  	[tilespmem:$0x2620] =	vst v2  }
0x1b2: {  	[tilespmem:$0x2630] =	vst v3  }
0x1b3: {  	[tilespmem:$0x2640] =	vst v4  }
0x1b4: {  	[tilespmem:$0x2650] =	vst v5  }
0x1b5: {  	[tilespmem:$0x2660] =	vst v6  }
0x1b6: {  	[tilespmem:$0x2670] =	vst v7  }
0x1b7: {  	[tilespmem:$0x2680] =	vst v0  }
0x1b8: {  	[tilespmem:$0x2690] =	vst v1  }
0x1b9: {  	[tilespmem:$0x26A0] =	vst v2  }
0x1ba: {  	[tilespmem:$0x26B0] =	vst v3  }
0x1bb: {  	[tilespmem:$0x26C0] =	vst v4  }
0x1bc: {  	[tilespmem:$0x26D0] =	vst v5  }
0x1bd: {  	[tilespmem:$0x26E0] =	vst v6  }
0x1be: {  	[tilespmem:$0x26F0] =	vst v7  }
0x1bf: {  	[tilespmem:$0x2700] =	vst v0  }
0x1c0: {  	[tilespmem:$0x2710] =	vst v1  }
0x1c1: {  	[tilespmem:$0x2720] =	vst v2  }
0x1c2: {  	[tilespmem:$0x2730] =	vst v3  }
0x1c3: {  	[tilespmem:$0x2740] =	vst v4  }
0x1c4: {  	[tilespmem:$0x2750] =	vst v5  }
0x1c5: {  	[tilespmem:$0x2760] =	vst v6  }
0x1c6: {  	[tilespmem:$0x2770] =	vst v7  }
0x1c7: {  	[tilespmem:$0x2780] =	vst v0  }
0x1c8: {  	[tilespmem:$0x2790] =	vst v1  }
0x1c9: {  	[tilespmem:$0x27A0] =	vst v2  }
0x1ca: {  	[tilespmem:$0x27B0] =	vst v3  }
0x1cb: {  	[tilespmem:$0x27C0] =	vst v4  }
0x1cc: {  	[tilespmem:$0x27D0] =	vst v5  }
0x1cd: {  	[tilespmem:$0x27E0] =	vst v6  }
0x1ce: {  	[tilespmem:$0x27F0] =	vst v7  }
0x1cf: {  	[tilespmem:$0x2800] =	vst v0  }
0x1d0: {  	[tilespmem:$0x2810] =	vst v1  }
0x1d1: {  	[tilespmem:$0x2820] =	vst v2  }
0x1d2: {  	[tilespmem:$0x2830] =	vst v3  }
0x1d3: {  	[tilespmem:$0x2840] =	vst v4  }
0x1d4: {  	s9 =	rddreg [dreg:$0x5];
	[tilespmem:$0x2850] =	vst v5  }
0x1d5: {  	s9 =	sadd.s32 s8, s9;
	[tilespmem:$0x2860] =	vst v6  }
0x1d6: {  	s10 =	sadd.s32 $0xC00, s9;
	[tilespmem:$0x2870] =	vst v7  }
0x1d7: {  	[hbm4b:s10+s4] =	stream.linear.scatter [tilespmem:s28], [sflag:$0x1], $0x400, $0x38;
	[tilespmem:$0x2C80] =	vst v63  }
0x1d8: {  	s11 =	sadd.s32 $0xC80, s9  }
0x1d9: {  	[hbm4b:s11+s4] =	stream.linear.scatter [tilespmem:s29], [sflag:$0x3], $0x400, $0x38;
	[tilespmem:$0x2C80] =	vst v63  }
0x1da: {  	s11 =	sadd.s32 $0xD00, s9  }
0x1db: {  	[hbm4b:s11+s4] =	stream.linear.scatter [tilespmem:s26], [sflag:$0x3], $0x400, $0x38;
	[tilespmem:$0x2C80] =	vst v63  }
0x1dc: {  	s11 =	sadd.s32 $0xD80, s9  }
0x1dd: {  	[hbm4b:s11+s4] =	stream.linear.scatter [tilespmem:s28], [sflag:$0x1], $0x400, $0x38;
	[tilespmem:$0x2C80] =	vst v63  }
0x1de: {  	s11 =	sadd.s32 $0xE00, s9  }
0x1df: {  	[hbm4b:s11+s4] =	stream.linear.scatter [tilespmem:s29], [sflag:$0x3], $0x400, $0x38;
	[tilespmem:$0x2C80] =	vst v63  }
0x1e0: {  	s11 =	sadd.s32 $0xE80, s9  }
0x1e1: {  	[hbm4b:s11+s4] =	stream.linear.scatter [tilespmem:s30], [sflag:$0x3], $0x400, $0x38;
	[tilespmem:$0x2C80] =	vst v63  }
0x1e2: {  	s11 =	sadd.s32 $0xF00, s9  }
0x1e3: {  	[hbm4b:s11+s4] =	stream.linear.scatter [tilespmem:s28], [sflag:$0x1], $0x400, $0x38;
	[tilespmem:$0x2C80] =	vst v63  }
0x1e4: {  	s10 =	sadd.s32 $0xF80, s9;
	s11 =	rddreg [dreg:$0xd]  }
0x1e5: {  	[hbm4b:s10+s4] =	stream.linear.scatter [tilespmem:s29], [sflag:$0x3], $0x400, $0x38;
	[tilespmem:$0x2C80] =	vst v63  }
0x1e6: {  	s11 =	sadd.s32 s8, s11;
	s10 =	rddreg [dreg:$0xc]  }
0x1e7: {  	[hbm4b:s11+s4] =	stream.linear.scatter [tilespmem:s31], [sflag:$0x3], $0x400, $0x38;
	[tilespmem:$0x2C80] =	vst v63  }
0x1e8: {  	s10 =	sadd.s32 s8, s10;
	s11 =	rddreg [dreg:$0xb]  }
0x1e9: {  	[hbm4b:s10+s4] =	stream.linear.scatter [tilespmem:s28], [sflag:$0x1], $0x400, $0x38;
	[tilespmem:$0x2C80] =	vst v63  }
0x1ea: {  	s11 =	sadd.s32 s8, s11;
	s10 =	rddreg [dreg:$0xa]  }
0x1eb: {  	[hbm4b:s11+s4] =	stream.linear.scatter [tilespmem:s29], [sflag:$0x3], $0x400, $0x38;
	[tilespmem:$0x2C80] =	vst v63  }
0x1ec: {  	s10 =	sadd.s32 s8, s10  }
0x1ed: {  	[hbm4b:s10+s4] =	stream.linear.scatter [tilespmem:s0], [sflag:$0x3], $0x400, $0x38;
	[tilespmem:$0x2C80] =	vst v63  }
0x1ee: {  	s11 =	sadd.s32 $0x180C00, s9  }
0x1ef: {  	[hbm4b:s11+s4] =	stream.linear.scatter [tilespmem:s28], [sflag:$0x1], $0x400, $0x38;
	[tilespmem:$0x2C80] =	vst v63  }
0x1f0: {  	s11 =	sadd.s32 $0x180C80, s9  }
0x1f1: {  	[hbm4b:s11+s4] =	stream.linear.scatter [tilespmem:s29], [sflag:$0x3], $0x400, $0x38;
	[tilespmem:$0x2C80] =	vst v63  }
0x1f2: {  	s11 =	sadd.s32 $0x180D00, s9  }
0x1f3: {  	[hbm4b:s11+s4] =	stream.linear.scatter [tilespmem:s26], [sflag:$0x3], $0x400, $0x38;
	[tilespmem:$0x2C80] =	vst v63  }
0x1f4: {  	s11 =	sadd.s32 $0x180D80, s9  }
0x1f5: {  	[hbm4b:s11+s4] =	stream.linear.scatter [tilespmem:s28], [sflag:$0x1], $0x400, $0x38;
	[tilespmem:$0x2C80] =	vst v63  }
0x1f6: {  	s11 =	sadd.s32 $0x180E00, s9  }
0x1f7: {  	[hbm4b:s11+s4] =	stream.linear.scatter [tilespmem:s29], [sflag:$0x3], $0x400, $0x38;
	[tilespmem:$0x2C80] =	vst v63  }
0x1f8: {  	s11 =	sadd.s32 $0x180E80, s9  }
0x1f9: {  	[hbm4b:s11+s4] =	stream.linear.scatter [tilespmem:s30], [sflag:$0x3], $0x400, $0x38;
	[tilespmem:$0x2C80] =	vst v63  }
0x1fa: {  	s11 =	sadd.s32 $0x180F00, s9  }
0x1fb: {  	[hbm4b:s11+s4] =	stream.linear.scatter [tilespmem:s28], [sflag:$0x1], $0x400, $0x38;
	[tilespmem:$0x2C80] =	vst v63  }
0x1fc: {  	s10 =	sadd.s32 $0x180F80, s9;
	s11 =	rddreg [dreg:$0x9]  }
0x1fd: {  	[hbm4b:s10+s4] =	stream.linear.scatter [tilespmem:s29], [sflag:$0x3], $0x400, $0x38;
	[tilespmem:$0x2C80] =	vst v63  }
0x1fe: {  	s11 =	sadd.s32 s8, s11;
	s10 =	rddreg [dreg:$0x8]  }
0x1ff: {  	[hbm4b:s11+s4] =	stream.linear.scatter [tilespmem:s31], [sflag:$0x3], $0x400, $0x38;
	[tilespmem:$0x2C80] =	vst v63  }
0x200: {  	s10 =	sadd.s32 s8, s10;
	s11 =	rddreg [dreg:$0x7]  }
0x201: {  	[hbm4b:s10+s4] =	stream.linear.scatter [tilespmem:s28], [sflag:$0x1], $0x400, $0x38;
	[tilespmem:$0x2C80] =	vst v63  }
0x202: {  	s11 =	sadd.s32 s8, s11;
	s10 =	rddreg [dreg:$0x6]  }
0x203: {  	[hbm4b:s11+s4] =	stream.linear.scatter [tilespmem:s29], [sflag:$0x3], $0x400, $0x38;
	[tilespmem:$0x2C80] =	vst v63  }
0x204: {  	s10 =	sadd.s32 s8, s10  }
0x205: {  	[hbm4b:s10+s4] =	stream.linear.scatter [tilespmem:s0], [sflag:$0x3], $0x400, $0x38;
	[tilespmem:$0x2C80] =	vst v63  }
0x206: {  	_ =	swait.ge [sflag:s2], $0x1000  }
0x207: {  	[sflag:s2] =	ssyncset.done $0x0  }
0x208: {  	[sflag:s2] =	ssyncadd.s32 $0xFFFFF000  }
0x209: {  	_ =	swait.ge [sflag:s2], $0x1000  }
0x20a: {  	[sflag:s2] =	ssyncset.done $0x0  }
0x20b: {  	[sflag:s2] =	ssyncadd.s32 $0xFFFFF000  }
0x20c: {  	v56 =	vld [tilespmem:s7+$0xFFFFFF90]  }
0x20d: {  	v57 =	vld [tilespmem:s7+$0xFFFFFFA0]  }
0x20e: {  	v58 =	vld [tilespmem:s7+$0xFFFFFFB0]  }
0x20f: {  	v59 =	vld [tilespmem:s7+$0xFFFFFFC0]  }
0x210: {  	v60 =	vld [tilespmem:s7+$0xFFFFFFD0]  }
0x211: {  	v61 =	vld [tilespmem:s7+$0xFFFFFFE0]  }
0x212: {  	v62 =	vld [tilespmem:s7+$0xFFFFFFF0]  }
0x213: {  	v63 =	vld [tilespmem:s7+$0x0];
	[tilespmem:$0x2880] =	vst v56  }
0x214: {  	[tilespmem:$0x2890] =	vst v57  }
0x215: {  	[tilespmem:$0x28A0] =	vst v58  }
0x216: {  	[tilespmem:$0x28B0] =	vst v59  }
0x217: {  	[tilespmem:$0x28C0] =	vst v60  }
0x218: {  	[tilespmem:$0x28D0] =	vst v61  }
0x219: {  	[tilespmem:$0x28E0] =	vst v62  }
0x21a: {  	[tilespmem:$0x28F0] =	vst v63  }
0x21b: {  	[tilespmem:$0x2900] =	vst v56  }
0x21c: {  	[tilespmem:$0x2910] =	vst v57  }
0x21d: {  	[tilespmem:$0x2920] =	vst v58  }
0x21e: {  	[tilespmem:$0x2930] =	vst v59  }
0x21f: {  	[tilespmem:$0x2940] =	vst v60  }
0x220: {  	[tilespmem:$0x2950] =	vst v61  }
0x221: {  	[tilespmem:$0x2960] =	vst v62  }
0x222: {  	[tilespmem:$0x2970] =	vst v63  }
0x223: {  	[tilespmem:$0x2980] =	vst v56  }
0x224: {  	[tilespmem:$0x2990] =	vst v57  }
0x225: {  	[tilespmem:$0x29A0] =	vst v58  }
0x226: {  	[tilespmem:$0x29B0] =	vst v59  }
0x227: {  	[tilespmem:$0x29C0] =	vst v60  }
0x228: {  	[tilespmem:$0x29D0] =	vst v61  }
0x229: {  	[tilespmem:$0x29E0] =	vst v62  }
0x22a: {  	[tilespmem:$0x29F0] =	vst v63  }
0x22b: {  	[tilespmem:$0x2A00] =	vst v56  }
0x22c: {  	[tilespmem:$0x2A10] =	vst v57  }
0x22d: {  	[tilespmem:$0x2A20] =	vst v58  }
0x22e: {  	[tilespmem:$0x2A30] =	vst v59  }
0x22f: {  	[tilespmem:$0x2A40] =	vst v60  }
0x230: {  	[tilespmem:$0x2A50] =	vst v61  }
0x231: {  	[tilespmem:$0x2A60] =	vst v62  }
0x232: {  	[tilespmem:$0x2A70] =	vst v63  }
0x233: {  	[tilespmem:$0x2A80] =	vst v56  }
0x234: {  	[tilespmem:$0x2A90] =	vst v57  }
0x235: {  	[tilespmem:$0x2AA0] =	vst v58  }
0x236: {  	[tilespmem:$0x2AB0] =	vst v59  }
0x237: {  	[tilespmem:$0x2AC0] =	vst v60  }
0x238: {  	[tilespmem:$0x2AD0] =	vst v61  }
0x239: {  	[tilespmem:$0x2AE0] =	vst v62  }
0x23a: {  	[tilespmem:$0x2AF0] =	vst v63  }
0x23b: {  	[tilespmem:$0x2B00] =	vst v56  }
0x23c: {  	[tilespmem:$0x2B10] =	vst v57  }
0x23d: {  	[tilespmem:$0x2B20] =	vst v58  }
0x23e: {  	[tilespmem:$0x2B30] =	vst v59  }
0x23f: {  	[tilespmem:$0x2B40] =	vst v60  }
0x240: {  	[tilespmem:$0x2B50] =	vst v61  }
0x241: {  	[tilespmem:$0x2B60] =	vst v62  }
0x242: {  	[tilespmem:$0x2B70] =	vst v63  }
0x243: {  	[tilespmem:$0x2B80] =	vst v56  }
0x244: {  	[tilespmem:$0x2B90] =	vst v57  }
0x245: {  	[tilespmem:$0x2BA0] =	vst v58  }
0x246: {  	[tilespmem:$0x2BB0] =	vst v59  }
0x247: {  	[tilespmem:$0x2BC0] =	vst v60  }
0x248: {  	[tilespmem:$0x2BD0] =	vst v61  }
0x249: {  	[tilespmem:$0x2BE0] =	vst v62  }
0x24a: {  	[tilespmem:$0x2BF0] =	vst v63  }
0x24b: {  	[tilespmem:$0x2C00] =	vst v56  }
0x24c: {  	[tilespmem:$0x2C10] =	vst v57  }
0x24d: {  	[tilespmem:$0x2C20] =	vst v58  }
0x24e: {  	[tilespmem:$0x2C30] =	vst v59  }
0x24f: {  	[tilespmem:$0x2C40] =	vst v60  }
0x250: {  	[tilespmem:$0x2C50] =	vst v61  }
0x251: {  	[tilespmem:$0x2C60] =	vst v62  }
0x252: {  	s11 =	sadd.s32 $0x1200, s9;
	[tilespmem:$0x2C70] =	vst v63  }
0x253: {  	[hbm4b:s11+s4] =	stream.linear.scatter [tilespmem:s3], [sflag:$0x2], $0x400, $0x38;
	[tilespmem:$0x2C80] =	vst v63  }
0x254: {  	s11 =	sadd.s32 $0x1280, s9  }
0x255: {  	[hbm4b:s11+s4] =	stream.linear.scatter [tilespmem:s29], [sflag:$0x3], $0x400, $0x38;
	[tilespmem:$0x2C80] =	vst v63  }
0x256: {  	s11 =	sadd.s32 $0x1300, s9  }
0x257: {  	[hbm4b:s11+s4] =	stream.linear.scatter [tilespmem:s26], [sflag:$0x3], $0x400, $0x38;
	[tilespmem:$0x2C80] =	vst v63  }
0x258: {  	s10 =	sadd.s32 $0x1380, s9;
	s11 =	rddreg [dreg:$0x1d]  }
0x259: {  	[hbm4b:s10+s4] =	stream.linear.scatter [tilespmem:s3], [sflag:$0x2], $0x400, $0x38;
	[tilespmem:$0x2C80] =	vst v63  }
0x25a: {  	s11 =	sadd.s32 s8, s11;
	s10 =	rddreg [dreg:$0x1c]  }
0x25b: {  	[hbm4b:s11+s4] =	stream.linear.scatter [tilespmem:s29], [sflag:$0x3], $0x400, $0x38;
	[tilespmem:$0x2C80] =	vst v63  }
0x25c: {  	s10 =	sadd.s32 s8, s10;
	s11 =	rddreg [dreg:$0x1b]  }
0x25d: {  	[hbm4b:s10+s4] =	stream.linear.scatter [tilespmem:s30], [sflag:$0x3], $0x400, $0x38;
	[tilespmem:$0x2C80] =	vst v63  }
0x25e: {  	s11 =	sadd.s32 s8, s11;
	s10 =	rddreg [dreg:$0x1a]  }
0x25f: {  	[hbm4b:s11+s4] =	stream.linear.scatter [tilespmem:s3], [sflag:$0x2], $0x400, $0x38;
	[tilespmem:$0x2C80] =	vst v63  }
0x260: {  	s10 =	sadd.s32 s8, s10;
	s11 =	rddreg [dreg:$0x19]  }
0x261: {  	[hbm4b:s10+s4] =	stream.linear.scatter [tilespmem:s29], [sflag:$0x3], $0x400, $0x38;
	[tilespmem:$0x2C80] =	vst v63  }
0x262: {  	s11 =	sadd.s32 s8, s11;
	s10 =	rddreg [dreg:$0x18]  }
0x263: {  	[hbm4b:s11+s4] =	stream.linear.scatter [tilespmem:s31], [sflag:$0x3], $0x400, $0x38;
	[tilespmem:$0x2C80] =	vst v63  }
0x264: {  	s10 =	sadd.s32 s8, s10;
	s11 =	rddreg [dreg:$0x17]  }
0x265: {  	[hbm4b:s10+s4] =	stream.linear.scatter [tilespmem:s3], [sflag:$0x2], $0x400, $0x38;
	[tilespmem:$0x2C80] =	vst v63  }
0x266: {  	s11 =	sadd.s32 s8, s11;
	s10 =	rddreg [dreg:$0x16]  }
0x267: {  	[hbm4b:s11+s4] =	stream.linear.scatter [tilespmem:s29], [sflag:$0x3], $0x400, $0x38;
	[tilespmem:$0x2C80] =	vst v63  }
0x268: {  	s10 =	sadd.s32 s8, s10  }
0x269: {  	[hbm4b:s10+s4] =	stream.linear.scatter [tilespmem:s0], [sflag:$0x3], $0x400, $0x38;
	[tilespmem:$0x2C80] =	vst v63  }
0x26a: {  	s11 =	sadd.s32 $0x181200, s9  }
0x26b: {  	[hbm4b:s11+s4] =	stream.linear.scatter [tilespmem:s3], [sflag:$0x2], $0x400, $0x38;
	[tilespmem:$0x2C80] =	vst v63  }
0x26c: {  	s11 =	sadd.s32 $0x181280, s9  }
0x26d: {  	[hbm4b:s11+s4] =	stream.linear.scatter [tilespmem:s29], [sflag:$0x3], $0x400, $0x38;
	[tilespmem:$0x2C80] =	vst v63  }
0x26e: {  	s11 =	sadd.s32 $0x181300, s9  }
0x26f: {  	[hbm4b:s11+s4] =	stream.linear.scatter [tilespmem:s26], [sflag:$0x3], $0x400, $0x38;
	[tilespmem:$0x2C80] =	vst v63  }
0x270: {  	s10 =	rddreg [dreg:$0x15];
	s9 =	sadd.s32 $0x181380, s9  }
0x271: {  	[hbm4b:s9+s4] =	stream.linear.scatter [tilespmem:s3], [sflag:$0x2], $0x400, $0x38;
	[tilespmem:$0x2C80] =	vst v63  }
0x272: {  	s10 =	sadd.s32 s8, s10;
	s11 =	rddreg [dreg:$0x14]  }
0x273: {  	[hbm4b:s10+s4] =	stream.linear.scatter [tilespmem:s29], [sflag:$0x3], $0x400, $0x38;
	[tilespmem:$0x2C80] =	vst v63  }
0x274: {  	s9 =	sadd.s32 s8, s11;
	s10 =	rddreg [dreg:$0x13]  }
0x275: {  	[hbm4b:s9+s4] =	stream.linear.scatter [tilespmem:s30], [sflag:$0x3], $0x400, $0x38;
	[tilespmem:$0x2C80] =	vst v63  }
0x276: {  	s11 =	rddreg [dreg:$0x12];
	s10 =	sadd.s32 s8, s10  }
0x277: {  	[hbm4b:s10+s4] =	stream.linear.scatter [tilespmem:s3], [sflag:$0x2], $0x400, $0x38;
	[tilespmem:$0x2C80] =	vst v63  }
0x278: {  	s9 =	sadd.s32 s8, s11;
	s10 =	rddreg [dreg:$0x11]  }
0x279: {  	[hbm4b:s9+s4] =	stream.linear.scatter [tilespmem:s29], [sflag:$0x3], $0x400, $0x38;
	[tilespmem:$0x2C80] =	vst v63  }
0x27a: {  	s11 =	rddreg [dreg:$0x10];
	s10 =	sadd.s32 s8, s10  }
0x27b: {  	[hbm4b:s10+s4] =	stream.linear.scatter [tilespmem:s31], [sflag:$0x3], $0x400, $0x38;
	[tilespmem:$0x2C80] =	vst v63  }
0x27c: {  	p0 =	sne.s32 s8, $0xA800;
	s9 =	sadd.s32 s8, s11  }
0x27d: {  	[hbm4b:s9+s4] =	stream.linear.scatter [tilespmem:s3], [sflag:$0x2], $0x400, $0x38;
	[tilespmem:$0x2C80] =	vst v63  }
.Ltmp0:
0x27e: {  	s10 =	rddreg [dreg:$0xf];
	(pc) =	sbr.rel @p0 .LBB2_2-.Ltmp0, $4  }
0x27f: {  	s11 =	rddreg [dreg:$0xe];
	s10 =	sadd.s32 s8, s10  }
0x280: {  	[hbm4b:s10+s4] =	stream.linear.scatter [tilespmem:s29], [sflag:$0x3], $0x400, $0x38;
	[tilespmem:$0x2C80] =	vst v63  }
0x281: {  	s7 =	sadd.s32 $0x100, s7;
	s9 =	sadd.s32 s8, s11;
	s8 =	sadd.s32 $0xC00, s8  }
0x282: {  	[hbm4b:s9+s4] =	stream.linear.scatter [tilespmem:s0], [sflag:$0x3], $0x400, $0x38;
	[tilespmem:$0x2C80] =	vst v63  }
0x283: {  	_ =	swait.ge [sflag:s1], $0x1000  }
0x284: {  	[sflag:s1] =	ssyncset.done $0x0  }
0x285: {  	[sflag:s1] =	ssyncadd.s32 $0xFFFFF000  }
0x286: {  	_ =	swait.ge [sflag:s1], $0x1000  }
0x287: {  	[sflag:s1] =	ssyncset.done $0x0  }
0x288: {  	[sflag:s1] =	ssyncadd.s32 $0xFFFFF000  }
0x289: {  	_ =	swait.ge [sflag:s2], $0x1000  }
0x28a: {  	[sflag:s2] =	ssyncset.done $0x0  }
0x28b: {  	[sflag:s2] =	ssyncadd.s32 $0xFFFFF000  }
0x28c: {  	_ =	swait.ge [sflag:s2], $0x1000  }
0x28d: {  	[sflag:s2] =	ssyncset.done $0x0  }
0x28e: {  	[sflag:s2] =	ssyncadd.s32 $0xFFFFF000  }
0x28f: {  	_ =	swait.ge [sflag:s5], $0x1000  }
0x290: {  	s7 =	simm.s32 $0x7F;
	[sflag:s5] =	ssyncset.done $0x0  }
.LBB2_4:
0x291: {  	p0 =	sne.s32 s7, $0x1;
	s7 =	sadd.s32 $0xFFFFFFFF, s7;
	[sflag:s5] =	ssyncadd.s32 $0xFFFFF000  }
.Ltmp1:
0x292: {  	(pc) =	sbr.rel @p0 .LBB2_4-.Ltmp1, $3  }
0x293: {  	_ =	sdelay $0x1  }
0x294: {  	_ =	swait.ge [sflag:s5], $0x1000  }
0x295: {  	[sflag:s5] =	ssyncset.done $0x0  }
0x296: {  	s6 =	sadd.s32 $0x1, s6  }
0x297: {  	p0 =	sne.s32 s6, s24  }
.Ltmp2:
0x298: {  	_ = 	snop;
	(pc) =	sbr.rel @p0 .LBB2_1-.Ltmp2, $2  }
0x299: {  	_ =	sdelay $0x2  }
0x29a: {  	[sflag:s5] =	ssyncadd.s32 $0xFFFFF000  }
0x29b: {  	_ =	sfence.sel $0x180000  }
0x29c: {  	[bflag:$0x0] =	sbarrier.arrive $0xFFFF  }
0x29d: {  	_ =	strace $0x90000047  }
0x29e: {  	s0 =	stileid.u32;
	[bflag:$0x2] =	sbarrier.arrive $0xFFFF  }
0x29f: {  	p0 =	sne.s32 s0, $0x0;
	s0 =	rddreg [dreg:$0x4]  }
0x2a0: {  	s0 =	sadd.s32 @!p0 $0x100000, s0  }
0x2a1: {  	[sflag:s0] =	ssyncadd.tile.s32 @!p0 $0x1;
	_ =	shalt  }
.Lfunc_end2:
_tile_overlayer_lowered:
.L_overlay_start_2:
0x2a2: {  	(tag) =	ssettag $0x2  }
0x2a3: {  	s0 =	rddreg [dreg:$0x0];
	s2 =	stileid.u32  }
0x2a4: {  	s1 =	rddreg [dreg:$0x1];
	p0 =	sne.s32 s2, $0x0  }
0x2a5: {  	s3 =	rddreg [dreg:$0x2];
	[bflag:$0x3] =	sbarrier.arrive $0xFFFF;
	s2 =	simm.s32 @!p0 $0x1C04  }
0x2a6: {  	[timem:s3], [sflag:s2] =	dma.local @!p0 [hbm:s0], s1  }
0x2a7: {  	s0 =	simm.s32 @!p0 $0x4  }
0x2a8: {  	_ =	swait.ge @!p0 [sflag:s0], s1  }
0x2a9: {  	s1 =	ssub.s32 @!p0 $0x0, s1;
	[sflag:s0] =	ssyncset.done @!p0 $0x0  }
0x2aa: {  	[sflag:s0] =	ssyncadd.s32 @!p0 s1  }
0x2ab: {  	[bflag:$0x3] =	sbarrier.arrive $0xFFFF  }
0x2ac: {  	_ =	shalt  }

</sc_bundles>
